<compile_context>
chip_gen: v7x
topology: tpu7x:2x2x1
jax: 0.10.2.dev20260603
libtpu: 0.0.44.dev20260713+nightly
codegen_flags: <defaults>
</compile_context>

<pallas_src>
import dataclasses
import functools

import jax
import jax.numpy as jnp
from jax import lax
from jax.experimental import pallas as pl
from jax.experimental.pallas import tpu as pltpu
from jax.experimental.pallas import tpu_sc as plsc

_NC = 2
_NS = 16
_NW = _NC * _NS
_L = 16
_CH = 1280


def _compiler_params():
    cp = pltpu.CompilerParams()
    fields = pltpu.CompilerParams.__dataclass_fields__
    if "needs_layout_passes" in fields:
        cp = dataclasses.replace(cp, needs_layout_passes=False)
    if "use_tc_tiling_on_sc" in fields:
        cp = dataclasses.replace(cp, use_tc_tiling_on_sc=False)
    return cp


def _split_edges_tc(edge_index):
    e = edge_index.shape[1]
    blk = 1
    for cand in (256000, 51200, 10240, 2048, 1024):
        if e % cand == 0:
            blk = cand
            break
    grid = e // blk

    def body(x_ref, r_ref, c_ref):
        r_ref[...] = x_ref[0, :]
        c_ref[...] = x_ref[1, :]

    return pl.pallas_call(
        body,
        grid=(grid,),
        in_specs=[pl.BlockSpec((2, blk), lambda i: (0, i))],
        out_specs=(
            pl.BlockSpec((blk,), lambda i: (i,)),
            pl.BlockSpec((blk,), lambda i: (i,)),
        ),
        out_shape=(
            jax.ShapeDtypeStruct((e,), jnp.int32),
            jax.ShapeDtypeStruct((e,), jnp.int32),
        ),
    )(edge_index)


@functools.partial(jax.jit, static_argnames=("e", "n"))
def _sc_periodic_distance(table, row, col, cell, *, e, n):
    del n
    assert e % _CH == 0 and e % 128 == 0
    n_chunks = e // _CH
    nfull, rem = divmod(n_chunks, _NW)
    maxt = nfull + (1 if rem else 0)
    maxt += maxt % 2
    ngrp = _CH // 128

    mesh = plsc.VectorSubcoreMesh(core_axis_name="c", subcore_axis_name="s")

    @functools.partial(
        pl.kernel,
        compiler_params=_compiler_params(),
        out_type=(
            jax.ShapeDtypeStruct((e,), jnp.float32),
            jax.ShapeDtypeStruct((4 * e,), jnp.float32),
        ),
        mesh=mesh,
        scratch_types=[
            [pltpu.VMEM((_CH,), jnp.int32) for _ in range(2)],
            [pltpu.VMEM((_CH,), jnp.int32) for _ in range(2)],
            [pltpu.VMEM((_CH, 8), jnp.float32) for _ in range(2)],
            [pltpu.VMEM((_CH, 8), jnp.float32) for _ in range(2)],
            [pltpu.VMEM((_CH,), jnp.float32) for _ in range(2)],
            [pltpu.VMEM((4 * _CH,), jnp.float32) for _ in range(2)],
            pltpu.VMEM((3, 3), jnp.float32),
            pltpu.VMEM_SHARED((100000, 8), jnp.float32),
            [pltpu.SemaphoreType.DMA for _ in range(2)],
            [pltpu.SemaphoreType.DMA for _ in range(2)],
            [pltpu.SemaphoreType.DMA for _ in range(2)],
        ],
    )
    def k(table_hbm, row_hbm, col_hbm, cell_hbm, dist_hbm, dflat_hbm,
          ridx_v, cidx_v, a_v, b_v, dist_v, delta_v, cell_v, table_sh,
          isem, gsem, osem):
        wid = lax.axis_index("c") * _NS + lax.axis_index("s")
        t_w = nfull + jnp.where(wid < rem, 1, 0)
        pltpu.sync_copy(cell_hbm, cell_v)

        @pl.when(lax.axis_index("s") == 0)
        def _():
            pltpu.sync_copy(table_hbm, table_sh)

        plsc.subcore_barrier()

        lanes = lax.iota(jnp.int32, _L)
        crow = jnp.where(lanes < 9, lanes, 0) // 3
        ccol = jnp.where(lanes < 9, lanes, 0) % 3
        cv = plsc.load_gather(cell_v, [crow, ccol])
        c00 = cv[0]
        c01 = cv[1]
        c02 = cv[2]
        c10 = cv[3]
        c11 = cv[4]
        c12 = cv[5]
        c20 = cv[6]
        c21 = cv[7]
        c22 = cv[8]

        half = jnp.float32(0.5)
        one = jnp.float32(1.0)
        zeros = jnp.zeros((_L,), jnp.float32)

        for b in range(2):
            for g in range(ngrp):
                for j in range(0, 128, _L):
                    delta_v[b][pl.ds(g * 512 + 384 + j, _L)] = zeros

        def minimage(d):
            d = jnp.where(d > half, d - one, d)
            return jnp.where(d < -half, d + one, d)

        def off_of(i):
            return (wid + _NW * i) * _CH

        def issue_idx(i, b):
            off = off_of(i)
            pltpu.async_copy(row_hbm.at[pl.ds(off, _CH)], ridx_v[b], isem[b])
            pltpu.async_copy(col_hbm.at[pl.ds(off, _CH)], cidx_v[b], isem[b])

        def wait_idx(b):
            pltpu.make_async_copy(row_hbm.at[pl.ds(0, _CH)], ridx_v[b],
                                  isem[b]).wait()
            pltpu.make_async_copy(col_hbm.at[pl.ds(0, _CH)], cidx_v[b],
                                  isem[b]).wait()

        def issue_gather(b):
            pltpu.async_copy(table_sh.at[ridx_v[b]], a_v[b], gsem[b])
            pltpu.async_copy(table_sh.at[cidx_v[b]], b_v[b], gsem[b])

        def wait_gather(b):
            pltpu.make_async_copy(table_sh.at[ridx_v[b]], a_v[b],
                                  gsem[b]).wait()
            pltpu.make_async_copy(table_sh.at[cidx_v[b]], b_v[b],
                                  gsem[b]).wait()

        def issue_out(i, b):
            off = off_of(i)
            pltpu.async_copy(dist_v[b], dist_hbm.at[pl.ds(off, _CH)], osem[b])
            pltpu.async_copy(delta_v[b],
                             dflat_hbm.at[pl.ds(off * 4, _CH * 4)], osem[b])

        def wait_out(b):
            pltpu.make_async_copy(dist_v[b], dist_hbm.at[pl.ds(0, _CH)],
                                  osem[b]).wait()
            pltpu.make_async_copy(delta_v[b],
                                  dflat_hbm.at[pl.ds(0, _CH * 4)],
                                  osem[b]).wait()

        def compute(b):
            @pl.loop(0, ngrp)
            def _(g):
                gbase = g * 128
                pbase = g * 512
                for j in range(0, 128, _L):
                    r = lanes + (gbase + j)
                    k0 = jnp.zeros((_L,), jnp.int32)
                    k1 = k0 + 1
                    k2 = k0 + 2
                    ax = plsc.load_gather(a_v[b], [r, k0])
                    ay = plsc.load_gather(a_v[b], [r, k1])
                    az = plsc.load_gather(a_v[b], [r, k2])
                    bx = plsc.load_gather(b_v[b], [r, k0])
                    by = plsc.load_gather(b_v[b], [r, k1])
                    bz = plsc.load_gather(b_v[b], [r, k2])
                    mx = minimage(ax - bx)
                    my = minimage(ay - by)
                    mz = minimage(az - bz)
                    dx = mx * c00 + my * c10 + mz * c20
                    dy = mx * c01 + my * c11 + mz * c21
                    dz = mx * c02 + my * c12 + mz * c22
                    t = dx * dx + dy * dy + dz * dz + jnp.float32(1e-8)
                    i32v = plsc.bitcast(t, jnp.int32)
                    i32v = jnp.int32(0x5F3759DF) - (i32v >> 1)
                    y = plsc.bitcast(i32v, jnp.float32)
                    yh = t * half
                    y = y * (jnp.float32(1.5) - yh * y * y)
                    y = y * (jnp.float32(1.5) - yh * y * y)
                    y = y * (jnp.float32(1.5) - yh * y * y)
                    dist_v[b][pl.ds(gbase + j, _L)] = t * y
                    delta_v[b][pl.ds(pbase + j, _L)] = dx
                    delta_v[b][pl.ds(pbase + 128 + j, _L)] = dy
                    delta_v[b][pl.ds(pbase + 256 + j, _L)] = dz

        issue_idx(0, 0)
        issue_idx(1, 1)
        wait_idx(0)
        issue_gather(0)

        @pl.loop(0, maxt, step=2)
        def _(i0):
            for p in range(2):
                b = p
                nb = 1 - p
                i = i0 + p

                @pl.when(i < t_w)
                def _():
                    @pl.when(i + 1 < t_w)
                    def _():
                        wait_idx(nb)
                        issue_gather(nb)

                    wait_gather(b)

                    @pl.when(i + 2 < t_w)
                    def _():
                        issue_idx(i + 2, b)

                    @pl.when(i >= 2)
                    def _():
                        wait_out(b)

                    compute(b)
                    issue_out(i, b)

        wait_out(0)
        wait_out(1)

    return k(table, row, col, cell)


def kernel(pos, edge_index, cell, frac_coords):
    del pos
    n = frac_coords.shape[0]
    e = edge_index.shape[1]
    table = jnp.concatenate(
        [frac_coords.astype(jnp.float32),
         jnp.zeros((n, 5), jnp.float32)], axis=1)
    row, col = _split_edges_tc(edge_index)
    dist, dflat = _sc_periodic_distance(
        table, row, col, cell.astype(jnp.float32), e=e, n=n)
    delta = (dflat.reshape(e // 128, 4, 128)
             .transpose(0, 2, 1).reshape(e, 4)[:, :3])
    return dist, delta

# --- scband reference (transcript-rebuilt; emitter-appended) ---
"""Pipeline reference for scband-periodic-distance-89859305767775 (READ-ONLY COPY).

The authoritative reference and input builder live on the scoring server;
editing this copy changes nothing except your own understanding.
"""

import jax, jax.numpy as jnp
import numpy as np

N_NODES = 100000
N_EDGES = 6400000


def setup_inputs(seed: int = 0) -> dict:
    key = jax.random.key(seed)
    k1, k2, k3, k4 = jax.random.split(key, 4)
    # (N, 3) atomic positions in Angstroms
    pos = jax.random.normal(k1, (N_NODES, 3), dtype=jnp.float32) * 10.0
    # (2, E) edge indices, values in [0, N)
    edge_index = jax.random.randint(k2, (2, N_EDGES), 0, N_NODES, dtype=jnp.int32)
    # (3, 3) lattice vectors: roughly orthorhombic 25A box with slight tilt
    cell = jnp.eye(3, dtype=jnp.float32) * 25.0 + 0.1 * jax.random.normal(k3, (3, 3), dtype=jnp.float32)
    # (N, 3) fractional coordinates in [0, 1)
    frac_coords = jax.random.uniform(k4, (N_NODES, 3), dtype=jnp.float32)
    return {"pos": pos, "edge_index": edge_index, "cell": cell, "frac_coords": frac_coords}


def reference(pos, edge_index, cell, frac_coords):
    # Faithful translation of PeriodicDistance.forward with frac_coords and cell provided
    row = edge_index[0]
    col = edge_index[1]
    # gather fractional coords per edge
    delta_frac = jnp.take(frac_coords, row, axis=0) - jnp.take(frac_coords, col, axis=0)
    # minimum image convention in fractional space
    delta_frac = delta_frac - jnp.round(delta_frac)
    # cell.dim() == 2 branch: delta = delta_frac @ cell
    delta = jnp.matmul(delta_frac, cell)
    dist_sq = jnp.sum(delta ** 2, axis=-1)
    dist = jnp.sqrt(dist_sq + 1e-08)
    return (dist, delta)

if __name__ == "__main__":
    import jax
    _d = setup_inputs()
    print(jax.jit(kernel)(*tuple(_d.values())))

</pallas_src>

<mosaic_0001>
#map = affine_map<(d0, d1) -> (0, 0)>
#map1 = affine_map<(d0, d1) -> (0)>
module attributes {stable_mosaic.version = 14 : i64} {
  func.func @k(%arg0: i32, %arg1: i32, %arg2: memref<100000x8xf32, #tpu.memory_space<hbm>>, %arg3: memref<6400000xi32, #tpu.memory_space<hbm>>, %arg4: memref<6400000xi32, #tpu.memory_space<hbm>>, %arg5: memref<3x3xf32, #tpu.memory_space<hbm>>, %arg6: memref<6400000xf32, #tpu.memory_space<hbm>>, %arg7: memref<25600000xf32, #tpu.memory_space<hbm>>, %arg8: memref<1280xi32, #tpu.memory_space<vmem>>, %arg9: memref<1280xi32, #tpu.memory_space<vmem>>, %arg10: memref<1280xi32, #tpu.memory_space<vmem>>, %arg11: memref<1280xi32, #tpu.memory_space<vmem>>, %arg12: memref<1280x8xf32, #tpu.memory_space<vmem>>, %arg13: memref<1280x8xf32, #tpu.memory_space<vmem>>, %arg14: memref<1280x8xf32, #tpu.memory_space<vmem>>, %arg15: memref<1280x8xf32, #tpu.memory_space<vmem>>, %arg16: memref<1280xf32, #tpu.memory_space<vmem>>, %arg17: memref<1280xf32, #tpu.memory_space<vmem>>, %arg18: memref<5120xf32, #tpu.memory_space<vmem>>, %arg19: memref<5120xf32, #tpu.memory_space<vmem>>, %arg20: memref<3x3xf32, #tpu.memory_space<vmem>>, %arg21: memref<100000x8xf32, #tpu.memory_space<vmem_shared>>, %arg22: memref<!tpu.dma_semaphore, #tpu.memory_space<semaphore_mem>>, %arg23: memref<!tpu.dma_semaphore, #tpu.memory_space<semaphore_mem>>, %arg24: memref<!tpu.dma_semaphore, #tpu.memory_space<semaphore_mem>>, %arg25: memref<!tpu.dma_semaphore, #tpu.memory_space<semaphore_mem>>, %arg26: memref<!tpu.dma_semaphore, #tpu.memory_space<semaphore_mem>>, %arg27: memref<!tpu.dma_semaphore, #tpu.memory_space<semaphore_mem>>) attributes {dimension_semantics = [#tpu.dimension_semantics<core_parallel>, #tpu.dimension_semantics<subcore_parallel>], iteration_bounds = array<i64: 2, 16>, scalar_prefetch = 0 : i64, scratch_operands = 20 : i64, tpu.core_type = #tpu.core_type<sc_vector_subcore>, window_params = [{transform_indices = #map}, {transform_indices = #map1}, {transform_indices = #map1}, {transform_indices = #map}, {transform_indices = #map1}, {transform_indices = #map1}]} {
    %mul3A = arith.constant 16 : i32
    %mul3A_0 = arith.muli %arg0, %mul3A : i32
    %add3A = arith.addi %mul3A_0, %arg1 : i32
    %lt3A = arith.constant 8 : i32
    %lt3A_1 = arith.cmpi slt, %add3A, %lt3A : i32
    %jit3A = arith.constant 1 : i32
    %jit3A_2 = arith.constant 0 : i32
    %select_n3A = arith.select %lt3A_1, %jit3A, %jit3A_2 : i32
    %add3A_3 = arith.constant 156 : i32
    %add3A_4 = arith.addi %add3A_3, %select_n3A : i32
    "tpu.region"() ({
      %run_scoped3A = tpu.sem_alloc : memref<!tpu.dma_semaphore, #tpu.memory_space<semaphore_mem>>
      tpu.enqueue_dma source(%arg5 : memref<3x3xf32, #tpu.memory_space<hbm>>) target(%arg20 : memref<3x3xf32, #tpu.memory_space<vmem>>) target_semaphore(%run_scoped3A : memref<!tpu.dma_semaphore, #tpu.memory_space<semaphore_mem>>)
      tpu.wait_dma2 semaphore(%run_scoped3A : memref<!tpu.dma_semaphore, #tpu.memory_space<semaphore_mem>>) src(%arg5 : memref<3x3xf32, #tpu.memory_space<hbm>>) dst(%arg20 : memref<3x3xf32, #tpu.memory_space<vmem>>)
      tpu.yield
    }) : () -> ()
    %eq3A = arith.constant 0 : i32
    %eq3A_5 = arith.cmpi eq, %arg1, %eq3A : i32
    %convert_element_type3A = arith.extui %eq3A_5 : i1 to i32
    %cond3A = arith.constant 0 : i32
    %cond3A_6 = arith.cmpi ne, %convert_element_type3A, %cond3A : i32
    scf.if %cond3A_6 {
      "tpu.region"() ({
        %run_scoped3A = tpu.sem_alloc : memref<!tpu.dma_semaphore, #tpu.memory_space<semaphore_mem>>
        tpu.enqueue_dma source(%arg2 : memref<100000x8xf32, #tpu.memory_space<hbm>>) target(%arg21 : memref<100000x8xf32, #tpu.memory_space<vmem_shared>>) target_semaphore(%run_scoped3A : memref<!tpu.dma_semaphore, #tpu.memory_space<semaphore_mem>>)
        tpu.wait_dma2 semaphore(%run_scoped3A : memref<!tpu.dma_semaphore, #tpu.memory_space<semaphore_mem>>) src(%arg2 : memref<100000x8xf32, #tpu.memory_space<hbm>>) dst(%arg21 : memref<100000x8xf32, #tpu.memory_space<vmem_shared>>)
        tpu.yield
      }) : () -> ()
    } else {
    }
    %barrier3A = arith.constant 0 : index
    tpu.barrier barrier_id(%barrier3A)
    %iota3A = tpu.iota {dimensions = array<i32: 0>} : vector<16xi32>
    %lt3A_7 = arith.constant 9 : i32
    %lt3A_8 = vector.broadcast %lt3A_7 : i32 to vector<16xi32>
    %lt3A_9 = arith.cmpi slt, %iota3A, %lt3A_8 : vector<16xi32>
    %jit3A_10 = arith.constant 0 : i32
    %broadcast_in_dim3A = vector.broadcast %jit3A_10 : i32 to vector<16xi32>
    %select_n3A_11 = arith.select %lt3A_9, %iota3A, %broadcast_in_dim3A : vector<16xi1>, vector<16xi32>
    %jit3A_12 = arith.constant 3 : i32
    %div3A = vector.broadcast %jit3A_12 : i32 to vector<16xi32>
    %div3A_13 = arith.divsi %select_n3A_11, %div3A : vector<16xi32>
    %sign3A = arith.constant 0 : i32
    %sign3A_14 = vector.broadcast %sign3A : i32 to vector<16xi32>
    %sign3A_15 = arith.cmpi sgt, %select_n3A_11, %sign3A_14 : vector<16xi32>
    %sign3A_16 = arith.extui %sign3A_15 : vector<16xi1> to vector<16xi32>
    %sign3A_17 = arith.constant 0 : i32
    %sign3A_18 = vector.broadcast %sign3A_17 : i32 to vector<16xi32>
    %sign3A_19 = arith.cmpi slt, %select_n3A_11, %sign3A_18 : vector<16xi32>
    %sign3A_20 = arith.extui %sign3A_19 : vector<16xi1> to vector<16xi32>
    %sign3A_21 = arith.subi %sign3A_16, %sign3A_20 : vector<16xi32>
    %sign3A_22 = arith.constant 0 : i32
    %sign3A_23 = arith.cmpi sgt, %jit3A_12, %sign3A_22 : i32
    %sign3A_24 = arith.extui %sign3A_23 : i1 to i32
    %sign3A_25 = arith.constant 0 : i32
    %sign3A_26 = arith.cmpi slt, %jit3A_12, %sign3A_25 : i32
    %sign3A_27 = arith.extui %sign3A_26 : i1 to i32
    %sign3A_28 = arith.subi %sign3A_24, %sign3A_27 : i32
    %ne3A = vector.broadcast %sign3A_28 : i32 to vector<16xi32>
    %ne3A_29 = arith.cmpi ne, %sign3A_21, %ne3A : vector<16xi32>
    %rem3A = vector.broadcast %jit3A_12 : i32 to vector<16xi32>
    %rem3A_30 = arith.remsi %select_n3A_11, %rem3A : vector<16xi32>
    %ne3A_31 = arith.constant 0 : i32
    %ne3A_32 = vector.broadcast %ne3A_31 : i32 to vector<16xi32>
    %ne3A_33 = arith.cmpi ne, %rem3A_30, %ne3A_32 : vector<16xi32>
    %and3A = arith.andi %ne3A_29, %ne3A_33 : vector<16xi1>
    %sub3A = arith.constant 1 : i32
    %sub3A_34 = vector.broadcast %sub3A : i32 to vector<16xi32>
    %sub3A_35 = arith.subi %div3A_13, %sub3A_34 : vector<16xi32>
    %select_n3A_36 = arith.select %and3A, %sub3A_35, %div3A_13 : vector<16xi1>, vector<16xi32>
    %lt3A_37 = arith.constant 9 : i32
    %lt3A_38 = vector.broadcast %lt3A_37 : i32 to vector<16xi32>
    %lt3A_39 = arith.cmpi slt, %iota3A, %lt3A_38 : vector<16xi32>
    %jit3A_40 = arith.constant 0 : i32
    %broadcast_in_dim3A_41 = vector.broadcast %jit3A_40 : i32 to vector<16xi32>
    %select_n3A_42 = arith.select %lt3A_39, %iota3A, %broadcast_in_dim3A_41 : vector<16xi1>, vector<16xi32>
    %jit3A_43 = arith.constant 3 : i32
    %eq3A_44 = arith.constant 0 : i32
    %eq3A_45 = arith.cmpi eq, %jit3A_43, %eq3A_44 : i32
    %jit3A_46 = arith.constant 1 : i32
    %select_n3A_47 = arith.select %eq3A_45, %jit3A_46, %jit3A_43 : i32
    %rem3A_48 = vector.broadcast %select_n3A_47 : i32 to vector<16xi32>
    %rem3A_49 = arith.remsi %select_n3A_42, %rem3A_48 : vector<16xi32>
    %ne3A_50 = arith.constant 0 : i32
    %ne3A_51 = vector.broadcast %ne3A_50 : i32 to vector<16xi32>
    %ne3A_52 = arith.cmpi ne, %rem3A_49, %ne3A_51 : vector<16xi32>
    %lt3A_53 = arith.constant 0 : i32
    %lt3A_54 = vector.broadcast %lt3A_53 : i32 to vector<16xi32>
    %lt3A_55 = arith.cmpi slt, %rem3A_49, %lt3A_54 : vector<16xi32>
    %lt3A_56 = arith.constant 0 : i32
    %lt3A_57 = arith.cmpi slt, %select_n3A_47, %lt3A_56 : i32
    %ne3A_58 = vector.broadcast %lt3A_57 : i1 to vector<16xi1>
    %ne3A_59 = vector.broadcast %ne3A_58 : vector<16xi1> to vector<16xi1>
    %ne3A_60 = arith.xori %lt3A_55, %ne3A_59 : vector<16xi1>
    %and3A_61 = arith.andi %ne3A_60, %ne3A_52 : vector<16xi1>
    %add3A_62 = vector.broadcast %select_n3A_47 : i32 to vector<16xi32>
    %add3A_63 = arith.addi %rem3A_49, %add3A_62 : vector<16xi32>
    %select_n3A_64 = arith.select %and3A_61, %add3A_63, %rem3A_49 : vector<16xi1>, vector<16xi32>
    %gather3A = tpu.vector_load_idx %arg20[%select_n3A_36, %select_n3A_64] : memref<3x3xf32, #tpu.memory_space<vmem>>[vector<16xi32>, vector<16xi32>], vector<16xf32>,
    %slice3A = vector.extract_strided_slice %gather3A {offsets = [0], sizes = [1], strides = [1]} : vector<16xf32> to vector<1xf32>
    %squeeze3A = vector.extract %slice3A[0] : f32 from vector<1xf32>
    %slice3A_65 = vector.extract_strided_slice %gather3A {offsets = [1], sizes = [1], strides = [1]} : vector<16xf32> to vector<1xf32>
    %squeeze3A_66 = vector.extract %slice3A_65[0] : f32 from vector<1xf32>
    %slice3A_67 = vector.extract_strided_slice %gather3A {offsets = [2], sizes = [1], strides = [1]} : vector<16xf32> to vector<1xf32>
    %squeeze3A_68 = vector.extract %slice3A_67[0] : f32 from vector<1xf32>
    %slice3A_69 = vector.extract_strided_slice %gather3A {offsets = [3], sizes = [1], strides = [1]} : vector<16xf32> to vector<1xf32>
    %squeeze3A_70 = vector.extract %slice3A_69[0] : f32 from vector<1xf32>
    %slice3A_71 = vector.extract_strided_slice %gather3A {offsets = [4], sizes = [1], strides = [1]} : vector<16xf32> to vector<1xf32>
    %squeeze3A_72 = vector.extract %slice3A_71[0] : f32 from vector<1xf32>
    %slice3A_73 = vector.extract_strided_slice %gather3A {offsets = [5], sizes = [1], strides = [1]} : vector<16xf32> to vector<1xf32>
    %squeeze3A_74 = vector.extract %slice3A_73[0] : f32 from vector<1xf32>
    %slice3A_75 = vector.extract_strided_slice %gather3A {offsets = [6], sizes = [1], strides = [1]} : vector<16xf32> to vector<1xf32>
    %squeeze3A_76 = vector.extract %slice3A_75[0] : f32 from vector<1xf32>
    %slice3A_77 = vector.extract_strided_slice %gather3A {offsets = [7], sizes = [1], strides = [1]} : vector<16xf32> to vector<1xf32>
    %squeeze3A_78 = vector.extract %slice3A_77[0] : f32 from vector<1xf32>
    %slice3A_79 = vector.extract_strided_slice %gather3A {offsets = [8], sizes = [1], strides = [1]} : vector<16xf32> to vector<1xf32>
    %squeeze3A_80 = vector.extract %slice3A_79[0] : f32 from vector<1xf32>
    %broadcast_in_dim3A_81 = arith.constant 0.000000e+00 : f32
    %broadcast_in_dim3A_82 = vector.broadcast %broadcast_in_dim3A_81 : f32 to vector<16xf32>
    %swap3A = arith.constant 384 : index
    %swap3A_83 = tpu.vector_load %arg18[%swap3A] {strides = array<i32>} : memref<5120xf32, #tpu.memory_space<vmem>>, vector<16xf32>,
    tpu.vector_store %arg18[%swap3A], %broadcast_in_dim3A_82 {strides = array<i32>} : memref<5120xf32, #tpu.memory_space<vmem>>, vector<16xf32>,
    %swap3A_84 = arith.constant 400 : index
    %swap3A_85 = tpu.vector_load %arg18[%swap3A_84] {strides = array<i32>} : memref<5120xf32, #tpu.memory_space<vmem>>, vector<16xf32>,
    tpu.vector_store %arg18[%swap3A_84], %broadcast_in_dim3A_82 {strides = array<i32>} : memref<5120xf32, #tpu.memory_space<vmem>>, vector<16xf32>,
    %swap3A_86 = arith.constant 416 : index
    %swap3A_87 = tpu.vector_load %arg18[%swap3A_86] {strides = array<i32>} : memref<5120xf32, #tpu.memory_space<vmem>>, vector<16xf32>,
    tpu.vector_store %arg18[%swap3A_86], %broadcast_in_dim3A_82 {strides = array<i32>} : memref<5120xf32, #tpu.memory_space<vmem>>, vector<16xf32>,
    %swap3A_88 = arith.constant 432 : index
    %swap3A_89 = tpu.vector_load %arg18[%swap3A_88] {strides = array<i32>} : memref<5120xf32, #tpu.memory_space<vmem>>, vector<16xf32>,
    tpu.vector_store %arg18[%swap3A_88], %broadcast_in_dim3A_82 {strides = array<i32>} : memref<5120xf32, #tpu.memory_space<vmem>>, vector<16xf32>,
    %swap3A_90 = arith.constant 448 : index
    %swap3A_91 = tpu.vector_load %arg18[%swap3A_90] {strides = array<i32>} : memref<5120xf32, #tpu.memory_space<vmem>>, vector<16xf32>,
    tpu.vector_store %arg18[%swap3A_90], %broadcast_in_dim3A_82 {strides = array<i32>} : memref<5120xf32, #tpu.memory_space<vmem>>, vector<16xf32>,
    %swap3A_92 = arith.constant 464 : index
    %swap3A_93 = tpu.vector_load %arg18[%swap3A_92] {strides = array<i32>} : memref<5120xf32, #tpu.memory_space<vmem>>, vector<16xf32>,
    tpu.vector_store %arg18[%swap3A_92], %broadcast_in_dim3A_82 {strides = array<i32>} : memref<5120xf32, #tpu.memory_space<vmem>>, vector<16xf32>,
    %swap3A_94 = arith.constant 480 : index
    %swap3A_95 = tpu.vector_load %arg18[%swap3A_94] {strides = array<i32>} : memref<5120xf32, #tpu.memory_space<vmem>>, vector<16xf32>,
    tpu.vector_store %arg18[%swap3A_94], %broadcast_in_dim3A_82 {strides = array<i32>} : memref<5120xf32, #tpu.memory_space<vmem>>, vector<16xf32>,
    %swap3A_96 = arith.constant 496 : index
    %swap3A_97 = tpu.vector_load %arg18[%swap3A_96] {strides = array<i32>} : memref<5120xf32, #tpu.memory_space<vmem>>, vector<16xf32>,
    tpu.vector_store %arg18[%swap3A_96], %broadcast_in_dim3A_82 {strides = array<i32>} : memref<5120xf32, #tpu.memory_space<vmem>>, vector<16xf32>,
    %swap3A_98 = arith.constant 896 : index
    %swap3A_99 = tpu.vector_load %arg18[%swap3A_98] {strides = array<i32>} : memref<5120xf32, #tpu.memory_space<vmem>>, vector<16xf32>,
    tpu.vector_store %arg18[%swap3A_98], %broadcast_in_dim3A_82 {strides = array<i32>} : memref<5120xf32, #tpu.memory_space<vmem>>, vector<16xf32>,
    %swap3A_100 = arith.constant 912 : index
    %swap3A_101 = tpu.vector_load %arg18[%swap3A_100] {strides = array<i32>} : memref<5120xf32, #tpu.memory_space<vmem>>, vector<16xf32>,
    tpu.vector_store %arg18[%swap3A_100], %broadcast_in_dim3A_82 {strides = array<i32>} : memref<5120xf32, #tpu.memory_space<vmem>>, vector<16xf32>,
    %swap3A_102 = arith.constant 928 : index
    %swap3A_103 = tpu.vector_load %arg18[%swap3A_102] {strides = array<i32>} : memref<5120xf32, #tpu.memory_space<vmem>>, vector<16xf32>,
    tpu.vector_store %arg18[%swap3A_102], %broadcast_in_dim3A_82 {strides = array<i32>} : memref<5120xf32, #tpu.memory_space<vmem>>, vector<16xf32>,
    %swap3A_104 = arith.constant 944 : index
    %swap3A_105 = tpu.vector_load %arg18[%swap3A_104] {strides = array<i32>} : memref<5120xf32, #tpu.memory_space<vmem>>, vector<16xf32>,
    tpu.vector_store %arg18[%swap3A_104], %broadcast_in_dim3A_82 {strides = array<i32>} : memref<5120xf32, #tpu.memory_space<vmem>>, vector<16xf32>,
    %swap3A_106 = arith.constant 960 : index
    %swap3A_107 = tpu.vector_load %arg18[%swap3A_106] {strides = array<i32>} : memref<5120xf32, #tpu.memory_space<vmem>>, vector<16xf32>,
    tpu.vector_store %arg18[%swap3A_106], %broadcast_in_dim3A_82 {strides = array<i32>} : memref<5120xf32, #tpu.memory_space<vmem>>, vector<16xf32>,
    %swap3A_108 = arith.constant 976 : index
    %swap3A_109 = tpu.vector_load %arg18[%swap3A_108] {strides = array<i32>} : memref<5120xf32, #tpu.memory_space<vmem>>, vector<16xf32>,
    tpu.vector_store %arg18[%swap3A_108], %broadcast_in_dim3A_82 {strides = array<i32>} : memref<5120xf32, #tpu.memory_space<vmem>>, vector<16xf32>,
    %swap3A_110 = arith.constant 992 : index
    %swap3A_111 = tpu.vector_load %arg18[%swap3A_110] {strides = array<i32>} : memref<5120xf32, #tpu.memory_space<vmem>>, vector<16xf32>,
    tpu.vector_store %arg18[%swap3A_110], %broadcast_in_dim3A_82 {strides = array<i32>} : memref<5120xf32, #tpu.memory_space<vmem>>, vector<16xf32>,
    %swap3A_112 = arith.constant 1008 : index
    %swap3A_113 = tpu.vector_load %arg18[%swap3A_112] {strides = array<i32>} : memref<5120xf32, #tpu.memory_space<vmem>>, vector<16xf32>,
    tpu.vector_store %arg18[%swap3A_112], %broadcast_in_dim3A_82 {strides = array<i32>} : memref<5120xf32, #tpu.memory_space<vmem>>, vector<16xf32>,
    %swap3A_114 = arith.constant 1408 : index
    %swap3A_115 = tpu.vector_load %arg18[%swap3A_114] {strides = array<i32>} : memref<5120xf32, #tpu.memory_space<vmem>>, vector<16xf32>,
    tpu.vector_store %arg18[%swap3A_114], %broadcast_in_dim3A_82 {strides = array<i32>} : memref<5120xf32, #tpu.memory_space<vmem>>, vector<16xf32>,
    %swap3A_116 = arith.constant 1424 : index
    %swap3A_117 = tpu.vector_load %arg18[%swap3A_116] {strides = array<i32>} : memref<5120xf32, #tpu.memory_space<vmem>>, vector<16xf32>,
    tpu.vector_store %arg18[%swap3A_116], %broadcast_in_dim3A_82 {strides = array<i32>} : memref<5120xf32, #tpu.memory_space<vmem>>, vector<16xf32>,
    %swap3A_118 = arith.constant 1440 : index
    %swap3A_119 = tpu.vector_load %arg18[%swap3A_118] {strides = array<i32>} : memref<5120xf32, #tpu.memory_space<vmem>>, vector<16xf32>,
    tpu.vector_store %arg18[%swap3A_118], %broadcast_in_dim3A_82 {strides = array<i32>} : memref<5120xf32, #tpu.memory_space<vmem>>, vector<16xf32>,
    %swap3A_120 = arith.constant 1456 : index
    %swap3A_121 = tpu.vector_load %arg18[%swap3A_120] {strides = array<i32>} : memref<5120xf32, #tpu.memory_space<vmem>>, vector<16xf32>,
    tpu.vector_store %arg18[%swap3A_120], %broadcast_in_dim3A_82 {strides = array<i32>} : memref<5120xf32, #tpu.memory_space<vmem>>, vector<16xf32>,
    %swap3A_122 = arith.constant 1472 : index
    %swap3A_123 = tpu.vector_load %arg18[%swap3A_122] {strides = array<i32>} : memref<5120xf32, #tpu.memory_space<vmem>>, vector<16xf32>,
    tpu.vector_store %arg18[%swap3A_122], %broadcast_in_dim3A_82 {strides = array<i32>} : memref<5120xf32, #tpu.memory_space<vmem>>, vector<16xf32>,
    %swap3A_124 = arith.constant 1488 : index
    %swap3A_125 = tpu.vector_load %arg18[%swap3A_124] {strides = array<i32>} : memref<5120xf32, #tpu.memory_space<vmem>>, vector<16xf32>,
    tpu.vector_store %arg18[%swap3A_124], %broadcast_in_dim3A_82 {strides = array<i32>} : memref<5120xf32, #tpu.memory_space<vmem>>, vector<16xf32>,
    %swap3A_126 = arith.constant 1504 : index
    %swap3A_127 = tpu.vector_load %arg18[%swap3A_126] {strides = array<i32>} : memref<5120xf32, #tpu.memory_space<vmem>>, vector<16xf32>,
    tpu.vector_store %arg18[%swap3A_126], %broadcast_in_dim3A_82 {strides = array<i32>} : memref<5120xf32, #tpu.memory_space<vmem>>, vector<16xf32>,
    %swap3A_128 = arith.constant 1520 : index
    %swap3A_129 = tpu.vector_load %arg18[%swap3A_128] {strides = array<i32>} : memref<5120xf32, #tpu.memory_space<vmem>>, vector<16xf32>,
    tpu.vector_store %arg18[%swap3A_128], %broadcast_in_dim3A_82 {strides = array<i32>} : memref<5120xf32, #tpu.memory_space<vmem>>, vector<16xf32>,
    %swap3A_130 = arith.constant 1920 : index
    %swap3A_131 = tpu.vector_load %arg18[%swap3A_130] {strides = array<i32>} : memref<5120xf32, #tpu.memory_space<vmem>>, vector<16xf32>,
    tpu.vector_store %arg18[%swap3A_130], %broadcast_in_dim3A_82 {strides = array<i32>} : memref<5120xf32, #tpu.memory_space<vmem>>, vector<16xf32>,
    %swap3A_132 = arith.constant 1936 : index
    %swap3A_133 = tpu.vector_load %arg18[%swap3A_132] {strides = array<i32>} : memref<5120xf32, #tpu.memory_space<vmem>>, vector<16xf32>,
    tpu.vector_store %arg18[%swap3A_132], %broadcast_in_dim3A_82 {strides = array<i32>} : memref<5120xf32, #tpu.memory_space<vmem>>, vector<16xf32>,
    %swap3A_134 = arith.constant 1952 : index
    %swap3A_135 = tpu.vector_load %arg18[%swap3A_134] {strides = array<i32>} : memref<5120xf32, #tpu.memory_space<vmem>>, vector<16xf32>,
    tpu.vector_store %arg18[%swap3A_134], %broadcast_in_dim3A_82 {strides = array<i32>} : memref<5120xf32, #tpu.memory_space<vmem>>, vector<16xf32>,
    %swap3A_136 = arith.constant 1968 : index
    %swap3A_137 = tpu.vector_load %arg18[%swap3A_136] {strides = array<i32>} : memref<5120xf32, #tpu.memory_space<vmem>>, vector<16xf32>,
    tpu.vector_store %arg18[%swap3A_136], %broadcast_in_dim3A_82 {strides = array<i32>} : memref<5120xf32, #tpu.memory_space<vmem>>, vector<16xf32>,
    %swap3A_138 = arith.constant 1984 : index
    %swap3A_139 = tpu.vector_load %arg18[%swap3A_138] {strides = array<i32>} : memref<5120xf32, #tpu.memory_space<vmem>>, vector<16xf32>,
    tpu.vector_store %arg18[%swap3A_138], %broadcast_in_dim3A_82 {strides = array<i32>} : memref<5120xf32, #tpu.memory_space<vmem>>, vector<16xf32>,
    %swap3A_140 = arith.constant 2000 : index
    %swap3A_141 = tpu.vector_load %arg18[%swap3A_140] {strides = array<i32>} : memref<5120xf32, #tpu.memory_space<vmem>>, vector<16xf32>,
    tpu.vector_store %arg18[%swap3A_140], %broadcast_in_dim3A_82 {strides = array<i32>} : memref<5120xf32, #tpu.memory_space<vmem>>, vector<16xf32>,
    %swap3A_142 = arith.constant 2016 : index
    %swap3A_143 = tpu.vector_load %arg18[%swap3A_142] {strides = array<i32>} : memref<5120xf32, #tpu.memory_space<vmem>>, vector<16xf32>,
    tpu.vector_store %arg18[%swap3A_142], %broadcast_in_dim3A_82 {strides = array<i32>} : memref<5120xf32, #tpu.memory_space<vmem>>, vector<16xf32>,
    %swap3A_144 = arith.constant 2032 : index
    %swap3A_145 = tpu.vector_load %arg18[%swap3A_144] {strides = array<i32>} : memref<5120xf32, #tpu.memory_space<vmem>>, vector<16xf32>,
    tpu.vector_store %arg18[%swap3A_144], %broadcast_in_dim3A_82 {strides = array<i32>} : memref<5120xf32, #tpu.memory_space<vmem>>, vector<16xf32>,
    %swap3A_146 = arith.constant 2432 : index
    %swap3A_147 = tpu.vector_load %arg18[%swap3A_146] {strides = array<i32>} : memref<5120xf32, #tpu.memory_space<vmem>>, vector<16xf32>,
    tpu.vector_store %arg18[%swap3A_146], %broadcast_in_dim3A_82 {strides = array<i32>} : memref<5120xf32, #tpu.memory_space<vmem>>, vector<16xf32>,
    %swap3A_148 = arith.constant 2448 : index
    %swap3A_149 = tpu.vector_load %arg18[%swap3A_148] {strides = array<i32>} : memref<5120xf32, #tpu.memory_space<vmem>>, vector<16xf32>,
    tpu.vector_store %arg18[%swap3A_148], %broadcast_in_dim3A_82 {strides = array<i32>} : memref<5120xf32, #tpu.memory_space<vmem>>, vector<16xf32>,
    %swap3A_150 = arith.constant 2464 : index
    %swap3A_151 = tpu.vector_load %arg18[%swap3A_150] {strides = array<i32>} : memref<5120xf32, #tpu.memory_space<vmem>>, vector<16xf32>,
    tpu.vector_store %arg18[%swap3A_150], %broadcast_in_dim3A_82 {strides = array<i32>} : memref<5120xf32, #tpu.memory_space<vmem>>, vector<16xf32>,
    %swap3A_152 = arith.constant 2480 : index
    %swap3A_153 = tpu.vector_load %arg18[%swap3A_152] {strides = array<i32>} : memref<5120xf32, #tpu.memory_space<vmem>>, vector<16xf32>,
    tpu.vector_store %arg18[%swap3A_152], %broadcast_in_dim3A_82 {strides = array<i32>} : memref<5120xf32, #tpu.memory_space<vmem>>, vector<16xf32>,
    %swap3A_154 = arith.constant 2496 : index
    %swap3A_155 = tpu.vector_load %arg18[%swap3A_154] {strides = array<i32>} : memref<5120xf32, #tpu.memory_space<vmem>>, vector<16xf32>,
    tpu.vector_store %arg18[%swap3A_154], %broadcast_in_dim3A_82 {strides = array<i32>} : memref<5120xf32, #tpu.memory_space<vmem>>, vector<16xf32>,
    %swap3A_156 = arith.constant 2512 : index
    %swap3A_157 = tpu.vector_load %arg18[%swap3A_156] {strides = array<i32>} : memref<5120xf32, #tpu.memory_space<vmem>>, vector<16xf32>,
    tpu.vector_store %arg18[%swap3A_156], %broadcast_in_dim3A_82 {strides = array<i32>} : memref<5120xf32, #tpu.memory_space<vmem>>, vector<16xf32>,
    %swap3A_158 = arith.constant 2528 : index
    %swap3A_159 = tpu.vector_load %arg18[%swap3A_158] {strides = array<i32>} : memref<5120xf32, #tpu.memory_space<vmem>>, vector<16xf32>,
    tpu.vector_store %arg18[%swap3A_158], %broadcast_in_dim3A_82 {strides = array<i32>} : memref<5120xf32, #tpu.memory_space<vmem>>, vector<16xf32>,
    %swap3A_160 = arith.constant 2544 : index
    %swap3A_161 = tpu.vector_load %arg18[%swap3A_160] {strides = array<i32>} : memref<5120xf32, #tpu.memory_space<vmem>>, vector<16xf32>,
    tpu.vector_store %arg18[%swap3A_160], %broadcast_in_dim3A_82 {strides = array<i32>} : memref<5120xf32, #tpu.memory_space<vmem>>, vector<16xf32>,
    %swap3A_162 = arith.constant 2944 : index
    %swap3A_163 = tpu.vector_load %arg18[%swap3A_162] {strides = array<i32>} : memref<5120xf32, #tpu.memory_space<vmem>>, vector<16xf32>,
    tpu.vector_store %arg18[%swap3A_162], %broadcast_in_dim3A_82 {strides = array<i32>} : memref<5120xf32, #tpu.memory_space<vmem>>, vector<16xf32>,
    %swap3A_164 = arith.constant 2960 : index
    %swap3A_165 = tpu.vector_load %arg18[%swap3A_164] {strides = array<i32>} : memref<5120xf32, #tpu.memory_space<vmem>>, vector<16xf32>,
    tpu.vector_store %arg18[%swap3A_164], %broadcast_in_dim3A_82 {strides = array<i32>} : memref<5120xf32, #tpu.memory_space<vmem>>, vector<16xf32>,
    %swap3A_166 = arith.constant 2976 : index
    %swap3A_167 = tpu.vector_load %arg18[%swap3A_166] {strides = array<i32>} : memref<5120xf32, #tpu.memory_space<vmem>>, vector<16xf32>,
    tpu.vector_store %arg18[%swap3A_166], %broadcast_in_dim3A_82 {strides = array<i32>} : memref<5120xf32, #tpu.memory_space<vmem>>, vector<16xf32>,
    %swap3A_168 = arith.constant 2992 : index
    %swap3A_169 = tpu.vector_load %arg18[%swap3A_168] {strides = array<i32>} : memref<5120xf32, #tpu.memory_space<vmem>>, vector<16xf32>,
    tpu.vector_store %arg18[%swap3A_168], %broadcast_in_dim3A_82 {strides = array<i32>} : memref<5120xf32, #tpu.memory_space<vmem>>, vector<16xf32>,
    %swap3A_170 = arith.constant 3008 : index
    %swap3A_171 = tpu.vector_load %arg18[%swap3A_170] {strides = array<i32>} : memref<5120xf32, #tpu.memory_space<vmem>>, vector<16xf32>,
    tpu.vector_store %arg18[%swap3A_170], %broadcast_in_dim3A_82 {strides = array<i32>} : memref<5120xf32, #tpu.memory_space<vmem>>, vector<16xf32>,
    %swap3A_172 = arith.constant 3024 : index
    %swap3A_173 = tpu.vector_load %arg18[%swap3A_172] {strides = array<i32>} : memref<5120xf32, #tpu.memory_space<vmem>>, vector<16xf32>,
    tpu.vector_store %arg18[%swap3A_172], %broadcast_in_dim3A_82 {strides = array<i32>} : memref<5120xf32, #tpu.memory_space<vmem>>, vector<16xf32>,
    %swap3A_174 = arith.constant 3040 : index
    %swap3A_175 = tpu.vector_load %arg18[%swap3A_174] {strides = array<i32>} : memref<5120xf32, #tpu.memory_space<vmem>>, vector<16xf32>,
    tpu.vector_store %arg18[%swap3A_174], %broadcast_in_dim3A_82 {strides = array<i32>} : memref<5120xf32, #tpu.memory_space<vmem>>, vector<16xf32>,
    %swap3A_176 = arith.constant 3056 : index
    %swap3A_177 = tpu.vector_load %arg18[%swap3A_176] {strides = array<i32>} : memref<5120xf32, #tpu.memory_space<vmem>>, vector<16xf32>,
    tpu.vector_store %arg18[%swap3A_176], %broadcast_in_dim3A_82 {strides = array<i32>} : memref<5120xf32, #tpu.memory_space<vmem>>, vector<16xf32>,
    %swap3A_178 = arith.constant 3456 : index
    %swap3A_179 = tpu.vector_load %arg18[%swap3A_178] {strides = array<i32>} : memref<5120xf32, #tpu.memory_space<vmem>>, vector<16xf32>,
    tpu.vector_store %arg18[%swap3A_178], %broadcast_in_dim3A_82 {strides = array<i32>} : memref<5120xf32, #tpu.memory_space<vmem>>, vector<16xf32>,
    %swap3A_180 = arith.constant 3472 : index
    %swap3A_181 = tpu.vector_load %arg18[%swap3A_180] {strides = array<i32>} : memref<5120xf32, #tpu.memory_space<vmem>>, vector<16xf32>,
    tpu.vector_store %arg18[%swap3A_180], %broadcast_in_dim3A_82 {strides = array<i32>} : memref<5120xf32, #tpu.memory_space<vmem>>, vector<16xf32>,
    %swap3A_182 = arith.constant 3488 : index
    %swap3A_183 = tpu.vector_load %arg18[%swap3A_182] {strides = array<i32>} : memref<5120xf32, #tpu.memory_space<vmem>>, vector<16xf32>,
    tpu.vector_store %arg18[%swap3A_182], %broadcast_in_dim3A_82 {strides = array<i32>} : memref<5120xf32, #tpu.memory_space<vmem>>, vector<16xf32>,
    %swap3A_184 = arith.constant 3504 : index
    %swap3A_185 = tpu.vector_load %arg18[%swap3A_184] {strides = array<i32>} : memref<5120xf32, #tpu.memory_space<vmem>>, vector<16xf32>,
    tpu.vector_store %arg18[%swap3A_184], %broadcast_in_dim3A_82 {strides = array<i32>} : memref<5120xf32, #tpu.memory_space<vmem>>, vector<16xf32>,
    %swap3A_186 = arith.constant 3520 : index
    %swap3A_187 = tpu.vector_load %arg18[%swap3A_186] {strides = array<i32>} : memref<5120xf32, #tpu.memory_space<vmem>>, vector<16xf32>,
    tpu.vector_store %arg18[%swap3A_186], %broadcast_in_dim3A_82 {strides = array<i32>} : memref<5120xf32, #tpu.memory_space<vmem>>, vector<16xf32>,
    %swap3A_188 = arith.constant 3536 : index
    %swap3A_189 = tpu.vector_load %arg18[%swap3A_188] {strides = array<i32>} : memref<5120xf32, #tpu.memory_space<vmem>>, vector<16xf32>,
    tpu.vector_store %arg18[%swap3A_188], %broadcast_in_dim3A_82 {strides = array<i32>} : memref<5120xf32, #tpu.memory_space<vmem>>, vector<16xf32>,
    %swap3A_190 = arith.constant 3552 : index
    %swap3A_191 = tpu.vector_load %arg18[%swap3A_190] {strides = array<i32>} : memref<5120xf32, #tpu.memory_space<vmem>>, vector<16xf32>,
    tpu.vector_store %arg18[%swap3A_190], %broadcast_in_dim3A_82 {strides = array<i32>} : memref<5120xf32, #tpu.memory_space<vmem>>, vector<16xf32>,
    %swap3A_192 = arith.constant 3568 : index
    %swap3A_193 = tpu.vector_load %arg18[%swap3A_192] {strides = array<i32>} : memref<5120xf32, #tpu.memory_space<vmem>>, vector<16xf32>,
    tpu.vector_store %arg18[%swap3A_192], %broadcast_in_dim3A_82 {strides = array<i32>} : memref<5120xf32, #tpu.memory_space<vmem>>, vector<16xf32>,
    %swap3A_194 = arith.constant 3968 : index
    %swap3A_195 = tpu.vector_load %arg18[%swap3A_194] {strides = array<i32>} : memref<5120xf32, #tpu.memory_space<vmem>>, vector<16xf32>,
    tpu.vector_store %arg18[%swap3A_194], %broadcast_in_dim3A_82 {strides = array<i32>} : memref<5120xf32, #tpu.memory_space<vmem>>, vector<16xf32>,
    %swap3A_196 = arith.constant 3984 : index
    %swap3A_197 = tpu.vector_load %arg18[%swap3A_196] {strides = array<i32>} : memref<5120xf32, #tpu.memory_space<vmem>>, vector<16xf32>,
    tpu.vector_store %arg18[%swap3A_196], %broadcast_in_dim3A_82 {strides = array<i32>} : memref<5120xf32, #tpu.memory_space<vmem>>, vector<16xf32>,
    %swap3A_198 = arith.constant 4000 : index
    %swap3A_199 = tpu.vector_load %arg18[%swap3A_198] {strides = array<i32>} : memref<5120xf32, #tpu.memory_space<vmem>>, vector<16xf32>,
    tpu.vector_store %arg18[%swap3A_198], %broadcast_in_dim3A_82 {strides = array<i32>} : memref<5120xf32, #tpu.memory_space<vmem>>, vector<16xf32>,
    %swap3A_200 = arith.constant 4016 : index
    %swap3A_201 = tpu.vector_load %arg18[%swap3A_200] {strides = array<i32>} : memref<5120xf32, #tpu.memory_space<vmem>>, vector<16xf32>,
    tpu.vector_store %arg18[%swap3A_200], %broadcast_in_dim3A_82 {strides = array<i32>} : memref<5120xf32, #tpu.memory_space<vmem>>, vector<16xf32>,
    %swap3A_202 = arith.constant 4032 : index
    %swap3A_203 = tpu.vector_load %arg18[%swap3A_202] {strides = array<i32>} : memref<5120xf32, #tpu.memory_space<vmem>>, vector<16xf32>,
    tpu.vector_store %arg18[%swap3A_202], %broadcast_in_dim3A_82 {strides = array<i32>} : memref<5120xf32, #tpu.memory_space<vmem>>, vector<16xf32>,
    %swap3A_204 = arith.constant 4048 : index
    %swap3A_205 = tpu.vector_load %arg18[%swap3A_204] {strides = array<i32>} : memref<5120xf32, #tpu.memory_space<vmem>>, vector<16xf32>,
    tpu.vector_store %arg18[%swap3A_204], %broadcast_in_dim3A_82 {strides = array<i32>} : memref<5120xf32, #tpu.memory_space<vmem>>, vector<16xf32>,
    %swap3A_206 = arith.constant 4064 : index
    %swap3A_207 = tpu.vector_load %arg18[%swap3A_206] {strides = array<i32>} : memref<5120xf32, #tpu.memory_space<vmem>>, vector<16xf32>,
    tpu.vector_store %arg18[%swap3A_206], %broadcast_in_dim3A_82 {strides = array<i32>} : memref<5120xf32, #tpu.memory_space<vmem>>, vector<16xf32>,
    %swap3A_208 = arith.constant 4080 : index
    %swap3A_209 = tpu.vector_load %arg18[%swap3A_208] {strides = array<i32>} : memref<5120xf32, #tpu.memory_space<vmem>>, vector<16xf32>,
    tpu.vector_store %arg18[%swap3A_208], %broadcast_in_dim3A_82 {strides = array<i32>} : memref<5120xf32, #tpu.memory_space<vmem>>, vector<16xf32>,
    %swap3A_210 = arith.constant 4480 : index
    %swap3A_211 = tpu.vector_load %arg18[%swap3A_210] {strides = array<i32>} : memref<5120xf32, #tpu.memory_space<vmem>>, vector<16xf32>,
    tpu.vector_store %arg18[%swap3A_210], %broadcast_in_dim3A_82 {strides = array<i32>} : memref<5120xf32, #tpu.memory_space<vmem>>, vector<16xf32>,
    %swap3A_212 = arith.constant 4496 : index
    %swap3A_213 = tpu.vector_load %arg18[%swap3A_212] {strides = array<i32>} : memref<5120xf32, #tpu.memory_space<vmem>>, vector<16xf32>,
    tpu.vector_store %arg18[%swap3A_212], %broadcast_in_dim3A_82 {strides = array<i32>} : memref<5120xf32, #tpu.memory_space<vmem>>, vector<16xf32>,
    %swap3A_214 = arith.constant 4512 : index
    %swap3A_215 = tpu.vector_load %arg18[%swap3A_214] {strides = array<i32>} : memref<5120xf32, #tpu.memory_space<vmem>>, vector<16xf32>,
    tpu.vector_store %arg18[%swap3A_214], %broadcast_in_dim3A_82 {strides = array<i32>} : memref<5120xf32, #tpu.memory_space<vmem>>, vector<16xf32>,
    %swap3A_216 = arith.constant 4528 : index
    %swap3A_217 = tpu.vector_load %arg18[%swap3A_216] {strides = array<i32>} : memref<5120xf32, #tpu.memory_space<vmem>>, vector<16xf32>,
    tpu.vector_store %arg18[%swap3A_216], %broadcast_in_dim3A_82 {strides = array<i32>} : memref<5120xf32, #tpu.memory_space<vmem>>, vector<16xf32>,
    %swap3A_218 = arith.constant 4544 : index
    %swap3A_219 = tpu.vector_load %arg18[%swap3A_218] {strides = array<i32>} : memref<5120xf32, #tpu.memory_space<vmem>>, vector<16xf32>,
    tpu.vector_store %arg18[%swap3A_218], %broadcast_in_dim3A_82 {strides = array<i32>} : memref<5120xf32, #tpu.memory_space<vmem>>, vector<16xf32>,
    %swap3A_220 = arith.constant 4560 : index
    %swap3A_221 = tpu.vector_load %arg18[%swap3A_220] {strides = array<i32>} : memref<5120xf32, #tpu.memory_space<vmem>>, vector<16xf32>,
    tpu.vector_store %arg18[%swap3A_220], %broadcast_in_dim3A_82 {strides = array<i32>} : memref<5120xf32, #tpu.memory_space<vmem>>, vector<16xf32>,
    %swap3A_222 = arith.constant 4576 : index
    %swap3A_223 = tpu.vector_load %arg18[%swap3A_222] {strides = array<i32>} : memref<5120xf32, #tpu.memory_space<vmem>>, vector<16xf32>,
    tpu.vector_store %arg18[%swap3A_222], %broadcast_in_dim3A_82 {strides = array<i32>} : memref<5120xf32, #tpu.memory_space<vmem>>, vector<16xf32>,
    %swap3A_224 = arith.constant 4592 : index
    %swap3A_225 = tpu.vector_load %arg18[%swap3A_224] {strides = array<i32>} : memref<5120xf32, #tpu.memory_space<vmem>>, vector<16xf32>,
    tpu.vector_store %arg18[%swap3A_224], %broadcast_in_dim3A_82 {strides = array<i32>} : memref<5120xf32, #tpu.memory_space<vmem>>, vector<16xf32>,
    %swap3A_226 = arith.constant 4992 : index
    %swap3A_227 = tpu.vector_load %arg18[%swap3A_226] {strides = array<i32>} : memref<5120xf32, #tpu.memory_space<vmem>>, vector<16xf32>,
    tpu.vector_store %arg18[%swap3A_226], %broadcast_in_dim3A_82 {strides = array<i32>} : memref<5120xf32, #tpu.memory_space<vmem>>, vector<16xf32>,
    %swap3A_228 = arith.constant 5008 : index
    %swap3A_229 = tpu.vector_load %arg18[%swap3A_228] {strides = array<i32>} : memref<5120xf32, #tpu.memory_space<vmem>>, vector<16xf32>,
    tpu.vector_store %arg18[%swap3A_228], %broadcast_in_dim3A_82 {strides = array<i32>} : memref<5120xf32, #tpu.memory_space<vmem>>, vector<16xf32>,
    %swap3A_230 = arith.constant 5024 : index
    %swap3A_231 = tpu.vector_load %arg18[%swap3A_230] {strides = array<i32>} : memref<5120xf32, #tpu.memory_space<vmem>>, vector<16xf32>,
    tpu.vector_store %arg18[%swap3A_230], %broadcast_in_dim3A_82 {strides = array<i32>} : memref<5120xf32, #tpu.memory_space<vmem>>, vector<16xf32>,
    %swap3A_232 = arith.constant 5040 : index
    %swap3A_233 = tpu.vector_load %arg18[%swap3A_232] {strides = array<i32>} : memref<5120xf32, #tpu.memory_space<vmem>>, vector<16xf32>,
    tpu.vector_store %arg18[%swap3A_232], %broadcast_in_dim3A_82 {strides = array<i32>} : memref<5120xf32, #tpu.memory_space<vmem>>, vector<16xf32>,
    %swap3A_234 = arith.constant 5056 : index
    %swap3A_235 = tpu.vector_load %arg18[%swap3A_234] {strides = array<i32>} : memref<5120xf32, #tpu.memory_space<vmem>>, vector<16xf32>,
    tpu.vector_store %arg18[%swap3A_234], %broadcast_in_dim3A_82 {strides = array<i32>} : memref<5120xf32, #tpu.memory_space<vmem>>, vector<16xf32>,
    %swap3A_236 = arith.constant 5072 : index
    %swap3A_237 = tpu.vector_load %arg18[%swap3A_236] {strides = array<i32>} : memref<5120xf32, #tpu.memory_space<vmem>>, vector<16xf32>,
    tpu.vector_store %arg18[%swap3A_236], %broadcast_in_dim3A_82 {strides = array<i32>} : memref<5120xf32, #tpu.memory_space<vmem>>, vector<16xf32>,
    %swap3A_238 = arith.constant 5088 : index
    %swap3A_239 = tpu.vector_load %arg18[%swap3A_238] {strides = array<i32>} : memref<5120xf32, #tpu.memory_space<vmem>>, vector<16xf32>,
    tpu.vector_store %arg18[%swap3A_238], %broadcast_in_dim3A_82 {strides = array<i32>} : memref<5120xf32, #tpu.memory_space<vmem>>, vector<16xf32>,
    %swap3A_240 = arith.constant 5104 : index
    %swap3A_241 = tpu.vector_load %arg18[%swap3A_240] {strides = array<i32>} : memref<5120xf32, #tpu.memory_space<vmem>>, vector<16xf32>,
    tpu.vector_store %arg18[%swap3A_240], %broadcast_in_dim3A_82 {strides = array<i32>} : memref<5120xf32, #tpu.memory_space<vmem>>, vector<16xf32>,
    %swap3A_242 = arith.constant 384 : index
    %swap3A_243 = tpu.vector_load %arg19[%swap3A_242] {strides = array<i32>} : memref<5120xf32, #tpu.memory_space<vmem>>, vector<16xf32>,
    tpu.vector_store %arg19[%swap3A_242], %broadcast_in_dim3A_82 {strides = array<i32>} : memref<5120xf32, #tpu.memory_space<vmem>>, vector<16xf32>,
    %swap3A_244 = arith.constant 400 : index
    %swap3A_245 = tpu.vector_load %arg19[%swap3A_244] {strides = array<i32>} : memref<5120xf32, #tpu.memory_space<vmem>>, vector<16xf32>,
    tpu.vector_store %arg19[%swap3A_244], %broadcast_in_dim3A_82 {strides = array<i32>} : memref<5120xf32, #tpu.memory_space<vmem>>, vector<16xf32>,
    %swap3A_246 = arith.constant 416 : index
    %swap3A_247 = tpu.vector_load %arg19[%swap3A_246] {strides = array<i32>} : memref<5120xf32, #tpu.memory_space<vmem>>, vector<16xf32>,
    tpu.vector_store %arg19[%swap3A_246], %broadcast_in_dim3A_82 {strides = array<i32>} : memref<5120xf32, #tpu.memory_space<vmem>>, vector<16xf32>,
    %swap3A_248 = arith.constant 432 : index
    %swap3A_249 = tpu.vector_load %arg19[%swap3A_248] {strides = array<i32>} : memref<5120xf32, #tpu.memory_space<vmem>>, vector<16xf32>,
    tpu.vector_store %arg19[%swap3A_248], %broadcast_in_dim3A_82 {strides = array<i32>} : memref<5120xf32, #tpu.memory_space<vmem>>, vector<16xf32>,
    %swap3A_250 = arith.constant 448 : index
    %swap3A_251 = tpu.vector_load %arg19[%swap3A_250] {strides = array<i32>} : memref<5120xf32, #tpu.memory_space<vmem>>, vector<16xf32>,
    tpu.vector_store %arg19[%swap3A_250], %broadcast_in_dim3A_82 {strides = array<i32>} : memref<5120xf32, #tpu.memory_space<vmem>>, vector<16xf32>,
    %swap3A_252 = arith.constant 464 : index
    %swap3A_253 = tpu.vector_load %arg19[%swap3A_252] {strides = array<i32>} : memref<5120xf32, #tpu.memory_space<vmem>>, vector<16xf32>,
    tpu.vector_store %arg19[%swap3A_252], %broadcast_in_dim3A_82 {strides = array<i32>} : memref<5120xf32, #tpu.memory_space<vmem>>, vector<16xf32>,
    %swap3A_254 = arith.constant 480 : index
    %swap3A_255 = tpu.vector_load %arg19[%swap3A_254] {strides = array<i32>} : memref<5120xf32, #tpu.memory_space<vmem>>, vector<16xf32>,
    tpu.vector_store %arg19[%swap3A_254], %broadcast_in_dim3A_82 {strides = array<i32>} : memref<5120xf32, #tpu.memory_space<vmem>>, vector<16xf32>,
    %swap3A_256 = arith.constant 496 : index
    %swap3A_257 = tpu.vector_load %arg19[%swap3A_256] {strides = array<i32>} : memref<5120xf32, #tpu.memory_space<vmem>>, vector<16xf32>,
    tpu.vector_store %arg19[%swap3A_256], %broadcast_in_dim3A_82 {strides = array<i32>} : memref<5120xf32, #tpu.memory_space<vmem>>, vector<16xf32>,
    %swap3A_258 = arith.constant 896 : index
    %swap3A_259 = tpu.vector_load %arg19[%swap3A_258] {strides = array<i32>} : memref<5120xf32, #tpu.memory_space<vmem>>, vector<16xf32>,
    tpu.vector_store %arg19[%swap3A_258], %broadcast_in_dim3A_82 {strides = array<i32>} : memref<5120xf32, #tpu.memory_space<vmem>>, vector<16xf32>,
    %swap3A_260 = arith.constant 912 : index
    %swap3A_261 = tpu.vector_load %arg19[%swap3A_260] {strides = array<i32>} : memref<5120xf32, #tpu.memory_space<vmem>>, vector<16xf32>,
    tpu.vector_store %arg19[%swap3A_260], %broadcast_in_dim3A_82 {strides = array<i32>} : memref<5120xf32, #tpu.memory_space<vmem>>, vector<16xf32>,
    %swap3A_262 = arith.constant 928 : index
    %swap3A_263 = tpu.vector_load %arg19[%swap3A_262] {strides = array<i32>} : memref<5120xf32, #tpu.memory_space<vmem>>, vector<16xf32>,
    tpu.vector_store %arg19[%swap3A_262], %broadcast_in_dim3A_82 {strides = array<i32>} : memref<5120xf32, #tpu.memory_space<vmem>>, vector<16xf32>,
    %swap3A_264 = arith.constant 944 : index
    %swap3A_265 = tpu.vector_load %arg19[%swap3A_264] {strides = array<i32>} : memref<5120xf32, #tpu.memory_space<vmem>>, vector<16xf32>,
    tpu.vector_store %arg19[%swap3A_264], %broadcast_in_dim3A_82 {strides = array<i32>} : memref<5120xf32, #tpu.memory_space<vmem>>, vector<16xf32>,
    %swap3A_266 = arith.constant 960 : index
    %swap3A_267 = tpu.vector_load %arg19[%swap3A_266] {strides = array<i32>} : memref<5120xf32, #tpu.memory_space<vmem>>, vector<16xf32>,
    tpu.vector_store %arg19[%swap3A_266], %broadcast_in_dim3A_82 {strides = array<i32>} : memref<5120xf32, #tpu.memory_space<vmem>>, vector<16xf32>,
    %swap3A_268 = arith.constant 976 : index
    %swap3A_269 = tpu.vector_load %arg19[%swap3A_268] {strides = array<i32>} : memref<5120xf32, #tpu.memory_space<vmem>>, vector<16xf32>,
    tpu.vector_store %arg19[%swap3A_268], %broadcast_in_dim3A_82 {strides = array<i32>} : memref<5120xf32, #tpu.memory_space<vmem>>, vector<16xf32>,
    %swap3A_270 = arith.constant 992 : index
    %swap3A_271 = tpu.vector_load %arg19[%swap3A_270] {strides = array<i32>} : memref<5120xf32, #tpu.memory_space<vmem>>, vector<16xf32>,
    tpu.vector_store %arg19[%swap3A_270], %broadcast_in_dim3A_82 {strides = array<i32>} : memref<5120xf32, #tpu.memory_space<vmem>>, vector<16xf32>,
    %swap3A_272 = arith.constant 1008 : index
    %swap3A_273 = tpu.vector_load %arg19[%swap3A_272] {strides = array<i32>} : memref<5120xf32, #tpu.memory_space<vmem>>, vector<16xf32>,
    tpu.vector_store %arg19[%swap3A_272], %broadcast_in_dim3A_82 {strides = array<i32>} : memref<5120xf32, #tpu.memory_space<vmem>>, vector<16xf32>,
    %swap3A_274 = arith.constant 1408 : index
    %swap3A_275 = tpu.vector_load %arg19[%swap3A_274] {strides = array<i32>} : memref<5120xf32, #tpu.memory_space<vmem>>, vector<16xf32>,
    tpu.vector_store %arg19[%swap3A_274], %broadcast_in_dim3A_82 {strides = array<i32>} : memref<5120xf32, #tpu.memory_space<vmem>>, vector<16xf32>,
    %swap3A_276 = arith.constant 1424 : index
    %swap3A_277 = tpu.vector_load %arg19[%swap3A_276] {strides = array<i32>} : memref<5120xf32, #tpu.memory_space<vmem>>, vector<16xf32>,
    tpu.vector_store %arg19[%swap3A_276], %broadcast_in_dim3A_82 {strides = array<i32>} : memref<5120xf32, #tpu.memory_space<vmem>>, vector<16xf32>,
    %swap3A_278 = arith.constant 1440 : index
    %swap3A_279 = tpu.vector_load %arg19[%swap3A_278] {strides = array<i32>} : memref<5120xf32, #tpu.memory_space<vmem>>, vector<16xf32>,
    tpu.vector_store %arg19[%swap3A_278], %broadcast_in_dim3A_82 {strides = array<i32>} : memref<5120xf32, #tpu.memory_space<vmem>>, vector<16xf32>,
    %swap3A_280 = arith.constant 1456 : index
    %swap3A_281 = tpu.vector_load %arg19[%swap3A_280] {strides = array<i32>} : memref<5120xf32, #tpu.memory_space<vmem>>, vector<16xf32>,
    tpu.vector_store %arg19[%swap3A_280], %broadcast_in_dim3A_82 {strides = array<i32>} : memref<5120xf32, #tpu.memory_space<vmem>>, vector<16xf32>,
    %swap3A_282 = arith.constant 1472 : index
    %swap3A_283 = tpu.vector_load %arg19[%swap3A_282] {strides = array<i32>} : memref<5120xf32, #tpu.memory_space<vmem>>, vector<16xf32>,
    tpu.vector_store %arg19[%swap3A_282], %broadcast_in_dim3A_82 {strides = array<i32>} : memref<5120xf32, #tpu.memory_space<vmem>>, vector<16xf32>,
    %swap3A_284 = arith.constant 1488 : index
    %swap3A_285 = tpu.vector_load %arg19[%swap3A_284] {strides = array<i32>} : memref<5120xf32, #tpu.memory_space<vmem>>, vector<16xf32>,
    tpu.vector_store %arg19[%swap3A_284], %broadcast_in_dim3A_82 {strides = array<i32>} : memref<5120xf32, #tpu.memory_space<vmem>>, vector<16xf32>,
    %swap3A_286 = arith.constant 1504 : index
    %swap3A_287 = tpu.vector_load %arg19[%swap3A_286] {strides = array<i32>} : memref<5120xf32, #tpu.memory_space<vmem>>, vector<16xf32>,
    tpu.vector_store %arg19[%swap3A_286], %broadcast_in_dim3A_82 {strides = array<i32>} : memref<5120xf32, #tpu.memory_space<vmem>>, vector<16xf32>,
    %swap3A_288 = arith.constant 1520 : index
    %swap3A_289 = tpu.vector_load %arg19[%swap3A_288] {strides = array<i32>} : memref<5120xf32, #tpu.memory_space<vmem>>, vector<16xf32>,
    tpu.vector_store %arg19[%swap3A_288], %broadcast_in_dim3A_82 {strides = array<i32>} : memref<5120xf32, #tpu.memory_space<vmem>>, vector<16xf32>,
    %swap3A_290 = arith.constant 1920 : index
    %swap3A_291 = tpu.vector_load %arg19[%swap3A_290] {strides = array<i32>} : memref<5120xf32, #tpu.memory_space<vmem>>, vector<16xf32>,
    tpu.vector_store %arg19[%swap3A_290], %broadcast_in_dim3A_82 {strides = array<i32>} : memref<5120xf32, #tpu.memory_space<vmem>>, vector<16xf32>,
    %swap3A_292 = arith.constant 1936 : index
    %swap3A_293 = tpu.vector_load %arg19[%swap3A_292] {strides = array<i32>} : memref<5120xf32, #tpu.memory_space<vmem>>, vector<16xf32>,
    tpu.vector_store %arg19[%swap3A_292], %broadcast_in_dim3A_82 {strides = array<i32>} : memref<5120xf32, #tpu.memory_space<vmem>>, vector<16xf32>,
    %swap3A_294 = arith.constant 1952 : index
    %swap3A_295 = tpu.vector_load %arg19[%swap3A_294] {strides = array<i32>} : memref<5120xf32, #tpu.memory_space<vmem>>, vector<16xf32>,
    tpu.vector_store %arg19[%swap3A_294], %broadcast_in_dim3A_82 {strides = array<i32>} : memref<5120xf32, #tpu.memory_space<vmem>>, vector<16xf32>,
    %swap3A_296 = arith.constant 1968 : index
    %swap3A_297 = tpu.vector_load %arg19[%swap3A_296] {strides = array<i32>} : memref<5120xf32, #tpu.memory_space<vmem>>, vector<16xf32>,
    tpu.vector_store %arg19[%swap3A_296], %broadcast_in_dim3A_82 {strides = array<i32>} : memref<5120xf32, #tpu.memory_space<vmem>>, vector<16xf32>,
    %swap3A_298 = arith.constant 1984 : index
    %swap3A_299 = tpu.vector_load %arg19[%swap3A_298] {strides = array<i32>} : memref<5120xf32, #tpu.memory_space<vmem>>, vector<16xf32>,
    tpu.vector_store %arg19[%swap3A_298], %broadcast_in_dim3A_82 {strides = array<i32>} : memref<5120xf32, #tpu.memory_space<vmem>>, vector<16xf32>,
    %swap3A_300 = arith.constant 2000 : index
    %swap3A_301 = tpu.vector_load %arg19[%swap3A_300] {strides = array<i32>} : memref<5120xf32, #tpu.memory_space<vmem>>, vector<16xf32>,
    tpu.vector_store %arg19[%swap3A_300], %broadcast_in_dim3A_82 {strides = array<i32>} : memref<5120xf32, #tpu.memory_space<vmem>>, vector<16xf32>,
    %swap3A_302 = arith.constant 2016 : index
    %swap3A_303 = tpu.vector_load %arg19[%swap3A_302] {strides = array<i32>} : memref<5120xf32, #tpu.memory_space<vmem>>, vector<16xf32>,
    tpu.vector_store %arg19[%swap3A_302], %broadcast_in_dim3A_82 {strides = array<i32>} : memref<5120xf32, #tpu.memory_space<vmem>>, vector<16xf32>,
    %swap3A_304 = arith.constant 2032 : index
    %swap3A_305 = tpu.vector_load %arg19[%swap3A_304] {strides = array<i32>} : memref<5120xf32, #tpu.memory_space<vmem>>, vector<16xf32>,
    tpu.vector_store %arg19[%swap3A_304], %broadcast_in_dim3A_82 {strides = array<i32>} : memref<5120xf32, #tpu.memory_space<vmem>>, vector<16xf32>,
    %swap3A_306 = arith.constant 2432 : index
    %swap3A_307 = tpu.vector_load %arg19[%swap3A_306] {strides = array<i32>} : memref<5120xf32, #tpu.memory_space<vmem>>, vector<16xf32>,
    tpu.vector_store %arg19[%swap3A_306], %broadcast_in_dim3A_82 {strides = array<i32>} : memref<5120xf32, #tpu.memory_space<vmem>>, vector<16xf32>,
    %swap3A_308 = arith.constant 2448 : index
    %swap3A_309 = tpu.vector_load %arg19[%swap3A_308] {strides = array<i32>} : memref<5120xf32, #tpu.memory_space<vmem>>, vector<16xf32>,
    tpu.vector_store %arg19[%swap3A_308], %broadcast_in_dim3A_82 {strides = array<i32>} : memref<5120xf32, #tpu.memory_space<vmem>>, vector<16xf32>,
    %swap3A_310 = arith.constant 2464 : index
    %swap3A_311 = tpu.vector_load %arg19[%swap3A_310] {strides = array<i32>} : memref<5120xf32, #tpu.memory_space<vmem>>, vector<16xf32>,
    tpu.vector_store %arg19[%swap3A_310], %broadcast_in_dim3A_82 {strides = array<i32>} : memref<5120xf32, #tpu.memory_space<vmem>>, vector<16xf32>,
    %swap3A_312 = arith.constant 2480 : index
    %swap3A_313 = tpu.vector_load %arg19[%swap3A_312] {strides = array<i32>} : memref<5120xf32, #tpu.memory_space<vmem>>, vector<16xf32>,
    tpu.vector_store %arg19[%swap3A_312], %broadcast_in_dim3A_82 {strides = array<i32>} : memref<5120xf32, #tpu.memory_space<vmem>>, vector<16xf32>,
    %swap3A_314 = arith.constant 2496 : index
    %swap3A_315 = tpu.vector_load %arg19[%swap3A_314] {strides = array<i32>} : memref<5120xf32, #tpu.memory_space<vmem>>, vector<16xf32>,
    tpu.vector_store %arg19[%swap3A_314], %broadcast_in_dim3A_82 {strides = array<i32>} : memref<5120xf32, #tpu.memory_space<vmem>>, vector<16xf32>,
    %swap3A_316 = arith.constant 2512 : index
    %swap3A_317 = tpu.vector_load %arg19[%swap3A_316] {strides = array<i32>} : memref<5120xf32, #tpu.memory_space<vmem>>, vector<16xf32>,
    tpu.vector_store %arg19[%swap3A_316], %broadcast_in_dim3A_82 {strides = array<i32>} : memref<5120xf32, #tpu.memory_space<vmem>>, vector<16xf32>,
    %swap3A_318 = arith.constant 2528 : index
    %swap3A_319 = tpu.vector_load %arg19[%swap3A_318] {strides = array<i32>} : memref<5120xf32, #tpu.memory_space<vmem>>, vector<16xf32>,
    tpu.vector_store %arg19[%swap3A_318], %broadcast_in_dim3A_82 {strides = array<i32>} : memref<5120xf32, #tpu.memory_space<vmem>>, vector<16xf32>,
    %swap3A_320 = arith.constant 2544 : index
    %swap3A_321 = tpu.vector_load %arg19[%swap3A_320] {strides = array<i32>} : memref<5120xf32, #tpu.memory_space<vmem>>, vector<16xf32>,
    tpu.vector_store %arg19[%swap3A_320], %broadcast_in_dim3A_82 {strides = array<i32>} : memref<5120xf32, #tpu.memory_space<vmem>>, vector<16xf32>,
    %swap3A_322 = arith.constant 2944 : index
    %swap3A_323 = tpu.vector_load %arg19[%swap3A_322] {strides = array<i32>} : memref<5120xf32, #tpu.memory_space<vmem>>, vector<16xf32>,
    tpu.vector_store %arg19[%swap3A_322], %broadcast_in_dim3A_82 {strides = array<i32>} : memref<5120xf32, #tpu.memory_space<vmem>>, vector<16xf32>,
    %swap3A_324 = arith.constant 2960 : index
    %swap3A_325 = tpu.vector_load %arg19[%swap3A_324] {strides = array<i32>} : memref<5120xf32, #tpu.memory_space<vmem>>, vector<16xf32>,
    tpu.vector_store %arg19[%swap3A_324], %broadcast_in_dim3A_82 {strides = array<i32>} : memref<5120xf32, #tpu.memory_space<vmem>>, vector<16xf32>,
    %swap3A_326 = arith.constant 2976 : index
    %swap3A_327 = tpu.vector_load %arg19[%swap3A_326] {strides = array<i32>} : memref<5120xf32, #tpu.memory_space<vmem>>, vector<16xf32>,
    tpu.vector_store %arg19[%swap3A_326], %broadcast_in_dim3A_82 {strides = array<i32>} : memref<5120xf32, #tpu.memory_space<vmem>>, vector<16xf32>,
    %swap3A_328 = arith.constant 2992 : index
    %swap3A_329 = tpu.vector_load %arg19[%swap3A_328] {strides = array<i32>} : memref<5120xf32, #tpu.memory_space<vmem>>, vector<16xf32>,
    tpu.vector_store %arg19[%swap3A_328], %broadcast_in_dim3A_82 {strides = array<i32>} : memref<5120xf32, #tpu.memory_space<vmem>>, vector<16xf32>,
    %swap3A_330 = arith.constant 3008 : index
    %swap3A_331 = tpu.vector_load %arg19[%swap3A_330] {strides = array<i32>} : memref<5120xf32, #tpu.memory_space<vmem>>, vector<16xf32>,
    tpu.vector_store %arg19[%swap3A_330], %broadcast_in_dim3A_82 {strides = array<i32>} : memref<5120xf32, #tpu.memory_space<vmem>>, vector<16xf32>,
    %swap3A_332 = arith.constant 3024 : index
    %swap3A_333 = tpu.vector_load %arg19[%swap3A_332] {strides = array<i32>} : memref<5120xf32, #tpu.memory_space<vmem>>, vector<16xf32>,
    tpu.vector_store %arg19[%swap3A_332], %broadcast_in_dim3A_82 {strides = array<i32>} : memref<5120xf32, #tpu.memory_space<vmem>>, vector<16xf32>,
    %swap3A_334 = arith.constant 3040 : index
    %swap3A_335 = tpu.vector_load %arg19[%swap3A_334] {strides = array<i32>} : memref<5120xf32, #tpu.memory_space<vmem>>, vector<16xf32>,
    tpu.vector_store %arg19[%swap3A_334], %broadcast_in_dim3A_82 {strides = array<i32>} : memref<5120xf32, #tpu.memory_space<vmem>>, vector<16xf32>,
    %swap3A_336 = arith.constant 3056 : index
    %swap3A_337 = tpu.vector_load %arg19[%swap3A_336] {strides = array<i32>} : memref<5120xf32, #tpu.memory_space<vmem>>, vector<16xf32>,
    tpu.vector_store %arg19[%swap3A_336], %broadcast_in_dim3A_82 {strides = array<i32>} : memref<5120xf32, #tpu.memory_space<vmem>>, vector<16xf32>,
    %swap3A_338 = arith.constant 3456 : index
    %swap3A_339 = tpu.vector_load %arg19[%swap3A_338] {strides = array<i32>} : memref<5120xf32, #tpu.memory_space<vmem>>, vector<16xf32>,
    tpu.vector_store %arg19[%swap3A_338], %broadcast_in_dim3A_82 {strides = array<i32>} : memref<5120xf32, #tpu.memory_space<vmem>>, vector<16xf32>,
    %swap3A_340 = arith.constant 3472 : index
    %swap3A_341 = tpu.vector_load %arg19[%swap3A_340] {strides = array<i32>} : memref<5120xf32, #tpu.memory_space<vmem>>, vector<16xf32>,
    tpu.vector_store %arg19[%swap3A_340], %broadcast_in_dim3A_82 {strides = array<i32>} : memref<5120xf32, #tpu.memory_space<vmem>>, vector<16xf32>,
    %swap3A_342 = arith.constant 3488 : index
    %swap3A_343 = tpu.vector_load %arg19[%swap3A_342] {strides = array<i32>} : memref<5120xf32, #tpu.memory_space<vmem>>, vector<16xf32>,
    tpu.vector_store %arg19[%swap3A_342], %broadcast_in_dim3A_82 {strides = array<i32>} : memref<5120xf32, #tpu.memory_space<vmem>>, vector<16xf32>,
    %swap3A_344 = arith.constant 3504 : index
    %swap3A_345 = tpu.vector_load %arg19[%swap3A_344] {strides = array<i32>} : memref<5120xf32, #tpu.memory_space<vmem>>, vector<16xf32>,
    tpu.vector_store %arg19[%swap3A_344], %broadcast_in_dim3A_82 {strides = array<i32>} : memref<5120xf32, #tpu.memory_space<vmem>>, vector<16xf32>,
    %swap3A_346 = arith.constant 3520 : index
    %swap3A_347 = tpu.vector_load %arg19[%swap3A_346] {strides = array<i32>} : memref<5120xf32, #tpu.memory_space<vmem>>, vector<16xf32>,
    tpu.vector_store %arg19[%swap3A_346], %broadcast_in_dim3A_82 {strides = array<i32>} : memref<5120xf32, #tpu.memory_space<vmem>>, vector<16xf32>,
    %swap3A_348 = arith.constant 3536 : index
    %swap3A_349 = tpu.vector_load %arg19[%swap3A_348] {strides = array<i32>} : memref<5120xf32, #tpu.memory_space<vmem>>, vector<16xf32>,
    tpu.vector_store %arg19[%swap3A_348], %broadcast_in_dim3A_82 {strides = array<i32>} : memref<5120xf32, #tpu.memory_space<vmem>>, vector<16xf32>,
    %swap3A_350 = arith.constant 3552 : index
    %swap3A_351 = tpu.vector_load %arg19[%swap3A_350] {strides = array<i32>} : memref<5120xf32, #tpu.memory_space<vmem>>, vector<16xf32>,
    tpu.vector_store %arg19[%swap3A_350], %broadcast_in_dim3A_82 {strides = array<i32>} : memref<5120xf32, #tpu.memory_space<vmem>>, vector<16xf32>,
    %swap3A_352 = arith.constant 3568 : index
    %swap3A_353 = tpu.vector_load %arg19[%swap3A_352] {strides = array<i32>} : memref<5120xf32, #tpu.memory_space<vmem>>, vector<16xf32>,
    tpu.vector_store %arg19[%swap3A_352], %broadcast_in_dim3A_82 {strides = array<i32>} : memref<5120xf32, #tpu.memory_space<vmem>>, vector<16xf32>,
    %swap3A_354 = arith.constant 3968 : index
    %swap3A_355 = tpu.vector_load %arg19[%swap3A_354] {strides = array<i32>} : memref<5120xf32, #tpu.memory_space<vmem>>, vector<16xf32>,
    tpu.vector_store %arg19[%swap3A_354], %broadcast_in_dim3A_82 {strides = array<i32>} : memref<5120xf32, #tpu.memory_space<vmem>>, vector<16xf32>,
    %swap3A_356 = arith.constant 3984 : index
    %swap3A_357 = tpu.vector_load %arg19[%swap3A_356] {strides = array<i32>} : memref<5120xf32, #tpu.memory_space<vmem>>, vector<16xf32>,
    tpu.vector_store %arg19[%swap3A_356], %broadcast_in_dim3A_82 {strides = array<i32>} : memref<5120xf32, #tpu.memory_space<vmem>>, vector<16xf32>,
    %swap3A_358 = arith.constant 4000 : index
    %swap3A_359 = tpu.vector_load %arg19[%swap3A_358] {strides = array<i32>} : memref<5120xf32, #tpu.memory_space<vmem>>, vector<16xf32>,
    tpu.vector_store %arg19[%swap3A_358], %broadcast_in_dim3A_82 {strides = array<i32>} : memref<5120xf32, #tpu.memory_space<vmem>>, vector<16xf32>,
    %swap3A_360 = arith.constant 4016 : index
    %swap3A_361 = tpu.vector_load %arg19[%swap3A_360] {strides = array<i32>} : memref<5120xf32, #tpu.memory_space<vmem>>, vector<16xf32>,
    tpu.vector_store %arg19[%swap3A_360], %broadcast_in_dim3A_82 {strides = array<i32>} : memref<5120xf32, #tpu.memory_space<vmem>>, vector<16xf32>,
    %swap3A_362 = arith.constant 4032 : index
    %swap3A_363 = tpu.vector_load %arg19[%swap3A_362] {strides = array<i32>} : memref<5120xf32, #tpu.memory_space<vmem>>, vector<16xf32>,
    tpu.vector_store %arg19[%swap3A_362], %broadcast_in_dim3A_82 {strides = array<i32>} : memref<5120xf32, #tpu.memory_space<vmem>>, vector<16xf32>,
    %swap3A_364 = arith.constant 4048 : index
    %swap3A_365 = tpu.vector_load %arg19[%swap3A_364] {strides = array<i32>} : memref<5120xf32, #tpu.memory_space<vmem>>, vector<16xf32>,
    tpu.vector_store %arg19[%swap3A_364], %broadcast_in_dim3A_82 {strides = array<i32>} : memref<5120xf32, #tpu.memory_space<vmem>>, vector<16xf32>,
    %swap3A_366 = arith.constant 4064 : index
    %swap3A_367 = tpu.vector_load %arg19[%swap3A_366] {strides = array<i32>} : memref<5120xf32, #tpu.memory_space<vmem>>, vector<16xf32>,
    tpu.vector_store %arg19[%swap3A_366], %broadcast_in_dim3A_82 {strides = array<i32>} : memref<5120xf32, #tpu.memory_space<vmem>>, vector<16xf32>,
    %swap3A_368 = arith.constant 4080 : index
    %swap3A_369 = tpu.vector_load %arg19[%swap3A_368] {strides = array<i32>} : memref<5120xf32, #tpu.memory_space<vmem>>, vector<16xf32>,
    tpu.vector_store %arg19[%swap3A_368], %broadcast_in_dim3A_82 {strides = array<i32>} : memref<5120xf32, #tpu.memory_space<vmem>>, vector<16xf32>,
    %swap3A_370 = arith.constant 4480 : index
    %swap3A_371 = tpu.vector_load %arg19[%swap3A_370] {strides = array<i32>} : memref<5120xf32, #tpu.memory_space<vmem>>, vector<16xf32>,
    tpu.vector_store %arg19[%swap3A_370], %broadcast_in_dim3A_82 {strides = array<i32>} : memref<5120xf32, #tpu.memory_space<vmem>>, vector<16xf32>,
    %swap3A_372 = arith.constant 4496 : index
    %swap3A_373 = tpu.vector_load %arg19[%swap3A_372] {strides = array<i32>} : memref<5120xf32, #tpu.memory_space<vmem>>, vector<16xf32>,
    tpu.vector_store %arg19[%swap3A_372], %broadcast_in_dim3A_82 {strides = array<i32>} : memref<5120xf32, #tpu.memory_space<vmem>>, vector<16xf32>,
    %swap3A_374 = arith.constant 4512 : index
    %swap3A_375 = tpu.vector_load %arg19[%swap3A_374] {strides = array<i32>} : memref<5120xf32, #tpu.memory_space<vmem>>, vector<16xf32>,
    tpu.vector_store %arg19[%swap3A_374], %broadcast_in_dim3A_82 {strides = array<i32>} : memref<5120xf32, #tpu.memory_space<vmem>>, vector<16xf32>,
    %swap3A_376 = arith.constant 4528 : index
    %swap3A_377 = tpu.vector_load %arg19[%swap3A_376] {strides = array<i32>} : memref<5120xf32, #tpu.memory_space<vmem>>, vector<16xf32>,
    tpu.vector_store %arg19[%swap3A_376], %broadcast_in_dim3A_82 {strides = array<i32>} : memref<5120xf32, #tpu.memory_space<vmem>>, vector<16xf32>,
    %swap3A_378 = arith.constant 4544 : index
    %swap3A_379 = tpu.vector_load %arg19[%swap3A_378] {strides = array<i32>} : memref<5120xf32, #tpu.memory_space<vmem>>, vector<16xf32>,
    tpu.vector_store %arg19[%swap3A_378], %broadcast_in_dim3A_82 {strides = array<i32>} : memref<5120xf32, #tpu.memory_space<vmem>>, vector<16xf32>,
    %swap3A_380 = arith.constant 4560 : index
    %swap3A_381 = tpu.vector_load %arg19[%swap3A_380] {strides = array<i32>} : memref<5120xf32, #tpu.memory_space<vmem>>, vector<16xf32>,
    tpu.vector_store %arg19[%swap3A_380], %broadcast_in_dim3A_82 {strides = array<i32>} : memref<5120xf32, #tpu.memory_space<vmem>>, vector<16xf32>,
    %swap3A_382 = arith.constant 4576 : index
    %swap3A_383 = tpu.vector_load %arg19[%swap3A_382] {strides = array<i32>} : memref<5120xf32, #tpu.memory_space<vmem>>, vector<16xf32>,
    tpu.vector_store %arg19[%swap3A_382], %broadcast_in_dim3A_82 {strides = array<i32>} : memref<5120xf32, #tpu.memory_space<vmem>>, vector<16xf32>,
    %swap3A_384 = arith.constant 4592 : index
    %swap3A_385 = tpu.vector_load %arg19[%swap3A_384] {strides = array<i32>} : memref<5120xf32, #tpu.memory_space<vmem>>, vector<16xf32>,
    tpu.vector_store %arg19[%swap3A_384], %broadcast_in_dim3A_82 {strides = array<i32>} : memref<5120xf32, #tpu.memory_space<vmem>>, vector<16xf32>,
    %swap3A_386 = arith.constant 4992 : index
    %swap3A_387 = tpu.vector_load %arg19[%swap3A_386] {strides = array<i32>} : memref<5120xf32, #tpu.memory_space<vmem>>, vector<16xf32>,
    tpu.vector_store %arg19[%swap3A_386], %broadcast_in_dim3A_82 {strides = array<i32>} : memref<5120xf32, #tpu.memory_space<vmem>>, vector<16xf32>,
    %swap3A_388 = arith.constant 5008 : index
    %swap3A_389 = tpu.vector_load %arg19[%swap3A_388] {strides = array<i32>} : memref<5120xf32, #tpu.memory_space<vmem>>, vector<16xf32>,
    tpu.vector_store %arg19[%swap3A_388], %broadcast_in_dim3A_82 {strides = array<i32>} : memref<5120xf32, #tpu.memory_space<vmem>>, vector<16xf32>,
    %swap3A_390 = arith.constant 5024 : index
    %swap3A_391 = tpu.vector_load %arg19[%swap3A_390] {strides = array<i32>} : memref<5120xf32, #tpu.memory_space<vmem>>, vector<16xf32>,
    tpu.vector_store %arg19[%swap3A_390], %broadcast_in_dim3A_82 {strides = array<i32>} : memref<5120xf32, #tpu.memory_space<vmem>>, vector<16xf32>,
    %swap3A_392 = arith.constant 5040 : index
    %swap3A_393 = tpu.vector_load %arg19[%swap3A_392] {strides = array<i32>} : memref<5120xf32, #tpu.memory_space<vmem>>, vector<16xf32>,
    tpu.vector_store %arg19[%swap3A_392], %broadcast_in_dim3A_82 {strides = array<i32>} : memref<5120xf32, #tpu.memory_space<vmem>>, vector<16xf32>,
    %swap3A_394 = arith.constant 5056 : index
    %swap3A_395 = tpu.vector_load %arg19[%swap3A_394] {strides = array<i32>} : memref<5120xf32, #tpu.memory_space<vmem>>, vector<16xf32>,
    tpu.vector_store %arg19[%swap3A_394], %broadcast_in_dim3A_82 {strides = array<i32>} : memref<5120xf32, #tpu.memory_space<vmem>>, vector<16xf32>,
    %swap3A_396 = arith.constant 5072 : index
    %swap3A_397 = tpu.vector_load %arg19[%swap3A_396] {strides = array<i32>} : memref<5120xf32, #tpu.memory_space<vmem>>, vector<16xf32>,
    tpu.vector_store %arg19[%swap3A_396], %broadcast_in_dim3A_82 {strides = array<i32>} : memref<5120xf32, #tpu.memory_space<vmem>>, vector<16xf32>,
    %swap3A_398 = arith.constant 5088 : index
    %swap3A_399 = tpu.vector_load %arg19[%swap3A_398] {strides = array<i32>} : memref<5120xf32, #tpu.memory_space<vmem>>, vector<16xf32>,
    tpu.vector_store %arg19[%swap3A_398], %broadcast_in_dim3A_82 {strides = array<i32>} : memref<5120xf32, #tpu.memory_space<vmem>>, vector<16xf32>,
    %swap3A_400 = arith.constant 5104 : index
    %swap3A_401 = tpu.vector_load %arg19[%swap3A_400] {strides = array<i32>} : memref<5120xf32, #tpu.memory_space<vmem>>, vector<16xf32>,
    tpu.vector_store %arg19[%swap3A_400], %broadcast_in_dim3A_82 {strides = array<i32>} : memref<5120xf32, #tpu.memory_space<vmem>>, vector<16xf32>,
    %add3A_402 = arith.constant 0 : i32
    %add3A_403 = arith.addi %add3A, %add3A_402 : i32
    %mul3A_404 = arith.constant 1280 : i32
    %mul3A_405 = arith.muli %add3A_403, %mul3A_404 : i32
    %dma_start3A = tpu.memref_slice %arg3[%mul3A_405] : memref<6400000xi32, #tpu.memory_space<hbm>> -> memref<1280xi32, #tpu.memory_space<hbm>>
    %dma_start3A_406 = tpu.memref_slice %arg3[%mul3A_405] : memref<6400000xi32, #tpu.memory_space<hbm>> -> memref<1280xi32, #tpu.memory_space<hbm>>
    tpu.enqueue_dma source(%dma_start3A_406 : memref<1280xi32, #tpu.memory_space<hbm>>) target(%arg8 : memref<1280xi32, #tpu.memory_space<vmem>>) target_semaphore(%arg22 : memref<!tpu.dma_semaphore, #tpu.memory_space<semaphore_mem>>)
    %dma_start3A_407 = tpu.memref_slice %arg4[%mul3A_405] : memref<6400000xi32, #tpu.memory_space<hbm>> -> memref<1280xi32, #tpu.memory_space<hbm>>
    %dma_start3A_408 = tpu.memref_slice %arg4[%mul3A_405] : memref<6400000xi32, #tpu.memory_space<hbm>> -> memref<1280xi32, #tpu.memory_space<hbm>>
    tpu.enqueue_dma source(%dma_start3A_408 : memref<1280xi32, #tpu.memory_space<hbm>>) target(%arg10 : memref<1280xi32, #tpu.memory_space<vmem>>) target_semaphore(%arg22 : memref<!tpu.dma_semaphore, #tpu.memory_space<semaphore_mem>>)
    %add3A_409 = arith.constant 32 : i32
    %add3A_410 = arith.addi %add3A, %add3A_409 : i32
    %mul3A_411 = arith.constant 1280 : i32
    %mul3A_412 = arith.muli %add3A_410, %mul3A_411 : i32
    %dma_start3A_413 = tpu.memref_slice %arg3[%mul3A_412] : memref<6400000xi32, #tpu.memory_space<hbm>> -> memref<1280xi32, #tpu.memory_space<hbm>>
    %dma_start3A_414 = tpu.memref_slice %arg3[%mul3A_412] : memref<6400000xi32, #tpu.memory_space<hbm>> -> memref<1280xi32, #tpu.memory_space<hbm>>
    tpu.enqueue_dma source(%dma_start3A_414 : memref<1280xi32, #tpu.memory_space<hbm>>) target(%arg9 : memref<1280xi32, #tpu.memory_space<vmem>>) target_semaphore(%arg23 : memref<!tpu.dma_semaphore, #tpu.memory_space<semaphore_mem>>)
    %dma_start3A_415 = tpu.memref_slice %arg4[%mul3A_412] : memref<6400000xi32, #tpu.memory_space<hbm>> -> memref<1280xi32, #tpu.memory_space<hbm>>
    %dma_start3A_416 = tpu.memref_slice %arg4[%mul3A_412] : memref<6400000xi32, #tpu.memory_space<hbm>> -> memref<1280xi32, #tpu.memory_space<hbm>>
    tpu.enqueue_dma source(%dma_start3A_416 : memref<1280xi32, #tpu.memory_space<hbm>>) target(%arg11 : memref<1280xi32, #tpu.memory_space<vmem>>) target_semaphore(%arg23 : memref<!tpu.dma_semaphore, #tpu.memory_space<semaphore_mem>>)
    %dma_wait3A = arith.constant 0 : i32
    %dma_wait3A_417 = tpu.memref_slice %arg3[%dma_wait3A] : memref<6400000xi32, #tpu.memory_space<hbm>> -> memref<1280xi32, #tpu.memory_space<hbm>>
    %dma_wait3A_418 = arith.constant 0 : i32
    %dma_wait3A_419 = tpu.memref_slice %arg3[%dma_wait3A_418] : memref<6400000xi32, #tpu.memory_space<hbm>> -> memref<1280xi32, #tpu.memory_space<hbm>>
    tpu.wait_dma2 semaphore(%arg22 : memref<!tpu.dma_semaphore, #tpu.memory_space<semaphore_mem>>) src(%dma_wait3A_419 : memref<1280xi32, #tpu.memory_space<hbm>>) dst(%arg8 : memref<1280xi32, #tpu.memory_space<vmem>>)
    %dma_wait3A_420 = arith.constant 0 : i32
    %dma_wait3A_421 = tpu.memref_slice %arg4[%dma_wait3A_420] : memref<6400000xi32, #tpu.memory_space<hbm>> -> memref<1280xi32, #tpu.memory_space<hbm>>
    %dma_wait3A_422 = arith.constant 0 : i32
    %dma_wait3A_423 = tpu.memref_slice %arg4[%dma_wait3A_422] : memref<6400000xi32, #tpu.memory_space<hbm>> -> memref<1280xi32, #tpu.memory_space<hbm>>
    tpu.wait_dma2 semaphore(%arg22 : memref<!tpu.dma_semaphore, #tpu.memory_space<semaphore_mem>>) src(%dma_wait3A_423 : memref<1280xi32, #tpu.memory_space<hbm>>) dst(%arg10 : memref<1280xi32, #tpu.memory_space<vmem>>)
    %dma_start3A_424 = arith.constant 0 : i32
    %dma_start3A_425 = arith.constant 0 : i32
    %dma_start3A_426 = tpu.memref_slice %arg21[%dma_start3A_424, %dma_start3A_425] : memref<100000x8xf32, #tpu.memory_space<vmem_shared>> -> memref<100000x8xf32, #tpu.memory_space<vmem_shared>>
    tpu.enqueue_indirect_dma source(%dma_start3A_426 : memref<100000x8xf32, #tpu.memory_space<vmem_shared>>) target(%arg12 : memref<1280x8xf32, #tpu.memory_space<vmem>>) offsets(%arg8 : memref<1280xi32, #tpu.memory_space<vmem>>) semaphore(%arg24 : memref<!tpu.dma_semaphore, #tpu.memory_space<semaphore_mem>>)
    %dma_start3A_427 = arith.constant 0 : i32
    %dma_start3A_428 = arith.constant 0 : i32
    %dma_start3A_429 = tpu.memref_slice %arg21[%dma_start3A_427, %dma_start3A_428] : memref<100000x8xf32, #tpu.memory_space<vmem_shared>> -> memref<100000x8xf32, #tpu.memory_space<vmem_shared>>
    tpu.enqueue_indirect_dma source(%dma_start3A_429 : memref<100000x8xf32, #tpu.memory_space<vmem_shared>>) target(%arg14 : memref<1280x8xf32, #tpu.memory_space<vmem>>) offsets(%arg10 : memref<1280xi32, #tpu.memory_space<vmem>>) semaphore(%arg24 : memref<!tpu.dma_semaphore, #tpu.memory_space<semaphore_mem>>)
    %scan3A = arith.constant 5.000000e-01 : f32
    %scan3A_430 = arith.constant 1.000000e+00 : f32
    %scan3A_431 = arith.constant 0 : i32
    %scan3A_432 = arith.constant 79 : i32
    %scan3A_433 = arith.addi %scan3A_431, %scan3A_432 : i32
    %scan3A_434 = arith.constant 1 : i32
    scf.for %scan3A_452 = %scan3A_431 to %scan3A_433 step %scan3A_434  : i32 {
      %mul3A_453 = arith.constant 2 : i32
      %mul3A_454 = arith.muli %scan3A_452, %mul3A_453 : i32
      %add3A_455 = arith.constant 0 : i32
      %add3A_456 = arith.addi %add3A_455, %mul3A_454 : i32
      %add3A_457 = arith.constant 0 : i32
      %add3A_458 = arith.addi %add3A_456, %add3A_457 : i32
      %lt3A_459 = arith.cmpi slt, %add3A_458, %add3A_4 : i32
      %convert_element_type3A_460 = arith.extui %lt3A_459 : i1 to i32
      %cond3A_461 = arith.constant 0 : i32
      %cond3A_462 = arith.cmpi ne, %convert_element_type3A_460, %cond3A_461 : i32
      scf.if %cond3A_462 {
        %add3A_469 = arith.constant 1 : i32
        %add3A_470 = arith.addi %add3A_458, %add3A_469 : i32
        %lt3A_471 = arith.cmpi slt, %add3A_470, %add3A_4 : i32
        %convert_element_type3A_472 = arith.extui %lt3A_471 : i1 to i32
        %cond3A_473 = arith.constant 0 : i32
        %cond3A_474 = arith.cmpi ne, %convert_element_type3A_472, %cond3A_473 : i32
        scf.if %cond3A_474 {
          %dma_wait3A_507 = arith.constant 0 : i32
          %dma_wait3A_508 = tpu.memref_slice %arg3[%dma_wait3A_507] : memref<6400000xi32, #tpu.memory_space<hbm>> -> memref<1280xi32, #tpu.memory_space<hbm>>
          %dma_wait3A_509 = arith.constant 0 : i32
          %dma_wait3A_510 = tpu.memref_slice %arg3[%dma_wait3A_509] : memref<6400000xi32, #tpu.memory_space<hbm>> -> memref<1280xi32, #tpu.memory_space<hbm>>
          tpu.wait_dma2 semaphore(%arg23 : memref<!tpu.dma_semaphore, #tpu.memory_space<semaphore_mem>>) src(%dma_wait3A_510 : memref<1280xi32, #tpu.memory_space<hbm>>) dst(%arg9 : memref<1280xi32, #tpu.memory_space<vmem>>)
          %dma_wait3A_511 = arith.constant 0 : i32
          %dma_wait3A_512 = tpu.memref_slice %arg4[%dma_wait3A_511] : memref<6400000xi32, #tpu.memory_space<hbm>> -> memref<1280xi32, #tpu.memory_space<hbm>>
          %dma_wait3A_513 = arith.constant 0 : i32
          %dma_wait3A_514 = tpu.memref_slice %arg4[%dma_wait3A_513] : memref<6400000xi32, #tpu.memory_space<hbm>> -> memref<1280xi32, #tpu.memory_space<hbm>>
          tpu.wait_dma2 semaphore(%arg23 : memref<!tpu.dma_semaphore, #tpu.memory_space<semaphore_mem>>) src(%dma_wait3A_514 : memref<1280xi32, #tpu.memory_space<hbm>>) dst(%arg11 : memref<1280xi32, #tpu.memory_space<vmem>>)
          %dma_start3A_515 = arith.constant 0 : i32
          %dma_start3A_516 = arith.constant 0 : i32
          %dma_start3A_517 = tpu.memref_slice %arg21[%dma_start3A_515, %dma_start3A_516] : memref<100000x8xf32, #tpu.memory_space<vmem_shared>> -> memref<100000x8xf32, #tpu.memory_space<vmem_shared>>
          tpu.enqueue_indirect_dma source(%dma_start3A_517 : memref<100000x8xf32, #tpu.memory_space<vmem_shared>>) target(%arg13 : memref<1280x8xf32, #tpu.memory_space<vmem>>) offsets(%arg9 : memref<1280xi32, #tpu.memory_space<vmem>>) semaphore(%arg25 : memref<!tpu.dma_semaphore, #tpu.memory_space<semaphore_mem>>)
          %dma_start3A_518 = arith.constant 0 : i32
          %dma_start3A_519 = arith.constant 0 : i32
          %dma_start3A_520 = tpu.memref_slice %arg21[%dma_start3A_518, %dma_start3A_519] : memref<100000x8xf32, #tpu.memory_space<vmem_shared>> -> memref<100000x8xf32, #tpu.memory_space<vmem_shared>>
          tpu.enqueue_indirect_dma source(%dma_start3A_520 : memref<100000x8xf32, #tpu.memory_space<vmem_shared>>) target(%arg15 : memref<1280x8xf32, #tpu.memory_space<vmem>>) offsets(%arg11 : memref<1280xi32, #tpu.memory_space<vmem>>) semaphore(%arg25 : memref<!tpu.dma_semaphore, #tpu.memory_space<semaphore_mem>>)
        } else {
        }
        %dma_wait3A_475 = arith.constant 0 : i32
        %dma_wait3A_476 = arith.constant 0 : i32
        %dma_wait3A_477 = tpu.memref_slice %arg21[%dma_wait3A_475, %dma_wait3A_476] : memref<100000x8xf32, #tpu.memory_space<vmem_shared>> -> memref<100000x8xf32, #tpu.memory_space<vmem_shared>>
        tpu.wait_indirect_dma semaphore(%arg24 : memref<!tpu.dma_semaphore, #tpu.memory_space<semaphore_mem>>) src(%dma_wait3A_477 : memref<100000x8xf32, #tpu.memory_space<vmem_shared>>) dst(%arg12 : memref<1280x8xf32, #tpu.memory_space<vmem>>)
        %dma_wait3A_478 = arith.constant 0 : i32
        %dma_wait3A_479 = arith.constant 0 : i32
        %dma_wait3A_480 = tpu.memref_slice %arg21[%dma_wait3A_478, %dma_wait3A_479] : memref<100000x8xf32, #tpu.memory_space<vmem_shared>> -> memref<100000x8xf32, #tpu.memory_space<vmem_shared>>
        tpu.wait_indirect_dma semaphore(%arg24 : memref<!tpu.dma_semaphore, #tpu.memory_space<semaphore_mem>>) src(%dma_wait3A_480 : memref<100000x8xf32, #tpu.memory_space<vmem_shared>>) dst(%arg14 : memref<1280x8xf32, #tpu.memory_space<vmem>>)
        %add3A_481 = arith.constant 2 : i32
        %add3A_482 = arith.addi %add3A_458, %add3A_481 : i32
        %lt3A_483 = arith.cmpi slt, %add3A_482, %add3A_4 : i32
        %convert_element_type3A_484 = arith.extui %lt3A_483 : i1 to i32
        %cond3A_485 = arith.constant 0 : i32
        %cond3A_486 = arith.cmpi ne, %convert_element_type3A_484, %cond3A_485 : i32
        scf.if %cond3A_486 {
          %add3A_507 = arith.constant 2 : i32
          %add3A_508 = arith.addi %add3A_458, %add3A_507 : i32
          %mul3A_509 = arith.constant 32 : i32
          %mul3A_510 = arith.muli %mul3A_509, %add3A_508 : i32
          %add3A_511 = arith.addi %add3A, %mul3A_510 : i32
          %mul3A_512 = arith.constant 1280 : i32
          %mul3A_513 = arith.muli %add3A_511, %mul3A_512 : i32
          %dma_start3A_514 = tpu.memref_slice %arg3[%mul3A_513] : memref<6400000xi32, #tpu.memory_space<hbm>> -> memref<1280xi32, #tpu.memory_space<hbm>>
          %dma_start3A_515 = tpu.memref_slice %arg3[%mul3A_513] : memref<6400000xi32, #tpu.memory_space<hbm>> -> memref<1280xi32, #tpu.memory_space<hbm>>
          tpu.enqueue_dma source(%dma_start3A_515 : memref<1280xi32, #tpu.memory_space<hbm>>) target(%arg8 : memref<1280xi32, #tpu.memory_space<vmem>>) target_semaphore(%arg22 : memref<!tpu.dma_semaphore, #tpu.memory_space<semaphore_mem>>)
          %dma_start3A_516 = tpu.memref_slice %arg4[%mul3A_513] : memref<6400000xi32, #tpu.memory_space<hbm>> -> memref<1280xi32, #tpu.memory_space<hbm>>
          %dma_start3A_517 = tpu.memref_slice %arg4[%mul3A_513] : memref<6400000xi32, #tpu.memory_space<hbm>> -> memref<1280xi32, #tpu.memory_space<hbm>>
          tpu.enqueue_dma source(%dma_start3A_517 : memref<1280xi32, #tpu.memory_space<hbm>>) target(%arg10 : memref<1280xi32, #tpu.memory_space<vmem>>) target_semaphore(%arg22 : memref<!tpu.dma_semaphore, #tpu.memory_space<semaphore_mem>>)
        } else {
        }
        %ge3A = arith.constant 2 : i32
        %ge3A_487 = arith.cmpi sge, %add3A_458, %ge3A : i32
        %convert_element_type3A_488 = arith.extui %ge3A_487 : i1 to i32
        %cond3A_489 = arith.constant 0 : i32
        %cond3A_490 = arith.cmpi ne, %convert_element_type3A_488, %cond3A_489 : i32
        scf.if %cond3A_490 {
          %dma_wait3A_507 = arith.constant 0 : i32
          %dma_wait3A_508 = tpu.memref_slice %arg6[%dma_wait3A_507] : memref<6400000xf32, #tpu.memory_space<hbm>> -> memref<1280xf32, #tpu.memory_space<hbm>>
          %dma_wait3A_509 = arith.constant 0 : i32
          %dma_wait3A_510 = tpu.memref_slice %arg6[%dma_wait3A_509] : memref<6400000xf32, #tpu.memory_space<hbm>> -> memref<1280xf32, #tpu.memory_space<hbm>>
          tpu.wait_dma2 semaphore(%arg26 : memref<!tpu.dma_semaphore, #tpu.memory_space<semaphore_mem>>) src(%arg16 : memref<1280xf32, #tpu.memory_space<vmem>>) dst(%dma_wait3A_510 : memref<1280xf32, #tpu.memory_space<hbm>>)
          %dma_wait3A_511 = arith.constant 0 : i32
          %dma_wait3A_512 = tpu.memref_slice %arg7[%dma_wait3A_511] : memref<25600000xf32, #tpu.memory_space<hbm>> -> memref<5120xf32, #tpu.memory_space<hbm>>
          %dma_wait3A_513 = arith.constant 0 : i32
          %dma_wait3A_514 = tpu.memref_slice %arg7[%dma_wait3A_513] : memref<25600000xf32, #tpu.memory_space<hbm>> -> memref<5120xf32, #tpu.memory_space<hbm>>
          tpu.wait_dma2 semaphore(%arg26 : memref<!tpu.dma_semaphore, #tpu.memory_space<semaphore_mem>>) src(%arg18 : memref<5120xf32, #tpu.memory_space<vmem>>) dst(%dma_wait3A_514 : memref<5120xf32, #tpu.memory_space<hbm>>)
        } else {
        }
        %scan3A_491 = arith.constant 0 : i32
        %scan3A_492 = arith.constant 10 : i32
        %scan3A_493 = arith.addi %scan3A_491, %scan3A_492 : i32
        %scan3A_494 = arith.constant 1 : i32
        scf.for %scan3A_507 = %scan3A_491 to %scan3A_493 step %scan3A_494  : i32 {
          %mul3A_508 = arith.constant 1 : i32
          %mul3A_509 = arith.muli %scan3A_507, %mul3A_508 : i32
          %add3A_510 = arith.constant 0 : i32
          %add3A_511 = arith.addi %add3A_510, %mul3A_509 : i32
          %mul3A_512 = arith.constant 128 : i32
          %mul3A_513 = arith.muli %add3A_511, %mul3A_512 : i32
          %mul3A_514 = arith.constant 512 : i32
          %mul3A_515 = arith.muli %add3A_511, %mul3A_514 : i32
          %add3A_516 = arith.constant 0 : i32
          %add3A_517 = arith.addi %mul3A_513, %add3A_516 : i32
          %add3A_518 = vector.broadcast %add3A_517 : i32 to vector<16xi32>
          %add3A_519 = arith.addi %iota3A, %add3A_518 : vector<16xi32>
          %broadcast_in_dim3A_520 = arith.constant 0 : i32
          %broadcast_in_dim3A_521 = vector.broadcast %broadcast_in_dim3A_520 : i32 to vector<16xi32>
          %add3A_522 = arith.constant 1 : i32
          %add3A_523 = vector.broadcast %add3A_522 : i32 to vector<16xi32>
          %add3A_524 = arith.addi %broadcast_in_dim3A_521, %add3A_523 : vector<16xi32>
          %add3A_525 = arith.constant 2 : i32
          %add3A_526 = vector.broadcast %add3A_525 : i32 to vector<16xi32>
          %add3A_527 = arith.addi %broadcast_in_dim3A_521, %add3A_526 : vector<16xi32>
          %gather3A_528 = tpu.vector_load_idx %arg12[%add3A_519, %broadcast_in_dim3A_521] : memref<1280x8xf32, #tpu.memory_space<vmem>>[vector<16xi32>, vector<16xi32>], vector<16xf32>,
          %gather3A_529 = tpu.vector_load_idx %arg12[%add3A_519, %add3A_524] : memref<1280x8xf32, #tpu.memory_space<vmem>>[vector<16xi32>, vector<16xi32>], vector<16xf32>,
          %gather3A_530 = tpu.vector_load_idx %arg12[%add3A_519, %add3A_527] : memref<1280x8xf32, #tpu.memory_space<vmem>>[vector<16xi32>, vector<16xi32>], vector<16xf32>,
          %gather3A_531 = tpu.vector_load_idx %arg14[%add3A_519, %broadcast_in_dim3A_521] : memref<1280x8xf32, #tpu.memory_space<vmem>>[vector<16xi32>, vector<16xi32>], vector<16xf32>,
          %gather3A_532 = tpu.vector_load_idx %arg14[%add3A_519, %add3A_524] : memref<1280x8xf32, #tpu.memory_space<vmem>>[vector<16xi32>, vector<16xi32>], vector<16xf32>,
          %gather3A_533 = tpu.vector_load_idx %arg14[%add3A_519, %add3A_527] : memref<1280x8xf32, #tpu.memory_space<vmem>>[vector<16xi32>, vector<16xi32>], vector<16xf32>,
          %sub3A_534 = arith.subf %gather3A_528, %gather3A_531 : vector<16xf32>
          %gt3A = vector.broadcast %scan3A : f32 to vector<16xf32>
          %gt3A_535 = arith.cmpf ogt, %sub3A_534, %gt3A : vector<16xf32>
          %sub3A_536 = vector.broadcast %scan3A_430 : f32 to vector<16xf32>
          %sub3A_537 = arith.subf %sub3A_534, %sub3A_536 : vector<16xf32>
          %select_n3A_538 = arith.select %gt3A_535, %sub3A_537, %sub3A_534 : vector<16xi1>, vector<16xf32>
          %neg3A = arith.constant 0.000000e+00 : f32
          %neg3A_539 = arith.subf %neg3A, %scan3A : f32
          %lt3A_540 = vector.broadcast %neg3A_539 : f32 to vector<16xf32>
          %lt3A_541 = arith.cmpf olt, %select_n3A_538, %lt3A_540 : vector<16xf32>
          %add3A_542 = vector.broadcast %scan3A_430 : f32 to vector<16xf32>
          %add3A_543 = arith.addf %select_n3A_538, %add3A_542 : vector<16xf32>
          %select_n3A_544 = arith.select %lt3A_541, %add3A_543, %select_n3A_538 : vector<16xi1>, vector<16xf32>
          %sub3A_545 = arith.subf %gather3A_529, %gather3A_532 : vector<16xf32>
          %gt3A_546 = vector.broadcast %scan3A : f32 to vector<16xf32>
          %gt3A_547 = arith.cmpf ogt, %sub3A_545, %gt3A_546 : vector<16xf32>
          %sub3A_548 = vector.broadcast %scan3A_430 : f32 to vector<16xf32>
          %sub3A_549 = arith.subf %sub3A_545, %sub3A_548 : vector<16xf32>
          %select_n3A_550 = arith.select %gt3A_547, %sub3A_549, %sub3A_545 : vector<16xi1>, vector<16xf32>
          %neg3A_551 = arith.constant 0.000000e+00 : f32
          %neg3A_552 = arith.subf %neg3A_551, %scan3A : f32
          %lt3A_553 = vector.broadcast %neg3A_552 : f32 to vector<16xf32>
          %lt3A_554 = arith.cmpf olt, %select_n3A_550, %lt3A_553 : vector<16xf32>
          %add3A_555 = vector.broadcast %scan3A_430 : f32 to vector<16xf32>
          %add3A_556 = arith.addf %select_n3A_550, %add3A_555 : vector<16xf32>
          %select_n3A_557 = arith.select %lt3A_554, %add3A_556, %select_n3A_550 : vector<16xi1>, vector<16xf32>
          %sub3A_558 = arith.subf %gather3A_530, %gather3A_533 : vector<16xf32>
          %gt3A_559 = vector.broadcast %scan3A : f32 to vector<16xf32>
          %gt3A_560 = arith.cmpf ogt, %sub3A_558, %gt3A_559 : vector<16xf32>
          %sub3A_561 = vector.broadcast %scan3A_430 : f32 to vector<16xf32>
          %sub3A_562 = arith.subf %sub3A_558, %sub3A_561 : vector<16xf32>
          %select_n3A_563 = arith.select %gt3A_560, %sub3A_562, %sub3A_558 : vector<16xi1>, vector<16xf32>
          %neg3A_564 = arith.constant 0.000000e+00 : f32
          %neg3A_565 = arith.subf %neg3A_564, %scan3A : f32
          %lt3A_566 = vector.broadcast %neg3A_565 : f32 to vector<16xf32>
          %lt3A_567 = arith.cmpf olt, %select_n3A_563, %lt3A_566 : vector<16xf32>
          %add3A_568 = vector.broadcast %scan3A_430 : f32 to vector<16xf32>
          %add3A_569 = arith.addf %select_n3A_563, %add3A_568 : vector<16xf32>
          %select_n3A_570 = arith.select %lt3A_567, %add3A_569, %select_n3A_563 : vector<16xi1>, vector<16xf32>
          %mul3A_571 = vector.broadcast %squeeze3A : f32 to vector<16xf32>
          %mul3A_572 = arith.mulf %select_n3A_544, %mul3A_571 : vector<16xf32>
          %mul3A_573 = vector.broadcast %squeeze3A_70 : f32 to vector<16xf32>
          %mul3A_574 = arith.mulf %select_n3A_557, %mul3A_573 : vector<16xf32>
          %add3A_575 = arith.addf %mul3A_572, %mul3A_574 : vector<16xf32>
          %mul3A_576 = vector.broadcast %squeeze3A_76 : f32 to vector<16xf32>
          %mul3A_577 = arith.mulf %select_n3A_570, %mul3A_576 : vector<16xf32>
          %add3A_578 = arith.addf %add3A_575, %mul3A_577 : vector<16xf32>
          %mul3A_579 = vector.broadcast %squeeze3A_66 : f32 to vector<16xf32>
          %mul3A_580 = arith.mulf %select_n3A_544, %mul3A_579 : vector<16xf32>
          %mul3A_581 = vector.broadcast %squeeze3A_72 : f32 to vector<16xf32>
          %mul3A_582 = arith.mulf %select_n3A_557, %mul3A_581 : vector<16xf32>
          %add3A_583 = arith.addf %mul3A_580, %mul3A_582 : vector<16xf32>
          %mul3A_584 = vector.broadcast %squeeze3A_78 : f32 to vector<16xf32>
          %mul3A_585 = arith.mulf %select_n3A_570, %mul3A_584 : vector<16xf32>
          %add3A_586 = arith.addf %add3A_583, %mul3A_585 : vector<16xf32>
          %mul3A_587 = vector.broadcast %squeeze3A_68 : f32 to vector<16xf32>
          %mul3A_588 = arith.mulf %select_n3A_544, %mul3A_587 : vector<16xf32>
          %mul3A_589 = vector.broadcast %squeeze3A_74 : f32 to vector<16xf32>
          %mul3A_590 = arith.mulf %select_n3A_557, %mul3A_589 : vector<16xf32>
          %add3A_591 = arith.addf %mul3A_588, %mul3A_590 : vector<16xf32>
          %mul3A_592 = vector.broadcast %squeeze3A_80 : f32 to vector<16xf32>
          %mul3A_593 = arith.mulf %select_n3A_570, %mul3A_592 : vector<16xf32>
          %add3A_594 = arith.addf %add3A_591, %mul3A_593 : vector<16xf32>
          %mul3A_595 = arith.mulf %add3A_578, %add3A_578 : vector<16xf32>
          %mul3A_596 = arith.mulf %add3A_586, %add3A_586 : vector<16xf32>
          %add3A_597 = arith.addf %mul3A_595, %mul3A_596 : vector<16xf32>
          %mul3A_598 = arith.mulf %add3A_594, %add3A_594 : vector<16xf32>
          %add3A_599 = arith.addf %add3A_597, %mul3A_598 : vector<16xf32>
          %add3A_600 = arith.constant 9.99999993E-9 : f32
          %add3A_601 = vector.broadcast %add3A_600 : f32 to vector<16xf32>
          %add3A_602 = arith.addf %add3A_599, %add3A_601 : vector<16xf32>
          %bitcast3A = vector.bitcast %add3A_602 : vector<16xf32> to vector<16xi32>
          %shift_right_arithmetic3A = arith.constant 1 : i32
          %shift_right_arithmetic3A_603 = vector.broadcast %shift_right_arithmetic3A : i32 to vector<16xi32>
          %shift_right_arithmetic3A_604 = arith.shrsi %bitcast3A, %shift_right_arithmetic3A_603 : vector<16xi32>
          %sub3A_605 = arith.constant 1597463007 : i32
          %sub3A_606 = vector.broadcast %sub3A_605 : i32 to vector<16xi32>
          %sub3A_607 = arith.subi %sub3A_606, %shift_right_arithmetic3A_604 : vector<16xi32>
          %bitcast3A_608 = vector.bitcast %sub3A_607 : vector<16xi32> to vector<16xf32>
          %mul3A_609 = vector.broadcast %scan3A : f32 to vector<16xf32>
          %mul3A_610 = arith.mulf %add3A_602, %mul3A_609 : vector<16xf32>
          %mul3A_611 = arith.mulf %mul3A_610, %bitcast3A_608 : vector<16xf32>
          %mul3A_612 = arith.mulf %mul3A_611, %bitcast3A_608 : vector<16xf32>
          %sub3A_613 = arith.constant 1.500000e+00 : f32
          %sub3A_614 = vector.broadcast %sub3A_613 : f32 to vector<16xf32>
          %sub3A_615 = arith.subf %sub3A_614, %mul3A_612 : vector<16xf32>
          %mul3A_616 = arith.mulf %bitcast3A_608, %sub3A_615 : vector<16xf32>
          %mul3A_617 = arith.mulf %mul3A_610, %mul3A_616 : vector<16xf32>
          %mul3A_618 = arith.mulf %mul3A_617, %mul3A_616 : vector<16xf32>
          %sub3A_619 = arith.constant 1.500000e+00 : f32
          %sub3A_620 = vector.broadcast %sub3A_619 : f32 to vector<16xf32>
          %sub3A_621 = arith.subf %sub3A_620, %mul3A_618 : vector<16xf32>
          %mul3A_622 = arith.mulf %mul3A_616, %sub3A_621 : vector<16xf32>
          %mul3A_623 = arith.mulf %mul3A_610, %mul3A_622 : vector<16xf32>
          %mul3A_624 = arith.mulf %mul3A_623, %mul3A_622 : vector<16xf32>
          %sub3A_625 = arith.constant 1.500000e+00 : f32
          %sub3A_626 = vector.broadcast %sub3A_625 : f32 to vector<16xf32>
          %sub3A_627 = arith.subf %sub3A_626, %mul3A_624 : vector<16xf32>
          %mul3A_628 = arith.mulf %mul3A_622, %sub3A_627 : vector<16xf32>
          %mul3A_629 = arith.mulf %add3A_602, %mul3A_628 : vector<16xf32>
          %add3A_630 = arith.constant 0 : i32
          %add3A_631 = arith.addi %mul3A_513, %add3A_630 : i32
          %swap3A_632 = arith.index_cast %add3A_631 : i32 to index
          %swap3A_633 = tpu.vector_load %arg16[%swap3A_632] {strides = array<i32>} : memref<1280xf32, #tpu.memory_space<vmem>>, vector<16xf32>,
          tpu.vector_store %arg16[%swap3A_632], %mul3A_629 {strides = array<i32>} : memref<1280xf32, #tpu.memory_space<vmem>>, vector<16xf32>,
          %add3A_634 = arith.constant 0 : i32
          %add3A_635 = arith.addi %mul3A_515, %add3A_634 : i32
          %swap3A_636 = arith.index_cast %add3A_635 : i32 to index
          %swap3A_637 = tpu.vector_load %arg18[%swap3A_636] {strides = array<i32>} : memref<5120xf32, #tpu.memory_space<vmem>>, vector<16xf32>,
          tpu.vector_store %arg18[%swap3A_636], %add3A_578 {strides = array<i32>} : memref<5120xf32, #tpu.memory_space<vmem>>, vector<16xf32>,
          %add3A_638 = arith.constant 128 : i32
          %add3A_639 = arith.addi %mul3A_515, %add3A_638 : i32
          %add3A_640 = arith.constant 0 : i32
          %add3A_641 = arith.addi %add3A_639, %add3A_640 : i32
          %swap3A_642 = arith.index_cast %add3A_641 : i32 to index
          %swap3A_643 = tpu.vector_load %arg18[%swap3A_642] {strides = array<i32>} : memref<5120xf32, #tpu.memory_space<vmem>>, vector<16xf32>,
          tpu.vector_store %arg18[%swap3A_642], %add3A_586 {strides = array<i32>} : memref<5120xf32, #tpu.memory_space<vmem>>, vector<16xf32>,
          %add3A_644 = arith.constant 256 : i32
          %add3A_645 = arith.addi %mul3A_515, %add3A_644 : i32
          %add3A_646 = arith.constant 0 : i32
          %add3A_647 = arith.addi %add3A_645, %add3A_646 : i32
          %swap3A_648 = arith.index_cast %add3A_647 : i32 to index
          %swap3A_649 = tpu.vector_load %arg18[%swap3A_648] {strides = array<i32>} : memref<5120xf32, #tpu.memory_space<vmem>>, vector<16xf32>,
          tpu.vector_store %arg18[%swap3A_648], %add3A_594 {strides = array<i32>} : memref<5120xf32, #tpu.memory_space<vmem>>, vector<16xf32>,
          %add3A_650 = arith.constant 16 : i32
          %add3A_651 = arith.addi %mul3A_513, %add3A_650 : i32
          %add3A_652 = vector.broadcast %add3A_651 : i32 to vector<16xi32>
          %add3A_653 = arith.addi %iota3A, %add3A_652 : vector<16xi32>
          %broadcast_in_dim3A_654 = arith.constant 0 : i32
          %broadcast_in_dim3A_655 = vector.broadcast %broadcast_in_dim3A_654 : i32 to vector<16xi32>
          %add3A_656 = arith.constant 1 : i32
          %add3A_657 = vector.broadcast %add3A_656 : i32 to vector<16xi32>
          %add3A_658 = arith.addi %broadcast_in_dim3A_655, %add3A_657 : vector<16xi32>
          %add3A_659 = arith.constant 2 : i32
          %add3A_660 = vector.broadcast %add3A_659 : i32 to vector<16xi32>
          %add3A_661 = arith.addi %broadcast_in_dim3A_655, %add3A_660 : vector<16xi32>
          %gather3A_662 = tpu.vector_load_idx %arg12[%add3A_653, %broadcast_in_dim3A_655] : memref<1280x8xf32, #tpu.memory_space<vmem>>[vector<16xi32>, vector<16xi32>], vector<16xf32>,
          %gather3A_663 = tpu.vector_load_idx %arg12[%add3A_653, %add3A_658] : memref<1280x8xf32, #tpu.memory_space<vmem>>[vector<16xi32>, vector<16xi32>], vector<16xf32>,
          %gather3A_664 = tpu.vector_load_idx %arg12[%add3A_653, %add3A_661] : memref<1280x8xf32, #tpu.memory_space<vmem>>[vector<16xi32>, vector<16xi32>], vector<16xf32>,
          %gather3A_665 = tpu.vector_load_idx %arg14[%add3A_653, %broadcast_in_dim3A_655] : memref<1280x8xf32, #tpu.memory_space<vmem>>[vector<16xi32>, vector<16xi32>], vector<16xf32>,
          %gather3A_666 = tpu.vector_load_idx %arg14[%add3A_653, %add3A_658] : memref<1280x8xf32, #tpu.memory_space<vmem>>[vector<16xi32>, vector<16xi32>], vector<16xf32>,
          %gather3A_667 = tpu.vector_load_idx %arg14[%add3A_653, %add3A_661] : memref<1280x8xf32, #tpu.memory_space<vmem>>[vector<16xi32>, vector<16xi32>], vector<16xf32>,
          %sub3A_668 = arith.subf %gather3A_662, %gather3A_665 : vector<16xf32>
          %gt3A_669 = vector.broadcast %scan3A : f32 to vector<16xf32>
          %gt3A_670 = arith.cmpf ogt, %sub3A_668, %gt3A_669 : vector<16xf32>
          %sub3A_671 = vector.broadcast %scan3A_430 : f32 to vector<16xf32>
          %sub3A_672 = arith.subf %sub3A_668, %sub3A_671 : vector<16xf32>
          %select_n3A_673 = arith.select %gt3A_670, %sub3A_672, %sub3A_668 : vector<16xi1>, vector<16xf32>
          %neg3A_674 = arith.constant 0.000000e+00 : f32
          %neg3A_675 = arith.subf %neg3A_674, %scan3A : f32
          %lt3A_676 = vector.broadcast %neg3A_675 : f32 to vector<16xf32>
          %lt3A_677 = arith.cmpf olt, %select_n3A_673, %lt3A_676 : vector<16xf32>
          %add3A_678 = vector.broadcast %scan3A_430 : f32 to vector<16xf32>
          %add3A_679 = arith.addf %select_n3A_673, %add3A_678 : vector<16xf32>
          %select_n3A_680 = arith.select %lt3A_677, %add3A_679, %select_n3A_673 : vector<16xi1>, vector<16xf32>
          %sub3A_681 = arith.subf %gather3A_663, %gather3A_666 : vector<16xf32>
          %gt3A_682 = vector.broadcast %scan3A : f32 to vector<16xf32>
          %gt3A_683 = arith.cmpf ogt, %sub3A_681, %gt3A_682 : vector<16xf32>
          %sub3A_684 = vector.broadcast %scan3A_430 : f32 to vector<16xf32>
          %sub3A_685 = arith.subf %sub3A_681, %sub3A_684 : vector<16xf32>
          %select_n3A_686 = arith.select %gt3A_683, %sub3A_685, %sub3A_681 : vector<16xi1>, vector<16xf32>
          %neg3A_687 = arith.constant 0.000000e+00 : f32
          %neg3A_688 = arith.subf %neg3A_687, %scan3A : f32
          %lt3A_689 = vector.broadcast %neg3A_688 : f32 to vector<16xf32>
          %lt3A_690 = arith.cmpf olt, %select_n3A_686, %lt3A_689 : vector<16xf32>
          %add3A_691 = vector.broadcast %scan3A_430 : f32 to vector<16xf32>
          %add3A_692 = arith.addf %select_n3A_686, %add3A_691 : vector<16xf32>
          %select_n3A_693 = arith.select %lt3A_690, %add3A_692, %select_n3A_686 : vector<16xi1>, vector<16xf32>
          %sub3A_694 = arith.subf %gather3A_664, %gather3A_667 : vector<16xf32>
          %gt3A_695 = vector.broadcast %scan3A : f32 to vector<16xf32>
          %gt3A_696 = arith.cmpf ogt, %sub3A_694, %gt3A_695 : vector<16xf32>
          %sub3A_697 = vector.broadcast %scan3A_430 : f32 to vector<16xf32>
          %sub3A_698 = arith.subf %sub3A_694, %sub3A_697 : vector<16xf32>
          %select_n3A_699 = arith.select %gt3A_696, %sub3A_698, %sub3A_694 : vector<16xi1>, vector<16xf32>
          %neg3A_700 = arith.constant 0.000000e+00 : f32
          %neg3A_701 = arith.subf %neg3A_700, %scan3A : f32
          %lt3A_702 = vector.broadcast %neg3A_701 : f32 to vector<16xf32>
          %lt3A_703 = arith.cmpf olt, %select_n3A_699, %lt3A_702 : vector<16xf32>
          %add3A_704 = vector.broadcast %scan3A_430 : f32 to vector<16xf32>
          %add3A_705 = arith.addf %select_n3A_699, %add3A_704 : vector<16xf32>
          %select_n3A_706 = arith.select %lt3A_703, %add3A_705, %select_n3A_699 : vector<16xi1>, vector<16xf32>
          %mul3A_707 = vector.broadcast %squeeze3A : f32 to vector<16xf32>
          %mul3A_708 = arith.mulf %select_n3A_680, %mul3A_707 : vector<16xf32>
          %mul3A_709 = vector.broadcast %squeeze3A_70 : f32 to vector<16xf32>
          %mul3A_710 = arith.mulf %select_n3A_693, %mul3A_709 : vector<16xf32>
          %add3A_711 = arith.addf %mul3A_708, %mul3A_710 : vector<16xf32>
          %mul3A_712 = vector.broadcast %squeeze3A_76 : f32 to vector<16xf32>
          %mul3A_713 = arith.mulf %select_n3A_706, %mul3A_712 : vector<16xf32>
          %add3A_714 = arith.addf %add3A_711, %mul3A_713 : vector<16xf32>
          %mul3A_715 = vector.broadcast %squeeze3A_66 : f32 to vector<16xf32>
          %mul3A_716 = arith.mulf %select_n3A_680, %mul3A_715 : vector<16xf32>
          %mul3A_717 = vector.broadcast %squeeze3A_72 : f32 to vector<16xf32>
          %mul3A_718 = arith.mulf %select_n3A_693, %mul3A_717 : vector<16xf32>
          %add3A_719 = arith.addf %mul3A_716, %mul3A_718 : vector<16xf32>
          %mul3A_720 = vector.broadcast %squeeze3A_78 : f32 to vector<16xf32>
          %mul3A_721 = arith.mulf %select_n3A_706, %mul3A_720 : vector<16xf32>
          %add3A_722 = arith.addf %add3A_719, %mul3A_721 : vector<16xf32>
          %mul3A_723 = vector.broadcast %squeeze3A_68 : f32 to vector<16xf32>
          %mul3A_724 = arith.mulf %select_n3A_680, %mul3A_723 : vector<16xf32>
          %mul3A_725 = vector.broadcast %squeeze3A_74 : f32 to vector<16xf32>
          %mul3A_726 = arith.mulf %select_n3A_693, %mul3A_725 : vector<16xf32>
          %add3A_727 = arith.addf %mul3A_724, %mul3A_726 : vector<16xf32>
          %mul3A_728 = vector.broadcast %squeeze3A_80 : f32 to vector<16xf32>
          %mul3A_729 = arith.mulf %select_n3A_706, %mul3A_728 : vector<16xf32>
          %add3A_730 = arith.addf %add3A_727, %mul3A_729 : vector<16xf32>
          %mul3A_731 = arith.mulf %add3A_714, %add3A_714 : vector<16xf32>
          %mul3A_732 = arith.mulf %add3A_722, %add3A_722 : vector<16xf32>
          %add3A_733 = arith.addf %mul3A_731, %mul3A_732 : vector<16xf32>
          %mul3A_734 = arith.mulf %add3A_730, %add3A_730 : vector<16xf32>
          %add3A_735 = arith.addf %add3A_733, %mul3A_734 : vector<16xf32>
          %add3A_736 = arith.constant 9.99999993E-9 : f32
          %add3A_737 = vector.broadcast %add3A_736 : f32 to vector<16xf32>
          %add3A_738 = arith.addf %add3A_735, %add3A_737 : vector<16xf32>
          %bitcast3A_739 = vector.bitcast %add3A_738 : vector<16xf32> to vector<16xi32>
          %shift_right_arithmetic3A_740 = arith.constant 1 : i32
          %shift_right_arithmetic3A_741 = vector.broadcast %shift_right_arithmetic3A_740 : i32 to vector<16xi32>
          %shift_right_arithmetic3A_742 = arith.shrsi %bitcast3A_739, %shift_right_arithmetic3A_741 : vector<16xi32>
          %sub3A_743 = arith.constant 1597463007 : i32
          %sub3A_744 = vector.broadcast %sub3A_743 : i32 to vector<16xi32>
          %sub3A_745 = arith.subi %sub3A_744, %shift_right_arithmetic3A_742 : vector<16xi32>
          %bitcast3A_746 = vector.bitcast %sub3A_745 : vector<16xi32> to vector<16xf32>
          %mul3A_747 = vector.broadcast %scan3A : f32 to vector<16xf32>
          %mul3A_748 = arith.mulf %add3A_738, %mul3A_747 : vector<16xf32>
          %mul3A_749 = arith.mulf %mul3A_748, %bitcast3A_746 : vector<16xf32>
          %mul3A_750 = arith.mulf %mul3A_749, %bitcast3A_746 : vector<16xf32>
          %sub3A_751 = arith.constant 1.500000e+00 : f32
          %sub3A_752 = vector.broadcast %sub3A_751 : f32 to vector<16xf32>
          %sub3A_753 = arith.subf %sub3A_752, %mul3A_750 : vector<16xf32>
          %mul3A_754 = arith.mulf %bitcast3A_746, %sub3A_753 : vector<16xf32>
          %mul3A_755 = arith.mulf %mul3A_748, %mul3A_754 : vector<16xf32>
          %mul3A_756 = arith.mulf %mul3A_755, %mul3A_754 : vector<16xf32>
          %sub3A_757 = arith.constant 1.500000e+00 : f32
          %sub3A_758 = vector.broadcast %sub3A_757 : f32 to vector<16xf32>
          %sub3A_759 = arith.subf %sub3A_758, %mul3A_756 : vector<16xf32>
          %mul3A_760 = arith.mulf %mul3A_754, %sub3A_759 : vector<16xf32>
          %mul3A_761 = arith.mulf %mul3A_748, %mul3A_760 : vector<16xf32>
          %mul3A_762 = arith.mulf %mul3A_761, %mul3A_760 : vector<16xf32>
          %sub3A_763 = arith.constant 1.500000e+00 : f32
          %sub3A_764 = vector.broadcast %sub3A_763 : f32 to vector<16xf32>
          %sub3A_765 = arith.subf %sub3A_764, %mul3A_762 : vector<16xf32>
          %mul3A_766 = arith.mulf %mul3A_760, %sub3A_765 : vector<16xf32>
          %mul3A_767 = arith.mulf %add3A_738, %mul3A_766 : vector<16xf32>
          %add3A_768 = arith.constant 16 : i32
          %add3A_769 = arith.addi %mul3A_513, %add3A_768 : i32
          %swap3A_770 = arith.index_cast %add3A_769 : i32 to index
          %swap3A_771 = tpu.vector_load %arg16[%swap3A_770] {strides = array<i32>} : memref<1280xf32, #tpu.memory_space<vmem>>, vector<16xf32>,
          tpu.vector_store %arg16[%swap3A_770], %mul3A_767 {strides = array<i32>} : memref<1280xf32, #tpu.memory_space<vmem>>, vector<16xf32>,
          %add3A_772 = arith.constant 16 : i32
          %add3A_773 = arith.addi %mul3A_515, %add3A_772 : i32
          %swap3A_774 = arith.index_cast %add3A_773 : i32 to index
          %swap3A_775 = tpu.vector_load %arg18[%swap3A_774] {strides = array<i32>} : memref<5120xf32, #tpu.memory_space<vmem>>, vector<16xf32>,
          tpu.vector_store %arg18[%swap3A_774], %add3A_714 {strides = array<i32>} : memref<5120xf32, #tpu.memory_space<vmem>>, vector<16xf32>,
          %add3A_776 = arith.constant 128 : i32
          %add3A_777 = arith.addi %mul3A_515, %add3A_776 : i32
          %add3A_778 = arith.constant 16 : i32
          %add3A_779 = arith.addi %add3A_777, %add3A_778 : i32
          %swap3A_780 = arith.index_cast %add3A_779 : i32 to index
          %swap3A_781 = tpu.vector_load %arg18[%swap3A_780] {strides = array<i32>} : memref<5120xf32, #tpu.memory_space<vmem>>, vector<16xf32>,
          tpu.vector_store %arg18[%swap3A_780], %add3A_722 {strides = array<i32>} : memref<5120xf32, #tpu.memory_space<vmem>>, vector<16xf32>,
          %add3A_782 = arith.constant 256 : i32
          %add3A_783 = arith.addi %mul3A_515, %add3A_782 : i32
          %add3A_784 = arith.constant 16 : i32
          %add3A_785 = arith.addi %add3A_783, %add3A_784 : i32
          %swap3A_786 = arith.index_cast %add3A_785 : i32 to index
          %swap3A_787 = tpu.vector_load %arg18[%swap3A_786] {strides = array<i32>} : memref<5120xf32, #tpu.memory_space<vmem>>, vector<16xf32>,
          tpu.vector_store %arg18[%swap3A_786], %add3A_730 {strides = array<i32>} : memref<5120xf32, #tpu.memory_space<vmem>>, vector<16xf32>,
          %add3A_788 = arith.constant 32 : i32
          %add3A_789 = arith.addi %mul3A_513, %add3A_788 : i32
          %add3A_790 = vector.broadcast %add3A_789 : i32 to vector<16xi32>
          %add3A_791 = arith.addi %iota3A, %add3A_790 : vector<16xi32>
          %broadcast_in_dim3A_792 = arith.constant 0 : i32
          %broadcast_in_dim3A_793 = vector.broadcast %broadcast_in_dim3A_792 : i32 to vector<16xi32>
          %add3A_794 = arith.constant 1 : i32
          %add3A_795 = vector.broadcast %add3A_794 : i32 to vector<16xi32>
          %add3A_796 = arith.addi %broadcast_in_dim3A_793, %add3A_795 : vector<16xi32>
          %add3A_797 = arith.constant 2 : i32
          %add3A_798 = vector.broadcast %add3A_797 : i32 to vector<16xi32>
          %add3A_799 = arith.addi %broadcast_in_dim3A_793, %add3A_798 : vector<16xi32>
          %gather3A_800 = tpu.vector_load_idx %arg12[%add3A_791, %broadcast_in_dim3A_793] : memref<1280x8xf32, #tpu.memory_space<vmem>>[vector<16xi32>, vector<16xi32>], vector<16xf32>,
          %gather3A_801 = tpu.vector_load_idx %arg12[%add3A_791, %add3A_796] : memref<1280x8xf32, #tpu.memory_space<vmem>>[vector<16xi32>, vector<16xi32>], vector<16xf32>,
          %gather3A_802 = tpu.vector_load_idx %arg12[%add3A_791, %add3A_799] : memref<1280x8xf32, #tpu.memory_space<vmem>>[vector<16xi32>, vector<16xi32>], vector<16xf32>,
          %gather3A_803 = tpu.vector_load_idx %arg14[%add3A_791, %broadcast_in_dim3A_793] : memref<1280x8xf32, #tpu.memory_space<vmem>>[vector<16xi32>, vector<16xi32>], vector<16xf32>,
          %gather3A_804 = tpu.vector_load_idx %arg14[%add3A_791, %add3A_796] : memref<1280x8xf32, #tpu.memory_space<vmem>>[vector<16xi32>, vector<16xi32>], vector<16xf32>,
          %gather3A_805 = tpu.vector_load_idx %arg14[%add3A_791, %add3A_799] : memref<1280x8xf32, #tpu.memory_space<vmem>>[vector<16xi32>, vector<16xi32>], vector<16xf32>,
          %sub3A_806 = arith.subf %gather3A_800, %gather3A_803 : vector<16xf32>
          %gt3A_807 = vector.broadcast %scan3A : f32 to vector<16xf32>
          %gt3A_808 = arith.cmpf ogt, %sub3A_806, %gt3A_807 : vector<16xf32>
          %sub3A_809 = vector.broadcast %scan3A_430 : f32 to vector<16xf32>
          %sub3A_810 = arith.subf %sub3A_806, %sub3A_809 : vector<16xf32>
          %select_n3A_811 = arith.select %gt3A_808, %sub3A_810, %sub3A_806 : vector<16xi1>, vector<16xf32>
          %neg3A_812 = arith.constant 0.000000e+00 : f32
          %neg3A_813 = arith.subf %neg3A_812, %scan3A : f32
          %lt3A_814 = vector.broadcast %neg3A_813 : f32 to vector<16xf32>
          %lt3A_815 = arith.cmpf olt, %select_n3A_811, %lt3A_814 : vector<16xf32>
          %add3A_816 = vector.broadcast %scan3A_430 : f32 to vector<16xf32>
          %add3A_817 = arith.addf %select_n3A_811, %add3A_816 : vector<16xf32>
          %select_n3A_818 = arith.select %lt3A_815, %add3A_817, %select_n3A_811 : vector<16xi1>, vector<16xf32>
          %sub3A_819 = arith.subf %gather3A_801, %gather3A_804 : vector<16xf32>
          %gt3A_820 = vector.broadcast %scan3A : f32 to vector<16xf32>
          %gt3A_821 = arith.cmpf ogt, %sub3A_819, %gt3A_820 : vector<16xf32>
          %sub3A_822 = vector.broadcast %scan3A_430 : f32 to vector<16xf32>
          %sub3A_823 = arith.subf %sub3A_819, %sub3A_822 : vector<16xf32>
          %select_n3A_824 = arith.select %gt3A_821, %sub3A_823, %sub3A_819 : vector<16xi1>, vector<16xf32>
          %neg3A_825 = arith.constant 0.000000e+00 : f32
          %neg3A_826 = arith.subf %neg3A_825, %scan3A : f32
          %lt3A_827 = vector.broadcast %neg3A_826 : f32 to vector<16xf32>
          %lt3A_828 = arith.cmpf olt, %select_n3A_824, %lt3A_827 : vector<16xf32>
          %add3A_829 = vector.broadcast %scan3A_430 : f32 to vector<16xf32>
          %add3A_830 = arith.addf %select_n3A_824, %add3A_829 : vector<16xf32>
          %select_n3A_831 = arith.select %lt3A_828, %add3A_830, %select_n3A_824 : vector<16xi1>, vector<16xf32>
          %sub3A_832 = arith.subf %gather3A_802, %gather3A_805 : vector<16xf32>
          %gt3A_833 = vector.broadcast %scan3A : f32 to vector<16xf32>
          %gt3A_834 = arith.cmpf ogt, %sub3A_832, %gt3A_833 : vector<16xf32>
          %sub3A_835 = vector.broadcast %scan3A_430 : f32 to vector<16xf32>
          %sub3A_836 = arith.subf %sub3A_832, %sub3A_835 : vector<16xf32>
          %select_n3A_837 = arith.select %gt3A_834, %sub3A_836, %sub3A_832 : vector<16xi1>, vector<16xf32>
          %neg3A_838 = arith.constant 0.000000e+00 : f32
          %neg3A_839 = arith.subf %neg3A_838, %scan3A : f32
          %lt3A_840 = vector.broadcast %neg3A_839 : f32 to vector<16xf32>
          %lt3A_841 = arith.cmpf olt, %select_n3A_837, %lt3A_840 : vector<16xf32>
          %add3A_842 = vector.broadcast %scan3A_430 : f32 to vector<16xf32>
          %add3A_843 = arith.addf %select_n3A_837, %add3A_842 : vector<16xf32>
          %select_n3A_844 = arith.select %lt3A_841, %add3A_843, %select_n3A_837 : vector<16xi1>, vector<16xf32>
          %mul3A_845 = vector.broadcast %squeeze3A : f32 to vector<16xf32>
          %mul3A_846 = arith.mulf %select_n3A_818, %mul3A_845 : vector<16xf32>
          %mul3A_847 = vector.broadcast %squeeze3A_70 : f32 to vector<16xf32>
          %mul3A_848 = arith.mulf %select_n3A_831, %mul3A_847 : vector<16xf32>
          %add3A_849 = arith.addf %mul3A_846, %mul3A_848 : vector<16xf32>
          %mul3A_850 = vector.broadcast %squeeze3A_76 : f32 to vector<16xf32>
          %mul3A_851 = arith.mulf %select_n3A_844, %mul3A_850 : vector<16xf32>
          %add3A_852 = arith.addf %add3A_849, %mul3A_851 : vector<16xf32>
          %mul3A_853 = vector.broadcast %squeeze3A_66 : f32 to vector<16xf32>
          %mul3A_854 = arith.mulf %select_n3A_818, %mul3A_853 : vector<16xf32>
          %mul3A_855 = vector.broadcast %squeeze3A_72 : f32 to vector<16xf32>
          %mul3A_856 = arith.mulf %select_n3A_831, %mul3A_855 : vector<16xf32>
          %add3A_857 = arith.addf %mul3A_854, %mul3A_856 : vector<16xf32>
          %mul3A_858 = vector.broadcast %squeeze3A_78 : f32 to vector<16xf32>
          %mul3A_859 = arith.mulf %select_n3A_844, %mul3A_858 : vector<16xf32>
          %add3A_860 = arith.addf %add3A_857, %mul3A_859 : vector<16xf32>
          %mul3A_861 = vector.broadcast %squeeze3A_68 : f32 to vector<16xf32>
          %mul3A_862 = arith.mulf %select_n3A_818, %mul3A_861 : vector<16xf32>
          %mul3A_863 = vector.broadcast %squeeze3A_74 : f32 to vector<16xf32>
          %mul3A_864 = arith.mulf %select_n3A_831, %mul3A_863 : vector<16xf32>
          %add3A_865 = arith.addf %mul3A_862, %mul3A_864 : vector<16xf32>
          %mul3A_866 = vector.broadcast %squeeze3A_80 : f32 to vector<16xf32>
          %mul3A_867 = arith.mulf %select_n3A_844, %mul3A_866 : vector<16xf32>
          %add3A_868 = arith.addf %add3A_865, %mul3A_867 : vector<16xf32>
          %mul3A_869 = arith.mulf %add3A_852, %add3A_852 : vector<16xf32>
          %mul3A_870 = arith.mulf %add3A_860, %add3A_860 : vector<16xf32>
          %add3A_871 = arith.addf %mul3A_869, %mul3A_870 : vector<16xf32>
          %mul3A_872 = arith.mulf %add3A_868, %add3A_868 : vector<16xf32>
          %add3A_873 = arith.addf %add3A_871, %mul3A_872 : vector<16xf32>
          %add3A_874 = arith.constant 9.99999993E-9 : f32
          %add3A_875 = vector.broadcast %add3A_874 : f32 to vector<16xf32>
          %add3A_876 = arith.addf %add3A_873, %add3A_875 : vector<16xf32>
          %bitcast3A_877 = vector.bitcast %add3A_876 : vector<16xf32> to vector<16xi32>
          %shift_right_arithmetic3A_878 = arith.constant 1 : i32
          %shift_right_arithmetic3A_879 = vector.broadcast %shift_right_arithmetic3A_878 : i32 to vector<16xi32>
          %shift_right_arithmetic3A_880 = arith.shrsi %bitcast3A_877, %shift_right_arithmetic3A_879 : vector<16xi32>
          %sub3A_881 = arith.constant 1597463007 : i32
          %sub3A_882 = vector.broadcast %sub3A_881 : i32 to vector<16xi32>
          %sub3A_883 = arith.subi %sub3A_882, %shift_right_arithmetic3A_880 : vector<16xi32>
          %bitcast3A_884 = vector.bitcast %sub3A_883 : vector<16xi32> to vector<16xf32>
          %mul3A_885 = vector.broadcast %scan3A : f32 to vector<16xf32>
          %mul3A_886 = arith.mulf %add3A_876, %mul3A_885 : vector<16xf32>
          %mul3A_887 = arith.mulf %mul3A_886, %bitcast3A_884 : vector<16xf32>
          %mul3A_888 = arith.mulf %mul3A_887, %bitcast3A_884 : vector<16xf32>
          %sub3A_889 = arith.constant 1.500000e+00 : f32
          %sub3A_890 = vector.broadcast %sub3A_889 : f32 to vector<16xf32>
          %sub3A_891 = arith.subf %sub3A_890, %mul3A_888 : vector<16xf32>
          %mul3A_892 = arith.mulf %bitcast3A_884, %sub3A_891 : vector<16xf32>
          %mul3A_893 = arith.mulf %mul3A_886, %mul3A_892 : vector<16xf32>
          %mul3A_894 = arith.mulf %mul3A_893, %mul3A_892 : vector<16xf32>
          %sub3A_895 = arith.constant 1.500000e+00 : f32
          %sub3A_896 = vector.broadcast %sub3A_895 : f32 to vector<16xf32>
          %sub3A_897 = arith.subf %sub3A_896, %mul3A_894 : vector<16xf32>
          %mul3A_898 = arith.mulf %mul3A_892, %sub3A_897 : vector<16xf32>
          %mul3A_899 = arith.mulf %mul3A_886, %mul3A_898 : vector<16xf32>
          %mul3A_900 = arith.mulf %mul3A_899, %mul3A_898 : vector<16xf32>
          %sub3A_901 = arith.constant 1.500000e+00 : f32
          %sub3A_902 = vector.broadcast %sub3A_901 : f32 to vector<16xf32>
          %sub3A_903 = arith.subf %sub3A_902, %mul3A_900 : vector<16xf32>
          %mul3A_904 = arith.mulf %mul3A_898, %sub3A_903 : vector<16xf32>
          %mul3A_905 = arith.mulf %add3A_876, %mul3A_904 : vector<16xf32>
          %add3A_906 = arith.constant 32 : i32
          %add3A_907 = arith.addi %mul3A_513, %add3A_906 : i32
          %swap3A_908 = arith.index_cast %add3A_907 : i32 to index
          %swap3A_909 = tpu.vector_load %arg16[%swap3A_908] {strides = array<i32>} : memref<1280xf32, #tpu.memory_space<vmem>>, vector<16xf32>,
          tpu.vector_store %arg16[%swap3A_908], %mul3A_905 {strides = array<i32>} : memref<1280xf32, #tpu.memory_space<vmem>>, vector<16xf32>,
          %add3A_910 = arith.constant 32 : i32
          %add3A_911 = arith.addi %mul3A_515, %add3A_910 : i32
          %swap3A_912 = arith.index_cast %add3A_911 : i32 to index
          %swap3A_913 = tpu.vector_load %arg18[%swap3A_912] {strides = array<i32>} : memref<5120xf32, #tpu.memory_space<vmem>>, vector<16xf32>,
          tpu.vector_store %arg18[%swap3A_912], %add3A_852 {strides = array<i32>} : memref<5120xf32, #tpu.memory_space<vmem>>, vector<16xf32>,
          %add3A_914 = arith.constant 128 : i32
          %add3A_915 = arith.addi %mul3A_515, %add3A_914 : i32
          %add3A_916 = arith.constant 32 : i32
          %add3A_917 = arith.addi %add3A_915, %add3A_916 : i32
          %swap3A_918 = arith.index_cast %add3A_917 : i32 to index
          %swap3A_919 = tpu.vector_load %arg18[%swap3A_918] {strides = array<i32>} : memref<5120xf32, #tpu.memory_space<vmem>>, vector<16xf32>,
          tpu.vector_store %arg18[%swap3A_918], %add3A_860 {strides = array<i32>} : memref<5120xf32, #tpu.memory_space<vmem>>, vector<16xf32>,
          %add3A_920 = arith.constant 256 : i32
          %add3A_921 = arith.addi %mul3A_515, %add3A_920 : i32
          %add3A_922 = arith.constant 32 : i32
          %add3A_923 = arith.addi %add3A_921, %add3A_922 : i32
          %swap3A_924 = arith.index_cast %add3A_923 : i32 to index
          %swap3A_925 = tpu.vector_load %arg18[%swap3A_924] {strides = array<i32>} : memref<5120xf32, #tpu.memory_space<vmem>>, vector<16xf32>,
          tpu.vector_store %arg18[%swap3A_924], %add3A_868 {strides = array<i32>} : memref<5120xf32, #tpu.memory_space<vmem>>, vector<16xf32>,
          %add3A_926 = arith.constant 48 : i32
          %add3A_927 = arith.addi %mul3A_513, %add3A_926 : i32
          %add3A_928 = vector.broadcast %add3A_927 : i32 to vector<16xi32>
          %add3A_929 = arith.addi %iota3A, %add3A_928 : vector<16xi32>
          %broadcast_in_dim3A_930 = arith.constant 0 : i32
          %broadcast_in_dim3A_931 = vector.broadcast %broadcast_in_dim3A_930 : i32 to vector<16xi32>
          %add3A_932 = arith.constant 1 : i32
          %add3A_933 = vector.broadcast %add3A_932 : i32 to vector<16xi32>
          %add3A_934 = arith.addi %broadcast_in_dim3A_931, %add3A_933 : vector<16xi32>
          %add3A_935 = arith.constant 2 : i32
          %add3A_936 = vector.broadcast %add3A_935 : i32 to vector<16xi32>
          %add3A_937 = arith.addi %broadcast_in_dim3A_931, %add3A_936 : vector<16xi32>
          %gather3A_938 = tpu.vector_load_idx %arg12[%add3A_929, %broadcast_in_dim3A_931] : memref<1280x8xf32, #tpu.memory_space<vmem>>[vector<16xi32>, vector<16xi32>], vector<16xf32>,
          %gather3A_939 = tpu.vector_load_idx %arg12[%add3A_929, %add3A_934] : memref<1280x8xf32, #tpu.memory_space<vmem>>[vector<16xi32>, vector<16xi32>], vector<16xf32>,
          %gather3A_940 = tpu.vector_load_idx %arg12[%add3A_929, %add3A_937] : memref<1280x8xf32, #tpu.memory_space<vmem>>[vector<16xi32>, vector<16xi32>], vector<16xf32>,
          %gather3A_941 = tpu.vector_load_idx %arg14[%add3A_929, %broadcast_in_dim3A_931] : memref<1280x8xf32, #tpu.memory_space<vmem>>[vector<16xi32>, vector<16xi32>], vector<16xf32>,
          %gather3A_942 = tpu.vector_load_idx %arg14[%add3A_929, %add3A_934] : memref<1280x8xf32, #tpu.memory_space<vmem>>[vector<16xi32>, vector<16xi32>], vector<16xf32>,
          %gather3A_943 = tpu.vector_load_idx %arg14[%add3A_929, %add3A_937] : memref<1280x8xf32, #tpu.memory_space<vmem>>[vector<16xi32>, vector<16xi32>], vector<16xf32>,
          %sub3A_944 = arith.subf %gather3A_938, %gather3A_941 : vector<16xf32>
          %gt3A_945 = vector.broadcast %scan3A : f32 to vector<16xf32>
          %gt3A_946 = arith.cmpf ogt, %sub3A_944, %gt3A_945 : vector<16xf32>
          %sub3A_947 = vector.broadcast %scan3A_430 : f32 to vector<16xf32>
          %sub3A_948 = arith.subf %sub3A_944, %sub3A_947 : vector<16xf32>
          %select_n3A_949 = arith.select %gt3A_946, %sub3A_948, %sub3A_944 : vector<16xi1>, vector<16xf32>
          %neg3A_950 = arith.constant 0.000000e+00 : f32
          %neg3A_951 = arith.subf %neg3A_950, %scan3A : f32
          %lt3A_952 = vector.broadcast %neg3A_951 : f32 to vector<16xf32>
          %lt3A_953 = arith.cmpf olt, %select_n3A_949, %lt3A_952 : vector<16xf32>
          %add3A_954 = vector.broadcast %scan3A_430 : f32 to vector<16xf32>
          %add3A_955 = arith.addf %select_n3A_949, %add3A_954 : vector<16xf32>
          %select_n3A_956 = arith.select %lt3A_953, %add3A_955, %select_n3A_949 : vector<16xi1>, vector<16xf32>
          %sub3A_957 = arith.subf %gather3A_939, %gather3A_942 : vector<16xf32>
          %gt3A_958 = vector.broadcast %scan3A : f32 to vector<16xf32>
          %gt3A_959 = arith.cmpf ogt, %sub3A_957, %gt3A_958 : vector<16xf32>
          %sub3A_960 = vector.broadcast %scan3A_430 : f32 to vector<16xf32>
          %sub3A_961 = arith.subf %sub3A_957, %sub3A_960 : vector<16xf32>
          %select_n3A_962 = arith.select %gt3A_959, %sub3A_961, %sub3A_957 : vector<16xi1>, vector<16xf32>
          %neg3A_963 = arith.constant 0.000000e+00 : f32
          %neg3A_964 = arith.subf %neg3A_963, %scan3A : f32
          %lt3A_965 = vector.broadcast %neg3A_964 : f32 to vector<16xf32>
          %lt3A_966 = arith.cmpf olt, %select_n3A_962, %lt3A_965 : vector<16xf32>
          %add3A_967 = vector.broadcast %scan3A_430 : f32 to vector<16xf32>
          %add3A_968 = arith.addf %select_n3A_962, %add3A_967 : vector<16xf32>
          %select_n3A_969 = arith.select %lt3A_966, %add3A_968, %select_n3A_962 : vector<16xi1>, vector<16xf32>
          %sub3A_970 = arith.subf %gather3A_940, %gather3A_943 : vector<16xf32>
          %gt3A_971 = vector.broadcast %scan3A : f32 to vector<16xf32>
          %gt3A_972 = arith.cmpf ogt, %sub3A_970, %gt3A_971 : vector<16xf32>
          %sub3A_973 = vector.broadcast %scan3A_430 : f32 to vector<16xf32>
          %sub3A_974 = arith.subf %sub3A_970, %sub3A_973 : vector<16xf32>
          %select_n3A_975 = arith.select %gt3A_972, %sub3A_974, %sub3A_970 : vector<16xi1>, vector<16xf32>
          %neg3A_976 = arith.constant 0.000000e+00 : f32
          %neg3A_977 = arith.subf %neg3A_976, %scan3A : f32
          %lt3A_978 = vector.broadcast %neg3A_977 : f32 to vector<16xf32>
          %lt3A_979 = arith.cmpf olt, %select_n3A_975, %lt3A_978 : vector<16xf32>
          %add3A_980 = vector.broadcast %scan3A_430 : f32 to vector<16xf32>
          %add3A_981 = arith.addf %select_n3A_975, %add3A_980 : vector<16xf32>
          %select_n3A_982 = arith.select %lt3A_979, %add3A_981, %select_n3A_975 : vector<16xi1>, vector<16xf32>
          %mul3A_983 = vector.broadcast %squeeze3A : f32 to vector<16xf32>
          %mul3A_984 = arith.mulf %select_n3A_956, %mul3A_983 : vector<16xf32>
          %mul3A_985 = vector.broadcast %squeeze3A_70 : f32 to vector<16xf32>
          %mul3A_986 = arith.mulf %select_n3A_969, %mul3A_985 : vector<16xf32>
          %add3A_987 = arith.addf %mul3A_984, %mul3A_986 : vector<16xf32>
          %mul3A_988 = vector.broadcast %squeeze3A_76 : f32 to vector<16xf32>
          %mul3A_989 = arith.mulf %select_n3A_982, %mul3A_988 : vector<16xf32>
          %add3A_990 = arith.addf %add3A_987, %mul3A_989 : vector<16xf32>
          %mul3A_991 = vector.broadcast %squeeze3A_66 : f32 to vector<16xf32>
          %mul3A_992 = arith.mulf %select_n3A_956, %mul3A_991 : vector<16xf32>
          %mul3A_993 = vector.broadcast %squeeze3A_72 : f32 to vector<16xf32>
          %mul3A_994 = arith.mulf %select_n3A_969, %mul3A_993 : vector<16xf32>
          %add3A_995 = arith.addf %mul3A_992, %mul3A_994 : vector<16xf32>
          %mul3A_996 = vector.broadcast %squeeze3A_78 : f32 to vector<16xf32>
          %mul3A_997 = arith.mulf %select_n3A_982, %mul3A_996 : vector<16xf32>
          %add3A_998 = arith.addf %add3A_995, %mul3A_997 : vector<16xf32>
          %mul3A_999 = vector.broadcast %squeeze3A_68 : f32 to vector<16xf32>
          %mul3A_1000 = arith.mulf %select_n3A_956, %mul3A_999 : vector<16xf32>
          %mul3A_1001 = vector.broadcast %squeeze3A_74 : f32 to vector<16xf32>
          %mul3A_1002 = arith.mulf %select_n3A_969, %mul3A_1001 : vector<16xf32>
          %add3A_1003 = arith.addf %mul3A_1000, %mul3A_1002 : vector<16xf32>
          %mul3A_1004 = vector.broadcast %squeeze3A_80 : f32 to vector<16xf32>
          %mul3A_1005 = arith.mulf %select_n3A_982, %mul3A_1004 : vector<16xf32>
          %add3A_1006 = arith.addf %add3A_1003, %mul3A_1005 : vector<16xf32>
          %mul3A_1007 = arith.mulf %add3A_990, %add3A_990 : vector<16xf32>
          %mul3A_1008 = arith.mulf %add3A_998, %add3A_998 : vector<16xf32>
          %add3A_1009 = arith.addf %mul3A_1007, %mul3A_1008 : vector<16xf32>
          %mul3A_1010 = arith.mulf %add3A_1006, %add3A_1006 : vector<16xf32>
          %add3A_1011 = arith.addf %add3A_1009, %mul3A_1010 : vector<16xf32>
          %add3A_1012 = arith.constant 9.99999993E-9 : f32
          %add3A_1013 = vector.broadcast %add3A_1012 : f32 to vector<16xf32>
          %add3A_1014 = arith.addf %add3A_1011, %add3A_1013 : vector<16xf32>
          %bitcast3A_1015 = vector.bitcast %add3A_1014 : vector<16xf32> to vector<16xi32>
          %shift_right_arithmetic3A_1016 = arith.constant 1 : i32
          %shift_right_arithmetic3A_1017 = vector.broadcast %shift_right_arithmetic3A_1016 : i32 to vector<16xi32>
          %shift_right_arithmetic3A_1018 = arith.shrsi %bitcast3A_1015, %shift_right_arithmetic3A_1017 : vector<16xi32>
          %sub3A_1019 = arith.constant 1597463007 : i32
          %sub3A_1020 = vector.broadcast %sub3A_1019 : i32 to vector<16xi32>
          %sub3A_1021 = arith.subi %sub3A_1020, %shift_right_arithmetic3A_1018 : vector<16xi32>
          %bitcast3A_1022 = vector.bitcast %sub3A_1021 : vector<16xi32> to vector<16xf32>
          %mul3A_1023 = vector.broadcast %scan3A : f32 to vector<16xf32>
          %mul3A_1024 = arith.mulf %add3A_1014, %mul3A_1023 : vector<16xf32>
          %mul3A_1025 = arith.mulf %mul3A_1024, %bitcast3A_1022 : vector<16xf32>
          %mul3A_1026 = arith.mulf %mul3A_1025, %bitcast3A_1022 : vector<16xf32>
          %sub3A_1027 = arith.constant 1.500000e+00 : f32
          %sub3A_1028 = vector.broadcast %sub3A_1027 : f32 to vector<16xf32>
          %sub3A_1029 = arith.subf %sub3A_1028, %mul3A_1026 : vector<16xf32>
          %mul3A_1030 = arith.mulf %bitcast3A_1022, %sub3A_1029 : vector<16xf32>
          %mul3A_1031 = arith.mulf %mul3A_1024, %mul3A_1030 : vector<16xf32>
          %mul3A_1032 = arith.mulf %mul3A_1031, %mul3A_1030 : vector<16xf32>
          %sub3A_1033 = arith.constant 1.500000e+00 : f32
          %sub3A_1034 = vector.broadcast %sub3A_1033 : f32 to vector<16xf32>
          %sub3A_1035 = arith.subf %sub3A_1034, %mul3A_1032 : vector<16xf32>
          %mul3A_1036 = arith.mulf %mul3A_1030, %sub3A_1035 : vector<16xf32>
          %mul3A_1037 = arith.mulf %mul3A_1024, %mul3A_1036 : vector<16xf32>
          %mul3A_1038 = arith.mulf %mul3A_1037, %mul3A_1036 : vector<16xf32>
          %sub3A_1039 = arith.constant 1.500000e+00 : f32
          %sub3A_1040 = vector.broadcast %sub3A_1039 : f32 to vector<16xf32>
          %sub3A_1041 = arith.subf %sub3A_1040, %mul3A_1038 : vector<16xf32>
          %mul3A_1042 = arith.mulf %mul3A_1036, %sub3A_1041 : vector<16xf32>
          %mul3A_1043 = arith.mulf %add3A_1014, %mul3A_1042 : vector<16xf32>
          %add3A_1044 = arith.constant 48 : i32
          %add3A_1045 = arith.addi %mul3A_513, %add3A_1044 : i32
          %swap3A_1046 = arith.index_cast %add3A_1045 : i32 to index
          %swap3A_1047 = tpu.vector_load %arg16[%swap3A_1046] {strides = array<i32>} : memref<1280xf32, #tpu.memory_space<vmem>>, vector<16xf32>,
          tpu.vector_store %arg16[%swap3A_1046], %mul3A_1043 {strides = array<i32>} : memref<1280xf32, #tpu.memory_space<vmem>>, vector<16xf32>,
          %add3A_1048 = arith.constant 48 : i32
          %add3A_1049 = arith.addi %mul3A_515, %add3A_1048 : i32
          %swap3A_1050 = arith.index_cast %add3A_1049 : i32 to index
          %swap3A_1051 = tpu.vector_load %arg18[%swap3A_1050] {strides = array<i32>} : memref<5120xf32, #tpu.memory_space<vmem>>, vector<16xf32>,
          tpu.vector_store %arg18[%swap3A_1050], %add3A_990 {strides = array<i32>} : memref<5120xf32, #tpu.memory_space<vmem>>, vector<16xf32>,
          %add3A_1052 = arith.constant 128 : i32
          %add3A_1053 = arith.addi %mul3A_515, %add3A_1052 : i32
          %add3A_1054 = arith.constant 48 : i32
          %add3A_1055 = arith.addi %add3A_1053, %add3A_1054 : i32
          %swap3A_1056 = arith.index_cast %add3A_1055 : i32 to index
          %swap3A_1057 = tpu.vector_load %arg18[%swap3A_1056] {strides = array<i32>} : memref<5120xf32, #tpu.memory_space<vmem>>, vector<16xf32>,
          tpu.vector_store %arg18[%swap3A_1056], %add3A_998 {strides = array<i32>} : memref<5120xf32, #tpu.memory_space<vmem>>, vector<16xf32>,
          %add3A_1058 = arith.constant 256 : i32
          %add3A_1059 = arith.addi %mul3A_515, %add3A_1058 : i32
          %add3A_1060 = arith.constant 48 : i32
          %add3A_1061 = arith.addi %add3A_1059, %add3A_1060 : i32
          %swap3A_1062 = arith.index_cast %add3A_1061 : i32 to index
          %swap3A_1063 = tpu.vector_load %arg18[%swap3A_1062] {strides = array<i32>} : memref<5120xf32, #tpu.memory_space<vmem>>, vector<16xf32>,
          tpu.vector_store %arg18[%swap3A_1062], %add3A_1006 {strides = array<i32>} : memref<5120xf32, #tpu.memory_space<vmem>>, vector<16xf32>,
          %add3A_1064 = arith.constant 64 : i32
          %add3A_1065 = arith.addi %mul3A_513, %add3A_1064 : i32
          %add3A_1066 = vector.broadcast %add3A_1065 : i32 to vector<16xi32>
          %add3A_1067 = arith.addi %iota3A, %add3A_1066 : vector<16xi32>
          %broadcast_in_dim3A_1068 = arith.constant 0 : i32
          %broadcast_in_dim3A_1069 = vector.broadcast %broadcast_in_dim3A_1068 : i32 to vector<16xi32>
          %add3A_1070 = arith.constant 1 : i32
          %add3A_1071 = vector.broadcast %add3A_1070 : i32 to vector<16xi32>
          %add3A_1072 = arith.addi %broadcast_in_dim3A_1069, %add3A_1071 : vector<16xi32>
          %add3A_1073 = arith.constant 2 : i32
          %add3A_1074 = vector.broadcast %add3A_1073 : i32 to vector<16xi32>
          %add3A_1075 = arith.addi %broadcast_in_dim3A_1069, %add3A_1074 : vector<16xi32>
          %gather3A_1076 = tpu.vector_load_idx %arg12[%add3A_1067, %broadcast_in_dim3A_1069] : memref<1280x8xf32, #tpu.memory_space<vmem>>[vector<16xi32>, vector<16xi32>], vector<16xf32>,
          %gather3A_1077 = tpu.vector_load_idx %arg12[%add3A_1067, %add3A_1072] : memref<1280x8xf32, #tpu.memory_space<vmem>>[vector<16xi32>, vector<16xi32>], vector<16xf32>,
          %gather3A_1078 = tpu.vector_load_idx %arg12[%add3A_1067, %add3A_1075] : memref<1280x8xf32, #tpu.memory_space<vmem>>[vector<16xi32>, vector<16xi32>], vector<16xf32>,
          %gather3A_1079 = tpu.vector_load_idx %arg14[%add3A_1067, %broadcast_in_dim3A_1069] : memref<1280x8xf32, #tpu.memory_space<vmem>>[vector<16xi32>, vector<16xi32>], vector<16xf32>,
          %gather3A_1080 = tpu.vector_load_idx %arg14[%add3A_1067, %add3A_1072] : memref<1280x8xf32, #tpu.memory_space<vmem>>[vector<16xi32>, vector<16xi32>], vector<16xf32>,
          %gather3A_1081 = tpu.vector_load_idx %arg14[%add3A_1067, %add3A_1075] : memref<1280x8xf32, #tpu.memory_space<vmem>>[vector<16xi32>, vector<16xi32>], vector<16xf32>,
          %sub3A_1082 = arith.subf %gather3A_1076, %gather3A_1079 : vector<16xf32>
          %gt3A_1083 = vector.broadcast %scan3A : f32 to vector<16xf32>
          %gt3A_1084 = arith.cmpf ogt, %sub3A_1082, %gt3A_1083 : vector<16xf32>
          %sub3A_1085 = vector.broadcast %scan3A_430 : f32 to vector<16xf32>
          %sub3A_1086 = arith.subf %sub3A_1082, %sub3A_1085 : vector<16xf32>
          %select_n3A_1087 = arith.select %gt3A_1084, %sub3A_1086, %sub3A_1082 : vector<16xi1>, vector<16xf32>
          %neg3A_1088 = arith.constant 0.000000e+00 : f32
          %neg3A_1089 = arith.subf %neg3A_1088, %scan3A : f32
          %lt3A_1090 = vector.broadcast %neg3A_1089 : f32 to vector<16xf32>
          %lt3A_1091 = arith.cmpf olt, %select_n3A_1087, %lt3A_1090 : vector<16xf32>
          %add3A_1092 = vector.broadcast %scan3A_430 : f32 to vector<16xf32>
          %add3A_1093 = arith.addf %select_n3A_1087, %add3A_1092 : vector<16xf32>
          %select_n3A_1094 = arith.select %lt3A_1091, %add3A_1093, %select_n3A_1087 : vector<16xi1>, vector<16xf32>
          %sub3A_1095 = arith.subf %gather3A_1077, %gather3A_1080 : vector<16xf32>
          %gt3A_1096 = vector.broadcast %scan3A : f32 to vector<16xf32>
          %gt3A_1097 = arith.cmpf ogt, %sub3A_1095, %gt3A_1096 : vector<16xf32>
          %sub3A_1098 = vector.broadcast %scan3A_430 : f32 to vector<16xf32>
          %sub3A_1099 = arith.subf %sub3A_1095, %sub3A_1098 : vector<16xf32>
          %select_n3A_1100 = arith.select %gt3A_1097, %sub3A_1099, %sub3A_1095 : vector<16xi1>, vector<16xf32>
          %neg3A_1101 = arith.constant 0.000000e+00 : f32
          %neg3A_1102 = arith.subf %neg3A_1101, %scan3A : f32
          %lt3A_1103 = vector.broadcast %neg3A_1102 : f32 to vector<16xf32>
          %lt3A_1104 = arith.cmpf olt, %select_n3A_1100, %lt3A_1103 : vector<16xf32>
          %add3A_1105 = vector.broadcast %scan3A_430 : f32 to vector<16xf32>
          %add3A_1106 = arith.addf %select_n3A_1100, %add3A_1105 : vector<16xf32>
          %select_n3A_1107 = arith.select %lt3A_1104, %add3A_1106, %select_n3A_1100 : vector<16xi1>, vector<16xf32>
          %sub3A_1108 = arith.subf %gather3A_1078, %gather3A_1081 : vector<16xf32>
          %gt3A_1109 = vector.broadcast %scan3A : f32 to vector<16xf32>
          %gt3A_1110 = arith.cmpf ogt, %sub3A_1108, %gt3A_1109 : vector<16xf32>
          %sub3A_1111 = vector.broadcast %scan3A_430 : f32 to vector<16xf32>
          %sub3A_1112 = arith.subf %sub3A_1108, %sub3A_1111 : vector<16xf32>
          %select_n3A_1113 = arith.select %gt3A_1110, %sub3A_1112, %sub3A_1108 : vector<16xi1>, vector<16xf32>
          %neg3A_1114 = arith.constant 0.000000e+00 : f32
          %neg3A_1115 = arith.subf %neg3A_1114, %scan3A : f32
          %lt3A_1116 = vector.broadcast %neg3A_1115 : f32 to vector<16xf32>
          %lt3A_1117 = arith.cmpf olt, %select_n3A_1113, %lt3A_1116 : vector<16xf32>
          %add3A_1118 = vector.broadcast %scan3A_430 : f32 to vector<16xf32>
          %add3A_1119 = arith.addf %select_n3A_1113, %add3A_1118 : vector<16xf32>
          %select_n3A_1120 = arith.select %lt3A_1117, %add3A_1119, %select_n3A_1113 : vector<16xi1>, vector<16xf32>
          %mul3A_1121 = vector.broadcast %squeeze3A : f32 to vector<16xf32>
          %mul3A_1122 = arith.mulf %select_n3A_1094, %mul3A_1121 : vector<16xf32>
          %mul3A_1123 = vector.broadcast %squeeze3A_70 : f32 to vector<16xf32>
          %mul3A_1124 = arith.mulf %select_n3A_1107, %mul3A_1123 : vector<16xf32>
          %add3A_1125 = arith.addf %mul3A_1122, %mul3A_1124 : vector<16xf32>
          %mul3A_1126 = vector.broadcast %squeeze3A_76 : f32 to vector<16xf32>
          %mul3A_1127 = arith.mulf %select_n3A_1120, %mul3A_1126 : vector<16xf32>
          %add3A_1128 = arith.addf %add3A_1125, %mul3A_1127 : vector<16xf32>
          %mul3A_1129 = vector.broadcast %squeeze3A_66 : f32 to vector<16xf32>
          %mul3A_1130 = arith.mulf %select_n3A_1094, %mul3A_1129 : vector<16xf32>
          %mul3A_1131 = vector.broadcast %squeeze3A_72 : f32 to vector<16xf32>
          %mul3A_1132 = arith.mulf %select_n3A_1107, %mul3A_1131 : vector<16xf32>
          %add3A_1133 = arith.addf %mul3A_1130, %mul3A_1132 : vector<16xf32>
          %mul3A_1134 = vector.broadcast %squeeze3A_78 : f32 to vector<16xf32>
          %mul3A_1135 = arith.mulf %select_n3A_1120, %mul3A_1134 : vector<16xf32>
          %add3A_1136 = arith.addf %add3A_1133, %mul3A_1135 : vector<16xf32>
          %mul3A_1137 = vector.broadcast %squeeze3A_68 : f32 to vector<16xf32>
          %mul3A_1138 = arith.mulf %select_n3A_1094, %mul3A_1137 : vector<16xf32>
          %mul3A_1139 = vector.broadcast %squeeze3A_74 : f32 to vector<16xf32>
          %mul3A_1140 = arith.mulf %select_n3A_1107, %mul3A_1139 : vector<16xf32>
          %add3A_1141 = arith.addf %mul3A_1138, %mul3A_1140 : vector<16xf32>
          %mul3A_1142 = vector.broadcast %squeeze3A_80 : f32 to vector<16xf32>
          %mul3A_1143 = arith.mulf %select_n3A_1120, %mul3A_1142 : vector<16xf32>
          %add3A_1144 = arith.addf %add3A_1141, %mul3A_1143 : vector<16xf32>
          %mul3A_1145 = arith.mulf %add3A_1128, %add3A_1128 : vector<16xf32>
          %mul3A_1146 = arith.mulf %add3A_1136, %add3A_1136 : vector<16xf32>
          %add3A_1147 = arith.addf %mul3A_1145, %mul3A_1146 : vector<16xf32>
          %mul3A_1148 = arith.mulf %add3A_1144, %add3A_1144 : vector<16xf32>
          %add3A_1149 = arith.addf %add3A_1147, %mul3A_1148 : vector<16xf32>
          %add3A_1150 = arith.constant 9.99999993E-9 : f32
          %add3A_1151 = vector.broadcast %add3A_1150 : f32 to vector<16xf32>
          %add3A_1152 = arith.addf %add3A_1149, %add3A_1151 : vector<16xf32>
          %bitcast3A_1153 = vector.bitcast %add3A_1152 : vector<16xf32> to vector<16xi32>
          %shift_right_arithmetic3A_1154 = arith.constant 1 : i32
          %shift_right_arithmetic3A_1155 = vector.broadcast %shift_right_arithmetic3A_1154 : i32 to vector<16xi32>
          %shift_right_arithmetic3A_1156 = arith.shrsi %bitcast3A_1153, %shift_right_arithmetic3A_1155 : vector<16xi32>
          %sub3A_1157 = arith.constant 1597463007 : i32
          %sub3A_1158 = vector.broadcast %sub3A_1157 : i32 to vector<16xi32>
          %sub3A_1159 = arith.subi %sub3A_1158, %shift_right_arithmetic3A_1156 : vector<16xi32>
          %bitcast3A_1160 = vector.bitcast %sub3A_1159 : vector<16xi32> to vector<16xf32>
          %mul3A_1161 = vector.broadcast %scan3A : f32 to vector<16xf32>
          %mul3A_1162 = arith.mulf %add3A_1152, %mul3A_1161 : vector<16xf32>
          %mul3A_1163 = arith.mulf %mul3A_1162, %bitcast3A_1160 : vector<16xf32>
          %mul3A_1164 = arith.mulf %mul3A_1163, %bitcast3A_1160 : vector<16xf32>
          %sub3A_1165 = arith.constant 1.500000e+00 : f32
          %sub3A_1166 = vector.broadcast %sub3A_1165 : f32 to vector<16xf32>
          %sub3A_1167 = arith.subf %sub3A_1166, %mul3A_1164 : vector<16xf32>
          %mul3A_1168 = arith.mulf %bitcast3A_1160, %sub3A_1167 : vector<16xf32>
          %mul3A_1169 = arith.mulf %mul3A_1162, %mul3A_1168 : vector<16xf32>
          %mul3A_1170 = arith.mulf %mul3A_1169, %mul3A_1168 : vector<16xf32>
          %sub3A_1171 = arith.constant 1.500000e+00 : f32
          %sub3A_1172 = vector.broadcast %sub3A_1171 : f32 to vector<16xf32>
          %sub3A_1173 = arith.subf %sub3A_1172, %mul3A_1170 : vector<16xf32>
          %mul3A_1174 = arith.mulf %mul3A_1168, %sub3A_1173 : vector<16xf32>
          %mul3A_1175 = arith.mulf %mul3A_1162, %mul3A_1174 : vector<16xf32>
          %mul3A_1176 = arith.mulf %mul3A_1175, %mul3A_1174 : vector<16xf32>
          %sub3A_1177 = arith.constant 1.500000e+00 : f32
          %sub3A_1178 = vector.broadcast %sub3A_1177 : f32 to vector<16xf32>
          %sub3A_1179 = arith.subf %sub3A_1178, %mul3A_1176 : vector<16xf32>
          %mul3A_1180 = arith.mulf %mul3A_1174, %sub3A_1179 : vector<16xf32>
          %mul3A_1181 = arith.mulf %add3A_1152, %mul3A_1180 : vector<16xf32>
          %add3A_1182 = arith.constant 64 : i32
          %add3A_1183 = arith.addi %mul3A_513, %add3A_1182 : i32
          %swap3A_1184 = arith.index_cast %add3A_1183 : i32 to index
          %swap3A_1185 = tpu.vector_load %arg16[%swap3A_1184] {strides = array<i32>} : memref<1280xf32, #tpu.memory_space<vmem>>, vector<16xf32>,
          tpu.vector_store %arg16[%swap3A_1184], %mul3A_1181 {strides = array<i32>} : memref<1280xf32, #tpu.memory_space<vmem>>, vector<16xf32>,
          %add3A_1186 = arith.constant 64 : i32
          %add3A_1187 = arith.addi %mul3A_515, %add3A_1186 : i32
          %swap3A_1188 = arith.index_cast %add3A_1187 : i32 to index
          %swap3A_1189 = tpu.vector_load %arg18[%swap3A_1188] {strides = array<i32>} : memref<5120xf32, #tpu.memory_space<vmem>>, vector<16xf32>,
          tpu.vector_store %arg18[%swap3A_1188], %add3A_1128 {strides = array<i32>} : memref<5120xf32, #tpu.memory_space<vmem>>, vector<16xf32>,
          %add3A_1190 = arith.constant 128 : i32
          %add3A_1191 = arith.addi %mul3A_515, %add3A_1190 : i32
          %add3A_1192 = arith.constant 64 : i32
          %add3A_1193 = arith.addi %add3A_1191, %add3A_1192 : i32
          %swap3A_1194 = arith.index_cast %add3A_1193 : i32 to index
          %swap3A_1195 = tpu.vector_load %arg18[%swap3A_1194] {strides = array<i32>} : memref<5120xf32, #tpu.memory_space<vmem>>, vector<16xf32>,
          tpu.vector_store %arg18[%swap3A_1194], %add3A_1136 {strides = array<i32>} : memref<5120xf32, #tpu.memory_space<vmem>>, vector<16xf32>,
          %add3A_1196 = arith.constant 256 : i32
          %add3A_1197 = arith.addi %mul3A_515, %add3A_1196 : i32
          %add3A_1198 = arith.constant 64 : i32
          %add3A_1199 = arith.addi %add3A_1197, %add3A_1198 : i32
          %swap3A_1200 = arith.index_cast %add3A_1199 : i32 to index
          %swap3A_1201 = tpu.vector_load %arg18[%swap3A_1200] {strides = array<i32>} : memref<5120xf32, #tpu.memory_space<vmem>>, vector<16xf32>,
          tpu.vector_store %arg18[%swap3A_1200], %add3A_1144 {strides = array<i32>} : memref<5120xf32, #tpu.memory_space<vmem>>, vector<16xf32>,
          %add3A_1202 = arith.constant 80 : i32
          %add3A_1203 = arith.addi %mul3A_513, %add3A_1202 : i32
          %add3A_1204 = vector.broadcast %add3A_1203 : i32 to vector<16xi32>
          %add3A_1205 = arith.addi %iota3A, %add3A_1204 : vector<16xi32>
          %broadcast_in_dim3A_1206 = arith.constant 0 : i32
          %broadcast_in_dim3A_1207 = vector.broadcast %broadcast_in_dim3A_1206 : i32 to vector<16xi32>
          %add3A_1208 = arith.constant 1 : i32
          %add3A_1209 = vector.broadcast %add3A_1208 : i32 to vector<16xi32>
          %add3A_1210 = arith.addi %broadcast_in_dim3A_1207, %add3A_1209 : vector<16xi32>
          %add3A_1211 = arith.constant 2 : i32
          %add3A_1212 = vector.broadcast %add3A_1211 : i32 to vector<16xi32>
          %add3A_1213 = arith.addi %broadcast_in_dim3A_1207, %add3A_1212 : vector<16xi32>
          %gather3A_1214 = tpu.vector_load_idx %arg12[%add3A_1205, %broadcast_in_dim3A_1207] : memref<1280x8xf32, #tpu.memory_space<vmem>>[vector<16xi32>, vector<16xi32>], vector<16xf32>,
          %gather3A_1215 = tpu.vector_load_idx %arg12[%add3A_1205, %add3A_1210] : memref<1280x8xf32, #tpu.memory_space<vmem>>[vector<16xi32>, vector<16xi32>], vector<16xf32>,
          %gather3A_1216 = tpu.vector_load_idx %arg12[%add3A_1205, %add3A_1213] : memref<1280x8xf32, #tpu.memory_space<vmem>>[vector<16xi32>, vector<16xi32>], vector<16xf32>,
          %gather3A_1217 = tpu.vector_load_idx %arg14[%add3A_1205, %broadcast_in_dim3A_1207] : memref<1280x8xf32, #tpu.memory_space<vmem>>[vector<16xi32>, vector<16xi32>], vector<16xf32>,
          %gather3A_1218 = tpu.vector_load_idx %arg14[%add3A_1205, %add3A_1210] : memref<1280x8xf32, #tpu.memory_space<vmem>>[vector<16xi32>, vector<16xi32>], vector<16xf32>,
          %gather3A_1219 = tpu.vector_load_idx %arg14[%add3A_1205, %add3A_1213] : memref<1280x8xf32, #tpu.memory_space<vmem>>[vector<16xi32>, vector<16xi32>], vector<16xf32>,
          %sub3A_1220 = arith.subf %gather3A_1214, %gather3A_1217 : vector<16xf32>
          %gt3A_1221 = vector.broadcast %scan3A : f32 to vector<16xf32>
          %gt3A_1222 = arith.cmpf ogt, %sub3A_1220, %gt3A_1221 : vector<16xf32>
          %sub3A_1223 = vector.broadcast %scan3A_430 : f32 to vector<16xf32>
          %sub3A_1224 = arith.subf %sub3A_1220, %sub3A_1223 : vector<16xf32>
          %select_n3A_1225 = arith.select %gt3A_1222, %sub3A_1224, %sub3A_1220 : vector<16xi1>, vector<16xf32>
          %neg3A_1226 = arith.constant 0.000000e+00 : f32
          %neg3A_1227 = arith.subf %neg3A_1226, %scan3A : f32
          %lt3A_1228 = vector.broadcast %neg3A_1227 : f32 to vector<16xf32>
          %lt3A_1229 = arith.cmpf olt, %select_n3A_1225, %lt3A_1228 : vector<16xf32>
          %add3A_1230 = vector.broadcast %scan3A_430 : f32 to vector<16xf32>
          %add3A_1231 = arith.addf %select_n3A_1225, %add3A_1230 : vector<16xf32>
          %select_n3A_1232 = arith.select %lt3A_1229, %add3A_1231, %select_n3A_1225 : vector<16xi1>, vector<16xf32>
          %sub3A_1233 = arith.subf %gather3A_1215, %gather3A_1218 : vector<16xf32>
          %gt3A_1234 = vector.broadcast %scan3A : f32 to vector<16xf32>
          %gt3A_1235 = arith.cmpf ogt, %sub3A_1233, %gt3A_1234 : vector<16xf32>
          %sub3A_1236 = vector.broadcast %scan3A_430 : f32 to vector<16xf32>
          %sub3A_1237 = arith.subf %sub3A_1233, %sub3A_1236 : vector<16xf32>
          %select_n3A_1238 = arith.select %gt3A_1235, %sub3A_1237, %sub3A_1233 : vector<16xi1>, vector<16xf32>
          %neg3A_1239 = arith.constant 0.000000e+00 : f32
          %neg3A_1240 = arith.subf %neg3A_1239, %scan3A : f32
          %lt3A_1241 = vector.broadcast %neg3A_1240 : f32 to vector<16xf32>
          %lt3A_1242 = arith.cmpf olt, %select_n3A_1238, %lt3A_1241 : vector<16xf32>
          %add3A_1243 = vector.broadcast %scan3A_430 : f32 to vector<16xf32>
          %add3A_1244 = arith.addf %select_n3A_1238, %add3A_1243 : vector<16xf32>
          %select_n3A_1245 = arith.select %lt3A_1242, %add3A_1244, %select_n3A_1238 : vector<16xi1>, vector<16xf32>
          %sub3A_1246 = arith.subf %gather3A_1216, %gather3A_1219 : vector<16xf32>
          %gt3A_1247 = vector.broadcast %scan3A : f32 to vector<16xf32>
          %gt3A_1248 = arith.cmpf ogt, %sub3A_1246, %gt3A_1247 : vector<16xf32>
          %sub3A_1249 = vector.broadcast %scan3A_430 : f32 to vector<16xf32>
          %sub3A_1250 = arith.subf %sub3A_1246, %sub3A_1249 : vector<16xf32>
          %select_n3A_1251 = arith.select %gt3A_1248, %sub3A_1250, %sub3A_1246 : vector<16xi1>, vector<16xf32>
          %neg3A_1252 = arith.constant 0.000000e+00 : f32
          %neg3A_1253 = arith.subf %neg3A_1252, %scan3A : f32
          %lt3A_1254 = vector.broadcast %neg3A_1253 : f32 to vector<16xf32>
          %lt3A_1255 = arith.cmpf olt, %select_n3A_1251, %lt3A_1254 : vector<16xf32>
          %add3A_1256 = vector.broadcast %scan3A_430 : f32 to vector<16xf32>
          %add3A_1257 = arith.addf %select_n3A_1251, %add3A_1256 : vector<16xf32>
          %select_n3A_1258 = arith.select %lt3A_1255, %add3A_1257, %select_n3A_1251 : vector<16xi1>, vector<16xf32>
          %mul3A_1259 = vector.broadcast %squeeze3A : f32 to vector<16xf32>
          %mul3A_1260 = arith.mulf %select_n3A_1232, %mul3A_1259 : vector<16xf32>
          %mul3A_1261 = vector.broadcast %squeeze3A_70 : f32 to vector<16xf32>
          %mul3A_1262 = arith.mulf %select_n3A_1245, %mul3A_1261 : vector<16xf32>
          %add3A_1263 = arith.addf %mul3A_1260, %mul3A_1262 : vector<16xf32>
          %mul3A_1264 = vector.broadcast %squeeze3A_76 : f32 to vector<16xf32>
          %mul3A_1265 = arith.mulf %select_n3A_1258, %mul3A_1264 : vector<16xf32>
          %add3A_1266 = arith.addf %add3A_1263, %mul3A_1265 : vector<16xf32>
          %mul3A_1267 = vector.broadcast %squeeze3A_66 : f32 to vector<16xf32>
          %mul3A_1268 = arith.mulf %select_n3A_1232, %mul3A_1267 : vector<16xf32>
          %mul3A_1269 = vector.broadcast %squeeze3A_72 : f32 to vector<16xf32>
          %mul3A_1270 = arith.mulf %select_n3A_1245, %mul3A_1269 : vector<16xf32>
          %add3A_1271 = arith.addf %mul3A_1268, %mul3A_1270 : vector<16xf32>
          %mul3A_1272 = vector.broadcast %squeeze3A_78 : f32 to vector<16xf32>
          %mul3A_1273 = arith.mulf %select_n3A_1258, %mul3A_1272 : vector<16xf32>
          %add3A_1274 = arith.addf %add3A_1271, %mul3A_1273 : vector<16xf32>
          %mul3A_1275 = vector.broadcast %squeeze3A_68 : f32 to vector<16xf32>
          %mul3A_1276 = arith.mulf %select_n3A_1232, %mul3A_1275 : vector<16xf32>
          %mul3A_1277 = vector.broadcast %squeeze3A_74 : f32 to vector<16xf32>
          %mul3A_1278 = arith.mulf %select_n3A_1245, %mul3A_1277 : vector<16xf32>
          %add3A_1279 = arith.addf %mul3A_1276, %mul3A_1278 : vector<16xf32>
          %mul3A_1280 = vector.broadcast %squeeze3A_80 : f32 to vector<16xf32>
          %mul3A_1281 = arith.mulf %select_n3A_1258, %mul3A_1280 : vector<16xf32>
          %add3A_1282 = arith.addf %add3A_1279, %mul3A_1281 : vector<16xf32>
          %mul3A_1283 = arith.mulf %add3A_1266, %add3A_1266 : vector<16xf32>
          %mul3A_1284 = arith.mulf %add3A_1274, %add3A_1274 : vector<16xf32>
          %add3A_1285 = arith.addf %mul3A_1283, %mul3A_1284 : vector<16xf32>
          %mul3A_1286 = arith.mulf %add3A_1282, %add3A_1282 : vector<16xf32>
          %add3A_1287 = arith.addf %add3A_1285, %mul3A_1286 : vector<16xf32>
          %add3A_1288 = arith.constant 9.99999993E-9 : f32
          %add3A_1289 = vector.broadcast %add3A_1288 : f32 to vector<16xf32>
          %add3A_1290 = arith.addf %add3A_1287, %add3A_1289 : vector<16xf32>
          %bitcast3A_1291 = vector.bitcast %add3A_1290 : vector<16xf32> to vector<16xi32>
          %shift_right_arithmetic3A_1292 = arith.constant 1 : i32
          %shift_right_arithmetic3A_1293 = vector.broadcast %shift_right_arithmetic3A_1292 : i32 to vector<16xi32>
          %shift_right_arithmetic3A_1294 = arith.shrsi %bitcast3A_1291, %shift_right_arithmetic3A_1293 : vector<16xi32>
          %sub3A_1295 = arith.constant 1597463007 : i32
          %sub3A_1296 = vector.broadcast %sub3A_1295 : i32 to vector<16xi32>
          %sub3A_1297 = arith.subi %sub3A_1296, %shift_right_arithmetic3A_1294 : vector<16xi32>
          %bitcast3A_1298 = vector.bitcast %sub3A_1297 : vector<16xi32> to vector<16xf32>
          %mul3A_1299 = vector.broadcast %scan3A : f32 to vector<16xf32>
          %mul3A_1300 = arith.mulf %add3A_1290, %mul3A_1299 : vector<16xf32>
          %mul3A_1301 = arith.mulf %mul3A_1300, %bitcast3A_1298 : vector<16xf32>
          %mul3A_1302 = arith.mulf %mul3A_1301, %bitcast3A_1298 : vector<16xf32>
          %sub3A_1303 = arith.constant 1.500000e+00 : f32
          %sub3A_1304 = vector.broadcast %sub3A_1303 : f32 to vector<16xf32>
          %sub3A_1305 = arith.subf %sub3A_1304, %mul3A_1302 : vector<16xf32>
          %mul3A_1306 = arith.mulf %bitcast3A_1298, %sub3A_1305 : vector<16xf32>
          %mul3A_1307 = arith.mulf %mul3A_1300, %mul3A_1306 : vector<16xf32>
          %mul3A_1308 = arith.mulf %mul3A_1307, %mul3A_1306 : vector<16xf32>
          %sub3A_1309 = arith.constant 1.500000e+00 : f32
          %sub3A_1310 = vector.broadcast %sub3A_1309 : f32 to vector<16xf32>
          %sub3A_1311 = arith.subf %sub3A_1310, %mul3A_1308 : vector<16xf32>
          %mul3A_1312 = arith.mulf %mul3A_1306, %sub3A_1311 : vector<16xf32>
          %mul3A_1313 = arith.mulf %mul3A_1300, %mul3A_1312 : vector<16xf32>
          %mul3A_1314 = arith.mulf %mul3A_1313, %mul3A_1312 : vector<16xf32>
          %sub3A_1315 = arith.constant 1.500000e+00 : f32
          %sub3A_1316 = vector.broadcast %sub3A_1315 : f32 to vector<16xf32>
          %sub3A_1317 = arith.subf %sub3A_1316, %mul3A_1314 : vector<16xf32>
          %mul3A_1318 = arith.mulf %mul3A_1312, %sub3A_1317 : vector<16xf32>
          %mul3A_1319 = arith.mulf %add3A_1290, %mul3A_1318 : vector<16xf32>
          %add3A_1320 = arith.constant 80 : i32
          %add3A_1321 = arith.addi %mul3A_513, %add3A_1320 : i32
          %swap3A_1322 = arith.index_cast %add3A_1321 : i32 to index
          %swap3A_1323 = tpu.vector_load %arg16[%swap3A_1322] {strides = array<i32>} : memref<1280xf32, #tpu.memory_space<vmem>>, vector<16xf32>,
          tpu.vector_store %arg16[%swap3A_1322], %mul3A_1319 {strides = array<i32>} : memref<1280xf32, #tpu.memory_space<vmem>>, vector<16xf32>,
          %add3A_1324 = arith.constant 80 : i32
          %add3A_1325 = arith.addi %mul3A_515, %add3A_1324 : i32
          %swap3A_1326 = arith.index_cast %add3A_1325 : i32 to index
          %swap3A_1327 = tpu.vector_load %arg18[%swap3A_1326] {strides = array<i32>} : memref<5120xf32, #tpu.memory_space<vmem>>, vector<16xf32>,
          tpu.vector_store %arg18[%swap3A_1326], %add3A_1266 {strides = array<i32>} : memref<5120xf32, #tpu.memory_space<vmem>>, vector<16xf32>,
          %add3A_1328 = arith.constant 128 : i32
          %add3A_1329 = arith.addi %mul3A_515, %add3A_1328 : i32
          %add3A_1330 = arith.constant 80 : i32
          %add3A_1331 = arith.addi %add3A_1329, %add3A_1330 : i32
          %swap3A_1332 = arith.index_cast %add3A_1331 : i32 to index
          %swap3A_1333 = tpu.vector_load %arg18[%swap3A_1332] {strides = array<i32>} : memref<5120xf32, #tpu.memory_space<vmem>>, vector<16xf32>,
          tpu.vector_store %arg18[%swap3A_1332], %add3A_1274 {strides = array<i32>} : memref<5120xf32, #tpu.memory_space<vmem>>, vector<16xf32>,
          %add3A_1334 = arith.constant 256 : i32
          %add3A_1335 = arith.addi %mul3A_515, %add3A_1334 : i32
          %add3A_1336 = arith.constant 80 : i32
          %add3A_1337 = arith.addi %add3A_1335, %add3A_1336 : i32
          %swap3A_1338 = arith.index_cast %add3A_1337 : i32 to index
          %swap3A_1339 = tpu.vector_load %arg18[%swap3A_1338] {strides = array<i32>} : memref<5120xf32, #tpu.memory_space<vmem>>, vector<16xf32>,
          tpu.vector_store %arg18[%swap3A_1338], %add3A_1282 {strides = array<i32>} : memref<5120xf32, #tpu.memory_space<vmem>>, vector<16xf32>,
          %add3A_1340 = arith.constant 96 : i32
          %add3A_1341 = arith.addi %mul3A_513, %add3A_1340 : i32
          %add3A_1342 = vector.broadcast %add3A_1341 : i32 to vector<16xi32>
          %add3A_1343 = arith.addi %iota3A, %add3A_1342 : vector<16xi32>
          %broadcast_in_dim3A_1344 = arith.constant 0 : i32
          %broadcast_in_dim3A_1345 = vector.broadcast %broadcast_in_dim3A_1344 : i32 to vector<16xi32>
          %add3A_1346 = arith.constant 1 : i32
          %add3A_1347 = vector.broadcast %add3A_1346 : i32 to vector<16xi32>
          %add3A_1348 = arith.addi %broadcast_in_dim3A_1345, %add3A_1347 : vector<16xi32>
          %add3A_1349 = arith.constant 2 : i32
          %add3A_1350 = vector.broadcast %add3A_1349 : i32 to vector<16xi32>
          %add3A_1351 = arith.addi %broadcast_in_dim3A_1345, %add3A_1350 : vector<16xi32>
          %gather3A_1352 = tpu.vector_load_idx %arg12[%add3A_1343, %broadcast_in_dim3A_1345] : memref<1280x8xf32, #tpu.memory_space<vmem>>[vector<16xi32>, vector<16xi32>], vector<16xf32>,
          %gather3A_1353 = tpu.vector_load_idx %arg12[%add3A_1343, %add3A_1348] : memref<1280x8xf32, #tpu.memory_space<vmem>>[vector<16xi32>, vector<16xi32>], vector<16xf32>,
          %gather3A_1354 = tpu.vector_load_idx %arg12[%add3A_1343, %add3A_1351] : memref<1280x8xf32, #tpu.memory_space<vmem>>[vector<16xi32>, vector<16xi32>], vector<16xf32>,
          %gather3A_1355 = tpu.vector_load_idx %arg14[%add3A_1343, %broadcast_in_dim3A_1345] : memref<1280x8xf32, #tpu.memory_space<vmem>>[vector<16xi32>, vector<16xi32>], vector<16xf32>,
          %gather3A_1356 = tpu.vector_load_idx %arg14[%add3A_1343, %add3A_1348] : memref<1280x8xf32, #tpu.memory_space<vmem>>[vector<16xi32>, vector<16xi32>], vector<16xf32>,
          %gather3A_1357 = tpu.vector_load_idx %arg14[%add3A_1343, %add3A_1351] : memref<1280x8xf32, #tpu.memory_space<vmem>>[vector<16xi32>, vector<16xi32>], vector<16xf32>,
          %sub3A_1358 = arith.subf %gather3A_1352, %gather3A_1355 : vector<16xf32>
          %gt3A_1359 = vector.broadcast %scan3A : f32 to vector<16xf32>
          %gt3A_1360 = arith.cmpf ogt, %sub3A_1358, %gt3A_1359 : vector<16xf32>
          %sub3A_1361 = vector.broadcast %scan3A_430 : f32 to vector<16xf32>
          %sub3A_1362 = arith.subf %sub3A_1358, %sub3A_1361 : vector<16xf32>
          %select_n3A_1363 = arith.select %gt3A_1360, %sub3A_1362, %sub3A_1358 : vector<16xi1>, vector<16xf32>
          %neg3A_1364 = arith.constant 0.000000e+00 : f32
          %neg3A_1365 = arith.subf %neg3A_1364, %scan3A : f32
          %lt3A_1366 = vector.broadcast %neg3A_1365 : f32 to vector<16xf32>
          %lt3A_1367 = arith.cmpf olt, %select_n3A_1363, %lt3A_1366 : vector<16xf32>
          %add3A_1368 = vector.broadcast %scan3A_430 : f32 to vector<16xf32>
          %add3A_1369 = arith.addf %select_n3A_1363, %add3A_1368 : vector<16xf32>
          %select_n3A_1370 = arith.select %lt3A_1367, %add3A_1369, %select_n3A_1363 : vector<16xi1>, vector<16xf32>
          %sub3A_1371 = arith.subf %gather3A_1353, %gather3A_1356 : vector<16xf32>
          %gt3A_1372 = vector.broadcast %scan3A : f32 to vector<16xf32>
          %gt3A_1373 = arith.cmpf ogt, %sub3A_1371, %gt3A_1372 : vector<16xf32>
          %sub3A_1374 = vector.broadcast %scan3A_430 : f32 to vector<16xf32>
          %sub3A_1375 = arith.subf %sub3A_1371, %sub3A_1374 : vector<16xf32>
          %select_n3A_1376 = arith.select %gt3A_1373, %sub3A_1375, %sub3A_1371 : vector<16xi1>, vector<16xf32>
          %neg3A_1377 = arith.constant 0.000000e+00 : f32
          %neg3A_1378 = arith.subf %neg3A_1377, %scan3A : f32
          %lt3A_1379 = vector.broadcast %neg3A_1378 : f32 to vector<16xf32>
          %lt3A_1380 = arith.cmpf olt, %select_n3A_1376, %lt3A_1379 : vector<16xf32>
          %add3A_1381 = vector.broadcast %scan3A_430 : f32 to vector<16xf32>
          %add3A_1382 = arith.addf %select_n3A_1376, %add3A_1381 : vector<16xf32>
          %select_n3A_1383 = arith.select %lt3A_1380, %add3A_1382, %select_n3A_1376 : vector<16xi1>, vector<16xf32>
          %sub3A_1384 = arith.subf %gather3A_1354, %gather3A_1357 : vector<16xf32>
          %gt3A_1385 = vector.broadcast %scan3A : f32 to vector<16xf32>
          %gt3A_1386 = arith.cmpf ogt, %sub3A_1384, %gt3A_1385 : vector<16xf32>
          %sub3A_1387 = vector.broadcast %scan3A_430 : f32 to vector<16xf32>
          %sub3A_1388 = arith.subf %sub3A_1384, %sub3A_1387 : vector<16xf32>
          %select_n3A_1389 = arith.select %gt3A_1386, %sub3A_1388, %sub3A_1384 : vector<16xi1>, vector<16xf32>
          %neg3A_1390 = arith.constant 0.000000e+00 : f32
          %neg3A_1391 = arith.subf %neg3A_1390, %scan3A : f32
          %lt3A_1392 = vector.broadcast %neg3A_1391 : f32 to vector<16xf32>
          %lt3A_1393 = arith.cmpf olt, %select_n3A_1389, %lt3A_1392 : vector<16xf32>
          %add3A_1394 = vector.broadcast %scan3A_430 : f32 to vector<16xf32>
          %add3A_1395 = arith.addf %select_n3A_1389, %add3A_1394 : vector<16xf32>
          %select_n3A_1396 = arith.select %lt3A_1393, %add3A_1395, %select_n3A_1389 : vector<16xi1>, vector<16xf32>
          %mul3A_1397 = vector.broadcast %squeeze3A : f32 to vector<16xf32>
          %mul3A_1398 = arith.mulf %select_n3A_1370, %mul3A_1397 : vector<16xf32>
          %mul3A_1399 = vector.broadcast %squeeze3A_70 : f32 to vector<16xf32>
          %mul3A_1400 = arith.mulf %select_n3A_1383, %mul3A_1399 : vector<16xf32>
          %add3A_1401 = arith.addf %mul3A_1398, %mul3A_1400 : vector<16xf32>
          %mul3A_1402 = vector.broadcast %squeeze3A_76 : f32 to vector<16xf32>
          %mul3A_1403 = arith.mulf %select_n3A_1396, %mul3A_1402 : vector<16xf32>
          %add3A_1404 = arith.addf %add3A_1401, %mul3A_1403 : vector<16xf32>
          %mul3A_1405 = vector.broadcast %squeeze3A_66 : f32 to vector<16xf32>
          %mul3A_1406 = arith.mulf %select_n3A_1370, %mul3A_1405 : vector<16xf32>
          %mul3A_1407 = vector.broadcast %squeeze3A_72 : f32 to vector<16xf32>
          %mul3A_1408 = arith.mulf %select_n3A_1383, %mul3A_1407 : vector<16xf32>
          %add3A_1409 = arith.addf %mul3A_1406, %mul3A_1408 : vector<16xf32>
          %mul3A_1410 = vector.broadcast %squeeze3A_78 : f32 to vector<16xf32>
          %mul3A_1411 = arith.mulf %select_n3A_1396, %mul3A_1410 : vector<16xf32>
          %add3A_1412 = arith.addf %add3A_1409, %mul3A_1411 : vector<16xf32>
          %mul3A_1413 = vector.broadcast %squeeze3A_68 : f32 to vector<16xf32>
          %mul3A_1414 = arith.mulf %select_n3A_1370, %mul3A_1413 : vector<16xf32>
          %mul3A_1415 = vector.broadcast %squeeze3A_74 : f32 to vector<16xf32>
          %mul3A_1416 = arith.mulf %select_n3A_1383, %mul3A_1415 : vector<16xf32>
          %add3A_1417 = arith.addf %mul3A_1414, %mul3A_1416 : vector<16xf32>
          %mul3A_1418 = vector.broadcast %squeeze3A_80 : f32 to vector<16xf32>
          %mul3A_1419 = arith.mulf %select_n3A_1396, %mul3A_1418 : vector<16xf32>
          %add3A_1420 = arith.addf %add3A_1417, %mul3A_1419 : vector<16xf32>
          %mul3A_1421 = arith.mulf %add3A_1404, %add3A_1404 : vector<16xf32>
          %mul3A_1422 = arith.mulf %add3A_1412, %add3A_1412 : vector<16xf32>
          %add3A_1423 = arith.addf %mul3A_1421, %mul3A_1422 : vector<16xf32>
          %mul3A_1424 = arith.mulf %add3A_1420, %add3A_1420 : vector<16xf32>
          %add3A_1425 = arith.addf %add3A_1423, %mul3A_1424 : vector<16xf32>
          %add3A_1426 = arith.constant 9.99999993E-9 : f32
          %add3A_1427 = vector.broadcast %add3A_1426 : f32 to vector<16xf32>
          %add3A_1428 = arith.addf %add3A_1425, %add3A_1427 : vector<16xf32>
          %bitcast3A_1429 = vector.bitcast %add3A_1428 : vector<16xf32> to vector<16xi32>
          %shift_right_arithmetic3A_1430 = arith.constant 1 : i32
          %shift_right_arithmetic3A_1431 = vector.broadcast %shift_right_arithmetic3A_1430 : i32 to vector<16xi32>
          %shift_right_arithmetic3A_1432 = arith.shrsi %bitcast3A_1429, %shift_right_arithmetic3A_1431 : vector<16xi32>
          %sub3A_1433 = arith.constant 1597463007 : i32
          %sub3A_1434 = vector.broadcast %sub3A_1433 : i32 to vector<16xi32>
          %sub3A_1435 = arith.subi %sub3A_1434, %shift_right_arithmetic3A_1432 : vector<16xi32>
          %bitcast3A_1436 = vector.bitcast %sub3A_1435 : vector<16xi32> to vector<16xf32>
          %mul3A_1437 = vector.broadcast %scan3A : f32 to vector<16xf32>
          %mul3A_1438 = arith.mulf %add3A_1428, %mul3A_1437 : vector<16xf32>
          %mul3A_1439 = arith.mulf %mul3A_1438, %bitcast3A_1436 : vector<16xf32>
          %mul3A_1440 = arith.mulf %mul3A_1439, %bitcast3A_1436 : vector<16xf32>
          %sub3A_1441 = arith.constant 1.500000e+00 : f32
          %sub3A_1442 = vector.broadcast %sub3A_1441 : f32 to vector<16xf32>
          %sub3A_1443 = arith.subf %sub3A_1442, %mul3A_1440 : vector<16xf32>
          %mul3A_1444 = arith.mulf %bitcast3A_1436, %sub3A_1443 : vector<16xf32>
          %mul3A_1445 = arith.mulf %mul3A_1438, %mul3A_1444 : vector<16xf32>
          %mul3A_1446 = arith.mulf %mul3A_1445, %mul3A_1444 : vector<16xf32>
          %sub3A_1447 = arith.constant 1.500000e+00 : f32
          %sub3A_1448 = vector.broadcast %sub3A_1447 : f32 to vector<16xf32>
          %sub3A_1449 = arith.subf %sub3A_1448, %mul3A_1446 : vector<16xf32>
          %mul3A_1450 = arith.mulf %mul3A_1444, %sub3A_1449 : vector<16xf32>
          %mul3A_1451 = arith.mulf %mul3A_1438, %mul3A_1450 : vector<16xf32>
          %mul3A_1452 = arith.mulf %mul3A_1451, %mul3A_1450 : vector<16xf32>
          %sub3A_1453 = arith.constant 1.500000e+00 : f32
          %sub3A_1454 = vector.broadcast %sub3A_1453 : f32 to vector<16xf32>
          %sub3A_1455 = arith.subf %sub3A_1454, %mul3A_1452 : vector<16xf32>
          %mul3A_1456 = arith.mulf %mul3A_1450, %sub3A_1455 : vector<16xf32>
          %mul3A_1457 = arith.mulf %add3A_1428, %mul3A_1456 : vector<16xf32>
          %add3A_1458 = arith.constant 96 : i32
          %add3A_1459 = arith.addi %mul3A_513, %add3A_1458 : i32
          %swap3A_1460 = arith.index_cast %add3A_1459 : i32 to index
          %swap3A_1461 = tpu.vector_load %arg16[%swap3A_1460] {strides = array<i32>} : memref<1280xf32, #tpu.memory_space<vmem>>, vector<16xf32>,
          tpu.vector_store %arg16[%swap3A_1460], %mul3A_1457 {strides = array<i32>} : memref<1280xf32, #tpu.memory_space<vmem>>, vector<16xf32>,
          %add3A_1462 = arith.constant 96 : i32
          %add3A_1463 = arith.addi %mul3A_515, %add3A_1462 : i32
          %swap3A_1464 = arith.index_cast %add3A_1463 : i32 to index
          %swap3A_1465 = tpu.vector_load %arg18[%swap3A_1464] {strides = array<i32>} : memref<5120xf32, #tpu.memory_space<vmem>>, vector<16xf32>,
          tpu.vector_store %arg18[%swap3A_1464], %add3A_1404 {strides = array<i32>} : memref<5120xf32, #tpu.memory_space<vmem>>, vector<16xf32>,
          %add3A_1466 = arith.constant 128 : i32
          %add3A_1467 = arith.addi %mul3A_515, %add3A_1466 : i32
          %add3A_1468 = arith.constant 96 : i32
          %add3A_1469 = arith.addi %add3A_1467, %add3A_1468 : i32
          %swap3A_1470 = arith.index_cast %add3A_1469 : i32 to index
          %swap3A_1471 = tpu.vector_load %arg18[%swap3A_1470] {strides = array<i32>} : memref<5120xf32, #tpu.memory_space<vmem>>, vector<16xf32>,
          tpu.vector_store %arg18[%swap3A_1470], %add3A_1412 {strides = array<i32>} : memref<5120xf32, #tpu.memory_space<vmem>>, vector<16xf32>,
          %add3A_1472 = arith.constant 256 : i32
          %add3A_1473 = arith.addi %mul3A_515, %add3A_1472 : i32
          %add3A_1474 = arith.constant 96 : i32
          %add3A_1475 = arith.addi %add3A_1473, %add3A_1474 : i32
          %swap3A_1476 = arith.index_cast %add3A_1475 : i32 to index
          %swap3A_1477 = tpu.vector_load %arg18[%swap3A_1476] {strides = array<i32>} : memref<5120xf32, #tpu.memory_space<vmem>>, vector<16xf32>,
          tpu.vector_store %arg18[%swap3A_1476], %add3A_1420 {strides = array<i32>} : memref<5120xf32, #tpu.memory_space<vmem>>, vector<16xf32>,
          %add3A_1478 = arith.constant 112 : i32
          %add3A_1479 = arith.addi %mul3A_513, %add3A_1478 : i32
          %add3A_1480 = vector.broadcast %add3A_1479 : i32 to vector<16xi32>
          %add3A_1481 = arith.addi %iota3A, %add3A_1480 : vector<16xi32>
          %broadcast_in_dim3A_1482 = arith.constant 0 : i32
          %broadcast_in_dim3A_1483 = vector.broadcast %broadcast_in_dim3A_1482 : i32 to vector<16xi32>
          %add3A_1484 = arith.constant 1 : i32
          %add3A_1485 = vector.broadcast %add3A_1484 : i32 to vector<16xi32>
          %add3A_1486 = arith.addi %broadcast_in_dim3A_1483, %add3A_1485 : vector<16xi32>
          %add3A_1487 = arith.constant 2 : i32
          %add3A_1488 = vector.broadcast %add3A_1487 : i32 to vector<16xi32>
          %add3A_1489 = arith.addi %broadcast_in_dim3A_1483, %add3A_1488 : vector<16xi32>
          %gather3A_1490 = tpu.vector_load_idx %arg12[%add3A_1481, %broadcast_in_dim3A_1483] : memref<1280x8xf32, #tpu.memory_space<vmem>>[vector<16xi32>, vector<16xi32>], vector<16xf32>,
          %gather3A_1491 = tpu.vector_load_idx %arg12[%add3A_1481, %add3A_1486] : memref<1280x8xf32, #tpu.memory_space<vmem>>[vector<16xi32>, vector<16xi32>], vector<16xf32>,
          %gather3A_1492 = tpu.vector_load_idx %arg12[%add3A_1481, %add3A_1489] : memref<1280x8xf32, #tpu.memory_space<vmem>>[vector<16xi32>, vector<16xi32>], vector<16xf32>,
          %gather3A_1493 = tpu.vector_load_idx %arg14[%add3A_1481, %broadcast_in_dim3A_1483] : memref<1280x8xf32, #tpu.memory_space<vmem>>[vector<16xi32>, vector<16xi32>], vector<16xf32>,
          %gather3A_1494 = tpu.vector_load_idx %arg14[%add3A_1481, %add3A_1486] : memref<1280x8xf32, #tpu.memory_space<vmem>>[vector<16xi32>, vector<16xi32>], vector<16xf32>,
          %gather3A_1495 = tpu.vector_load_idx %arg14[%add3A_1481, %add3A_1489] : memref<1280x8xf32, #tpu.memory_space<vmem>>[vector<16xi32>, vector<16xi32>], vector<16xf32>,
          %sub3A_1496 = arith.subf %gather3A_1490, %gather3A_1493 : vector<16xf32>
          %gt3A_1497 = vector.broadcast %scan3A : f32 to vector<16xf32>
          %gt3A_1498 = arith.cmpf ogt, %sub3A_1496, %gt3A_1497 : vector<16xf32>
          %sub3A_1499 = vector.broadcast %scan3A_430 : f32 to vector<16xf32>
          %sub3A_1500 = arith.subf %sub3A_1496, %sub3A_1499 : vector<16xf32>
          %select_n3A_1501 = arith.select %gt3A_1498, %sub3A_1500, %sub3A_1496 : vector<16xi1>, vector<16xf32>
          %neg3A_1502 = arith.constant 0.000000e+00 : f32
          %neg3A_1503 = arith.subf %neg3A_1502, %scan3A : f32
          %lt3A_1504 = vector.broadcast %neg3A_1503 : f32 to vector<16xf32>
          %lt3A_1505 = arith.cmpf olt, %select_n3A_1501, %lt3A_1504 : vector<16xf32>
          %add3A_1506 = vector.broadcast %scan3A_430 : f32 to vector<16xf32>
          %add3A_1507 = arith.addf %select_n3A_1501, %add3A_1506 : vector<16xf32>
          %select_n3A_1508 = arith.select %lt3A_1505, %add3A_1507, %select_n3A_1501 : vector<16xi1>, vector<16xf32>
          %sub3A_1509 = arith.subf %gather3A_1491, %gather3A_1494 : vector<16xf32>
          %gt3A_1510 = vector.broadcast %scan3A : f32 to vector<16xf32>
          %gt3A_1511 = arith.cmpf ogt, %sub3A_1509, %gt3A_1510 : vector<16xf32>
          %sub3A_1512 = vector.broadcast %scan3A_430 : f32 to vector<16xf32>
          %sub3A_1513 = arith.subf %sub3A_1509, %sub3A_1512 : vector<16xf32>
          %select_n3A_1514 = arith.select %gt3A_1511, %sub3A_1513, %sub3A_1509 : vector<16xi1>, vector<16xf32>
          %neg3A_1515 = arith.constant 0.000000e+00 : f32
          %neg3A_1516 = arith.subf %neg3A_1515, %scan3A : f32
          %lt3A_1517 = vector.broadcast %neg3A_1516 : f32 to vector<16xf32>
          %lt3A_1518 = arith.cmpf olt, %select_n3A_1514, %lt3A_1517 : vector<16xf32>
          %add3A_1519 = vector.broadcast %scan3A_430 : f32 to vector<16xf32>
          %add3A_1520 = arith.addf %select_n3A_1514, %add3A_1519 : vector<16xf32>
          %select_n3A_1521 = arith.select %lt3A_1518, %add3A_1520, %select_n3A_1514 : vector<16xi1>, vector<16xf32>
          %sub3A_1522 = arith.subf %gather3A_1492, %gather3A_1495 : vector<16xf32>
          %gt3A_1523 = vector.broadcast %scan3A : f32 to vector<16xf32>
          %gt3A_1524 = arith.cmpf ogt, %sub3A_1522, %gt3A_1523 : vector<16xf32>
          %sub3A_1525 = vector.broadcast %scan3A_430 : f32 to vector<16xf32>
          %sub3A_1526 = arith.subf %sub3A_1522, %sub3A_1525 : vector<16xf32>
          %select_n3A_1527 = arith.select %gt3A_1524, %sub3A_1526, %sub3A_1522 : vector<16xi1>, vector<16xf32>
          %neg3A_1528 = arith.constant 0.000000e+00 : f32
          %neg3A_1529 = arith.subf %neg3A_1528, %scan3A : f32
          %lt3A_1530 = vector.broadcast %neg3A_1529 : f32 to vector<16xf32>
          %lt3A_1531 = arith.cmpf olt, %select_n3A_1527, %lt3A_1530 : vector<16xf32>
          %add3A_1532 = vector.broadcast %scan3A_430 : f32 to vector<16xf32>
          %add3A_1533 = arith.addf %select_n3A_1527, %add3A_1532 : vector<16xf32>
          %select_n3A_1534 = arith.select %lt3A_1531, %add3A_1533, %select_n3A_1527 : vector<16xi1>, vector<16xf32>
          %mul3A_1535 = vector.broadcast %squeeze3A : f32 to vector<16xf32>
          %mul3A_1536 = arith.mulf %select_n3A_1508, %mul3A_1535 : vector<16xf32>
          %mul3A_1537 = vector.broadcast %squeeze3A_70 : f32 to vector<16xf32>
          %mul3A_1538 = arith.mulf %select_n3A_1521, %mul3A_1537 : vector<16xf32>
          %add3A_1539 = arith.addf %mul3A_1536, %mul3A_1538 : vector<16xf32>
          %mul3A_1540 = vector.broadcast %squeeze3A_76 : f32 to vector<16xf32>
          %mul3A_1541 = arith.mulf %select_n3A_1534, %mul3A_1540 : vector<16xf32>
          %add3A_1542 = arith.addf %add3A_1539, %mul3A_1541 : vector<16xf32>
          %mul3A_1543 = vector.broadcast %squeeze3A_66 : f32 to vector<16xf32>
          %mul3A_1544 = arith.mulf %select_n3A_1508, %mul3A_1543 : vector<16xf32>
          %mul3A_1545 = vector.broadcast %squeeze3A_72 : f32 to vector<16xf32>
          %mul3A_1546 = arith.mulf %select_n3A_1521, %mul3A_1545 : vector<16xf32>
          %add3A_1547 = arith.addf %mul3A_1544, %mul3A_1546 : vector<16xf32>
          %mul3A_1548 = vector.broadcast %squeeze3A_78 : f32 to vector<16xf32>
          %mul3A_1549 = arith.mulf %select_n3A_1534, %mul3A_1548 : vector<16xf32>
          %add3A_1550 = arith.addf %add3A_1547, %mul3A_1549 : vector<16xf32>
          %mul3A_1551 = vector.broadcast %squeeze3A_68 : f32 to vector<16xf32>
          %mul3A_1552 = arith.mulf %select_n3A_1508, %mul3A_1551 : vector<16xf32>
          %mul3A_1553 = vector.broadcast %squeeze3A_74 : f32 to vector<16xf32>
          %mul3A_1554 = arith.mulf %select_n3A_1521, %mul3A_1553 : vector<16xf32>
          %add3A_1555 = arith.addf %mul3A_1552, %mul3A_1554 : vector<16xf32>
          %mul3A_1556 = vector.broadcast %squeeze3A_80 : f32 to vector<16xf32>
          %mul3A_1557 = arith.mulf %select_n3A_1534, %mul3A_1556 : vector<16xf32>
          %add3A_1558 = arith.addf %add3A_1555, %mul3A_1557 : vector<16xf32>
          %mul3A_1559 = arith.mulf %add3A_1542, %add3A_1542 : vector<16xf32>
          %mul3A_1560 = arith.mulf %add3A_1550, %add3A_1550 : vector<16xf32>
          %add3A_1561 = arith.addf %mul3A_1559, %mul3A_1560 : vector<16xf32>
          %mul3A_1562 = arith.mulf %add3A_1558, %add3A_1558 : vector<16xf32>
          %add3A_1563 = arith.addf %add3A_1561, %mul3A_1562 : vector<16xf32>
          %add3A_1564 = arith.constant 9.99999993E-9 : f32
          %add3A_1565 = vector.broadcast %add3A_1564 : f32 to vector<16xf32>
          %add3A_1566 = arith.addf %add3A_1563, %add3A_1565 : vector<16xf32>
          %bitcast3A_1567 = vector.bitcast %add3A_1566 : vector<16xf32> to vector<16xi32>
          %shift_right_arithmetic3A_1568 = arith.constant 1 : i32
          %shift_right_arithmetic3A_1569 = vector.broadcast %shift_right_arithmetic3A_1568 : i32 to vector<16xi32>
          %shift_right_arithmetic3A_1570 = arith.shrsi %bitcast3A_1567, %shift_right_arithmetic3A_1569 : vector<16xi32>
          %sub3A_1571 = arith.constant 1597463007 : i32
          %sub3A_1572 = vector.broadcast %sub3A_1571 : i32 to vector<16xi32>
          %sub3A_1573 = arith.subi %sub3A_1572, %shift_right_arithmetic3A_1570 : vector<16xi32>
          %bitcast3A_1574 = vector.bitcast %sub3A_1573 : vector<16xi32> to vector<16xf32>
          %mul3A_1575 = vector.broadcast %scan3A : f32 to vector<16xf32>
          %mul3A_1576 = arith.mulf %add3A_1566, %mul3A_1575 : vector<16xf32>
          %mul3A_1577 = arith.mulf %mul3A_1576, %bitcast3A_1574 : vector<16xf32>
          %mul3A_1578 = arith.mulf %mul3A_1577, %bitcast3A_1574 : vector<16xf32>
          %sub3A_1579 = arith.constant 1.500000e+00 : f32
          %sub3A_1580 = vector.broadcast %sub3A_1579 : f32 to vector<16xf32>
          %sub3A_1581 = arith.subf %sub3A_1580, %mul3A_1578 : vector<16xf32>
          %mul3A_1582 = arith.mulf %bitcast3A_1574, %sub3A_1581 : vector<16xf32>
          %mul3A_1583 = arith.mulf %mul3A_1576, %mul3A_1582 : vector<16xf32>
          %mul3A_1584 = arith.mulf %mul3A_1583, %mul3A_1582 : vector<16xf32>
          %sub3A_1585 = arith.constant 1.500000e+00 : f32
          %sub3A_1586 = vector.broadcast %sub3A_1585 : f32 to vector<16xf32>
          %sub3A_1587 = arith.subf %sub3A_1586, %mul3A_1584 : vector<16xf32>
          %mul3A_1588 = arith.mulf %mul3A_1582, %sub3A_1587 : vector<16xf32>
          %mul3A_1589 = arith.mulf %mul3A_1576, %mul3A_1588 : vector<16xf32>
          %mul3A_1590 = arith.mulf %mul3A_1589, %mul3A_1588 : vector<16xf32>
          %sub3A_1591 = arith.constant 1.500000e+00 : f32
          %sub3A_1592 = vector.broadcast %sub3A_1591 : f32 to vector<16xf32>
          %sub3A_1593 = arith.subf %sub3A_1592, %mul3A_1590 : vector<16xf32>
          %mul3A_1594 = arith.mulf %mul3A_1588, %sub3A_1593 : vector<16xf32>
          %mul3A_1595 = arith.mulf %add3A_1566, %mul3A_1594 : vector<16xf32>
          %add3A_1596 = arith.constant 112 : i32
          %add3A_1597 = arith.addi %mul3A_513, %add3A_1596 : i32
          %swap3A_1598 = arith.index_cast %add3A_1597 : i32 to index
          %swap3A_1599 = tpu.vector_load %arg16[%swap3A_1598] {strides = array<i32>} : memref<1280xf32, #tpu.memory_space<vmem>>, vector<16xf32>,
          tpu.vector_store %arg16[%swap3A_1598], %mul3A_1595 {strides = array<i32>} : memref<1280xf32, #tpu.memory_space<vmem>>, vector<16xf32>,
          %add3A_1600 = arith.constant 112 : i32
          %add3A_1601 = arith.addi %mul3A_515, %add3A_1600 : i32
          %swap3A_1602 = arith.index_cast %add3A_1601 : i32 to index
          %swap3A_1603 = tpu.vector_load %arg18[%swap3A_1602] {strides = array<i32>} : memref<5120xf32, #tpu.memory_space<vmem>>, vector<16xf32>,
          tpu.vector_store %arg18[%swap3A_1602], %add3A_1542 {strides = array<i32>} : memref<5120xf32, #tpu.memory_space<vmem>>, vector<16xf32>,
          %add3A_1604 = arith.constant 128 : i32
          %add3A_1605 = arith.addi %mul3A_515, %add3A_1604 : i32
          %add3A_1606 = arith.constant 112 : i32
          %add3A_1607 = arith.addi %add3A_1605, %add3A_1606 : i32
          %swap3A_1608 = arith.index_cast %add3A_1607 : i32 to index
          %swap3A_1609 = tpu.vector_load %arg18[%swap3A_1608] {strides = array<i32>} : memref<5120xf32, #tpu.memory_space<vmem>>, vector<16xf32>,
          tpu.vector_store %arg18[%swap3A_1608], %add3A_1550 {strides = array<i32>} : memref<5120xf32, #tpu.memory_space<vmem>>, vector<16xf32>,
          %add3A_1610 = arith.constant 256 : i32
          %add3A_1611 = arith.addi %mul3A_515, %add3A_1610 : i32
          %add3A_1612 = arith.constant 112 : i32
          %add3A_1613 = arith.addi %add3A_1611, %add3A_1612 : i32
          %swap3A_1614 = arith.index_cast %add3A_1613 : i32 to index
          %swap3A_1615 = tpu.vector_load %arg18[%swap3A_1614] {strides = array<i32>} : memref<5120xf32, #tpu.memory_space<vmem>>, vector<16xf32>,
          tpu.vector_store %arg18[%swap3A_1614], %add3A_1558 {strides = array<i32>} : memref<5120xf32, #tpu.memory_space<vmem>>, vector<16xf32>,
        }
        %scan3A_495 = arith.constant 10 : i32
        %mul3A_496 = arith.constant 32 : i32
        %mul3A_497 = arith.muli %mul3A_496, %add3A_458 : i32
        %add3A_498 = arith.addi %add3A, %mul3A_497 : i32
        %mul3A_499 = arith.constant 1280 : i32
        %mul3A_500 = arith.muli %add3A_498, %mul3A_499 : i32
        %dma_start3A_501 = tpu.memref_slice %arg6[%mul3A_500] : memref<6400000xf32, #tpu.memory_space<hbm>> -> memref<1280xf32, #tpu.memory_space<hbm>>
        %dma_start3A_502 = tpu.memref_slice %arg6[%mul3A_500] : memref<6400000xf32, #tpu.memory_space<hbm>> -> memref<1280xf32, #tpu.memory_space<hbm>>
        tpu.enqueue_dma source(%arg16 : memref<1280xf32, #tpu.memory_space<vmem>>) target(%dma_start3A_502 : memref<1280xf32, #tpu.memory_space<hbm>>) target_semaphore(%arg26 : memref<!tpu.dma_semaphore, #tpu.memory_space<semaphore_mem>>)
        %mul3A_503 = arith.constant 4 : i32
        %mul3A_504 = arith.muli %mul3A_500, %mul3A_503 : i32
        %dma_start3A_505 = tpu.memref_slice %arg7[%mul3A_504] : memref<25600000xf32, #tpu.memory_space<hbm>> -> memref<5120xf32, #tpu.memory_space<hbm>>
        %dma_start3A_506 = tpu.memref_slice %arg7[%mul3A_504] : memref<25600000xf32, #tpu.memory_space<hbm>> -> memref<5120xf32, #tpu.memory_space<hbm>>
        tpu.enqueue_dma source(%arg18 : memref<5120xf32, #tpu.memory_space<vmem>>) target(%dma_start3A_506 : memref<5120xf32, #tpu.memory_space<hbm>>) target_semaphore(%arg26 : memref<!tpu.dma_semaphore, #tpu.memory_space<semaphore_mem>>)
      } else {
      }
      %add3A_463 = arith.constant 1 : i32
      %add3A_464 = arith.addi %add3A_456, %add3A_463 : i32
      %lt3A_465 = arith.cmpi slt, %add3A_464, %add3A_4 : i32
      %convert_element_type3A_466 = arith.extui %lt3A_465 : i1 to i32
      %cond3A_467 = arith.constant 0 : i32
      %cond3A_468 = arith.cmpi ne, %convert_element_type3A_466, %cond3A_467 : i32
      scf.if %cond3A_468 {
        %add3A_469 = arith.constant 1 : i32
        %add3A_470 = arith.addi %add3A_464, %add3A_469 : i32
        %lt3A_471 = arith.cmpi slt, %add3A_470, %add3A_4 : i32
        %convert_element_type3A_472 = arith.extui %lt3A_471 : i1 to i32
        %cond3A_473 = arith.constant 0 : i32
        %cond3A_474 = arith.cmpi ne, %convert_element_type3A_472, %cond3A_473 : i32
        scf.if %cond3A_474 {
          %dma_wait3A_507 = arith.constant 0 : i32
          %dma_wait3A_508 = tpu.memref_slice %arg3[%dma_wait3A_507] : memref<6400000xi32, #tpu.memory_space<hbm>> -> memref<1280xi32, #tpu.memory_space<hbm>>
          %dma_wait3A_509 = arith.constant 0 : i32
          %dma_wait3A_510 = tpu.memref_slice %arg3[%dma_wait3A_509] : memref<6400000xi32, #tpu.memory_space<hbm>> -> memref<1280xi32, #tpu.memory_space<hbm>>
          tpu.wait_dma2 semaphore(%arg22 : memref<!tpu.dma_semaphore, #tpu.memory_space<semaphore_mem>>) src(%dma_wait3A_510 : memref<1280xi32, #tpu.memory_space<hbm>>) dst(%arg8 : memref<1280xi32, #tpu.memory_space<vmem>>)
          %dma_wait3A_511 = arith.constant 0 : i32
          %dma_wait3A_512 = tpu.memref_slice %arg4[%dma_wait3A_511] : memref<6400000xi32, #tpu.memory_space<hbm>> -> memref<1280xi32, #tpu.memory_space<hbm>>
          %dma_wait3A_513 = arith.constant 0 : i32
          %dma_wait3A_514 = tpu.memref_slice %arg4[%dma_wait3A_513] : memref<6400000xi32, #tpu.memory_space<hbm>> -> memref<1280xi32, #tpu.memory_space<hbm>>
          tpu.wait_dma2 semaphore(%arg22 : memref<!tpu.dma_semaphore, #tpu.memory_space<semaphore_mem>>) src(%dma_wait3A_514 : memref<1280xi32, #tpu.memory_space<hbm>>) dst(%arg10 : memref<1280xi32, #tpu.memory_space<vmem>>)
          %dma_start3A_515 = arith.constant 0 : i32
          %dma_start3A_516 = arith.constant 0 : i32
          %dma_start3A_517 = tpu.memref_slice %arg21[%dma_start3A_515, %dma_start3A_516] : memref<100000x8xf32, #tpu.memory_space<vmem_shared>> -> memref<100000x8xf32, #tpu.memory_space<vmem_shared>>
          tpu.enqueue_indirect_dma source(%dma_start3A_517 : memref<100000x8xf32, #tpu.memory_space<vmem_shared>>) target(%arg12 : memref<1280x8xf32, #tpu.memory_space<vmem>>) offsets(%arg8 : memref<1280xi32, #tpu.memory_space<vmem>>) semaphore(%arg24 : memref<!tpu.dma_semaphore, #tpu.memory_space<semaphore_mem>>)
          %dma_start3A_518 = arith.constant 0 : i32
          %dma_start3A_519 = arith.constant 0 : i32
          %dma_start3A_520 = tpu.memref_slice %arg21[%dma_start3A_518, %dma_start3A_519] : memref<100000x8xf32, #tpu.memory_space<vmem_shared>> -> memref<100000x8xf32, #tpu.memory_space<vmem_shared>>
          tpu.enqueue_indirect_dma source(%dma_start3A_520 : memref<100000x8xf32, #tpu.memory_space<vmem_shared>>) target(%arg14 : memref<1280x8xf32, #tpu.memory_space<vmem>>) offsets(%arg10 : memref<1280xi32, #tpu.memory_space<vmem>>) semaphore(%arg24 : memref<!tpu.dma_semaphore, #tpu.memory_space<semaphore_mem>>)
        } else {
        }
        %dma_wait3A_475 = arith.constant 0 : i32
        %dma_wait3A_476 = arith.constant 0 : i32
        %dma_wait3A_477 = tpu.memref_slice %arg21[%dma_wait3A_475, %dma_wait3A_476] : memref<100000x8xf32, #tpu.memory_space<vmem_shared>> -> memref<100000x8xf32, #tpu.memory_space<vmem_shared>>
        tpu.wait_indirect_dma semaphore(%arg25 : memref<!tpu.dma_semaphore, #tpu.memory_space<semaphore_mem>>) src(%dma_wait3A_477 : memref<100000x8xf32, #tpu.memory_space<vmem_shared>>) dst(%arg13 : memref<1280x8xf32, #tpu.memory_space<vmem>>)
        %dma_wait3A_478 = arith.constant 0 : i32
        %dma_wait3A_479 = arith.constant 0 : i32
        %dma_wait3A_480 = tpu.memref_slice %arg21[%dma_wait3A_478, %dma_wait3A_479] : memref<100000x8xf32, #tpu.memory_space<vmem_shared>> -> memref<100000x8xf32, #tpu.memory_space<vmem_shared>>
        tpu.wait_indirect_dma semaphore(%arg25 : memref<!tpu.dma_semaphore, #tpu.memory_space<semaphore_mem>>) src(%dma_wait3A_480 : memref<100000x8xf32, #tpu.memory_space<vmem_shared>>) dst(%arg15 : memref<1280x8xf32, #tpu.memory_space<vmem>>)
        %add3A_481 = arith.constant 2 : i32
        %add3A_482 = arith.addi %add3A_464, %add3A_481 : i32
        %lt3A_483 = arith.cmpi slt, %add3A_482, %add3A_4 : i32
        %convert_element_type3A_484 = arith.extui %lt3A_483 : i1 to i32
        %cond3A_485 = arith.constant 0 : i32
        %cond3A_486 = arith.cmpi ne, %convert_element_type3A_484, %cond3A_485 : i32
        scf.if %cond3A_486 {
          %add3A_507 = arith.constant 2 : i32
          %add3A_508 = arith.addi %add3A_464, %add3A_507 : i32
          %mul3A_509 = arith.constant 32 : i32
          %mul3A_510 = arith.muli %mul3A_509, %add3A_508 : i32
          %add3A_511 = arith.addi %add3A, %mul3A_510 : i32
          %mul3A_512 = arith.constant 1280 : i32
          %mul3A_513 = arith.muli %add3A_511, %mul3A_512 : i32
          %dma_start3A_514 = tpu.memref_slice %arg3[%mul3A_513] : memref<6400000xi32, #tpu.memory_space<hbm>> -> memref<1280xi32, #tpu.memory_space<hbm>>
          %dma_start3A_515 = tpu.memref_slice %arg3[%mul3A_513] : memref<6400000xi32, #tpu.memory_space<hbm>> -> memref<1280xi32, #tpu.memory_space<hbm>>
          tpu.enqueue_dma source(%dma_start3A_515 : memref<1280xi32, #tpu.memory_space<hbm>>) target(%arg9 : memref<1280xi32, #tpu.memory_space<vmem>>) target_semaphore(%arg23 : memref<!tpu.dma_semaphore, #tpu.memory_space<semaphore_mem>>)
          %dma_start3A_516 = tpu.memref_slice %arg4[%mul3A_513] : memref<6400000xi32, #tpu.memory_space<hbm>> -> memref<1280xi32, #tpu.memory_space<hbm>>
          %dma_start3A_517 = tpu.memref_slice %arg4[%mul3A_513] : memref<6400000xi32, #tpu.memory_space<hbm>> -> memref<1280xi32, #tpu.memory_space<hbm>>
          tpu.enqueue_dma source(%dma_start3A_517 : memref<1280xi32, #tpu.memory_space<hbm>>) target(%arg11 : memref<1280xi32, #tpu.memory_space<vmem>>) target_semaphore(%arg23 : memref<!tpu.dma_semaphore, #tpu.memory_space<semaphore_mem>>)
        } else {
        }
        %ge3A = arith.constant 2 : i32
        %ge3A_487 = arith.cmpi sge, %add3A_464, %ge3A : i32
        %convert_element_type3A_488 = arith.extui %ge3A_487 : i1 to i32
        %cond3A_489 = arith.constant 0 : i32
        %cond3A_490 = arith.cmpi ne, %convert_element_type3A_488, %cond3A_489 : i32
        scf.if %cond3A_490 {
          %dma_wait3A_507 = arith.constant 0 : i32
          %dma_wait3A_508 = tpu.memref_slice %arg6[%dma_wait3A_507] : memref<6400000xf32, #tpu.memory_space<hbm>> -> memref<1280xf32, #tpu.memory_space<hbm>>
          %dma_wait3A_509 = arith.constant 0 : i32
          %dma_wait3A_510 = tpu.memref_slice %arg6[%dma_wait3A_509] : memref<6400000xf32, #tpu.memory_space<hbm>> -> memref<1280xf32, #tpu.memory_space<hbm>>
          tpu.wait_dma2 semaphore(%arg27 : memref<!tpu.dma_semaphore, #tpu.memory_space<semaphore_mem>>) src(%arg17 : memref<1280xf32, #tpu.memory_space<vmem>>) dst(%dma_wait3A_510 : memref<1280xf32, #tpu.memory_space<hbm>>)
          %dma_wait3A_511 = arith.constant 0 : i32
          %dma_wait3A_512 = tpu.memref_slice %arg7[%dma_wait3A_511] : memref<25600000xf32, #tpu.memory_space<hbm>> -> memref<5120xf32, #tpu.memory_space<hbm>>
          %dma_wait3A_513 = arith.constant 0 : i32
          %dma_wait3A_514 = tpu.memref_slice %arg7[%dma_wait3A_513] : memref<25600000xf32, #tpu.memory_space<hbm>> -> memref<5120xf32, #tpu.memory_space<hbm>>
          tpu.wait_dma2 semaphore(%arg27 : memref<!tpu.dma_semaphore, #tpu.memory_space<semaphore_mem>>) src(%arg19 : memref<5120xf32, #tpu.memory_space<vmem>>) dst(%dma_wait3A_514 : memref<5120xf32, #tpu.memory_space<hbm>>)
        } else {
        }
        %scan3A_491 = arith.constant 0 : i32
        %scan3A_492 = arith.constant 10 : i32
        %scan3A_493 = arith.addi %scan3A_491, %scan3A_492 : i32
        %scan3A_494 = arith.constant 1 : i32
        scf.for %scan3A_507 = %scan3A_491 to %scan3A_493 step %scan3A_494  : i32 {
          %mul3A_508 = arith.constant 1 : i32
          %mul3A_509 = arith.muli %scan3A_507, %mul3A_508 : i32
          %add3A_510 = arith.constant 0 : i32
          %add3A_511 = arith.addi %add3A_510, %mul3A_509 : i32
          %mul3A_512 = arith.constant 128 : i32
          %mul3A_513 = arith.muli %add3A_511, %mul3A_512 : i32
          %mul3A_514 = arith.constant 512 : i32
          %mul3A_515 = arith.muli %add3A_511, %mul3A_514 : i32
          %add3A_516 = arith.constant 0 : i32
          %add3A_517 = arith.addi %mul3A_513, %add3A_516 : i32
          %add3A_518 = vector.broadcast %add3A_517 : i32 to vector<16xi32>
          %add3A_519 = arith.addi %iota3A, %add3A_518 : vector<16xi32>
          %broadcast_in_dim3A_520 = arith.constant 0 : i32
          %broadcast_in_dim3A_521 = vector.broadcast %broadcast_in_dim3A_520 : i32 to vector<16xi32>
          %add3A_522 = arith.constant 1 : i32
          %add3A_523 = vector.broadcast %add3A_522 : i32 to vector<16xi32>
          %add3A_524 = arith.addi %broadcast_in_dim3A_521, %add3A_523 : vector<16xi32>
          %add3A_525 = arith.constant 2 : i32
          %add3A_526 = vector.broadcast %add3A_525 : i32 to vector<16xi32>
          %add3A_527 = arith.addi %broadcast_in_dim3A_521, %add3A_526 : vector<16xi32>
          %gather3A_528 = tpu.vector_load_idx %arg13[%add3A_519, %broadcast_in_dim3A_521] : memref<1280x8xf32, #tpu.memory_space<vmem>>[vector<16xi32>, vector<16xi32>], vector<16xf32>,
          %gather3A_529 = tpu.vector_load_idx %arg13[%add3A_519, %add3A_524] : memref<1280x8xf32, #tpu.memory_space<vmem>>[vector<16xi32>, vector<16xi32>], vector<16xf32>,
          %gather3A_530 = tpu.vector_load_idx %arg13[%add3A_519, %add3A_527] : memref<1280x8xf32, #tpu.memory_space<vmem>>[vector<16xi32>, vector<16xi32>], vector<16xf32>,
          %gather3A_531 = tpu.vector_load_idx %arg15[%add3A_519, %broadcast_in_dim3A_521] : memref<1280x8xf32, #tpu.memory_space<vmem>>[vector<16xi32>, vector<16xi32>], vector<16xf32>,
          %gather3A_532 = tpu.vector_load_idx %arg15[%add3A_519, %add3A_524] : memref<1280x8xf32, #tpu.memory_space<vmem>>[vector<16xi32>, vector<16xi32>], vector<16xf32>,
          %gather3A_533 = tpu.vector_load_idx %arg15[%add3A_519, %add3A_527] : memref<1280x8xf32, #tpu.memory_space<vmem>>[vector<16xi32>, vector<16xi32>], vector<16xf32>,
          %sub3A_534 = arith.subf %gather3A_528, %gather3A_531 : vector<16xf32>
          %gt3A = vector.broadcast %scan3A : f32 to vector<16xf32>
          %gt3A_535 = arith.cmpf ogt, %sub3A_534, %gt3A : vector<16xf32>
          %sub3A_536 = vector.broadcast %scan3A_430 : f32 to vector<16xf32>
          %sub3A_537 = arith.subf %sub3A_534, %sub3A_536 : vector<16xf32>
          %select_n3A_538 = arith.select %gt3A_535, %sub3A_537, %sub3A_534 : vector<16xi1>, vector<16xf32>
          %neg3A = arith.constant 0.000000e+00 : f32
          %neg3A_539 = arith.subf %neg3A, %scan3A : f32
          %lt3A_540 = vector.broadcast %neg3A_539 : f32 to vector<16xf32>
          %lt3A_541 = arith.cmpf olt, %select_n3A_538, %lt3A_540 : vector<16xf32>
          %add3A_542 = vector.broadcast %scan3A_430 : f32 to vector<16xf32>
          %add3A_543 = arith.addf %select_n3A_538, %add3A_542 : vector<16xf32>
          %select_n3A_544 = arith.select %lt3A_541, %add3A_543, %select_n3A_538 : vector<16xi1>, vector<16xf32>
          %sub3A_545 = arith.subf %gather3A_529, %gather3A_532 : vector<16xf32>
          %gt3A_546 = vector.broadcast %scan3A : f32 to vector<16xf32>
          %gt3A_547 = arith.cmpf ogt, %sub3A_545, %gt3A_546 : vector<16xf32>
          %sub3A_548 = vector.broadcast %scan3A_430 : f32 to vector<16xf32>
          %sub3A_549 = arith.subf %sub3A_545, %sub3A_548 : vector<16xf32>
          %select_n3A_550 = arith.select %gt3A_547, %sub3A_549, %sub3A_545 : vector<16xi1>, vector<16xf32>
          %neg3A_551 = arith.constant 0.000000e+00 : f32
          %neg3A_552 = arith.subf %neg3A_551, %scan3A : f32
          %lt3A_553 = vector.broadcast %neg3A_552 : f32 to vector<16xf32>
          %lt3A_554 = arith.cmpf olt, %select_n3A_550, %lt3A_553 : vector<16xf32>
          %add3A_555 = vector.broadcast %scan3A_430 : f32 to vector<16xf32>
          %add3A_556 = arith.addf %select_n3A_550, %add3A_555 : vector<16xf32>
          %select_n3A_557 = arith.select %lt3A_554, %add3A_556, %select_n3A_550 : vector<16xi1>, vector<16xf32>
          %sub3A_558 = arith.subf %gather3A_530, %gather3A_533 : vector<16xf32>
          %gt3A_559 = vector.broadcast %scan3A : f32 to vector<16xf32>
          %gt3A_560 = arith.cmpf ogt, %sub3A_558, %gt3A_559 : vector<16xf32>
          %sub3A_561 = vector.broadcast %scan3A_430 : f32 to vector<16xf32>
          %sub3A_562 = arith.subf %sub3A_558, %sub3A_561 : vector<16xf32>
          %select_n3A_563 = arith.select %gt3A_560, %sub3A_562, %sub3A_558 : vector<16xi1>, vector<16xf32>
          %neg3A_564 = arith.constant 0.000000e+00 : f32
          %neg3A_565 = arith.subf %neg3A_564, %scan3A : f32
          %lt3A_566 = vector.broadcast %neg3A_565 : f32 to vector<16xf32>
          %lt3A_567 = arith.cmpf olt, %select_n3A_563, %lt3A_566 : vector<16xf32>
          %add3A_568 = vector.broadcast %scan3A_430 : f32 to vector<16xf32>
          %add3A_569 = arith.addf %select_n3A_563, %add3A_568 : vector<16xf32>
          %select_n3A_570 = arith.select %lt3A_567, %add3A_569, %select_n3A_563 : vector<16xi1>, vector<16xf32>
          %mul3A_571 = vector.broadcast %squeeze3A : f32 to vector<16xf32>
          %mul3A_572 = arith.mulf %select_n3A_544, %mul3A_571 : vector<16xf32>
          %mul3A_573 = vector.broadcast %squeeze3A_70 : f32 to vector<16xf32>
          %mul3A_574 = arith.mulf %select_n3A_557, %mul3A_573 : vector<16xf32>
          %add3A_575 = arith.addf %mul3A_572, %mul3A_574 : vector<16xf32>
          %mul3A_576 = vector.broadcast %squeeze3A_76 : f32 to vector<16xf32>
          %mul3A_577 = arith.mulf %select_n3A_570, %mul3A_576 : vector<16xf32>
          %add3A_578 = arith.addf %add3A_575, %mul3A_577 : vector<16xf32>
          %mul3A_579 = vector.broadcast %squeeze3A_66 : f32 to vector<16xf32>
          %mul3A_580 = arith.mulf %select_n3A_544, %mul3A_579 : vector<16xf32>
          %mul3A_581 = vector.broadcast %squeeze3A_72 : f32 to vector<16xf32>
          %mul3A_582 = arith.mulf %select_n3A_557, %mul3A_581 : vector<16xf32>
          %add3A_583 = arith.addf %mul3A_580, %mul3A_582 : vector<16xf32>
          %mul3A_584 = vector.broadcast %squeeze3A_78 : f32 to vector<16xf32>
          %mul3A_585 = arith.mulf %select_n3A_570, %mul3A_584 : vector<16xf32>
          %add3A_586 = arith.addf %add3A_583, %mul3A_585 : vector<16xf32>
          %mul3A_587 = vector.broadcast %squeeze3A_68 : f32 to vector<16xf32>
          %mul3A_588 = arith.mulf %select_n3A_544, %mul3A_587 : vector<16xf32>
          %mul3A_589 = vector.broadcast %squeeze3A_74 : f32 to vector<16xf32>
          %mul3A_590 = arith.mulf %select_n3A_557, %mul3A_589 : vector<16xf32>
          %add3A_591 = arith.addf %mul3A_588, %mul3A_590 : vector<16xf32>
          %mul3A_592 = vector.broadcast %squeeze3A_80 : f32 to vector<16xf32>
          %mul3A_593 = arith.mulf %select_n3A_570, %mul3A_592 : vector<16xf32>
          %add3A_594 = arith.addf %add3A_591, %mul3A_593 : vector<16xf32>
          %mul3A_595 = arith.mulf %add3A_578, %add3A_578 : vector<16xf32>
          %mul3A_596 = arith.mulf %add3A_586, %add3A_586 : vector<16xf32>
          %add3A_597 = arith.addf %mul3A_595, %mul3A_596 : vector<16xf32>
          %mul3A_598 = arith.mulf %add3A_594, %add3A_594 : vector<16xf32>
          %add3A_599 = arith.addf %add3A_597, %mul3A_598 : vector<16xf32>
          %add3A_600 = arith.constant 9.99999993E-9 : f32
          %add3A_601 = vector.broadcast %add3A_600 : f32 to vector<16xf32>
          %add3A_602 = arith.addf %add3A_599, %add3A_601 : vector<16xf32>
          %bitcast3A = vector.bitcast %add3A_602 : vector<16xf32> to vector<16xi32>
          %shift_right_arithmetic3A = arith.constant 1 : i32
          %shift_right_arithmetic3A_603 = vector.broadcast %shift_right_arithmetic3A : i32 to vector<16xi32>
          %shift_right_arithmetic3A_604 = arith.shrsi %bitcast3A, %shift_right_arithmetic3A_603 : vector<16xi32>
          %sub3A_605 = arith.constant 1597463007 : i32
          %sub3A_606 = vector.broadcast %sub3A_605 : i32 to vector<16xi32>
          %sub3A_607 = arith.subi %sub3A_606, %shift_right_arithmetic3A_604 : vector<16xi32>
          %bitcast3A_608 = vector.bitcast %sub3A_607 : vector<16xi32> to vector<16xf32>
          %mul3A_609 = vector.broadcast %scan3A : f32 to vector<16xf32>
          %mul3A_610 = arith.mulf %add3A_602, %mul3A_609 : vector<16xf32>
          %mul3A_611 = arith.mulf %mul3A_610, %bitcast3A_608 : vector<16xf32>
          %mul3A_612 = arith.mulf %mul3A_611, %bitcast3A_608 : vector<16xf32>
          %sub3A_613 = arith.constant 1.500000e+00 : f32
          %sub3A_614 = vector.broadcast %sub3A_613 : f32 to vector<16xf32>
          %sub3A_615 = arith.subf %sub3A_614, %mul3A_612 : vector<16xf32>
          %mul3A_616 = arith.mulf %bitcast3A_608, %sub3A_615 : vector<16xf32>
          %mul3A_617 = arith.mulf %mul3A_610, %mul3A_616 : vector<16xf32>
          %mul3A_618 = arith.mulf %mul3A_617, %mul3A_616 : vector<16xf32>
          %sub3A_619 = arith.constant 1.500000e+00 : f32
          %sub3A_620 = vector.broadcast %sub3A_619 : f32 to vector<16xf32>
          %sub3A_621 = arith.subf %sub3A_620, %mul3A_618 : vector<16xf32>
          %mul3A_622 = arith.mulf %mul3A_616, %sub3A_621 : vector<16xf32>
          %mul3A_623 = arith.mulf %mul3A_610, %mul3A_622 : vector<16xf32>
          %mul3A_624 = arith.mulf %mul3A_623, %mul3A_622 : vector<16xf32>
          %sub3A_625 = arith.constant 1.500000e+00 : f32
          %sub3A_626 = vector.broadcast %sub3A_625 : f32 to vector<16xf32>
          %sub3A_627 = arith.subf %sub3A_626, %mul3A_624 : vector<16xf32>
          %mul3A_628 = arith.mulf %mul3A_622, %sub3A_627 : vector<16xf32>
          %mul3A_629 = arith.mulf %add3A_602, %mul3A_628 : vector<16xf32>
          %add3A_630 = arith.constant 0 : i32
          %add3A_631 = arith.addi %mul3A_513, %add3A_630 : i32
          %swap3A_632 = arith.index_cast %add3A_631 : i32 to index
          %swap3A_633 = tpu.vector_load %arg17[%swap3A_632] {strides = array<i32>} : memref<1280xf32, #tpu.memory_space<vmem>>, vector<16xf32>,
          tpu.vector_store %arg17[%swap3A_632], %mul3A_629 {strides = array<i32>} : memref<1280xf32, #tpu.memory_space<vmem>>, vector<16xf32>,
          %add3A_634 = arith.constant 0 : i32
          %add3A_635 = arith.addi %mul3A_515, %add3A_634 : i32
          %swap3A_636 = arith.index_cast %add3A_635 : i32 to index
          %swap3A_637 = tpu.vector_load %arg19[%swap3A_636] {strides = array<i32>} : memref<5120xf32, #tpu.memory_space<vmem>>, vector<16xf32>,
          tpu.vector_store %arg19[%swap3A_636], %add3A_578 {strides = array<i32>} : memref<5120xf32, #tpu.memory_space<vmem>>, vector<16xf32>,
          %add3A_638 = arith.constant 128 : i32
          %add3A_639 = arith.addi %mul3A_515, %add3A_638 : i32
          %add3A_640 = arith.constant 0 : i32
          %add3A_641 = arith.addi %add3A_639, %add3A_640 : i32
          %swap3A_642 = arith.index_cast %add3A_641 : i32 to index
          %swap3A_643 = tpu.vector_load %arg19[%swap3A_642] {strides = array<i32>} : memref<5120xf32, #tpu.memory_space<vmem>>, vector<16xf32>,
          tpu.vector_store %arg19[%swap3A_642], %add3A_586 {strides = array<i32>} : memref<5120xf32, #tpu.memory_space<vmem>>, vector<16xf32>,
          %add3A_644 = arith.constant 256 : i32
          %add3A_645 = arith.addi %mul3A_515, %add3A_644 : i32
          %add3A_646 = arith.constant 0 : i32
          %add3A_647 = arith.addi %add3A_645, %add3A_646 : i32
          %swap3A_648 = arith.index_cast %add3A_647 : i32 to index
          %swap3A_649 = tpu.vector_load %arg19[%swap3A_648] {strides = array<i32>} : memref<5120xf32, #tpu.memory_space<vmem>>, vector<16xf32>,
          tpu.vector_store %arg19[%swap3A_648], %add3A_594 {strides = array<i32>} : memref<5120xf32, #tpu.memory_space<vmem>>, vector<16xf32>,
          %add3A_650 = arith.constant 16 : i32
          %add3A_651 = arith.addi %mul3A_513, %add3A_650 : i32
          %add3A_652 = vector.broadcast %add3A_651 : i32 to vector<16xi32>
          %add3A_653 = arith.addi %iota3A, %add3A_652 : vector<16xi32>
          %broadcast_in_dim3A_654 = arith.constant 0 : i32
          %broadcast_in_dim3A_655 = vector.broadcast %broadcast_in_dim3A_654 : i32 to vector<16xi32>
          %add3A_656 = arith.constant 1 : i32
          %add3A_657 = vector.broadcast %add3A_656 : i32 to vector<16xi32>
          %add3A_658 = arith.addi %broadcast_in_dim3A_655, %add3A_657 : vector<16xi32>
          %add3A_659 = arith.constant 2 : i32
          %add3A_660 = vector.broadcast %add3A_659 : i32 to vector<16xi32>
          %add3A_661 = arith.addi %broadcast_in_dim3A_655, %add3A_660 : vector<16xi32>
          %gather3A_662 = tpu.vector_load_idx %arg13[%add3A_653, %broadcast_in_dim3A_655] : memref<1280x8xf32, #tpu.memory_space<vmem>>[vector<16xi32>, vector<16xi32>], vector<16xf32>,
          %gather3A_663 = tpu.vector_load_idx %arg13[%add3A_653, %add3A_658] : memref<1280x8xf32, #tpu.memory_space<vmem>>[vector<16xi32>, vector<16xi32>], vector<16xf32>,
          %gather3A_664 = tpu.vector_load_idx %arg13[%add3A_653, %add3A_661] : memref<1280x8xf32, #tpu.memory_space<vmem>>[vector<16xi32>, vector<16xi32>], vector<16xf32>,
          %gather3A_665 = tpu.vector_load_idx %arg15[%add3A_653, %broadcast_in_dim3A_655] : memref<1280x8xf32, #tpu.memory_space<vmem>>[vector<16xi32>, vector<16xi32>], vector<16xf32>,
          %gather3A_666 = tpu.vector_load_idx %arg15[%add3A_653, %add3A_658] : memref<1280x8xf32, #tpu.memory_space<vmem>>[vector<16xi32>, vector<16xi32>], vector<16xf32>,
          %gather3A_667 = tpu.vector_load_idx %arg15[%add3A_653, %add3A_661] : memref<1280x8xf32, #tpu.memory_space<vmem>>[vector<16xi32>, vector<16xi32>], vector<16xf32>,
          %sub3A_668 = arith.subf %gather3A_662, %gather3A_665 : vector<16xf32>
          %gt3A_669 = vector.broadcast %scan3A : f32 to vector<16xf32>
          %gt3A_670 = arith.cmpf ogt, %sub3A_668, %gt3A_669 : vector<16xf32>
          %sub3A_671 = vector.broadcast %scan3A_430 : f32 to vector<16xf32>
          %sub3A_672 = arith.subf %sub3A_668, %sub3A_671 : vector<16xf32>
          %select_n3A_673 = arith.select %gt3A_670, %sub3A_672, %sub3A_668 : vector<16xi1>, vector<16xf32>
          %neg3A_674 = arith.constant 0.000000e+00 : f32
          %neg3A_675 = arith.subf %neg3A_674, %scan3A : f32
          %lt3A_676 = vector.broadcast %neg3A_675 : f32 to vector<16xf32>
          %lt3A_677 = arith.cmpf olt, %select_n3A_673, %lt3A_676 : vector<16xf32>
          %add3A_678 = vector.broadcast %scan3A_430 : f32 to vector<16xf32>
          %add3A_679 = arith.addf %select_n3A_673, %add3A_678 : vector<16xf32>
          %select_n3A_680 = arith.select %lt3A_677, %add3A_679, %select_n3A_673 : vector<16xi1>, vector<16xf32>
          %sub3A_681 = arith.subf %gather3A_663, %gather3A_666 : vector<16xf32>
          %gt3A_682 = vector.broadcast %scan3A : f32 to vector<16xf32>
          %gt3A_683 = arith.cmpf ogt, %sub3A_681, %gt3A_682 : vector<16xf32>
          %sub3A_684 = vector.broadcast %scan3A_430 : f32 to vector<16xf32>
          %sub3A_685 = arith.subf %sub3A_681, %sub3A_684 : vector<16xf32>
          %select_n3A_686 = arith.select %gt3A_683, %sub3A_685, %sub3A_681 : vector<16xi1>, vector<16xf32>
          %neg3A_687 = arith.constant 0.000000e+00 : f32
          %neg3A_688 = arith.subf %neg3A_687, %scan3A : f32
          %lt3A_689 = vector.broadcast %neg3A_688 : f32 to vector<16xf32>
          %lt3A_690 = arith.cmpf olt, %select_n3A_686, %lt3A_689 : vector<16xf32>
          %add3A_691 = vector.broadcast %scan3A_430 : f32 to vector<16xf32>
          %add3A_692 = arith.addf %select_n3A_686, %add3A_691 : vector<16xf32>
          %select_n3A_693 = arith.select %lt3A_690, %add3A_692, %select_n3A_686 : vector<16xi1>, vector<16xf32>
          %sub3A_694 = arith.subf %gather3A_664, %gather3A_667 : vector<16xf32>
          %gt3A_695 = vector.broadcast %scan3A : f32 to vector<16xf32>
          %gt3A_696 = arith.cmpf ogt, %sub3A_694, %gt3A_695 : vector<16xf32>
          %sub3A_697 = vector.broadcast %scan3A_430 : f32 to vector<16xf32>
          %sub3A_698 = arith.subf %sub3A_694, %sub3A_697 : vector<16xf32>
          %select_n3A_699 = arith.select %gt3A_696, %sub3A_698, %sub3A_694 : vector<16xi1>, vector<16xf32>
          %neg3A_700 = arith.constant 0.000000e+00 : f32
          %neg3A_701 = arith.subf %neg3A_700, %scan3A : f32
          %lt3A_702 = vector.broadcast %neg3A_701 : f32 to vector<16xf32>
          %lt3A_703 = arith.cmpf olt, %select_n3A_699, %lt3A_702 : vector<16xf32>
          %add3A_704 = vector.broadcast %scan3A_430 : f32 to vector<16xf32>
          %add3A_705 = arith.addf %select_n3A_699, %add3A_704 : vector<16xf32>
          %select_n3A_706 = arith.select %lt3A_703, %add3A_705, %select_n3A_699 : vector<16xi1>, vector<16xf32>
          %mul3A_707 = vector.broadcast %squeeze3A : f32 to vector<16xf32>
          %mul3A_708 = arith.mulf %select_n3A_680, %mul3A_707 : vector<16xf32>
          %mul3A_709 = vector.broadcast %squeeze3A_70 : f32 to vector<16xf32>
          %mul3A_710 = arith.mulf %select_n3A_693, %mul3A_709 : vector<16xf32>
          %add3A_711 = arith.addf %mul3A_708, %mul3A_710 : vector<16xf32>
          %mul3A_712 = vector.broadcast %squeeze3A_76 : f32 to vector<16xf32>
          %mul3A_713 = arith.mulf %select_n3A_706, %mul3A_712 : vector<16xf32>
          %add3A_714 = arith.addf %add3A_711, %mul3A_713 : vector<16xf32>
          %mul3A_715 = vector.broadcast %squeeze3A_66 : f32 to vector<16xf32>
          %mul3A_716 = arith.mulf %select_n3A_680, %mul3A_715 : vector<16xf32>
          %mul3A_717 = vector.broadcast %squeeze3A_72 : f32 to vector<16xf32>
          %mul3A_718 = arith.mulf %select_n3A_693, %mul3A_717 : vector<16xf32>
          %add3A_719 = arith.addf %mul3A_716, %mul3A_718 : vector<16xf32>
          %mul3A_720 = vector.broadcast %squeeze3A_78 : f32 to vector<16xf32>
          %mul3A_721 = arith.mulf %select_n3A_706, %mul3A_720 : vector<16xf32>
          %add3A_722 = arith.addf %add3A_719, %mul3A_721 : vector<16xf32>
          %mul3A_723 = vector.broadcast %squeeze3A_68 : f32 to vector<16xf32>
          %mul3A_724 = arith.mulf %select_n3A_680, %mul3A_723 : vector<16xf32>
          %mul3A_725 = vector.broadcast %squeeze3A_74 : f32 to vector<16xf32>
          %mul3A_726 = arith.mulf %select_n3A_693, %mul3A_725 : vector<16xf32>
          %add3A_727 = arith.addf %mul3A_724, %mul3A_726 : vector<16xf32>
          %mul3A_728 = vector.broadcast %squeeze3A_80 : f32 to vector<16xf32>
          %mul3A_729 = arith.mulf %select_n3A_706, %mul3A_728 : vector<16xf32>
          %add3A_730 = arith.addf %add3A_727, %mul3A_729 : vector<16xf32>
          %mul3A_731 = arith.mulf %add3A_714, %add3A_714 : vector<16xf32>
          %mul3A_732 = arith.mulf %add3A_722, %add3A_722 : vector<16xf32>
          %add3A_733 = arith.addf %mul3A_731, %mul3A_732 : vector<16xf32>
          %mul3A_734 = arith.mulf %add3A_730, %add3A_730 : vector<16xf32>
          %add3A_735 = arith.addf %add3A_733, %mul3A_734 : vector<16xf32>
          %add3A_736 = arith.constant 9.99999993E-9 : f32
          %add3A_737 = vector.broadcast %add3A_736 : f32 to vector<16xf32>
          %add3A_738 = arith.addf %add3A_735, %add3A_737 : vector<16xf32>
          %bitcast3A_739 = vector.bitcast %add3A_738 : vector<16xf32> to vector<16xi32>
          %shift_right_arithmetic3A_740 = arith.constant 1 : i32
          %shift_right_arithmetic3A_741 = vector.broadcast %shift_right_arithmetic3A_740 : i32 to vector<16xi32>
          %shift_right_arithmetic3A_742 = arith.shrsi %bitcast3A_739, %shift_right_arithmetic3A_741 : vector<16xi32>
          %sub3A_743 = arith.constant 1597463007 : i32
          %sub3A_744 = vector.broadcast %sub3A_743 : i32 to vector<16xi32>
          %sub3A_745 = arith.subi %sub3A_744, %shift_right_arithmetic3A_742 : vector<16xi32>
          %bitcast3A_746 = vector.bitcast %sub3A_745 : vector<16xi32> to vector<16xf32>
          %mul3A_747 = vector.broadcast %scan3A : f32 to vector<16xf32>
          %mul3A_748 = arith.mulf %add3A_738, %mul3A_747 : vector<16xf32>
          %mul3A_749 = arith.mulf %mul3A_748, %bitcast3A_746 : vector<16xf32>
          %mul3A_750 = arith.mulf %mul3A_749, %bitcast3A_746 : vector<16xf32>
          %sub3A_751 = arith.constant 1.500000e+00 : f32
          %sub3A_752 = vector.broadcast %sub3A_751 : f32 to vector<16xf32>
          %sub3A_753 = arith.subf %sub3A_752, %mul3A_750 : vector<16xf32>
          %mul3A_754 = arith.mulf %bitcast3A_746, %sub3A_753 : vector<16xf32>
          %mul3A_755 = arith.mulf %mul3A_748, %mul3A_754 : vector<16xf32>
          %mul3A_756 = arith.mulf %mul3A_755, %mul3A_754 : vector<16xf32>
          %sub3A_757 = arith.constant 1.500000e+00 : f32
          %sub3A_758 = vector.broadcast %sub3A_757 : f32 to vector<16xf32>
          %sub3A_759 = arith.subf %sub3A_758, %mul3A_756 : vector<16xf32>
          %mul3A_760 = arith.mulf %mul3A_754, %sub3A_759 : vector<16xf32>
          %mul3A_761 = arith.mulf %mul3A_748, %mul3A_760 : vector<16xf32>
          %mul3A_762 = arith.mulf %mul3A_761, %mul3A_760 : vector<16xf32>
          %sub3A_763 = arith.constant 1.500000e+00 : f32
          %sub3A_764 = vector.broadcast %sub3A_763 : f32 to vector<16xf32>
          %sub3A_765 = arith.subf %sub3A_764, %mul3A_762 : vector<16xf32>
          %mul3A_766 = arith.mulf %mul3A_760, %sub3A_765 : vector<16xf32>
          %mul3A_767 = arith.mulf %add3A_738, %mul3A_766 : vector<16xf32>
          %add3A_768 = arith.constant 16 : i32
          %add3A_769 = arith.addi %mul3A_513, %add3A_768 : i32
          %swap3A_770 = arith.index_cast %add3A_769 : i32 to index
          %swap3A_771 = tpu.vector_load %arg17[%swap3A_770] {strides = array<i32>} : memref<1280xf32, #tpu.memory_space<vmem>>, vector<16xf32>,
          tpu.vector_store %arg17[%swap3A_770], %mul3A_767 {strides = array<i32>} : memref<1280xf32, #tpu.memory_space<vmem>>, vector<16xf32>,
          %add3A_772 = arith.constant 16 : i32
          %add3A_773 = arith.addi %mul3A_515, %add3A_772 : i32
          %swap3A_774 = arith.index_cast %add3A_773 : i32 to index
          %swap3A_775 = tpu.vector_load %arg19[%swap3A_774] {strides = array<i32>} : memref<5120xf32, #tpu.memory_space<vmem>>, vector<16xf32>,
          tpu.vector_store %arg19[%swap3A_774], %add3A_714 {strides = array<i32>} : memref<5120xf32, #tpu.memory_space<vmem>>, vector<16xf32>,
          %add3A_776 = arith.constant 128 : i32
          %add3A_777 = arith.addi %mul3A_515, %add3A_776 : i32
          %add3A_778 = arith.constant 16 : i32
          %add3A_779 = arith.addi %add3A_777, %add3A_778 : i32
          %swap3A_780 = arith.index_cast %add3A_779 : i32 to index
          %swap3A_781 = tpu.vector_load %arg19[%swap3A_780] {strides = array<i32>} : memref<5120xf32, #tpu.memory_space<vmem>>, vector<16xf32>,
          tpu.vector_store %arg19[%swap3A_780], %add3A_722 {strides = array<i32>} : memref<5120xf32, #tpu.memory_space<vmem>>, vector<16xf32>,
          %add3A_782 = arith.constant 256 : i32
          %add3A_783 = arith.addi %mul3A_515, %add3A_782 : i32
          %add3A_784 = arith.constant 16 : i32
          %add3A_785 = arith.addi %add3A_783, %add3A_784 : i32
          %swap3A_786 = arith.index_cast %add3A_785 : i32 to index
          %swap3A_787 = tpu.vector_load %arg19[%swap3A_786] {strides = array<i32>} : memref<5120xf32, #tpu.memory_space<vmem>>, vector<16xf32>,
          tpu.vector_store %arg19[%swap3A_786], %add3A_730 {strides = array<i32>} : memref<5120xf32, #tpu.memory_space<vmem>>, vector<16xf32>,
          %add3A_788 = arith.constant 32 : i32
          %add3A_789 = arith.addi %mul3A_513, %add3A_788 : i32
          %add3A_790 = vector.broadcast %add3A_789 : i32 to vector<16xi32>
          %add3A_791 = arith.addi %iota3A, %add3A_790 : vector<16xi32>
          %broadcast_in_dim3A_792 = arith.constant 0 : i32
          %broadcast_in_dim3A_793 = vector.broadcast %broadcast_in_dim3A_792 : i32 to vector<16xi32>
          %add3A_794 = arith.constant 1 : i32
          %add3A_795 = vector.broadcast %add3A_794 : i32 to vector<16xi32>
          %add3A_796 = arith.addi %broadcast_in_dim3A_793, %add3A_795 : vector<16xi32>
          %add3A_797 = arith.constant 2 : i32
          %add3A_798 = vector.broadcast %add3A_797 : i32 to vector<16xi32>
          %add3A_799 = arith.addi %broadcast_in_dim3A_793, %add3A_798 : vector<16xi32>
          %gather3A_800 = tpu.vector_load_idx %arg13[%add3A_791, %broadcast_in_dim3A_793] : memref<1280x8xf32, #tpu.memory_space<vmem>>[vector<16xi32>, vector<16xi32>], vector<16xf32>,
          %gather3A_801 = tpu.vector_load_idx %arg13[%add3A_791, %add3A_796] : memref<1280x8xf32, #tpu.memory_space<vmem>>[vector<16xi32>, vector<16xi32>], vector<16xf32>,
          %gather3A_802 = tpu.vector_load_idx %arg13[%add3A_791, %add3A_799] : memref<1280x8xf32, #tpu.memory_space<vmem>>[vector<16xi32>, vector<16xi32>], vector<16xf32>,
          %gather3A_803 = tpu.vector_load_idx %arg15[%add3A_791, %broadcast_in_dim3A_793] : memref<1280x8xf32, #tpu.memory_space<vmem>>[vector<16xi32>, vector<16xi32>], vector<16xf32>,
          %gather3A_804 = tpu.vector_load_idx %arg15[%add3A_791, %add3A_796] : memref<1280x8xf32, #tpu.memory_space<vmem>>[vector<16xi32>, vector<16xi32>], vector<16xf32>,
          %gather3A_805 = tpu.vector_load_idx %arg15[%add3A_791, %add3A_799] : memref<1280x8xf32, #tpu.memory_space<vmem>>[vector<16xi32>, vector<16xi32>], vector<16xf32>,
          %sub3A_806 = arith.subf %gather3A_800, %gather3A_803 : vector<16xf32>
          %gt3A_807 = vector.broadcast %scan3A : f32 to vector<16xf32>
          %gt3A_808 = arith.cmpf ogt, %sub3A_806, %gt3A_807 : vector<16xf32>
          %sub3A_809 = vector.broadcast %scan3A_430 : f32 to vector<16xf32>
          %sub3A_810 = arith.subf %sub3A_806, %sub3A_809 : vector<16xf32>
          %select_n3A_811 = arith.select %gt3A_808, %sub3A_810, %sub3A_806 : vector<16xi1>, vector<16xf32>
          %neg3A_812 = arith.constant 0.000000e+00 : f32
          %neg3A_813 = arith.subf %neg3A_812, %scan3A : f32
          %lt3A_814 = vector.broadcast %neg3A_813 : f32 to vector<16xf32>
          %lt3A_815 = arith.cmpf olt, %select_n3A_811, %lt3A_814 : vector<16xf32>
          %add3A_816 = vector.broadcast %scan3A_430 : f32 to vector<16xf32>
          %add3A_817 = arith.addf %select_n3A_811, %add3A_816 : vector<16xf32>
          %select_n3A_818 = arith.select %lt3A_815, %add3A_817, %select_n3A_811 : vector<16xi1>, vector<16xf32>
          %sub3A_819 = arith.subf %gather3A_801, %gather3A_804 : vector<16xf32>
          %gt3A_820 = vector.broadcast %scan3A : f32 to vector<16xf32>
          %gt3A_821 = arith.cmpf ogt, %sub3A_819, %gt3A_820 : vector<16xf32>
          %sub3A_822 = vector.broadcast %scan3A_430 : f32 to vector<16xf32>
          %sub3A_823 = arith.subf %sub3A_819, %sub3A_822 : vector<16xf32>
          %select_n3A_824 = arith.select %gt3A_821, %sub3A_823, %sub3A_819 : vector<16xi1>, vector<16xf32>
          %neg3A_825 = arith.constant 0.000000e+00 : f32
          %neg3A_826 = arith.subf %neg3A_825, %scan3A : f32
          %lt3A_827 = vector.broadcast %neg3A_826 : f32 to vector<16xf32>
          %lt3A_828 = arith.cmpf olt, %select_n3A_824, %lt3A_827 : vector<16xf32>
          %add3A_829 = vector.broadcast %scan3A_430 : f32 to vector<16xf32>
          %add3A_830 = arith.addf %select_n3A_824, %add3A_829 : vector<16xf32>
          %select_n3A_831 = arith.select %lt3A_828, %add3A_830, %select_n3A_824 : vector<16xi1>, vector<16xf32>
          %sub3A_832 = arith.subf %gather3A_802, %gather3A_805 : vector<16xf32>
          %gt3A_833 = vector.broadcast %scan3A : f32 to vector<16xf32>
          %gt3A_834 = arith.cmpf ogt, %sub3A_832, %gt3A_833 : vector<16xf32>
          %sub3A_835 = vector.broadcast %scan3A_430 : f32 to vector<16xf32>
          %sub3A_836 = arith.subf %sub3A_832, %sub3A_835 : vector<16xf32>
          %select_n3A_837 = arith.select %gt3A_834, %sub3A_836, %sub3A_832 : vector<16xi1>, vector<16xf32>
          %neg3A_838 = arith.constant 0.000000e+00 : f32
          %neg3A_839 = arith.subf %neg3A_838, %scan3A : f32
          %lt3A_840 = vector.broadcast %neg3A_839 : f32 to vector<16xf32>
          %lt3A_841 = arith.cmpf olt, %select_n3A_837, %lt3A_840 : vector<16xf32>
          %add3A_842 = vector.broadcast %scan3A_430 : f32 to vector<16xf32>
          %add3A_843 = arith.addf %select_n3A_837, %add3A_842 : vector<16xf32>
          %select_n3A_844 = arith.select %lt3A_841, %add3A_843, %select_n3A_837 : vector<16xi1>, vector<16xf32>
          %mul3A_845 = vector.broadcast %squeeze3A : f32 to vector<16xf32>
          %mul3A_846 = arith.mulf %select_n3A_818, %mul3A_845 : vector<16xf32>
          %mul3A_847 = vector.broadcast %squeeze3A_70 : f32 to vector<16xf32>
          %mul3A_848 = arith.mulf %select_n3A_831, %mul3A_847 : vector<16xf32>
          %add3A_849 = arith.addf %mul3A_846, %mul3A_848 : vector<16xf32>
          %mul3A_850 = vector.broadcast %squeeze3A_76 : f32 to vector<16xf32>
          %mul3A_851 = arith.mulf %select_n3A_844, %mul3A_850 : vector<16xf32>
          %add3A_852 = arith.addf %add3A_849, %mul3A_851 : vector<16xf32>
          %mul3A_853 = vector.broadcast %squeeze3A_66 : f32 to vector<16xf32>
          %mul3A_854 = arith.mulf %select_n3A_818, %mul3A_853 : vector<16xf32>
          %mul3A_855 = vector.broadcast %squeeze3A_72 : f32 to vector<16xf32>
          %mul3A_856 = arith.mulf %select_n3A_831, %mul3A_855 : vector<16xf32>
          %add3A_857 = arith.addf %mul3A_854, %mul3A_856 : vector<16xf32>
          %mul3A_858 = vector.broadcast %squeeze3A_78 : f32 to vector<16xf32>
          %mul3A_859 = arith.mulf %select_n3A_844, %mul3A_858 : vector<16xf32>
          %add3A_860 = arith.addf %add3A_857, %mul3A_859 : vector<16xf32>
          %mul3A_861 = vector.broadcast %squeeze3A_68 : f32 to vector<16xf32>
          %mul3A_862 = arith.mulf %select_n3A_818, %mul3A_861 : vector<16xf32>
          %mul3A_863 = vector.broadcast %squeeze3A_74 : f32 to vector<16xf32>
          %mul3A_864 = arith.mulf %select_n3A_831, %mul3A_863 : vector<16xf32>
          %add3A_865 = arith.addf %mul3A_862, %mul3A_864 : vector<16xf32>
          %mul3A_866 = vector.broadcast %squeeze3A_80 : f32 to vector<16xf32>
          %mul3A_867 = arith.mulf %select_n3A_844, %mul3A_866 : vector<16xf32>
          %add3A_868 = arith.addf %add3A_865, %mul3A_867 : vector<16xf32>
          %mul3A_869 = arith.mulf %add3A_852, %add3A_852 : vector<16xf32>
          %mul3A_870 = arith.mulf %add3A_860, %add3A_860 : vector<16xf32>
          %add3A_871 = arith.addf %mul3A_869, %mul3A_870 : vector<16xf32>
          %mul3A_872 = arith.mulf %add3A_868, %add3A_868 : vector<16xf32>
          %add3A_873 = arith.addf %add3A_871, %mul3A_872 : vector<16xf32>
          %add3A_874 = arith.constant 9.99999993E-9 : f32
          %add3A_875 = vector.broadcast %add3A_874 : f32 to vector<16xf32>
          %add3A_876 = arith.addf %add3A_873, %add3A_875 : vector<16xf32>
          %bitcast3A_877 = vector.bitcast %add3A_876 : vector<16xf32> to vector<16xi32>
          %shift_right_arithmetic3A_878 = arith.constant 1 : i32
          %shift_right_arithmetic3A_879 = vector.broadcast %shift_right_arithmetic3A_878 : i32 to vector<16xi32>
          %shift_right_arithmetic3A_880 = arith.shrsi %bitcast3A_877, %shift_right_arithmetic3A_879 : vector<16xi32>
          %sub3A_881 = arith.constant 1597463007 : i32
          %sub3A_882 = vector.broadcast %sub3A_881 : i32 to vector<16xi32>
          %sub3A_883 = arith.subi %sub3A_882, %shift_right_arithmetic3A_880 : vector<16xi32>
          %bitcast3A_884 = vector.bitcast %sub3A_883 : vector<16xi32> to vector<16xf32>
          %mul3A_885 = vector.broadcast %scan3A : f32 to vector<16xf32>
          %mul3A_886 = arith.mulf %add3A_876, %mul3A_885 : vector<16xf32>
          %mul3A_887 = arith.mulf %mul3A_886, %bitcast3A_884 : vector<16xf32>
          %mul3A_888 = arith.mulf %mul3A_887, %bitcast3A_884 : vector<16xf32>
          %sub3A_889 = arith.constant 1.500000e+00 : f32
          %sub3A_890 = vector.broadcast %sub3A_889 : f32 to vector<16xf32>
          %sub3A_891 = arith.subf %sub3A_890, %mul3A_888 : vector<16xf32>
          %mul3A_892 = arith.mulf %bitcast3A_884, %sub3A_891 : vector<16xf32>
          %mul3A_893 = arith.mulf %mul3A_886, %mul3A_892 : vector<16xf32>
          %mul3A_894 = arith.mulf %mul3A_893, %mul3A_892 : vector<16xf32>
          %sub3A_895 = arith.constant 1.500000e+00 : f32
          %sub3A_896 = vector.broadcast %sub3A_895 : f32 to vector<16xf32>
          %sub3A_897 = arith.subf %sub3A_896, %mul3A_894 : vector<16xf32>
          %mul3A_898 = arith.mulf %mul3A_892, %sub3A_897 : vector<16xf32>
          %mul3A_899 = arith.mulf %mul3A_886, %mul3A_898 : vector<16xf32>
          %mul3A_900 = arith.mulf %mul3A_899, %mul3A_898 : vector<16xf32>
          %sub3A_901 = arith.constant 1.500000e+00 : f32
          %sub3A_902 = vector.broadcast %sub3A_901 : f32 to vector<16xf32>
          %sub3A_903 = arith.subf %sub3A_902, %mul3A_900 : vector<16xf32>
          %mul3A_904 = arith.mulf %mul3A_898, %sub3A_903 : vector<16xf32>
          %mul3A_905 = arith.mulf %add3A_876, %mul3A_904 : vector<16xf32>
          %add3A_906 = arith.constant 32 : i32
          %add3A_907 = arith.addi %mul3A_513, %add3A_906 : i32
          %swap3A_908 = arith.index_cast %add3A_907 : i32 to index
          %swap3A_909 = tpu.vector_load %arg17[%swap3A_908] {strides = array<i32>} : memref<1280xf32, #tpu.memory_space<vmem>>, vector<16xf32>,
          tpu.vector_store %arg17[%swap3A_908], %mul3A_905 {strides = array<i32>} : memref<1280xf32, #tpu.memory_space<vmem>>, vector<16xf32>,
          %add3A_910 = arith.constant 32 : i32
          %add3A_911 = arith.addi %mul3A_515, %add3A_910 : i32
          %swap3A_912 = arith.index_cast %add3A_911 : i32 to index
          %swap3A_913 = tpu.vector_load %arg19[%swap3A_912] {strides = array<i32>} : memref<5120xf32, #tpu.memory_space<vmem>>, vector<16xf32>,
          tpu.vector_store %arg19[%swap3A_912], %add3A_852 {strides = array<i32>} : memref<5120xf32, #tpu.memory_space<vmem>>, vector<16xf32>,
          %add3A_914 = arith.constant 128 : i32
          %add3A_915 = arith.addi %mul3A_515, %add3A_914 : i32
          %add3A_916 = arith.constant 32 : i32
          %add3A_917 = arith.addi %add3A_915, %add3A_916 : i32
          %swap3A_918 = arith.index_cast %add3A_917 : i32 to index
          %swap3A_919 = tpu.vector_load %arg19[%swap3A_918] {strides = array<i32>} : memref<5120xf32, #tpu.memory_space<vmem>>, vector<16xf32>,
          tpu.vector_store %arg19[%swap3A_918], %add3A_860 {strides = array<i32>} : memref<5120xf32, #tpu.memory_space<vmem>>, vector<16xf32>,
          %add3A_920 = arith.constant 256 : i32
          %add3A_921 = arith.addi %mul3A_515, %add3A_920 : i32
          %add3A_922 = arith.constant 32 : i32
          %add3A_923 = arith.addi %add3A_921, %add3A_922 : i32
          %swap3A_924 = arith.index_cast %add3A_923 : i32 to index
          %swap3A_925 = tpu.vector_load %arg19[%swap3A_924] {strides = array<i32>} : memref<5120xf32, #tpu.memory_space<vmem>>, vector<16xf32>,
          tpu.vector_store %arg19[%swap3A_924], %add3A_868 {strides = array<i32>} : memref<5120xf32, #tpu.memory_space<vmem>>, vector<16xf32>,
          %add3A_926 = arith.constant 48 : i32
          %add3A_927 = arith.addi %mul3A_513, %add3A_926 : i32
          %add3A_928 = vector.broadcast %add3A_927 : i32 to vector<16xi32>
          %add3A_929 = arith.addi %iota3A, %add3A_928 : vector<16xi32>
          %broadcast_in_dim3A_930 = arith.constant 0 : i32
          %broadcast_in_dim3A_931 = vector.broadcast %broadcast_in_dim3A_930 : i32 to vector<16xi32>
          %add3A_932 = arith.constant 1 : i32
          %add3A_933 = vector.broadcast %add3A_932 : i32 to vector<16xi32>
          %add3A_934 = arith.addi %broadcast_in_dim3A_931, %add3A_933 : vector<16xi32>
          %add3A_935 = arith.constant 2 : i32
          %add3A_936 = vector.broadcast %add3A_935 : i32 to vector<16xi32>
          %add3A_937 = arith.addi %broadcast_in_dim3A_931, %add3A_936 : vector<16xi32>
          %gather3A_938 = tpu.vector_load_idx %arg13[%add3A_929, %broadcast_in_dim3A_931] : memref<1280x8xf32, #tpu.memory_space<vmem>>[vector<16xi32>, vector<16xi32>], vector<16xf32>,
          %gather3A_939 = tpu.vector_load_idx %arg13[%add3A_929, %add3A_934] : memref<1280x8xf32, #tpu.memory_space<vmem>>[vector<16xi32>, vector<16xi32>], vector<16xf32>,
          %gather3A_940 = tpu.vector_load_idx %arg13[%add3A_929, %add3A_937] : memref<1280x8xf32, #tpu.memory_space<vmem>>[vector<16xi32>, vector<16xi32>], vector<16xf32>,
          %gather3A_941 = tpu.vector_load_idx %arg15[%add3A_929, %broadcast_in_dim3A_931] : memref<1280x8xf32, #tpu.memory_space<vmem>>[vector<16xi32>, vector<16xi32>], vector<16xf32>,
          %gather3A_942 = tpu.vector_load_idx %arg15[%add3A_929, %add3A_934] : memref<1280x8xf32, #tpu.memory_space<vmem>>[vector<16xi32>, vector<16xi32>], vector<16xf32>,
          %gather3A_943 = tpu.vector_load_idx %arg15[%add3A_929, %add3A_937] : memref<1280x8xf32, #tpu.memory_space<vmem>>[vector<16xi32>, vector<16xi32>], vector<16xf32>,
          %sub3A_944 = arith.subf %gather3A_938, %gather3A_941 : vector<16xf32>
          %gt3A_945 = vector.broadcast %scan3A : f32 to vector<16xf32>
          %gt3A_946 = arith.cmpf ogt, %sub3A_944, %gt3A_945 : vector<16xf32>
          %sub3A_947 = vector.broadcast %scan3A_430 : f32 to vector<16xf32>
          %sub3A_948 = arith.subf %sub3A_944, %sub3A_947 : vector<16xf32>
          %select_n3A_949 = arith.select %gt3A_946, %sub3A_948, %sub3A_944 : vector<16xi1>, vector<16xf32>
          %neg3A_950 = arith.constant 0.000000e+00 : f32
          %neg3A_951 = arith.subf %neg3A_950, %scan3A : f32
          %lt3A_952 = vector.broadcast %neg3A_951 : f32 to vector<16xf32>
          %lt3A_953 = arith.cmpf olt, %select_n3A_949, %lt3A_952 : vector<16xf32>
          %add3A_954 = vector.broadcast %scan3A_430 : f32 to vector<16xf32>
          %add3A_955 = arith.addf %select_n3A_949, %add3A_954 : vector<16xf32>
          %select_n3A_956 = arith.select %lt3A_953, %add3A_955, %select_n3A_949 : vector<16xi1>, vector<16xf32>
          %sub3A_957 = arith.subf %gather3A_939, %gather3A_942 : vector<16xf32>
          %gt3A_958 = vector.broadcast %scan3A : f32 to vector<16xf32>
          %gt3A_959 = arith.cmpf ogt, %sub3A_957, %gt3A_958 : vector<16xf32>
          %sub3A_960 = vector.broadcast %scan3A_430 : f32 to vector<16xf32>
          %sub3A_961 = arith.subf %sub3A_957, %sub3A_960 : vector<16xf32>
          %select_n3A_962 = arith.select %gt3A_959, %sub3A_961, %sub3A_957 : vector<16xi1>, vector<16xf32>
          %neg3A_963 = arith.constant 0.000000e+00 : f32
          %neg3A_964 = arith.subf %neg3A_963, %scan3A : f32
          %lt3A_965 = vector.broadcast %neg3A_964 : f32 to vector<16xf32>
          %lt3A_966 = arith.cmpf olt, %select_n3A_962, %lt3A_965 : vector<16xf32>
          %add3A_967 = vector.broadcast %scan3A_430 : f32 to vector<16xf32>
          %add3A_968 = arith.addf %select_n3A_962, %add3A_967 : vector<16xf32>
          %select_n3A_969 = arith.select %lt3A_966, %add3A_968, %select_n3A_962 : vector<16xi1>, vector<16xf32>
          %sub3A_970 = arith.subf %gather3A_940, %gather3A_943 : vector<16xf32>
          %gt3A_971 = vector.broadcast %scan3A : f32 to vector<16xf32>
          %gt3A_972 = arith.cmpf ogt, %sub3A_970, %gt3A_971 : vector<16xf32>
          %sub3A_973 = vector.broadcast %scan3A_430 : f32 to vector<16xf32>
          %sub3A_974 = arith.subf %sub3A_970, %sub3A_973 : vector<16xf32>
          %select_n3A_975 = arith.select %gt3A_972, %sub3A_974, %sub3A_970 : vector<16xi1>, vector<16xf32>
          %neg3A_976 = arith.constant 0.000000e+00 : f32
          %neg3A_977 = arith.subf %neg3A_976, %scan3A : f32
          %lt3A_978 = vector.broadcast %neg3A_977 : f32 to vector<16xf32>
          %lt3A_979 = arith.cmpf olt, %select_n3A_975, %lt3A_978 : vector<16xf32>
          %add3A_980 = vector.broadcast %scan3A_430 : f32 to vector<16xf32>
          %add3A_981 = arith.addf %select_n3A_975, %add3A_980 : vector<16xf32>
          %select_n3A_982 = arith.select %lt3A_979, %add3A_981, %select_n3A_975 : vector<16xi1>, vector<16xf32>
          %mul3A_983 = vector.broadcast %squeeze3A : f32 to vector<16xf32>
          %mul3A_984 = arith.mulf %select_n3A_956, %mul3A_983 : vector<16xf32>
          %mul3A_985 = vector.broadcast %squeeze3A_70 : f32 to vector<16xf32>
          %mul3A_986 = arith.mulf %select_n3A_969, %mul3A_985 : vector<16xf32>
          %add3A_987 = arith.addf %mul3A_984, %mul3A_986 : vector<16xf32>
          %mul3A_988 = vector.broadcast %squeeze3A_76 : f32 to vector<16xf32>
          %mul3A_989 = arith.mulf %select_n3A_982, %mul3A_988 : vector<16xf32>
          %add3A_990 = arith.addf %add3A_987, %mul3A_989 : vector<16xf32>
          %mul3A_991 = vector.broadcast %squeeze3A_66 : f32 to vector<16xf32>
          %mul3A_992 = arith.mulf %select_n3A_956, %mul3A_991 : vector<16xf32>
          %mul3A_993 = vector.broadcast %squeeze3A_72 : f32 to vector<16xf32>
          %mul3A_994 = arith.mulf %select_n3A_969, %mul3A_993 : vector<16xf32>
          %add3A_995 = arith.addf %mul3A_992, %mul3A_994 : vector<16xf32>
          %mul3A_996 = vector.broadcast %squeeze3A_78 : f32 to vector<16xf32>
          %mul3A_997 = arith.mulf %select_n3A_982, %mul3A_996 : vector<16xf32>
          %add3A_998 = arith.addf %add3A_995, %mul3A_997 : vector<16xf32>
          %mul3A_999 = vector.broadcast %squeeze3A_68 : f32 to vector<16xf32>
          %mul3A_1000 = arith.mulf %select_n3A_956, %mul3A_999 : vector<16xf32>
          %mul3A_1001 = vector.broadcast %squeeze3A_74 : f32 to vector<16xf32>
          %mul3A_1002 = arith.mulf %select_n3A_969, %mul3A_1001 : vector<16xf32>
          %add3A_1003 = arith.addf %mul3A_1000, %mul3A_1002 : vector<16xf32>
          %mul3A_1004 = vector.broadcast %squeeze3A_80 : f32 to vector<16xf32>
          %mul3A_1005 = arith.mulf %select_n3A_982, %mul3A_1004 : vector<16xf32>
          %add3A_1006 = arith.addf %add3A_1003, %mul3A_1005 : vector<16xf32>
          %mul3A_1007 = arith.mulf %add3A_990, %add3A_990 : vector<16xf32>
          %mul3A_1008 = arith.mulf %add3A_998, %add3A_998 : vector<16xf32>
          %add3A_1009 = arith.addf %mul3A_1007, %mul3A_1008 : vector<16xf32>
          %mul3A_1010 = arith.mulf %add3A_1006, %add3A_1006 : vector<16xf32>
          %add3A_1011 = arith.addf %add3A_1009, %mul3A_1010 : vector<16xf32>
          %add3A_1012 = arith.constant 9.99999993E-9 : f32
          %add3A_1013 = vector.broadcast %add3A_1012 : f32 to vector<16xf32>
          %add3A_1014 = arith.addf %add3A_1011, %add3A_1013 : vector<16xf32>
          %bitcast3A_1015 = vector.bitcast %add3A_1014 : vector<16xf32> to vector<16xi32>
          %shift_right_arithmetic3A_1016 = arith.constant 1 : i32
          %shift_right_arithmetic3A_1017 = vector.broadcast %shift_right_arithmetic3A_1016 : i32 to vector<16xi32>
          %shift_right_arithmetic3A_1018 = arith.shrsi %bitcast3A_1015, %shift_right_arithmetic3A_1017 : vector<16xi32>
          %sub3A_1019 = arith.constant 1597463007 : i32
          %sub3A_1020 = vector.broadcast %sub3A_1019 : i32 to vector<16xi32>
          %sub3A_1021 = arith.subi %sub3A_1020, %shift_right_arithmetic3A_1018 : vector<16xi32>
          %bitcast3A_1022 = vector.bitcast %sub3A_1021 : vector<16xi32> to vector<16xf32>
          %mul3A_1023 = vector.broadcast %scan3A : f32 to vector<16xf32>
          %mul3A_1024 = arith.mulf %add3A_1014, %mul3A_1023 : vector<16xf32>
          %mul3A_1025 = arith.mulf %mul3A_1024, %bitcast3A_1022 : vector<16xf32>
          %mul3A_1026 = arith.mulf %mul3A_1025, %bitcast3A_1022 : vector<16xf32>
          %sub3A_1027 = arith.constant 1.500000e+00 : f32
          %sub3A_1028 = vector.broadcast %sub3A_1027 : f32 to vector<16xf32>
          %sub3A_1029 = arith.subf %sub3A_1028, %mul3A_1026 : vector<16xf32>
          %mul3A_1030 = arith.mulf %bitcast3A_1022, %sub3A_1029 : vector<16xf32>
          %mul3A_1031 = arith.mulf %mul3A_1024, %mul3A_1030 : vector<16xf32>
          %mul3A_1032 = arith.mulf %mul3A_1031, %mul3A_1030 : vector<16xf32>
          %sub3A_1033 = arith.constant 1.500000e+00 : f32
          %sub3A_1034 = vector.broadcast %sub3A_1033 : f32 to vector<16xf32>
          %sub3A_1035 = arith.subf %sub3A_1034, %mul3A_1032 : vector<16xf32>
          %mul3A_1036 = arith.mulf %mul3A_1030, %sub3A_1035 : vector<16xf32>
          %mul3A_1037 = arith.mulf %mul3A_1024, %mul3A_1036 : vector<16xf32>
          %mul3A_1038 = arith.mulf %mul3A_1037, %mul3A_1036 : vector<16xf32>
          %sub3A_1039 = arith.constant 1.500000e+00 : f32
          %sub3A_1040 = vector.broadcast %sub3A_1039 : f32 to vector<16xf32>
          %sub3A_1041 = arith.subf %sub3A_1040, %mul3A_1038 : vector<16xf32>
          %mul3A_1042 = arith.mulf %mul3A_1036, %sub3A_1041 : vector<16xf32>
          %mul3A_1043 = arith.mulf %add3A_1014, %mul3A_1042 : vector<16xf32>
          %add3A_1044 = arith.constant 48 : i32
          %add3A_1045 = arith.addi %mul3A_513, %add3A_1044 : i32
          %swap3A_1046 = arith.index_cast %add3A_1045 : i32 to index
          %swap3A_1047 = tpu.vector_load %arg17[%swap3A_1046] {strides = array<i32>} : memref<1280xf32, #tpu.memory_space<vmem>>, vector<16xf32>,
          tpu.vector_store %arg17[%swap3A_1046], %mul3A_1043 {strides = array<i32>} : memref<1280xf32, #tpu.memory_space<vmem>>, vector<16xf32>,
          %add3A_1048 = arith.constant 48 : i32
          %add3A_1049 = arith.addi %mul3A_515, %add3A_1048 : i32
          %swap3A_1050 = arith.index_cast %add3A_1049 : i32 to index
          %swap3A_1051 = tpu.vector_load %arg19[%swap3A_1050] {strides = array<i32>} : memref<5120xf32, #tpu.memory_space<vmem>>, vector<16xf32>,
          tpu.vector_store %arg19[%swap3A_1050], %add3A_990 {strides = array<i32>} : memref<5120xf32, #tpu.memory_space<vmem>>, vector<16xf32>,
          %add3A_1052 = arith.constant 128 : i32
          %add3A_1053 = arith.addi %mul3A_515, %add3A_1052 : i32
          %add3A_1054 = arith.constant 48 : i32
          %add3A_1055 = arith.addi %add3A_1053, %add3A_1054 : i32
          %swap3A_1056 = arith.index_cast %add3A_1055 : i32 to index
          %swap3A_1057 = tpu.vector_load %arg19[%swap3A_1056] {strides = array<i32>} : memref<5120xf32, #tpu.memory_space<vmem>>, vector<16xf32>,
          tpu.vector_store %arg19[%swap3A_1056], %add3A_998 {strides = array<i32>} : memref<5120xf32, #tpu.memory_space<vmem>>, vector<16xf32>,
          %add3A_1058 = arith.constant 256 : i32
          %add3A_1059 = arith.addi %mul3A_515, %add3A_1058 : i32
          %add3A_1060 = arith.constant 48 : i32
          %add3A_1061 = arith.addi %add3A_1059, %add3A_1060 : i32
          %swap3A_1062 = arith.index_cast %add3A_1061 : i32 to index
          %swap3A_1063 = tpu.vector_load %arg19[%swap3A_1062] {strides = array<i32>} : memref<5120xf32, #tpu.memory_space<vmem>>, vector<16xf32>,
          tpu.vector_store %arg19[%swap3A_1062], %add3A_1006 {strides = array<i32>} : memref<5120xf32, #tpu.memory_space<vmem>>, vector<16xf32>,
          %add3A_1064 = arith.constant 64 : i32
          %add3A_1065 = arith.addi %mul3A_513, %add3A_1064 : i32
          %add3A_1066 = vector.broadcast %add3A_1065 : i32 to vector<16xi32>
          %add3A_1067 = arith.addi %iota3A, %add3A_1066 : vector<16xi32>
          %broadcast_in_dim3A_1068 = arith.constant 0 : i32
          %broadcast_in_dim3A_1069 = vector.broadcast %broadcast_in_dim3A_1068 : i32 to vector<16xi32>
          %add3A_1070 = arith.constant 1 : i32
          %add3A_1071 = vector.broadcast %add3A_1070 : i32 to vector<16xi32>
          %add3A_1072 = arith.addi %broadcast_in_dim3A_1069, %add3A_1071 : vector<16xi32>
          %add3A_1073 = arith.constant 2 : i32
          %add3A_1074 = vector.broadcast %add3A_1073 : i32 to vector<16xi32>
          %add3A_1075 = arith.addi %broadcast_in_dim3A_1069, %add3A_1074 : vector<16xi32>
          %gather3A_1076 = tpu.vector_load_idx %arg13[%add3A_1067, %broadcast_in_dim3A_1069] : memref<1280x8xf32, #tpu.memory_space<vmem>>[vector<16xi32>, vector<16xi32>], vector<16xf32>,
          %gather3A_1077 = tpu.vector_load_idx %arg13[%add3A_1067, %add3A_1072] : memref<1280x8xf32, #tpu.memory_space<vmem>>[vector<16xi32>, vector<16xi32>], vector<16xf32>,
          %gather3A_1078 = tpu.vector_load_idx %arg13[%add3A_1067, %add3A_1075] : memref<1280x8xf32, #tpu.memory_space<vmem>>[vector<16xi32>, vector<16xi32>], vector<16xf32>,
          %gather3A_1079 = tpu.vector_load_idx %arg15[%add3A_1067, %broadcast_in_dim3A_1069] : memref<1280x8xf32, #tpu.memory_space<vmem>>[vector<16xi32>, vector<16xi32>], vector<16xf32>,
          %gather3A_1080 = tpu.vector_load_idx %arg15[%add3A_1067, %add3A_1072] : memref<1280x8xf32, #tpu.memory_space<vmem>>[vector<16xi32>, vector<16xi32>], vector<16xf32>,
          %gather3A_1081 = tpu.vector_load_idx %arg15[%add3A_1067, %add3A_1075] : memref<1280x8xf32, #tpu.memory_space<vmem>>[vector<16xi32>, vector<16xi32>], vector<16xf32>,
          %sub3A_1082 = arith.subf %gather3A_1076, %gather3A_1079 : vector<16xf32>
          %gt3A_1083 = vector.broadcast %scan3A : f32 to vector<16xf32>
          %gt3A_1084 = arith.cmpf ogt, %sub3A_1082, %gt3A_1083 : vector<16xf32>
          %sub3A_1085 = vector.broadcast %scan3A_430 : f32 to vector<16xf32>
          %sub3A_1086 = arith.subf %sub3A_1082, %sub3A_1085 : vector<16xf32>
          %select_n3A_1087 = arith.select %gt3A_1084, %sub3A_1086, %sub3A_1082 : vector<16xi1>, vector<16xf32>
          %neg3A_1088 = arith.constant 0.000000e+00 : f32
          %neg3A_1089 = arith.subf %neg3A_1088, %scan3A : f32
          %lt3A_1090 = vector.broadcast %neg3A_1089 : f32 to vector<16xf32>
          %lt3A_1091 = arith.cmpf olt, %select_n3A_1087, %lt3A_1090 : vector<16xf32>
          %add3A_1092 = vector.broadcast %scan3A_430 : f32 to vector<16xf32>
          %add3A_1093 = arith.addf %select_n3A_1087, %add3A_1092 : vector<16xf32>
          %select_n3A_1094 = arith.select %lt3A_1091, %add3A_1093, %select_n3A_1087 : vector<16xi1>, vector<16xf32>
          %sub3A_1095 = arith.subf %gather3A_1077, %gather3A_1080 : vector<16xf32>
          %gt3A_1096 = vector.broadcast %scan3A : f32 to vector<16xf32>
          %gt3A_1097 = arith.cmpf ogt, %sub3A_1095, %gt3A_1096 : vector<16xf32>
          %sub3A_1098 = vector.broadcast %scan3A_430 : f32 to vector<16xf32>
          %sub3A_1099 = arith.subf %sub3A_1095, %sub3A_1098 : vector<16xf32>
          %select_n3A_1100 = arith.select %gt3A_1097, %sub3A_1099, %sub3A_1095 : vector<16xi1>, vector<16xf32>
          %neg3A_1101 = arith.constant 0.000000e+00 : f32
          %neg3A_1102 = arith.subf %neg3A_1101, %scan3A : f32
          %lt3A_1103 = vector.broadcast %neg3A_1102 : f32 to vector<16xf32>
          %lt3A_1104 = arith.cmpf olt, %select_n3A_1100, %lt3A_1103 : vector<16xf32>
          %add3A_1105 = vector.broadcast %scan3A_430 : f32 to vector<16xf32>
          %add3A_1106 = arith.addf %select_n3A_1100, %add3A_1105 : vector<16xf32>
          %select_n3A_1107 = arith.select %lt3A_1104, %add3A_1106, %select_n3A_1100 : vector<16xi1>, vector<16xf32>
          %sub3A_1108 = arith.subf %gather3A_1078, %gather3A_1081 : vector<16xf32>
          %gt3A_1109 = vector.broadcast %scan3A : f32 to vector<16xf32>
          %gt3A_1110 = arith.cmpf ogt, %sub3A_1108, %gt3A_1109 : vector<16xf32>
          %sub3A_1111 = vector.broadcast %scan3A_430 : f32 to vector<16xf32>
          %sub3A_1112 = arith.subf %sub3A_1108, %sub3A_1111 : vector<16xf32>
          %select_n3A_1113 = arith.select %gt3A_1110, %sub3A_1112, %sub3A_1108 : vector<16xi1>, vector<16xf32>
          %neg3A_1114 = arith.constant 0.000000e+00 : f32
          %neg3A_1115 = arith.subf %neg3A_1114, %scan3A : f32
          %lt3A_1116 = vector.broadcast %neg3A_1115 : f32 to vector<16xf32>
          %lt3A_1117 = arith.cmpf olt, %select_n3A_1113, %lt3A_1116 : vector<16xf32>
          %add3A_1118 = vector.broadcast %scan3A_430 : f32 to vector<16xf32>
          %add3A_1119 = arith.addf %select_n3A_1113, %add3A_1118 : vector<16xf32>
          %select_n3A_1120 = arith.select %lt3A_1117, %add3A_1119, %select_n3A_1113 : vector<16xi1>, vector<16xf32>
          %mul3A_1121 = vector.broadcast %squeeze3A : f32 to vector<16xf32>
          %mul3A_1122 = arith.mulf %select_n3A_1094, %mul3A_1121 : vector<16xf32>
          %mul3A_1123 = vector.broadcast %squeeze3A_70 : f32 to vector<16xf32>
          %mul3A_1124 = arith.mulf %select_n3A_1107, %mul3A_1123 : vector<16xf32>
          %add3A_1125 = arith.addf %mul3A_1122, %mul3A_1124 : vector<16xf32>
          %mul3A_1126 = vector.broadcast %squeeze3A_76 : f32 to vector<16xf32>
          %mul3A_1127 = arith.mulf %select_n3A_1120, %mul3A_1126 : vector<16xf32>
          %add3A_1128 = arith.addf %add3A_1125, %mul3A_1127 : vector<16xf32>
          %mul3A_1129 = vector.broadcast %squeeze3A_66 : f32 to vector<16xf32>
          %mul3A_1130 = arith.mulf %select_n3A_1094, %mul3A_1129 : vector<16xf32>
          %mul3A_1131 = vector.broadcast %squeeze3A_72 : f32 to vector<16xf32>
          %mul3A_1132 = arith.mulf %select_n3A_1107, %mul3A_1131 : vector<16xf32>
          %add3A_1133 = arith.addf %mul3A_1130, %mul3A_1132 : vector<16xf32>
          %mul3A_1134 = vector.broadcast %squeeze3A_78 : f32 to vector<16xf32>
          %mul3A_1135 = arith.mulf %select_n3A_1120, %mul3A_1134 : vector<16xf32>
          %add3A_1136 = arith.addf %add3A_1133, %mul3A_1135 : vector<16xf32>
          %mul3A_1137 = vector.broadcast %squeeze3A_68 : f32 to vector<16xf32>
          %mul3A_1138 = arith.mulf %select_n3A_1094, %mul3A_1137 : vector<16xf32>
          %mul3A_1139 = vector.broadcast %squeeze3A_74 : f32 to vector<16xf32>
          %mul3A_1140 = arith.mulf %select_n3A_1107, %mul3A_1139 : vector<16xf32>
          %add3A_1141 = arith.addf %mul3A_1138, %mul3A_1140 : vector<16xf32>
          %mul3A_1142 = vector.broadcast %squeeze3A_80 : f32 to vector<16xf32>
          %mul3A_1143 = arith.mulf %select_n3A_1120, %mul3A_1142 : vector<16xf32>
          %add3A_1144 = arith.addf %add3A_1141, %mul3A_1143 : vector<16xf32>
          %mul3A_1145 = arith.mulf %add3A_1128, %add3A_1128 : vector<16xf32>
          %mul3A_1146 = arith.mulf %add3A_1136, %add3A_1136 : vector<16xf32>
          %add3A_1147 = arith.addf %mul3A_1145, %mul3A_1146 : vector<16xf32>
          %mul3A_1148 = arith.mulf %add3A_1144, %add3A_1144 : vector<16xf32>
          %add3A_1149 = arith.addf %add3A_1147, %mul3A_1148 : vector<16xf32>
          %add3A_1150 = arith.constant 9.99999993E-9 : f32
          %add3A_1151 = vector.broadcast %add3A_1150 : f32 to vector<16xf32>
          %add3A_1152 = arith.addf %add3A_1149, %add3A_1151 : vector<16xf32>
          %bitcast3A_1153 = vector.bitcast %add3A_1152 : vector<16xf32> to vector<16xi32>
          %shift_right_arithmetic3A_1154 = arith.constant 1 : i32
          %shift_right_arithmetic3A_1155 = vector.broadcast %shift_right_arithmetic3A_1154 : i32 to vector<16xi32>
          %shift_right_arithmetic3A_1156 = arith.shrsi %bitcast3A_1153, %shift_right_arithmetic3A_1155 : vector<16xi32>
          %sub3A_1157 = arith.constant 1597463007 : i32
          %sub3A_1158 = vector.broadcast %sub3A_1157 : i32 to vector<16xi32>
          %sub3A_1159 = arith.subi %sub3A_1158, %shift_right_arithmetic3A_1156 : vector<16xi32>
          %bitcast3A_1160 = vector.bitcast %sub3A_1159 : vector<16xi32> to vector<16xf32>
          %mul3A_1161 = vector.broadcast %scan3A : f32 to vector<16xf32>
          %mul3A_1162 = arith.mulf %add3A_1152, %mul3A_1161 : vector<16xf32>
          %mul3A_1163 = arith.mulf %mul3A_1162, %bitcast3A_1160 : vector<16xf32>
          %mul3A_1164 = arith.mulf %mul3A_1163, %bitcast3A_1160 : vector<16xf32>
          %sub3A_1165 = arith.constant 1.500000e+00 : f32
          %sub3A_1166 = vector.broadcast %sub3A_1165 : f32 to vector<16xf32>
          %sub3A_1167 = arith.subf %sub3A_1166, %mul3A_1164 : vector<16xf32>
          %mul3A_1168 = arith.mulf %bitcast3A_1160, %sub3A_1167 : vector<16xf32>
          %mul3A_1169 = arith.mulf %mul3A_1162, %mul3A_1168 : vector<16xf32>
          %mul3A_1170 = arith.mulf %mul3A_1169, %mul3A_1168 : vector<16xf32>
          %sub3A_1171 = arith.constant 1.500000e+00 : f32
          %sub3A_1172 = vector.broadcast %sub3A_1171 : f32 to vector<16xf32>
          %sub3A_1173 = arith.subf %sub3A_1172, %mul3A_1170 : vector<16xf32>
          %mul3A_1174 = arith.mulf %mul3A_1168, %sub3A_1173 : vector<16xf32>
          %mul3A_1175 = arith.mulf %mul3A_1162, %mul3A_1174 : vector<16xf32>
          %mul3A_1176 = arith.mulf %mul3A_1175, %mul3A_1174 : vector<16xf32>
          %sub3A_1177 = arith.constant 1.500000e+00 : f32
          %sub3A_1178 = vector.broadcast %sub3A_1177 : f32 to vector<16xf32>
          %sub3A_1179 = arith.subf %sub3A_1178, %mul3A_1176 : vector<16xf32>
          %mul3A_1180 = arith.mulf %mul3A_1174, %sub3A_1179 : vector<16xf32>
          %mul3A_1181 = arith.mulf %add3A_1152, %mul3A_1180 : vector<16xf32>
          %add3A_1182 = arith.constant 64 : i32
          %add3A_1183 = arith.addi %mul3A_513, %add3A_1182 : i32
          %swap3A_1184 = arith.index_cast %add3A_1183 : i32 to index
          %swap3A_1185 = tpu.vector_load %arg17[%swap3A_1184] {strides = array<i32>} : memref<1280xf32, #tpu.memory_space<vmem>>, vector<16xf32>,
          tpu.vector_store %arg17[%swap3A_1184], %mul3A_1181 {strides = array<i32>} : memref<1280xf32, #tpu.memory_space<vmem>>, vector<16xf32>,
          %add3A_1186 = arith.constant 64 : i32
          %add3A_1187 = arith.addi %mul3A_515, %add3A_1186 : i32
          %swap3A_1188 = arith.index_cast %add3A_1187 : i32 to index
          %swap3A_1189 = tpu.vector_load %arg19[%swap3A_1188] {strides = array<i32>} : memref<5120xf32, #tpu.memory_space<vmem>>, vector<16xf32>,
          tpu.vector_store %arg19[%swap3A_1188], %add3A_1128 {strides = array<i32>} : memref<5120xf32, #tpu.memory_space<vmem>>, vector<16xf32>,
          %add3A_1190 = arith.constant 128 : i32
          %add3A_1191 = arith.addi %mul3A_515, %add3A_1190 : i32
          %add3A_1192 = arith.constant 64 : i32
          %add3A_1193 = arith.addi %add3A_1191, %add3A_1192 : i32
          %swap3A_1194 = arith.index_cast %add3A_1193 : i32 to index
          %swap3A_1195 = tpu.vector_load %arg19[%swap3A_1194] {strides = array<i32>} : memref<5120xf32, #tpu.memory_space<vmem>>, vector<16xf32>,
          tpu.vector_store %arg19[%swap3A_1194], %add3A_1136 {strides = array<i32>} : memref<5120xf32, #tpu.memory_space<vmem>>, vector<16xf32>,
          %add3A_1196 = arith.constant 256 : i32
          %add3A_1197 = arith.addi %mul3A_515, %add3A_1196 : i32
          %add3A_1198 = arith.constant 64 : i32
          %add3A_1199 = arith.addi %add3A_1197, %add3A_1198 : i32
          %swap3A_1200 = arith.index_cast %add3A_1199 : i32 to index
          %swap3A_1201 = tpu.vector_load %arg19[%swap3A_1200] {strides = array<i32>} : memref<5120xf32, #tpu.memory_space<vmem>>, vector<16xf32>,
          tpu.vector_store %arg19[%swap3A_1200], %add3A_1144 {strides = array<i32>} : memref<5120xf32, #tpu.memory_space<vmem>>, vector<16xf32>,
          %add3A_1202 = arith.constant 80 : i32
          %add3A_1203 = arith.addi %mul3A_513, %add3A_1202 : i32
          %add3A_1204 = vector.broadcast %add3A_1203 : i32 to vector<16xi32>
          %add3A_1205 = arith.addi %iota3A, %add3A_1204 : vector<16xi32>
          %broadcast_in_dim3A_1206 = arith.constant 0 : i32
          %broadcast_in_dim3A_1207 = vector.broadcast %broadcast_in_dim3A_1206 : i32 to vector<16xi32>
          %add3A_1208 = arith.constant 1 : i32
          %add3A_1209 = vector.broadcast %add3A_1208 : i32 to vector<16xi32>
          %add3A_1210 = arith.addi %broadcast_in_dim3A_1207, %add3A_1209 : vector<16xi32>
          %add3A_1211 = arith.constant 2 : i32
          %add3A_1212 = vector.broadcast %add3A_1211 : i32 to vector<16xi32>
          %add3A_1213 = arith.addi %broadcast_in_dim3A_1207, %add3A_1212 : vector<16xi32>
          %gather3A_1214 = tpu.vector_load_idx %arg13[%add3A_1205, %broadcast_in_dim3A_1207] : memref<1280x8xf32, #tpu.memory_space<vmem>>[vector<16xi32>, vector<16xi32>], vector<16xf32>,
          %gather3A_1215 = tpu.vector_load_idx %arg13[%add3A_1205, %add3A_1210] : memref<1280x8xf32, #tpu.memory_space<vmem>>[vector<16xi32>, vector<16xi32>], vector<16xf32>,
          %gather3A_1216 = tpu.vector_load_idx %arg13[%add3A_1205, %add3A_1213] : memref<1280x8xf32, #tpu.memory_space<vmem>>[vector<16xi32>, vector<16xi32>], vector<16xf32>,
          %gather3A_1217 = tpu.vector_load_idx %arg15[%add3A_1205, %broadcast_in_dim3A_1207] : memref<1280x8xf32, #tpu.memory_space<vmem>>[vector<16xi32>, vector<16xi32>], vector<16xf32>,
          %gather3A_1218 = tpu.vector_load_idx %arg15[%add3A_1205, %add3A_1210] : memref<1280x8xf32, #tpu.memory_space<vmem>>[vector<16xi32>, vector<16xi32>], vector<16xf32>,
          %gather3A_1219 = tpu.vector_load_idx %arg15[%add3A_1205, %add3A_1213] : memref<1280x8xf32, #tpu.memory_space<vmem>>[vector<16xi32>, vector<16xi32>], vector<16xf32>,
          %sub3A_1220 = arith.subf %gather3A_1214, %gather3A_1217 : vector<16xf32>
          %gt3A_1221 = vector.broadcast %scan3A : f32 to vector<16xf32>
          %gt3A_1222 = arith.cmpf ogt, %sub3A_1220, %gt3A_1221 : vector<16xf32>
          %sub3A_1223 = vector.broadcast %scan3A_430 : f32 to vector<16xf32>
          %sub3A_1224 = arith.subf %sub3A_1220, %sub3A_1223 : vector<16xf32>
          %select_n3A_1225 = arith.select %gt3A_1222, %sub3A_1224, %sub3A_1220 : vector<16xi1>, vector<16xf32>
          %neg3A_1226 = arith.constant 0.000000e+00 : f32
          %neg3A_1227 = arith.subf %neg3A_1226, %scan3A : f32
          %lt3A_1228 = vector.broadcast %neg3A_1227 : f32 to vector<16xf32>
          %lt3A_1229 = arith.cmpf olt, %select_n3A_1225, %lt3A_1228 : vector<16xf32>
          %add3A_1230 = vector.broadcast %scan3A_430 : f32 to vector<16xf32>
          %add3A_1231 = arith.addf %select_n3A_1225, %add3A_1230 : vector<16xf32>
          %select_n3A_1232 = arith.select %lt3A_1229, %add3A_1231, %select_n3A_1225 : vector<16xi1>, vector<16xf32>
          %sub3A_1233 = arith.subf %gather3A_1215, %gather3A_1218 : vector<16xf32>
          %gt3A_1234 = vector.broadcast %scan3A : f32 to vector<16xf32>
          %gt3A_1235 = arith.cmpf ogt, %sub3A_1233, %gt3A_1234 : vector<16xf32>
          %sub3A_1236 = vector.broadcast %scan3A_430 : f32 to vector<16xf32>
          %sub3A_1237 = arith.subf %sub3A_1233, %sub3A_1236 : vector<16xf32>
          %select_n3A_1238 = arith.select %gt3A_1235, %sub3A_1237, %sub3A_1233 : vector<16xi1>, vector<16xf32>
          %neg3A_1239 = arith.constant 0.000000e+00 : f32
          %neg3A_1240 = arith.subf %neg3A_1239, %scan3A : f32
          %lt3A_1241 = vector.broadcast %neg3A_1240 : f32 to vector<16xf32>
          %lt3A_1242 = arith.cmpf olt, %select_n3A_1238, %lt3A_1241 : vector<16xf32>
          %add3A_1243 = vector.broadcast %scan3A_430 : f32 to vector<16xf32>
          %add3A_1244 = arith.addf %select_n3A_1238, %add3A_1243 : vector<16xf32>
          %select_n3A_1245 = arith.select %lt3A_1242, %add3A_1244, %select_n3A_1238 : vector<16xi1>, vector<16xf32>
          %sub3A_1246 = arith.subf %gather3A_1216, %gather3A_1219 : vector<16xf32>
          %gt3A_1247 = vector.broadcast %scan3A : f32 to vector<16xf32>
          %gt3A_1248 = arith.cmpf ogt, %sub3A_1246, %gt3A_1247 : vector<16xf32>
          %sub3A_1249 = vector.broadcast %scan3A_430 : f32 to vector<16xf32>
          %sub3A_1250 = arith.subf %sub3A_1246, %sub3A_1249 : vector<16xf32>
          %select_n3A_1251 = arith.select %gt3A_1248, %sub3A_1250, %sub3A_1246 : vector<16xi1>, vector<16xf32>
          %neg3A_1252 = arith.constant 0.000000e+00 : f32
          %neg3A_1253 = arith.subf %neg3A_1252, %scan3A : f32
          %lt3A_1254 = vector.broadcast %neg3A_1253 : f32 to vector<16xf32>
          %lt3A_1255 = arith.cmpf olt, %select_n3A_1251, %lt3A_1254 : vector<16xf32>
          %add3A_1256 = vector.broadcast %scan3A_430 : f32 to vector<16xf32>
          %add3A_1257 = arith.addf %select_n3A_1251, %add3A_1256 : vector<16xf32>
          %select_n3A_1258 = arith.select %lt3A_1255, %add3A_1257, %select_n3A_1251 : vector<16xi1>, vector<16xf32>
          %mul3A_1259 = vector.broadcast %squeeze3A : f32 to vector<16xf32>
          %mul3A_1260 = arith.mulf %select_n3A_1232, %mul3A_1259 : vector<16xf32>
          %mul3A_1261 = vector.broadcast %squeeze3A_70 : f32 to vector<16xf32>
          %mul3A_1262 = arith.mulf %select_n3A_1245, %mul3A_1261 : vector<16xf32>
          %add3A_1263 = arith.addf %mul3A_1260, %mul3A_1262 : vector<16xf32>
          %mul3A_1264 = vector.broadcast %squeeze3A_76 : f32 to vector<16xf32>
          %mul3A_1265 = arith.mulf %select_n3A_1258, %mul3A_1264 : vector<16xf32>
          %add3A_1266 = arith.addf %add3A_1263, %mul3A_1265 : vector<16xf32>
          %mul3A_1267 = vector.broadcast %squeeze3A_66 : f32 to vector<16xf32>
          %mul3A_1268 = arith.mulf %select_n3A_1232, %mul3A_1267 : vector<16xf32>
          %mul3A_1269 = vector.broadcast %squeeze3A_72 : f32 to vector<16xf32>
          %mul3A_1270 = arith.mulf %select_n3A_1245, %mul3A_1269 : vector<16xf32>
          %add3A_1271 = arith.addf %mul3A_1268, %mul3A_1270 : vector<16xf32>
          %mul3A_1272 = vector.broadcast %squeeze3A_78 : f32 to vector<16xf32>
          %mul3A_1273 = arith.mulf %select_n3A_1258, %mul3A_1272 : vector<16xf32>
          %add3A_1274 = arith.addf %add3A_1271, %mul3A_1273 : vector<16xf32>
          %mul3A_1275 = vector.broadcast %squeeze3A_68 : f32 to vector<16xf32>
          %mul3A_1276 = arith.mulf %select_n3A_1232, %mul3A_1275 : vector<16xf32>
          %mul3A_1277 = vector.broadcast %squeeze3A_74 : f32 to vector<16xf32>
          %mul3A_1278 = arith.mulf %select_n3A_1245, %mul3A_1277 : vector<16xf32>
          %add3A_1279 = arith.addf %mul3A_1276, %mul3A_1278 : vector<16xf32>
          %mul3A_1280 = vector.broadcast %squeeze3A_80 : f32 to vector<16xf32>
          %mul3A_1281 = arith.mulf %select_n3A_1258, %mul3A_1280 : vector<16xf32>
          %add3A_1282 = arith.addf %add3A_1279, %mul3A_1281 : vector<16xf32>
          %mul3A_1283 = arith.mulf %add3A_1266, %add3A_1266 : vector<16xf32>
          %mul3A_1284 = arith.mulf %add3A_1274, %add3A_1274 : vector<16xf32>
          %add3A_1285 = arith.addf %mul3A_1283, %mul3A_1284 : vector<16xf32>
          %mul3A_1286 = arith.mulf %add3A_1282, %add3A_1282 : vector<16xf32>
          %add3A_1287 = arith.addf %add3A_1285, %mul3A_1286 : vector<16xf32>
          %add3A_1288 = arith.constant 9.99999993E-9 : f32
          %add3A_1289 = vector.broadcast %add3A_1288 : f32 to vector<16xf32>
          %add3A_1290 = arith.addf %add3A_1287, %add3A_1289 : vector<16xf32>
          %bitcast3A_1291 = vector.bitcast %add3A_1290 : vector<16xf32> to vector<16xi32>
          %shift_right_arithmetic3A_1292 = arith.constant 1 : i32
          %shift_right_arithmetic3A_1293 = vector.broadcast %shift_right_arithmetic3A_1292 : i32 to vector<16xi32>
          %shift_right_arithmetic3A_1294 = arith.shrsi %bitcast3A_1291, %shift_right_arithmetic3A_1293 : vector<16xi32>
          %sub3A_1295 = arith.constant 1597463007 : i32
          %sub3A_1296 = vector.broadcast %sub3A_1295 : i32 to vector<16xi32>
          %sub3A_1297 = arith.subi %sub3A_1296, %shift_right_arithmetic3A_1294 : vector<16xi32>
          %bitcast3A_1298 = vector.bitcast %sub3A_1297 : vector<16xi32> to vector<16xf32>
          %mul3A_1299 = vector.broadcast %scan3A : f32 to vector<16xf32>
          %mul3A_1300 = arith.mulf %add3A_1290, %mul3A_1299 : vector<16xf32>
          %mul3A_1301 = arith.mulf %mul3A_1300, %bitcast3A_1298 : vector<16xf32>
          %mul3A_1302 = arith.mulf %mul3A_1301, %bitcast3A_1298 : vector<16xf32>
          %sub3A_1303 = arith.constant 1.500000e+00 : f32
          %sub3A_1304 = vector.broadcast %sub3A_1303 : f32 to vector<16xf32>
          %sub3A_1305 = arith.subf %sub3A_1304, %mul3A_1302 : vector<16xf32>
          %mul3A_1306 = arith.mulf %bitcast3A_1298, %sub3A_1305 : vector<16xf32>
          %mul3A_1307 = arith.mulf %mul3A_1300, %mul3A_1306 : vector<16xf32>
          %mul3A_1308 = arith.mulf %mul3A_1307, %mul3A_1306 : vector<16xf32>
          %sub3A_1309 = arith.constant 1.500000e+00 : f32
          %sub3A_1310 = vector.broadcast %sub3A_1309 : f32 to vector<16xf32>
          %sub3A_1311 = arith.subf %sub3A_1310, %mul3A_1308 : vector<16xf32>
          %mul3A_1312 = arith.mulf %mul3A_1306, %sub3A_1311 : vector<16xf32>
          %mul3A_1313 = arith.mulf %mul3A_1300, %mul3A_1312 : vector<16xf32>
          %mul3A_1314 = arith.mulf %mul3A_1313, %mul3A_1312 : vector<16xf32>
          %sub3A_1315 = arith.constant 1.500000e+00 : f32
          %sub3A_1316 = vector.broadcast %sub3A_1315 : f32 to vector<16xf32>
          %sub3A_1317 = arith.subf %sub3A_1316, %mul3A_1314 : vector<16xf32>
          %mul3A_1318 = arith.mulf %mul3A_1312, %sub3A_1317 : vector<16xf32>
          %mul3A_1319 = arith.mulf %add3A_1290, %mul3A_1318 : vector<16xf32>
          %add3A_1320 = arith.constant 80 : i32
          %add3A_1321 = arith.addi %mul3A_513, %add3A_1320 : i32
          %swap3A_1322 = arith.index_cast %add3A_1321 : i32 to index
          %swap3A_1323 = tpu.vector_load %arg17[%swap3A_1322] {strides = array<i32>} : memref<1280xf32, #tpu.memory_space<vmem>>, vector<16xf32>,
          tpu.vector_store %arg17[%swap3A_1322], %mul3A_1319 {strides = array<i32>} : memref<1280xf32, #tpu.memory_space<vmem>>, vector<16xf32>,
          %add3A_1324 = arith.constant 80 : i32
          %add3A_1325 = arith.addi %mul3A_515, %add3A_1324 : i32
          %swap3A_1326 = arith.index_cast %add3A_1325 : i32 to index
          %swap3A_1327 = tpu.vector_load %arg19[%swap3A_1326] {strides = array<i32>} : memref<5120xf32, #tpu.memory_space<vmem>>, vector<16xf32>,
          tpu.vector_store %arg19[%swap3A_1326], %add3A_1266 {strides = array<i32>} : memref<5120xf32, #tpu.memory_space<vmem>>, vector<16xf32>,
          %add3A_1328 = arith.constant 128 : i32
          %add3A_1329 = arith.addi %mul3A_515, %add3A_1328 : i32
          %add3A_1330 = arith.constant 80 : i32
          %add3A_1331 = arith.addi %add3A_1329, %add3A_1330 : i32
          %swap3A_1332 = arith.index_cast %add3A_1331 : i32 to index
          %swap3A_1333 = tpu.vector_load %arg19[%swap3A_1332] {strides = array<i32>} : memref<5120xf32, #tpu.memory_space<vmem>>, vector<16xf32>,
          tpu.vector_store %arg19[%swap3A_1332], %add3A_1274 {strides = array<i32>} : memref<5120xf32, #tpu.memory_space<vmem>>, vector<16xf32>,
          %add3A_1334 = arith.constant 256 : i32
          %add3A_1335 = arith.addi %mul3A_515, %add3A_1334 : i32
          %add3A_1336 = arith.constant 80 : i32
          %add3A_1337 = arith.addi %add3A_1335, %add3A_1336 : i32
          %swap3A_1338 = arith.index_cast %add3A_1337 : i32 to index
          %swap3A_1339 = tpu.vector_load %arg19[%swap3A_1338] {strides = array<i32>} : memref<5120xf32, #tpu.memory_space<vmem>>, vector<16xf32>,
          tpu.vector_store %arg19[%swap3A_1338], %add3A_1282 {strides = array<i32>} : memref<5120xf32, #tpu.memory_space<vmem>>, vector<16xf32>,
          %add3A_1340 = arith.constant 96 : i32
          %add3A_1341 = arith.addi %mul3A_513, %add3A_1340 : i32
          %add3A_1342 = vector.broadcast %add3A_1341 : i32 to vector<16xi32>
          %add3A_1343 = arith.addi %iota3A, %add3A_1342 : vector<16xi32>
          %broadcast_in_dim3A_1344 = arith.constant 0 : i32
          %broadcast_in_dim3A_1345 = vector.broadcast %broadcast_in_dim3A_1344 : i32 to vector<16xi32>
          %add3A_1346 = arith.constant 1 : i32
          %add3A_1347 = vector.broadcast %add3A_1346 : i32 to vector<16xi32>
          %add3A_1348 = arith.addi %broadcast_in_dim3A_1345, %add3A_1347 : vector<16xi32>
          %add3A_1349 = arith.constant 2 : i32
          %add3A_1350 = vector.broadcast %add3A_1349 : i32 to vector<16xi32>
          %add3A_1351 = arith.addi %broadcast_in_dim3A_1345, %add3A_1350 : vector<16xi32>
          %gather3A_1352 = tpu.vector_load_idx %arg13[%add3A_1343, %broadcast_in_dim3A_1345] : memref<1280x8xf32, #tpu.memory_space<vmem>>[vector<16xi32>, vector<16xi32>], vector<16xf32>,
          %gather3A_1353 = tpu.vector_load_idx %arg13[%add3A_1343, %add3A_1348] : memref<1280x8xf32, #tpu.memory_space<vmem>>[vector<16xi32>, vector<16xi32>], vector<16xf32>,
          %gather3A_1354 = tpu.vector_load_idx %arg13[%add3A_1343, %add3A_1351] : memref<1280x8xf32, #tpu.memory_space<vmem>>[vector<16xi32>, vector<16xi32>], vector<16xf32>,
          %gather3A_1355 = tpu.vector_load_idx %arg15[%add3A_1343, %broadcast_in_dim3A_1345] : memref<1280x8xf32, #tpu.memory_space<vmem>>[vector<16xi32>, vector<16xi32>], vector<16xf32>,
          %gather3A_1356 = tpu.vector_load_idx %arg15[%add3A_1343, %add3A_1348] : memref<1280x8xf32, #tpu.memory_space<vmem>>[vector<16xi32>, vector<16xi32>], vector<16xf32>,
          %gather3A_1357 = tpu.vector_load_idx %arg15[%add3A_1343, %add3A_1351] : memref<1280x8xf32, #tpu.memory_space<vmem>>[vector<16xi32>, vector<16xi32>], vector<16xf32>,
          %sub3A_1358 = arith.subf %gather3A_1352, %gather3A_1355 : vector<16xf32>
          %gt3A_1359 = vector.broadcast %scan3A : f32 to vector<16xf32>
          %gt3A_1360 = arith.cmpf ogt, %sub3A_1358, %gt3A_1359 : vector<16xf32>
          %sub3A_1361 = vector.broadcast %scan3A_430 : f32 to vector<16xf32>
          %sub3A_1362 = arith.subf %sub3A_1358, %sub3A_1361 : vector<16xf32>
          %select_n3A_1363 = arith.select %gt3A_1360, %sub3A_1362, %sub3A_1358 : vector<16xi1>, vector<16xf32>
          %neg3A_1364 = arith.constant 0.000000e+00 : f32
          %neg3A_1365 = arith.subf %neg3A_1364, %scan3A : f32
          %lt3A_1366 = vector.broadcast %neg3A_1365 : f32 to vector<16xf32>
          %lt3A_1367 = arith.cmpf olt, %select_n3A_1363, %lt3A_1366 : vector<16xf32>
          %add3A_1368 = vector.broadcast %scan3A_430 : f32 to vector<16xf32>
          %add3A_1369 = arith.addf %select_n3A_1363, %add3A_1368 : vector<16xf32>
          %select_n3A_1370 = arith.select %lt3A_1367, %add3A_1369, %select_n3A_1363 : vector<16xi1>, vector<16xf32>
          %sub3A_1371 = arith.subf %gather3A_1353, %gather3A_1356 : vector<16xf32>
          %gt3A_1372 = vector.broadcast %scan3A : f32 to vector<16xf32>
          %gt3A_1373 = arith.cmpf ogt, %sub3A_1371, %gt3A_1372 : vector<16xf32>
          %sub3A_1374 = vector.broadcast %scan3A_430 : f32 to vector<16xf32>
          %sub3A_1375 = arith.subf %sub3A_1371, %sub3A_1374 : vector<16xf32>
          %select_n3A_1376 = arith.select %gt3A_1373, %sub3A_1375, %sub3A_1371 : vector<16xi1>, vector<16xf32>
          %neg3A_1377 = arith.constant 0.000000e+00 : f32
          %neg3A_1378 = arith.subf %neg3A_1377, %scan3A : f32
          %lt3A_1379 = vector.broadcast %neg3A_1378 : f32 to vector<16xf32>
          %lt3A_1380 = arith.cmpf olt, %select_n3A_1376, %lt3A_1379 : vector<16xf32>
          %add3A_1381 = vector.broadcast %scan3A_430 : f32 to vector<16xf32>
          %add3A_1382 = arith.addf %select_n3A_1376, %add3A_1381 : vector<16xf32>
          %select_n3A_1383 = arith.select %lt3A_1380, %add3A_1382, %select_n3A_1376 : vector<16xi1>, vector<16xf32>
          %sub3A_1384 = arith.subf %gather3A_1354, %gather3A_1357 : vector<16xf32>
          %gt3A_1385 = vector.broadcast %scan3A : f32 to vector<16xf32>
          %gt3A_1386 = arith.cmpf ogt, %sub3A_1384, %gt3A_1385 : vector<16xf32>
          %sub3A_1387 = vector.broadcast %scan3A_430 : f32 to vector<16xf32>
          %sub3A_1388 = arith.subf %sub3A_1384, %sub3A_1387 : vector<16xf32>
          %select_n3A_1389 = arith.select %gt3A_1386, %sub3A_1388, %sub3A_1384 : vector<16xi1>, vector<16xf32>
          %neg3A_1390 = arith.constant 0.000000e+00 : f32
          %neg3A_1391 = arith.subf %neg3A_1390, %scan3A : f32
          %lt3A_1392 = vector.broadcast %neg3A_1391 : f32 to vector<16xf32>
          %lt3A_1393 = arith.cmpf olt, %select_n3A_1389, %lt3A_1392 : vector<16xf32>
          %add3A_1394 = vector.broadcast %scan3A_430 : f32 to vector<16xf32>
          %add3A_1395 = arith.addf %select_n3A_1389, %add3A_1394 : vector<16xf32>
          %select_n3A_1396 = arith.select %lt3A_1393, %add3A_1395, %select_n3A_1389 : vector<16xi1>, vector<16xf32>
          %mul3A_1397 = vector.broadcast %squeeze3A : f32 to vector<16xf32>
          %mul3A_1398 = arith.mulf %select_n3A_1370, %mul3A_1397 : vector<16xf32>
          %mul3A_1399 = vector.broadcast %squeeze3A_70 : f32 to vector<16xf32>
          %mul3A_1400 = arith.mulf %select_n3A_1383, %mul3A_1399 : vector<16xf32>
          %add3A_1401 = arith.addf %mul3A_1398, %mul3A_1400 : vector<16xf32>
          %mul3A_1402 = vector.broadcast %squeeze3A_76 : f32 to vector<16xf32>
          %mul3A_1403 = arith.mulf %select_n3A_1396, %mul3A_1402 : vector<16xf32>
          %add3A_1404 = arith.addf %add3A_1401, %mul3A_1403 : vector<16xf32>
          %mul3A_1405 = vector.broadcast %squeeze3A_66 : f32 to vector<16xf32>
          %mul3A_1406 = arith.mulf %select_n3A_1370, %mul3A_1405 : vector<16xf32>
          %mul3A_1407 = vector.broadcast %squeeze3A_72 : f32 to vector<16xf32>
          %mul3A_1408 = arith.mulf %select_n3A_1383, %mul3A_1407 : vector<16xf32>
          %add3A_1409 = arith.addf %mul3A_1406, %mul3A_1408 : vector<16xf32>
          %mul3A_1410 = vector.broadcast %squeeze3A_78 : f32 to vector<16xf32>
          %mul3A_1411 = arith.mulf %select_n3A_1396, %mul3A_1410 : vector<16xf32>
          %add3A_1412 = arith.addf %add3A_1409, %mul3A_1411 : vector<16xf32>
          %mul3A_1413 = vector.broadcast %squeeze3A_68 : f32 to vector<16xf32>
          %mul3A_1414 = arith.mulf %select_n3A_1370, %mul3A_1413 : vector<16xf32>
          %mul3A_1415 = vector.broadcast %squeeze3A_74 : f32 to vector<16xf32>
          %mul3A_1416 = arith.mulf %select_n3A_1383, %mul3A_1415 : vector<16xf32>
          %add3A_1417 = arith.addf %mul3A_1414, %mul3A_1416 : vector<16xf32>
          %mul3A_1418 = vector.broadcast %squeeze3A_80 : f32 to vector<16xf32>
          %mul3A_1419 = arith.mulf %select_n3A_1396, %mul3A_1418 : vector<16xf32>
          %add3A_1420 = arith.addf %add3A_1417, %mul3A_1419 : vector<16xf32>
          %mul3A_1421 = arith.mulf %add3A_1404, %add3A_1404 : vector<16xf32>
          %mul3A_1422 = arith.mulf %add3A_1412, %add3A_1412 : vector<16xf32>
          %add3A_1423 = arith.addf %mul3A_1421, %mul3A_1422 : vector<16xf32>
          %mul3A_1424 = arith.mulf %add3A_1420, %add3A_1420 : vector<16xf32>
          %add3A_1425 = arith.addf %add3A_1423, %mul3A_1424 : vector<16xf32>
          %add3A_1426 = arith.constant 9.99999993E-9 : f32
          %add3A_1427 = vector.broadcast %add3A_1426 : f32 to vector<16xf32>
          %add3A_1428 = arith.addf %add3A_1425, %add3A_1427 : vector<16xf32>
          %bitcast3A_1429 = vector.bitcast %add3A_1428 : vector<16xf32> to vector<16xi32>
          %shift_right_arithmetic3A_1430 = arith.constant 1 : i32
          %shift_right_arithmetic3A_1431 = vector.broadcast %shift_right_arithmetic3A_1430 : i32 to vector<16xi32>
          %shift_right_arithmetic3A_1432 = arith.shrsi %bitcast3A_1429, %shift_right_arithmetic3A_1431 : vector<16xi32>
          %sub3A_1433 = arith.constant 1597463007 : i32
          %sub3A_1434 = vector.broadcast %sub3A_1433 : i32 to vector<16xi32>
          %sub3A_1435 = arith.subi %sub3A_1434, %shift_right_arithmetic3A_1432 : vector<16xi32>
          %bitcast3A_1436 = vector.bitcast %sub3A_1435 : vector<16xi32> to vector<16xf32>
          %mul3A_1437 = vector.broadcast %scan3A : f32 to vector<16xf32>
          %mul3A_1438 = arith.mulf %add3A_1428, %mul3A_1437 : vector<16xf32>
          %mul3A_1439 = arith.mulf %mul3A_1438, %bitcast3A_1436 : vector<16xf32>
          %mul3A_1440 = arith.mulf %mul3A_1439, %bitcast3A_1436 : vector<16xf32>
          %sub3A_1441 = arith.constant 1.500000e+00 : f32
          %sub3A_1442 = vector.broadcast %sub3A_1441 : f32 to vector<16xf32>
          %sub3A_1443 = arith.subf %sub3A_1442, %mul3A_1440 : vector<16xf32>
          %mul3A_1444 = arith.mulf %bitcast3A_1436, %sub3A_1443 : vector<16xf32>
          %mul3A_1445 = arith.mulf %mul3A_1438, %mul3A_1444 : vector<16xf32>
          %mul3A_1446 = arith.mulf %mul3A_1445, %mul3A_1444 : vector<16xf32>
          %sub3A_1447 = arith.constant 1.500000e+00 : f32
          %sub3A_1448 = vector.broadcast %sub3A_1447 : f32 to vector<16xf32>
          %sub3A_1449 = arith.subf %sub3A_1448, %mul3A_1446 : vector<16xf32>
          %mul3A_1450 = arith.mulf %mul3A_1444, %sub3A_1449 : vector<16xf32>
          %mul3A_1451 = arith.mulf %mul3A_1438, %mul3A_1450 : vector<16xf32>
          %mul3A_1452 = arith.mulf %mul3A_1451, %mul3A_1450 : vector<16xf32>
          %sub3A_1453 = arith.constant 1.500000e+00 : f32
          %sub3A_1454 = vector.broadcast %sub3A_1453 : f32 to vector<16xf32>
          %sub3A_1455 = arith.subf %sub3A_1454, %mul3A_1452 : vector<16xf32>
          %mul3A_1456 = arith.mulf %mul3A_1450, %sub3A_1455 : vector<16xf32>
          %mul3A_1457 = arith.mulf %add3A_1428, %mul3A_1456 : vector<16xf32>
          %add3A_1458 = arith.constant 96 : i32
          %add3A_1459 = arith.addi %mul3A_513, %add3A_1458 : i32
          %swap3A_1460 = arith.index_cast %add3A_1459 : i32 to index
          %swap3A_1461 = tpu.vector_load %arg17[%swap3A_1460] {strides = array<i32>} : memref<1280xf32, #tpu.memory_space<vmem>>, vector<16xf32>,
          tpu.vector_store %arg17[%swap3A_1460], %mul3A_1457 {strides = array<i32>} : memref<1280xf32, #tpu.memory_space<vmem>>, vector<16xf32>,
          %add3A_1462 = arith.constant 96 : i32
          %add3A_1463 = arith.addi %mul3A_515, %add3A_1462 : i32
          %swap3A_1464 = arith.index_cast %add3A_1463 : i32 to index
          %swap3A_1465 = tpu.vector_load %arg19[%swap3A_1464] {strides = array<i32>} : memref<5120xf32, #tpu.memory_space<vmem>>, vector<16xf32>,
          tpu.vector_store %arg19[%swap3A_1464], %add3A_1404 {strides = array<i32>} : memref<5120xf32, #tpu.memory_space<vmem>>, vector<16xf32>,
          %add3A_1466 = arith.constant 128 : i32
          %add3A_1467 = arith.addi %mul3A_515, %add3A_1466 : i32
          %add3A_1468 = arith.constant 96 : i32
          %add3A_1469 = arith.addi %add3A_1467, %add3A_1468 : i32
          %swap3A_1470 = arith.index_cast %add3A_1469 : i32 to index
          %swap3A_1471 = tpu.vector_load %arg19[%swap3A_1470] {strides = array<i32>} : memref<5120xf32, #tpu.memory_space<vmem>>, vector<16xf32>,
          tpu.vector_store %arg19[%swap3A_1470], %add3A_1412 {strides = array<i32>} : memref<5120xf32, #tpu.memory_space<vmem>>, vector<16xf32>,
          %add3A_1472 = arith.constant 256 : i32
          %add3A_1473 = arith.addi %mul3A_515, %add3A_1472 : i32
          %add3A_1474 = arith.constant 96 : i32
          %add3A_1475 = arith.addi %add3A_1473, %add3A_1474 : i32
          %swap3A_1476 = arith.index_cast %add3A_1475 : i32 to index
          %swap3A_1477 = tpu.vector_load %arg19[%swap3A_1476] {strides = array<i32>} : memref<5120xf32, #tpu.memory_space<vmem>>, vector<16xf32>,
          tpu.vector_store %arg19[%swap3A_1476], %add3A_1420 {strides = array<i32>} : memref<5120xf32, #tpu.memory_space<vmem>>, vector<16xf32>,
          %add3A_1478 = arith.constant 112 : i32
          %add3A_1479 = arith.addi %mul3A_513, %add3A_1478 : i32
          %add3A_1480 = vector.broadcast %add3A_1479 : i32 to vector<16xi32>
          %add3A_1481 = arith.addi %iota3A, %add3A_1480 : vector<16xi32>
          %broadcast_in_dim3A_1482 = arith.constant 0 : i32
          %broadcast_in_dim3A_1483 = vector.broadcast %broadcast_in_dim3A_1482 : i32 to vector<16xi32>
          %add3A_1484 = arith.constant 1 : i32
          %add3A_1485 = vector.broadcast %add3A_1484 : i32 to vector<16xi32>
          %add3A_1486 = arith.addi %broadcast_in_dim3A_1483, %add3A_1485 : vector<16xi32>
          %add3A_1487 = arith.constant 2 : i32
          %add3A_1488 = vector.broadcast %add3A_1487 : i32 to vector<16xi32>
          %add3A_1489 = arith.addi %broadcast_in_dim3A_1483, %add3A_1488 : vector<16xi32>
          %gather3A_1490 = tpu.vector_load_idx %arg13[%add3A_1481, %broadcast_in_dim3A_1483] : memref<1280x8xf32, #tpu.memory_space<vmem>>[vector<16xi32>, vector<16xi32>], vector<16xf32>,
          %gather3A_1491 = tpu.vector_load_idx %arg13[%add3A_1481, %add3A_1486] : memref<1280x8xf32, #tpu.memory_space<vmem>>[vector<16xi32>, vector<16xi32>], vector<16xf32>,
          %gather3A_1492 = tpu.vector_load_idx %arg13[%add3A_1481, %add3A_1489] : memref<1280x8xf32, #tpu.memory_space<vmem>>[vector<16xi32>, vector<16xi32>], vector<16xf32>,
          %gather3A_1493 = tpu.vector_load_idx %arg15[%add3A_1481, %broadcast_in_dim3A_1483] : memref<1280x8xf32, #tpu.memory_space<vmem>>[vector<16xi32>, vector<16xi32>], vector<16xf32>,
          %gather3A_1494 = tpu.vector_load_idx %arg15[%add3A_1481, %add3A_1486] : memref<1280x8xf32, #tpu.memory_space<vmem>>[vector<16xi32>, vector<16xi32>], vector<16xf32>,
          %gather3A_1495 = tpu.vector_load_idx %arg15[%add3A_1481, %add3A_1489] : memref<1280x8xf32, #tpu.memory_space<vmem>>[vector<16xi32>, vector<16xi32>], vector<16xf32>,
          %sub3A_1496 = arith.subf %gather3A_1490, %gather3A_1493 : vector<16xf32>
          %gt3A_1497 = vector.broadcast %scan3A : f32 to vector<16xf32>
          %gt3A_1498 = arith.cmpf ogt, %sub3A_1496, %gt3A_1497 : vector<16xf32>
          %sub3A_1499 = vector.broadcast %scan3A_430 : f32 to vector<16xf32>
          %sub3A_1500 = arith.subf %sub3A_1496, %sub3A_1499 : vector<16xf32>
          %select_n3A_1501 = arith.select %gt3A_1498, %sub3A_1500, %sub3A_1496 : vector<16xi1>, vector<16xf32>
          %neg3A_1502 = arith.constant 0.000000e+00 : f32
          %neg3A_1503 = arith.subf %neg3A_1502, %scan3A : f32
          %lt3A_1504 = vector.broadcast %neg3A_1503 : f32 to vector<16xf32>
          %lt3A_1505 = arith.cmpf olt, %select_n3A_1501, %lt3A_1504 : vector<16xf32>
          %add3A_1506 = vector.broadcast %scan3A_430 : f32 to vector<16xf32>
          %add3A_1507 = arith.addf %select_n3A_1501, %add3A_1506 : vector<16xf32>
          %select_n3A_1508 = arith.select %lt3A_1505, %add3A_1507, %select_n3A_1501 : vector<16xi1>, vector<16xf32>
          %sub3A_1509 = arith.subf %gather3A_1491, %gather3A_1494 : vector<16xf32>
          %gt3A_1510 = vector.broadcast %scan3A : f32 to vector<16xf32>
          %gt3A_1511 = arith.cmpf ogt, %sub3A_1509, %gt3A_1510 : vector<16xf32>
          %sub3A_1512 = vector.broadcast %scan3A_430 : f32 to vector<16xf32>
          %sub3A_1513 = arith.subf %sub3A_1509, %sub3A_1512 : vector<16xf32>
          %select_n3A_1514 = arith.select %gt3A_1511, %sub3A_1513, %sub3A_1509 : vector<16xi1>, vector<16xf32>
          %neg3A_1515 = arith.constant 0.000000e+00 : f32
          %neg3A_1516 = arith.subf %neg3A_1515, %scan3A : f32
          %lt3A_1517 = vector.broadcast %neg3A_1516 : f32 to vector<16xf32>
          %lt3A_1518 = arith.cmpf olt, %select_n3A_1514, %lt3A_1517 : vector<16xf32>
          %add3A_1519 = vector.broadcast %scan3A_430 : f32 to vector<16xf32>
          %add3A_1520 = arith.addf %select_n3A_1514, %add3A_1519 : vector<16xf32>
          %select_n3A_1521 = arith.select %lt3A_1518, %add3A_1520, %select_n3A_1514 : vector<16xi1>, vector<16xf32>
          %sub3A_1522 = arith.subf %gather3A_1492, %gather3A_1495 : vector<16xf32>
          %gt3A_1523 = vector.broadcast %scan3A : f32 to vector<16xf32>
          %gt3A_1524 = arith.cmpf ogt, %sub3A_1522, %gt3A_1523 : vector<16xf32>
          %sub3A_1525 = vector.broadcast %scan3A_430 : f32 to vector<16xf32>
          %sub3A_1526 = arith.subf %sub3A_1522, %sub3A_1525 : vector<16xf32>
          %select_n3A_1527 = arith.select %gt3A_1524, %sub3A_1526, %sub3A_1522 : vector<16xi1>, vector<16xf32>
          %neg3A_1528 = arith.constant 0.000000e+00 : f32
          %neg3A_1529 = arith.subf %neg3A_1528, %scan3A : f32
          %lt3A_1530 = vector.broadcast %neg3A_1529 : f32 to vector<16xf32>
          %lt3A_1531 = arith.cmpf olt, %select_n3A_1527, %lt3A_1530 : vector<16xf32>
          %add3A_1532 = vector.broadcast %scan3A_430 : f32 to vector<16xf32>
          %add3A_1533 = arith.addf %select_n3A_1527, %add3A_1532 : vector<16xf32>
          %select_n3A_1534 = arith.select %lt3A_1531, %add3A_1533, %select_n3A_1527 : vector<16xi1>, vector<16xf32>
          %mul3A_1535 = vector.broadcast %squeeze3A : f32 to vector<16xf32>
          %mul3A_1536 = arith.mulf %select_n3A_1508, %mul3A_1535 : vector<16xf32>
          %mul3A_1537 = vector.broadcast %squeeze3A_70 : f32 to vector<16xf32>
          %mul3A_1538 = arith.mulf %select_n3A_1521, %mul3A_1537 : vector<16xf32>
          %add3A_1539 = arith.addf %mul3A_1536, %mul3A_1538 : vector<16xf32>
          %mul3A_1540 = vector.broadcast %squeeze3A_76 : f32 to vector<16xf32>
          %mul3A_1541 = arith.mulf %select_n3A_1534, %mul3A_1540 : vector<16xf32>
          %add3A_1542 = arith.addf %add3A_1539, %mul3A_1541 : vector<16xf32>
          %mul3A_1543 = vector.broadcast %squeeze3A_66 : f32 to vector<16xf32>
          %mul3A_1544 = arith.mulf %select_n3A_1508, %mul3A_1543 : vector<16xf32>
          %mul3A_1545 = vector.broadcast %squeeze3A_72 : f32 to vector<16xf32>
          %mul3A_1546 = arith.mulf %select_n3A_1521, %mul3A_1545 : vector<16xf32>
          %add3A_1547 = arith.addf %mul3A_1544, %mul3A_1546 : vector<16xf32>
          %mul3A_1548 = vector.broadcast %squeeze3A_78 : f32 to vector<16xf32>
          %mul3A_1549 = arith.mulf %select_n3A_1534, %mul3A_1548 : vector<16xf32>
          %add3A_1550 = arith.addf %add3A_1547, %mul3A_1549 : vector<16xf32>
          %mul3A_1551 = vector.broadcast %squeeze3A_68 : f32 to vector<16xf32>
          %mul3A_1552 = arith.mulf %select_n3A_1508, %mul3A_1551 : vector<16xf32>
          %mul3A_1553 = vector.broadcast %squeeze3A_74 : f32 to vector<16xf32>
          %mul3A_1554 = arith.mulf %select_n3A_1521, %mul3A_1553 : vector<16xf32>
          %add3A_1555 = arith.addf %mul3A_1552, %mul3A_1554 : vector<16xf32>
          %mul3A_1556 = vector.broadcast %squeeze3A_80 : f32 to vector<16xf32>
          %mul3A_1557 = arith.mulf %select_n3A_1534, %mul3A_1556 : vector<16xf32>
          %add3A_1558 = arith.addf %add3A_1555, %mul3A_1557 : vector<16xf32>
          %mul3A_1559 = arith.mulf %add3A_1542, %add3A_1542 : vector<16xf32>
          %mul3A_1560 = arith.mulf %add3A_1550, %add3A_1550 : vector<16xf32>
          %add3A_1561 = arith.addf %mul3A_1559, %mul3A_1560 : vector<16xf32>
          %mul3A_1562 = arith.mulf %add3A_1558, %add3A_1558 : vector<16xf32>
          %add3A_1563 = arith.addf %add3A_1561, %mul3A_1562 : vector<16xf32>
          %add3A_1564 = arith.constant 9.99999993E-9 : f32
          %add3A_1565 = vector.broadcast %add3A_1564 : f32 to vector<16xf32>
          %add3A_1566 = arith.addf %add3A_1563, %add3A_1565 : vector<16xf32>
          %bitcast3A_1567 = vector.bitcast %add3A_1566 : vector<16xf32> to vector<16xi32>
          %shift_right_arithmetic3A_1568 = arith.constant 1 : i32
          %shift_right_arithmetic3A_1569 = vector.broadcast %shift_right_arithmetic3A_1568 : i32 to vector<16xi32>
          %shift_right_arithmetic3A_1570 = arith.shrsi %bitcast3A_1567, %shift_right_arithmetic3A_1569 : vector<16xi32>
          %sub3A_1571 = arith.constant 1597463007 : i32
          %sub3A_1572 = vector.broadcast %sub3A_1571 : i32 to vector<16xi32>
          %sub3A_1573 = arith.subi %sub3A_1572, %shift_right_arithmetic3A_1570 : vector<16xi32>
          %bitcast3A_1574 = vector.bitcast %sub3A_1573 : vector<16xi32> to vector<16xf32>
          %mul3A_1575 = vector.broadcast %scan3A : f32 to vector<16xf32>
          %mul3A_1576 = arith.mulf %add3A_1566, %mul3A_1575 : vector<16xf32>
          %mul3A_1577 = arith.mulf %mul3A_1576, %bitcast3A_1574 : vector<16xf32>
          %mul3A_1578 = arith.mulf %mul3A_1577, %bitcast3A_1574 : vector<16xf32>
          %sub3A_1579 = arith.constant 1.500000e+00 : f32
          %sub3A_1580 = vector.broadcast %sub3A_1579 : f32 to vector<16xf32>
          %sub3A_1581 = arith.subf %sub3A_1580, %mul3A_1578 : vector<16xf32>
          %mul3A_1582 = arith.mulf %bitcast3A_1574, %sub3A_1581 : vector<16xf32>
          %mul3A_1583 = arith.mulf %mul3A_1576, %mul3A_1582 : vector<16xf32>
          %mul3A_1584 = arith.mulf %mul3A_1583, %mul3A_1582 : vector<16xf32>
          %sub3A_1585 = arith.constant 1.500000e+00 : f32
          %sub3A_1586 = vector.broadcast %sub3A_1585 : f32 to vector<16xf32>
          %sub3A_1587 = arith.subf %sub3A_1586, %mul3A_1584 : vector<16xf32>
          %mul3A_1588 = arith.mulf %mul3A_1582, %sub3A_1587 : vector<16xf32>
          %mul3A_1589 = arith.mulf %mul3A_1576, %mul3A_1588 : vector<16xf32>
          %mul3A_1590 = arith.mulf %mul3A_1589, %mul3A_1588 : vector<16xf32>
          %sub3A_1591 = arith.constant 1.500000e+00 : f32
          %sub3A_1592 = vector.broadcast %sub3A_1591 : f32 to vector<16xf32>
          %sub3A_1593 = arith.subf %sub3A_1592, %mul3A_1590 : vector<16xf32>
          %mul3A_1594 = arith.mulf %mul3A_1588, %sub3A_1593 : vector<16xf32>
          %mul3A_1595 = arith.mulf %add3A_1566, %mul3A_1594 : vector<16xf32>
          %add3A_1596 = arith.constant 112 : i32
          %add3A_1597 = arith.addi %mul3A_513, %add3A_1596 : i32
          %swap3A_1598 = arith.index_cast %add3A_1597 : i32 to index
          %swap3A_1599 = tpu.vector_load %arg17[%swap3A_1598] {strides = array<i32>} : memref<1280xf32, #tpu.memory_space<vmem>>, vector<16xf32>,
          tpu.vector_store %arg17[%swap3A_1598], %mul3A_1595 {strides = array<i32>} : memref<1280xf32, #tpu.memory_space<vmem>>, vector<16xf32>,
          %add3A_1600 = arith.constant 112 : i32
          %add3A_1601 = arith.addi %mul3A_515, %add3A_1600 : i32
          %swap3A_1602 = arith.index_cast %add3A_1601 : i32 to index
          %swap3A_1603 = tpu.vector_load %arg19[%swap3A_1602] {strides = array<i32>} : memref<5120xf32, #tpu.memory_space<vmem>>, vector<16xf32>,
          tpu.vector_store %arg19[%swap3A_1602], %add3A_1542 {strides = array<i32>} : memref<5120xf32, #tpu.memory_space<vmem>>, vector<16xf32>,
          %add3A_1604 = arith.constant 128 : i32
          %add3A_1605 = arith.addi %mul3A_515, %add3A_1604 : i32
          %add3A_1606 = arith.constant 112 : i32
          %add3A_1607 = arith.addi %add3A_1605, %add3A_1606 : i32
          %swap3A_1608 = arith.index_cast %add3A_1607 : i32 to index
          %swap3A_1609 = tpu.vector_load %arg19[%swap3A_1608] {strides = array<i32>} : memref<5120xf32, #tpu.memory_space<vmem>>, vector<16xf32>,
          tpu.vector_store %arg19[%swap3A_1608], %add3A_1550 {strides = array<i32>} : memref<5120xf32, #tpu.memory_space<vmem>>, vector<16xf32>,
          %add3A_1610 = arith.constant 256 : i32
          %add3A_1611 = arith.addi %mul3A_515, %add3A_1610 : i32
          %add3A_1612 = arith.constant 112 : i32
          %add3A_1613 = arith.addi %add3A_1611, %add3A_1612 : i32
          %swap3A_1614 = arith.index_cast %add3A_1613 : i32 to index
          %swap3A_1615 = tpu.vector_load %arg19[%swap3A_1614] {strides = array<i32>} : memref<5120xf32, #tpu.memory_space<vmem>>, vector<16xf32>,
          tpu.vector_store %arg19[%swap3A_1614], %add3A_1558 {strides = array<i32>} : memref<5120xf32, #tpu.memory_space<vmem>>, vector<16xf32>,
        }
        %scan3A_495 = arith.constant 10 : i32
        %mul3A_496 = arith.constant 32 : i32
        %mul3A_497 = arith.muli %mul3A_496, %add3A_464 : i32
        %add3A_498 = arith.addi %add3A, %mul3A_497 : i32
        %mul3A_499 = arith.constant 1280 : i32
        %mul3A_500 = arith.muli %add3A_498, %mul3A_499 : i32
        %dma_start3A_501 = tpu.memref_slice %arg6[%mul3A_500] : memref<6400000xf32, #tpu.memory_space<hbm>> -> memref<1280xf32, #tpu.memory_space<hbm>>
        %dma_start3A_502 = tpu.memref_slice %arg6[%mul3A_500] : memref<6400000xf32, #tpu.memory_space<hbm>> -> memref<1280xf32, #tpu.memory_space<hbm>>
        tpu.enqueue_dma source(%arg17 : memref<1280xf32, #tpu.memory_space<vmem>>) target(%dma_start3A_502 : memref<1280xf32, #tpu.memory_space<hbm>>) target_semaphore(%arg27 : memref<!tpu.dma_semaphore, #tpu.memory_space<semaphore_mem>>)
        %mul3A_503 = arith.constant 4 : i32
        %mul3A_504 = arith.muli %mul3A_500, %mul3A_503 : i32
        %dma_start3A_505 = tpu.memref_slice %arg7[%mul3A_504] : memref<25600000xf32, #tpu.memory_space<hbm>> -> memref<5120xf32, #tpu.memory_space<hbm>>
        %dma_start3A_506 = tpu.memref_slice %arg7[%mul3A_504] : memref<25600000xf32, #tpu.memory_space<hbm>> -> memref<5120xf32, #tpu.memory_space<hbm>>
        tpu.enqueue_dma source(%arg19 : memref<5120xf32, #tpu.memory_space<vmem>>) target(%dma_start3A_506 : memref<5120xf32, #tpu.memory_space<hbm>>) target_semaphore(%arg27 : memref<!tpu.dma_semaphore, #tpu.memory_space<semaphore_mem>>)
      } else {
      }
    }
    %scan3A_435 = arith.constant 79 : i32
    %dma_wait3A_436 = arith.constant 0 : i32
    %dma_wait3A_437 = tpu.memref_slice %arg6[%dma_wait3A_436] : memref<6400000xf32, #tpu.memory_space<hbm>> -> memref<1280xf32, #tpu.memory_space<hbm>>
    %dma_wait3A_438 = arith.constant 0 : i32
    %dma_wait3A_439 = tpu.memref_slice %arg6[%dma_wait3A_438] : memref<6400000xf32, #tpu.memory_space<hbm>> -> memref<1280xf32, #tpu.memory_space<hbm>>
    tpu.wait_dma2 semaphore(%arg26 : memref<!tpu.dma_semaphore, #tpu.memory_space<semaphore_mem>>) src(%arg16 : memref<1280xf32, #tpu.memory_space<vmem>>) dst(%dma_wait3A_439 : memref<1280xf32, #tpu.memory_space<hbm>>)
    %dma_wait3A_440 = arith.constant 0 : i32
    %dma_wait3A_441 = tpu.memref_slice %arg7[%dma_wait3A_440] : memref<25600000xf32, #tpu.memory_space<hbm>> -> memref<5120xf32, #tpu.memory_space<hbm>>
    %dma_wait3A_442 = arith.constant 0 : i32
    %dma_wait3A_443 = tpu.memref_slice %arg7[%dma_wait3A_442] : memref<25600000xf32, #tpu.memory_space<hbm>> -> memref<5120xf32, #tpu.memory_space<hbm>>
    tpu.wait_dma2 semaphore(%arg26 : memref<!tpu.dma_semaphore, #tpu.memory_space<semaphore_mem>>) src(%arg18 : memref<5120xf32, #tpu.memory_space<vmem>>) dst(%dma_wait3A_443 : memref<5120xf32, #tpu.memory_space<hbm>>)
    %dma_wait3A_444 = arith.constant 0 : i32
    %dma_wait3A_445 = tpu.memref_slice %arg6[%dma_wait3A_444] : memref<6400000xf32, #tpu.memory_space<hbm>> -> memref<1280xf32, #tpu.memory_space<hbm>>
    %dma_wait3A_446 = arith.constant 0 : i32
    %dma_wait3A_447 = tpu.memref_slice %arg6[%dma_wait3A_446] : memref<6400000xf32, #tpu.memory_space<hbm>> -> memref<1280xf32, #tpu.memory_space<hbm>>
    tpu.wait_dma2 semaphore(%arg27 : memref<!tpu.dma_semaphore, #tpu.memory_space<semaphore_mem>>) src(%arg17 : memref<1280xf32, #tpu.memory_space<vmem>>) dst(%dma_wait3A_447 : memref<1280xf32, #tpu.memory_space<hbm>>)
    %dma_wait3A_448 = arith.constant 0 : i32
    %dma_wait3A_449 = tpu.memref_slice %arg7[%dma_wait3A_448] : memref<25600000xf32, #tpu.memory_space<hbm>> -> memref<5120xf32, #tpu.memory_space<hbm>>
    %dma_wait3A_450 = arith.constant 0 : i32
    %dma_wait3A_451 = tpu.memref_slice %arg7[%dma_wait3A_450] : memref<25600000xf32, #tpu.memory_space<hbm>> -> memref<5120xf32, #tpu.memory_space<hbm>>
    tpu.wait_dma2 semaphore(%arg27 : memref<!tpu.dma_semaphore, #tpu.memory_space<semaphore_mem>>) src(%arg19 : memref<5120xf32, #tpu.memory_space<vmem>>) dst(%dma_wait3A_451 : memref<5120xf32, #tpu.memory_space<hbm>>)
    return
  }
}

</mosaic_0001>

<sc_bundles>
// kernel: _sc_periodic_distance.3.cloned.1.call-start
scs
__scs_entry_jumppad:
0x0: {  	(pc) =	sbr.rel $0x88, $3  }
0x1: {  	(tag) =	ssettag $0x0;
	lr =	simm.s32 $0x1  }
0x2: {  	[smem:$0x3F9D] =	sst lr;
	_ =	strace $0xD0000000  }
0x3: {  	_ = 	snop  }
0x4: {  	_ = 	snop  }
0x5: {  	_ = 	snop  }
0x6: {  	_ = 	snop  }
0x7: {  	_ = 	snop  }
__scs_overlays_trampoline_lowered:
0x8: {  	[smem:$0x3FAC] =	sst s0  }
0x9: {  	[smem:$0x3FAD] =	sst s1  }
0xa: {  	[smem:$0x3FAE] =	sst s2  }
0xb: {  	[smem:$0x3FAF] =	sst s3  }
0xc: {  	[smem:$0x3FB0] =	sst s4  }
0xd: {  	[smem:$0x3FB1] =	sst s5  }
0xe: {  	[smem:$0x3FB2] =	sst s6  }
0xf: {  	[smem:$0x3FB3] =	sst s7  }
0x10: {  	[smem:$0x3FB4] =	sst s8  }
0x11: {  	[smem:$0x3FB5] =	sst s9;
	s0 =	simm.s32 @!p0 $0x0  }
0x12: {  	s1 =	sld [smem:$0x3F9B];
	s0 =	simm.s32 @p0 $0x1  }
0x13: {  	[smem:$0x3FB6] =	sst s0;
	s0 =	simm.s32 @!p1 $0x0  }
0x14: {  	s2 =	sld [smem:$0x3F9A];
	s0 =	simm.s32 @p1 $0x1  }
0x15: {  	[smem:$0x3FB7] =	sst s0;
	s0 =	simm.s32 @!p2 $0x0  }
0x16: {  	s3 =	sld [smem:$0x3FDB];
	s0 =	simm.s32 @p2 $0x1  }
0x17: {  	s4 =	simm.s32 $0x1BF5;
	[smem:$0x3FB9] =	sst s0  }
0x18: {  	s0 =	sld [smem:$0x3F9C];
	_ =	swait.ge [sflag:s4], $0x0  }
0x19: {  	s7 =	sld [smem:$0x3F9D]  }
0x1a: {  	s8 =	sadd.s32 $0xFFFFE003, lr  }
0x1b: {  	s9 =	sadd.s32 $0xFFFFFEF7, lr;
	s5 =	simm.s32 $0xFFFFFFFF;
	p2 =	slt.u32 s8, $0xFFFFF086  }
0x1c: {  	p1 =	slt.u32 s9, $0xF7A;
	s5 =	simm.s32 @!p2 $0x0  }
0x1d: {  	s5 =	simm.s32 @p1 $0x1;
	p0 =	seq.s32 s7, s2  }
0x1e: {  	s7 =	smul.u32 @!p0 $0xF7A, s2;
	p2 =	seq.s32 @!p0 s5, $0x0  }
0x1f: {  	s9 =	smul.u32 $0xF7A, s1;
	s8 =	simm.s32 @!p0 $0x1BF5;
	p2 =	por !p2, p0  }
0x20: {  	[sflag:s8] =	ssyncset.s32 @!p0 $0xFFFFF086;
	s6 =	sadd.s32 @!p0 s3, s7;
	s7 =	simm.s32 @!p0 $0x108  }
0x21: {  	s3 =	sadd.s32 s3, s9;
	s6 =	sadd.s32 @!p0 $0x88, s6;
	s7 =	simm.s32 @p2 $0x1082  }
0x22: {  	[simem:s7], [sflag:s8] =	dma.local @!p0 [hbm:s6], $0xF7A  }
0x23: {  	s9 =	sor.u32 $0xD0000000, s2;
	s6 =	simm.s32 $0x108;
	_ =	swait.ge @!p0 [sflag:s8], $0x0  }
0x24: {  	s3 =	sadd.s32 $0x88, s3;
	s6 =	simm.s32 @!p1 $0x1082;
	[sflag:s4] =	ssyncset.s32 $0xFFFFF086  }
0x25: {  	[simem:s6], [sflag:s4] =	dma.local [hbm:s3], $0xF7A  }
0x26: {  	[smem:$0x3F9D] =	sst s1;
	(tag) =	ssettag s2;
	_ =	strace s9  }
0x27: {  	s1 =	sld [smem:$0x3FAD]  }
0x28: {  	s2 =	sld [smem:$0x3FAE]  }
0x29: {  	s4 =	sld [smem:$0x3FB0]  }
0x2a: {  	p0 =	seq.s32 s5, $0x0;
	s5 =	sld [smem:$0x3FB1]  }
0x2b: {  	s6 =	sld [smem:$0x3FB2]  }
0x2c: {  	s7 =	sld [smem:$0x3FB3]  }
0x2d: {  	s3 =	simm.s32 $0x108;
	s8 =	sld [smem:$0x3FB4]  }
0x2e: {  	s3 =	simm.s32 @!p0 $0x1082;
	s9 =	sld [smem:$0x3FB5]  }
0x2f: {  	lr =	sadd.s32 s0, s3;
	s0 =	sld [smem:$0x3FAC]  }
0x30: {  	s3 =	sld [smem:$0x3FAF]  }
0x31: {  	[smem:$0x3FB8] =	sst s10  }
0x32: {  	s10 =	sld [smem:$0x3FB6];
	_ =	sdelay $0x3  }
0x33: {  	p0 =	seq.s32 s10, $0x1;
	s10 =	sld [smem:$0x3FB8];
	_ =	sdelay $0x3  }
0x34: {  	[smem:$0x3FB8] =	sst s10  }
0x35: {  	s10 =	sld [smem:$0x3FB7];
	_ =	sdelay $0x3  }
0x36: {  	p1 =	seq.s32 s10, $0x1;
	s10 =	sld [smem:$0x3FB8];
	_ =	sdelay $0x3  }
0x37: {  	[smem:$0x3FB8] =	sst s10  }
0x38: {  	s10 =	sld [smem:$0x3FB9]  }
0x39: {  	_ = 	snop;
	(pc) =	sbr.ind lr, $3  }
0x3a: {  	_ = 	snop  }
0x3b: {  	_ = 	snop  }
0x3c: {  	p2 =	seq.s32 s10, $0x1;
	s10 =	sld [smem:$0x3FB8]  }
0x3d: {  	_ =	shalt  }
0x3e: {  	_ =	shalt  }
0x3f: {  	_ =	shalt  }
0x40: {  	_ =	shalt  }
0x41: {  	_ =	shalt  }
0x42: {  	_ =	shalt  }
0x43: {  	_ =	shalt  }
0x44: {  	_ =	shalt  }
0x45: {  	_ =	shalt  }
0x46: {  	_ =	shalt  }
0x47: {  	_ =	shalt  }
0x48: {  	_ =	shalt  }
0x49: {  	_ =	shalt  }
0x4a: {  	_ =	shalt  }
0x4b: {  	_ =	shalt  }
0x4c: {  	_ =	shalt  }
0x4d: {  	_ =	shalt  }
0x4e: {  	_ =	shalt  }
0x4f: {  	_ =	shalt  }
0x50: {  	_ =	shalt  }
0x51: {  	_ =	shalt  }
0x52: {  	_ =	shalt  }
0x53: {  	_ =	shalt  }
0x54: {  	_ =	shalt  }
0x55: {  	_ =	shalt  }
0x56: {  	_ =	shalt  }
0x57: {  	_ =	shalt  }
0x58: {  	_ =	shalt  }
0x59: {  	_ =	shalt  }
0x5a: {  	_ =	shalt  }
0x5b: {  	_ =	shalt  }
0x5c: {  	_ =	shalt  }
0x5d: {  	_ =	shalt  }
0x5e: {  	_ =	shalt  }
0x5f: {  	_ =	shalt  }
0x60: {  	_ =	shalt  }
0x61: {  	_ =	shalt  }
0x62: {  	_ =	shalt  }
0x63: {  	_ =	shalt  }
0x64: {  	_ =	shalt  }
0x65: {  	_ =	shalt  }
0x66: {  	_ =	shalt  }
0x67: {  	_ =	shalt  }
0x68: {  	_ =	shalt  }
0x69: {  	_ =	shalt  }
0x6a: {  	_ =	shalt  }
0x6b: {  	_ =	shalt  }
0x6c: {  	_ =	shalt  }
0x6d: {  	_ =	shalt  }
0x6e: {  	_ =	shalt  }
0x6f: {  	_ =	shalt  }
0x70: {  	_ =	shalt  }
0x71: {  	_ =	shalt  }
0x72: {  	_ =	shalt  }
0x73: {  	_ =	shalt  }
0x74: {  	_ =	shalt  }
0x75: {  	_ =	shalt  }
0x76: {  	_ =	shalt  }
0x77: {  	_ =	shalt  }
0x78: {  	_ =	shalt  }
0x79: {  	_ =	shalt  }
0x7a: {  	_ =	shalt  }
0x7b: {  	_ =	shalt  }
0x7c: {  	_ =	shalt  }
0x7d: {  	_ =	shalt  }
0x7e: {  	_ =	shalt  }
0x7f: {  	_ =	shalt  }
0x80: {  	_ =	shalt  }
0x81: {  	_ =	shalt  }
0x82: {  	_ =	shalt  }
0x83: {  	_ =	shalt  }
0x84: {  	_ =	shalt  }
0x85: {  	_ =	shalt  }
0x86: {  	_ =	shalt  }
0x87: {  	_ =	shalt  }
.Lfunc_end0:
.L_simem_size_0:
called_computation_lowered:
.L_overlay_start_0:
0x88: {  	s2 =	sld [smem:$0x3FD9]  }
0x89: {  	s3 =	sld [smem:$0x3FFE];
	_ =	sdelay $0x1  }
0x8a: {  	s1 =	srdreg.scid  }
0x8b: {  	s0 =	sand.u32 $0x1, s1  }
0x8c: {  	s14 =	sshll.u32 s0, $0xA;
	s2 =	sadd.s32 s3, s2  }
0x8d: {  	s2 =	sadd.s32 s2, s14  }
0x8e: {  	[smem:$0x3FC4] =	sst s2  }
0x8f: {  	_ = 	snop  }
0x90: {  	s2 =	sld [smem:$0x3FD0];
	_ =	sdelay $0x1  }
0x91: {  	s15 =	sld [smem:$0x3FC8]  }
0x92: {  	s5 =	simm.s32 $0xA;
	s6 =	simm.s32 $0x10;
	s4 =	sld [smem:$0x3FC7]  }
0x93: {  	[smem:s6], [sflag:s5] =	dma.local [hbm:s2], $0x1  }
0x94: {  	_ =	swait.eq [sflag:s5], $0x1  }
0x95: {  	[sflag:s5] =	ssyncset.done $0x0  }
0x96: {  	s16 =	sld [smem:$0x10];
	[sflag:s5] =	ssyncadd.s32 $0xFFFFFFFF  }
0x97: {  	s17 =	sld [smem:$0x11];
	(tm) =	ssettm $0x1  }
0x98: {  	s18 =	sld [smem:$0x3FFB];
	_ =	sdelay $0x3  }
0x99: {  	_ =	strace s18  }
0x9a: {  	s6 =	sld [smem:$0x3FFC];
	_ =	sdelay $0x3  }
0x9b: {  	_ =	strace s6  }
0x9c: {  	s6 =	sld [smem:$0x3FFD];
	_ =	sdelay $0x3  }
0x9d: {  	_ =	strace s6  }
0x9e: {  	_ =	strace $0x8FFFFFFF  }
0x9f: {  	s19 =	sld [smem:$0x3FDB];
	_ =	sdelay $0x1  }
0xa0: {  	s7 =	simm.s32 $_scs_section_size  }
0xa1: {  	s8 =	simm.s32 $_size__tile_overlayer_lowered;
	s9 =	simm.s32 $_tile_overlayer_lowered  }
0xa2: {  	s22 =	simm.s32 $0x1BFF;
	s21 =	sshll.u32 s9, $0x1;
	s6 =	sadd.s32 s7, s19  }
0xa3: {  	s10 =	simm.s32 $0x0;
	s20 =	sshll.u32 s8, $0x1;
	s8 =	sadd.s32 s21, s6  }
0xa4: {  	[timem:s10], [sflag:s22] =	dma.local [hbm:s8], s20  }
0xa5: {  	_ =	swait.ge [sflag:s22], s20  }
0xa6: {  	s7 =	ssub.s32 $0x0, s20;
	[sflag:s22] =	ssyncset.done $0x0  }
0xa7: {  	[sflag:s22] =	ssyncadd.s32 s7;
	_ =	sdelay $0x1  }
0xa8: {  	s23 =	simm.s32 $0x1B8B  }
0xa9: {  	_ =	swait.ge [sflag:s23], $0x1  }
0xaa: {  	[sflag:s23] =	ssyncset.done $0x0  }
0xab: {  	s25 =	simm.s32 $0x1B8E;
	s24 =	sld [smem:$0x3FFE];
	[sflag:s23] =	ssyncadd.s32 $0xFFFFFFFF  }
0xac: {  	s26 =	simm.s32 $execute0_lowered;
	[smem:$0x3FD2] =	sst s25  }
0xad: {  	s8 =	sshll.u32 s26, $0x1;
	_ =	strace $0x80000046;
	[dreg:$0x1] =	wrdreg $0xFFFFFFFF  }
0xae: {  	s28 =	simm.s32 $_size_execute0_lowered;
	s6 =	sadd.s32 s6, s8;
	[dreg:$0x0] =	wrdreg $0x0  }
0xaf: {  	s8 =	sshll.u32 s28, $0x1;
	[dreg:$0x2] =	wrdreg s6  }
0xb0: {  	[dreg:$0x3] =	wrdreg s8  }
0xb1: {  	[dreg:$0x4] =	wrdreg $0xC0  }
0xb2: {  	_ =	task [dreg:s10], $0x5FFFF  }
0xb3: {  	[dreg:$0x1] =	wrdreg $0xFFFFFFFF  }
0xb4: {  	[dreg:$0x0] =	wrdreg $0x60  }
0xb5: {  	[dreg:$0x2] =	wrdreg s24  }
0xb6: {  	[dreg:$0x3] =	wrdreg s15  }
0xb7: {  	[dreg:$0x4] =	wrdreg s4  }
0xb8: {  	[dreg:$0x5] =	wrdreg s16  }
0xb9: {  	[dreg:$0x6] =	wrdreg s17  }
0xba: {  	[dreg:$0x7] =	wrdreg $0xE6180  }
0xbb: {  	[dreg:$0x8] =	wrdreg $0x9  }
0xbc: {  	_ =	task.clear_ibuf [dreg:s10], $0x9FFFF;
	_ =	strace $0x90000046  }
0xbd: {  	s29 =	simm.s32 $0x9;
	_ =	strace $0x80000048  }
0xbe: {  	_ =	swait.ge [sflag:s29], $0x1  }
0xbf: {  	[sflag:s29] =	ssyncadd.s32 $0xFFFFFFFF  }
0xc0: {  	_ =	strace $0x90000048  }
0xc1: {  	_ =	sfence  }
0xc2: {  	s30 =	sld [smem:$0x0];
	_ =	sdelay $0x2  }
0xc3: {  	s31 =	sshll.u32 s1, $0xD;
	s1 =	sshrl.u32 s1, $0x2  }
0xc4: {  	s3 =	sand.u32 $0x4000, s31;
	s1 =	sadd.s32 s1, s30  }
0xc5: {  	s0 =	sor.u32 s3, s0;
	s1 =	sshll.u32 s1, $0x11  }
0xc6: {  	s0 =	sor.u32 s1, s0  }
0xc7: {  	s0 =	sadd.s32 $0x8F2B, s0  }
0xc8: {  	[sflag:s0] =	ssyncadd.remote.s32 $0x1  }
0xc9: {  	_ =	sfence.sel $0xFFFF  }
0xca: {  	[dreg:$0x0] =	wrdreg $0xFFFFFFFF;
	(pc) =	sbr.abs _section_cstart, $3  }
0xcb: {  	[dreg:$0x1] =	wrdreg $0xFFFFFFFF  }
0xcc: {  	_ =	task.clear_ibuf [dreg:s10], $0x2FFFF;
	_ =	strace $0x9FFFFFFF  }
0xcd: {  	(tm) =	ssettm $0x7FFFFFFF  }
tec
execute0_lowered:
.L_overlay_start_1:
0x0: {  	(tag) =	ssettag $0x1  }
0x1: {  	s1 =	rddreg [dreg:$0x0]  }
0x2: {  	s0 =	rddreg [dreg:$0x1]  }
0x3: {  	s2 =	rddreg [dreg:$0x2]  }
0x4: {  	s3 =	rddreg [dreg:$0x3]  }
0x5: {  	s4 =	rddreg [dreg:$0x4]  }
0x6: {  	s5 =	rddreg [dreg:$0x5];
	s7 =	srdreg.scid;
	s6 =	simm.s32 $0x0  }
0x7: {  	s8 =	stileid.u32;
	s28 =	simm.s32 $0x3;
	s29 =	simm.s32 $0xB400  }
0x8: {  	s30 =	simm.s32 $0xBE00;
	s31 =	simm.s32 $0x4;
	s18 =	simm.s32 $0xB900  }
0x9: {  	s7 =	sand.u32 $0x1, s7;
	[smem:$0x7FF] =	sst s6;
	s21 =	sadd.s32 $0xA00, s1  }
0xa: {  	s1 =	sadd.s32 $0x800, s1;
	s9 =	sshll.u32 s7, $0x4;
	_ =	strace $0x80000047  }
0xb: {  	s10 =	ssub.s32 $0x2, s7;
	[dreg:$0x7] =	wrdreg s21;
	s7 =	sor.u32 s8, s9  }
0xc: {  	[dreg:$0x8] =	wrdreg s1;
	s22 =	sshrl.u32 s10, $0x1;
	s11 =	smul.u32 $0x500, s7  }
0xd: {  	s21 =	simm.s32 $0xD200;
	s23 =	ssub.s32 s10, s22;
	s24 =	smul.u32 $0xA0, s7  }
0xe: {  	p0 =	slt.u32 s7, $0x8;
	s10 =	simm.s32 $0x9D;
	s22 =	simm.s32 $0x500  }
0xf: {  	s10 =	simm.s32 @!p0 $0x9C;
	s1 =	smax.u32 s23, $0x1;
	p0 =	sne.s32 s8, $0x0  }
0x10: {  	v0 =	vimm.s32 $0xA98210;
	s23 =	simm.s32 $0x8C00;
	s8 =	simm.s32 $0x5;
	s11 =	sshrl.u32 s11, $0x3  }
0x11: {  	v0 =	vunpack.c.l.s4.s8 v0;
	s12 =	sadd.s32 s0, s24;
	s9 =	sadd.s32 s2, s24;
	[dreg:$0xd] =	wrdreg s1  }
0x12: {  	s15 =	sadd.s32 $0xFFFFFFFF, s10;
	s16 =	sadd.s32 $0xFFFFFFFE, s10;
	[dreg:$0x9] =	wrdreg s12  }
.Ltmp0:
0x13: {  	v0 =	vunpack.c.0.s8.s32 v0;
	s1 =	sshrl.u32 @!p0 s5, $0x3;
	[dreg:$0xa] =	wrdreg s9;
	(pc) =	sbr.rel .LBB2_1-.Ltmp0, $4  }
0x14: {  	v1 =	vimm.s32 $0x11100012;
	s24 =	simm.s32 $0x1;
	s11 =	sadd.s32 $0x1400, s11;
	[dreg:$0xe] =	wrdreg s1  }
0x15: {  	vm0 =	vcmask $0x1700;
	v1 =	vunpack.c.0.s8.s32 v1;
	v0 =	vand.u32 $0xF, v0;
	s1 =	simm.s32 $0x3C00;
	s9 =	simm.s32 $0x6;
	s25 =	sadd.s32 s0, s11  }
0x16: {  	vm15 =	vcmask $0x2718;
	v2 =	vlaneseq.u32;
	v0 =	vnsel vm0, $0x0, v0;
	s26 =	sadd.s32 s2, s11;
	s11 =	simm.s32 $0x0;
	[dreg:$0xb] =	wrdreg s25  }
0x17: {  	v2 =	vmul.u32 $0x8, v2;
	v0 =	vsel vm15, v1, v0;
	v1 =	vimm.f32 $0.0e+00;
	[dreg:$0xc] =	wrdreg s26;
	s25 =	simm.s32 $0x1400;
	s26 =	simm.s32 $0x6400  }
.LBB2_11:
0x18: {  	_ =	swait.ge [sflag:s8], $0x500  }
0x19: {  	[sflag:s8] =	ssyncset.done $0x0  }
0x1a: {  	[sflag:s8] =	ssyncadd.s32 $0xFFFFFB00  }
0x1b: {  	_ =	swait.ge [sflag:s8], $0x1400  }
0x1c: {  	[sflag:s8] =	ssyncset.done $0x0  }
0x1d: {  	[sflag:s8] =	ssyncadd.s32 $0xFFFFEC00  }
0x1e: {  	_ =	swait.ge [sflag:s9], $0x500  }
0x1f: {  	[sflag:s9] =	ssyncset.done $0x0  }
0x20: {  	[sflag:s9] =	ssyncadd.s32 $0xFFFFFB00  }
0x21: {  	_ =	swait.ge [sflag:s9], $0x1400  }
0x22: {  	s11 =	sadd.s32 $0x1, s11;
	s12 =	rddreg [dreg:$0xd]  }
0x23: {  	p1 =	sne.s32 s11, s12  }
.Ltmp1:
0x24: {  	_ = 	snop;
	(pc) =	sbr.rel @!p1 .LBB2_12-.Ltmp1, $3  }
0x25: {  	_ =	sdelay $0x1  }
0x26: {  	[sflag:s9] =	ssyncset.done $0x0  }
0x27: {  	[sflag:s9] =	ssyncadd.s32 $0xFFFFEC00  }
.LBB2_1:
0x28: {  	s12 =	rddreg [dreg:$0x8];
	s14 =	simm.s32 $0xE600;
	s20 =	simm.s32 $0x7  }
0x29: {  	[tilespmem:s14], [sflag:$0x7] =	stream.linear.gather [hbm4b:s12+s6], $0x18, $0x38;
	[tilespmem:$0x1A968] =	vst v63  }
0x2a: {  	_ =	swait.ge [sflag:s20], $0x18  }
0x2b: {  	[sflag:s20] =	ssyncset.done $0x0;
	s13 =	rddreg [dreg:$0x7]  }
0x2c: {  	s12 =	simm.s32 @!p0 $0x1C07;
	s17 =	rddreg [dreg:$0xe];
	[sflag:s20] =	ssyncadd.s32 $0xFFFFFFE8  }
0x2d: {  	[spmem:s17], [sflag:s12] =	dma.local @!p0 [hbm:s13], $0x186A0  }
0x2e: {  	s12 =	simm.s32 @!p0 $0x7  }
0x2f: {  	_ =	swait.ge @!p0 [sflag:s12], $0x186A0  }
0x30: {  	[sflag:s12] =	ssyncset.done @!p0 $0x0  }
0x31: {  	[sflag:s12] =	ssyncadd.s32 @!p0 $0xFFFE7960  }
0x32: {  	[bflag:$0x0] =	sbarrier.arrive $0xFFFF  }
0x33: {  	v11 =	vld.idx.msk [tilespmem:v0+s14+$0x0], $0xffff;
	[tilespmem:$0xBF80] =	vst v1  }
0x34: {  	[tilespmem:$0xBF90] =	vst v1  }
0x35: {  	[tilespmem:$0xBFA0] =	vst v1  }
0x36: {  	[tilespmem:$0xBFB0] =	vst v1  }
0x37: {  	[tilespmem:$0xBFC0] =	vst v1  }
0x38: {  	[tilespmem:$0xBFD0] =	vst v1  }
0x39: {  	[tilespmem:$0xBFE0] =	vst v1  }
0x3a: {  	[tilespmem:$0xBFF0] =	vst v1  }
0x3b: {  	[tilespmem:$0xC180] =	vst v1  }
0x3c: {  	[tilespmem:$0xC190] =	vst v1  }
0x3d: {  	[tilespmem:$0xC1A0] =	vst v1  }
0x3e: {  	[tilespmem:$0xC1B0] =	vst v1  }
0x3f: {  	[tilespmem:$0xC1C0] =	vst v1  }
0x40: {  	[tilespmem:$0xC1D0] =	vst v1  }
0x41: {  	[tilespmem:$0xC1E0] =	vst v1  }
0x42: {  	[tilespmem:$0xC1F0] =	vst v1  }
0x43: {  	[tilespmem:$0xC380] =	vst v1  }
0x44: {  	[tilespmem:$0xC390] =	vst v1  }
0x45: {  	[tilespmem:$0xC3A0] =	vst v1  }
0x46: {  	[tilespmem:$0xC3B0] =	vst v1  }
0x47: {  	[tilespmem:$0xC3C0] =	vst v1  }
0x48: {  	[tilespmem:$0xC3D0] =	vst v1  }
0x49: {  	[tilespmem:$0xC3E0] =	vst v1  }
0x4a: {  	[tilespmem:$0xC3F0] =	vst v1  }
0x4b: {  	[tilespmem:$0xC580] =	vst v1  }
0x4c: {  	[tilespmem:$0xC590] =	vst v1  }
0x4d: {  	[tilespmem:$0xC5A0] =	vst v1  }
0x4e: {  	[tilespmem:$0xC5B0] =	vst v1  }
0x4f: {  	[tilespmem:$0xC5C0] =	vst v1  }
0x50: {  	[tilespmem:$0xC5D0] =	vst v1  }
0x51: {  	[tilespmem:$0xC5E0] =	vst v1  }
0x52: {  	[tilespmem:$0xC5F0] =	vst v1  }
0x53: {  	[tilespmem:$0xC780] =	vst v1  }
0x54: {  	[tilespmem:$0xC790] =	vst v1  }
0x55: {  	[tilespmem:$0xC7A0] =	vst v1  }
0x56: {  	[tilespmem:$0xC7B0] =	vst v1  }
0x57: {  	[tilespmem:$0xC7C0] =	vst v1  }
0x58: {  	[tilespmem:$0xC7D0] =	vst v1  }
0x59: {  	[tilespmem:$0xC7E0] =	vst v1  }
0x5a: {  	[tilespmem:$0xC7F0] =	vst v1  }
0x5b: {  	[tilespmem:$0xC980] =	vst v1  }
0x5c: {  	[tilespmem:$0xC990] =	vst v1  }
0x5d: {  	[tilespmem:$0xC9A0] =	vst v1  }
0x5e: {  	[tilespmem:$0xC9B0] =	vst v1  }
0x5f: {  	[tilespmem:$0xC9C0] =	vst v1  }
0x60: {  	[tilespmem:$0xC9D0] =	vst v1  }
0x61: {  	[tilespmem:$0xC9E0] =	vst v1  }
0x62: {  	[tilespmem:$0xC9F0] =	vst v1  }
0x63: {  	[tilespmem:$0xCB80] =	vst v1  }
0x64: {  	[tilespmem:$0xCB90] =	vst v1  }
0x65: {  	[tilespmem:$0xCBA0] =	vst v1  }
0x66: {  	[tilespmem:$0xCBB0] =	vst v1  }
0x67: {  	[tilespmem:$0xCBC0] =	vst v1  }
0x68: {  	[tilespmem:$0xCBD0] =	vst v1  }
0x69: {  	[tilespmem:$0xCBE0] =	vst v1  }
0x6a: {  	[tilespmem:$0xCBF0] =	vst v1  }
0x6b: {  	[tilespmem:$0xCD80] =	vst v1  }
0x6c: {  	[tilespmem:$0xCD90] =	vst v1  }
0x6d: {  	[tilespmem:$0xCDA0] =	vst v1  }
0x6e: {  	[tilespmem:$0xCDB0] =	vst v1  }
0x6f: {  	[tilespmem:$0xCDC0] =	vst v1  }
0x70: {  	[tilespmem:$0xCDD0] =	vst v1  }
0x71: {  	[tilespmem:$0xCDE0] =	vst v1  }
0x72: {  	[tilespmem:$0xCDF0] =	vst v1  }
0x73: {  	[tilespmem:$0xCF80] =	vst v1  }
0x74: {  	[tilespmem:$0xCF90] =	vst v1  }
0x75: {  	[tilespmem:$0xCFA0] =	vst v1  }
0x76: {  	[tilespmem:$0xCFB0] =	vst v1  }
0x77: {  	[tilespmem:$0xCFC0] =	vst v1  }
0x78: {  	[tilespmem:$0xCFD0] =	vst v1  }
0x79: {  	[tilespmem:$0xCFE0] =	vst v1  }
0x7a: {  	[tilespmem:$0xCFF0] =	vst v1  }
0x7b: {  	[tilespmem:$0xD180] =	vst v1  }
0x7c: {  	[tilespmem:$0xD190] =	vst v1  }
0x7d: {  	[tilespmem:$0xD1A0] =	vst v1  }
0x7e: {  	[tilespmem:$0xD1B0] =	vst v1  }
0x7f: {  	[tilespmem:$0xD1C0] =	vst v1  }
0x80: {  	[tilespmem:$0xD1D0] =	vst v1  }
0x81: {  	[tilespmem:$0xD1E0] =	vst v1  }
0x82: {  	[tilespmem:$0xD1F0] =	vst v1  }
0x83: {  	[tilespmem:$0xD380] =	vst v1  }
0x84: {  	[tilespmem:$0xD390] =	vst v1  }
0x85: {  	[tilespmem:$0xD3A0] =	vst v1  }
0x86: {  	[tilespmem:$0xD3B0] =	vst v1  }
0x87: {  	[tilespmem:$0xD3C0] =	vst v1  }
0x88: {  	[tilespmem:$0xD3D0] =	vst v1  }
0x89: {  	[tilespmem:$0xD3E0] =	vst v1  }
0x8a: {  	[tilespmem:$0xD3F0] =	vst v1  }
0x8b: {  	[tilespmem:$0xD580] =	vst v1  }
0x8c: {  	[tilespmem:$0xD590] =	vst v1  }
0x8d: {  	[tilespmem:$0xD5A0] =	vst v1  }
0x8e: {  	[tilespmem:$0xD5B0] =	vst v1  }
0x8f: {  	[tilespmem:$0xD5C0] =	vst v1  }
0x90: {  	[tilespmem:$0xD5D0] =	vst v1  }
0x91: {  	[tilespmem:$0xD5E0] =	vst v1  }
0x92: {  	[tilespmem:$0xD5F0] =	vst v1  }
0x93: {  	[tilespmem:$0xD780] =	vst v1  }
0x94: {  	[tilespmem:$0xD790] =	vst v1  }
0x95: {  	[tilespmem:$0xD7A0] =	vst v1  }
0x96: {  	[tilespmem:$0xD7B0] =	vst v1  }
0x97: {  	[tilespmem:$0xD7C0] =	vst v1  }
0x98: {  	[tilespmem:$0xD7D0] =	vst v1  }
0x99: {  	[tilespmem:$0xD7E0] =	vst v1  }
0x9a: {  	[tilespmem:$0xD7F0] =	vst v1  }
0x9b: {  	[tilespmem:$0xD980] =	vst v1  }
0x9c: {  	[tilespmem:$0xD990] =	vst v1  }
0x9d: {  	[tilespmem:$0xD9A0] =	vst v1  }
0x9e: {  	[tilespmem:$0xD9B0] =	vst v1  }
0x9f: {  	[tilespmem:$0xD9C0] =	vst v1  }
0xa0: {  	[tilespmem:$0xD9D0] =	vst v1  }
0xa1: {  	[tilespmem:$0xD9E0] =	vst v1  }
0xa2: {  	[tilespmem:$0xD9F0] =	vst v1  }
0xa3: {  	[tilespmem:$0xDB80] =	vst v1  }
0xa4: {  	[tilespmem:$0xDB90] =	vst v1  }
0xa5: {  	[tilespmem:$0xDBA0] =	vst v1  }
0xa6: {  	[tilespmem:$0xDBB0] =	vst v1  }
0xa7: {  	[tilespmem:$0xDBC0] =	vst v1  }
0xa8: {  	[tilespmem:$0xDBD0] =	vst v1  }
0xa9: {  	[tilespmem:$0xDBE0] =	vst v1  }
0xaa: {  	[tilespmem:$0xDBF0] =	vst v1  }
0xab: {  	[tilespmem:$0xDD80] =	vst v1  }
0xac: {  	[tilespmem:$0xDD90] =	vst v1  }
0xad: {  	[tilespmem:$0xDDA0] =	vst v1  }
0xae: {  	[tilespmem:$0xDDB0] =	vst v1  }
0xaf: {  	[tilespmem:$0xDDC0] =	vst v1  }
0xb0: {  	[tilespmem:$0xDDD0] =	vst v1  }
0xb1: {  	[tilespmem:$0xDDE0] =	vst v1  }
0xb2: {  	[tilespmem:$0xDDF0] =	vst v1  }
0xb3: {  	[tilespmem:$0xDF80] =	vst v1  }
0xb4: {  	[tilespmem:$0xDF90] =	vst v1  }
0xb5: {  	[tilespmem:$0xDFA0] =	vst v1  }
0xb6: {  	[tilespmem:$0xDFB0] =	vst v1  }
0xb7: {  	[tilespmem:$0xDFC0] =	vst v1  }
0xb8: {  	[tilespmem:$0xDFD0] =	vst v1  }
0xb9: {  	[tilespmem:$0xDFE0] =	vst v1  }
0xba: {  	[tilespmem:$0xDFF0] =	vst v1  }
0xbb: {  	[tilespmem:$0xE180] =	vst v1  }
0xbc: {  	[tilespmem:$0xE190] =	vst v1  }
0xbd: {  	[tilespmem:$0xE1A0] =	vst v1  }
0xbe: {  	[tilespmem:$0xE1B0] =	vst v1  }
0xbf: {  	[tilespmem:$0xE1C0] =	vst v1  }
0xc0: {  	[tilespmem:$0xE1D0] =	vst v1  }
0xc1: {  	[tilespmem:$0xE1E0] =	vst v1  }
0xc2: {  	[tilespmem:$0xE1F0] =	vst v1  }
0xc3: {  	[tilespmem:$0xE380] =	vst v1  }
0xc4: {  	[tilespmem:$0xE390] =	vst v1  }
0xc5: {  	[tilespmem:$0xE3A0] =	vst v1  }
0xc6: {  	[tilespmem:$0xE3B0] =	vst v1  }
0xc7: {  	[tilespmem:$0xE3C0] =	vst v1  }
0xc8: {  	[tilespmem:$0xE3D0] =	vst v1  }
0xc9: {  	[tilespmem:$0xE3E0] =	vst v1  }
0xca: {  	[tilespmem:$0xE3F0] =	vst v1  }
0xcb: {  	[tilespmem:$0xE580] =	vst v1  }
0xcc: {  	[tilespmem:$0xE590] =	vst v1  }
0xcd: {  	[tilespmem:$0xE5A0] =	vst v1  }
0xce: {  	[tilespmem:$0xE5B0] =	vst v1  }
0xcf: {  	[tilespmem:$0xE5C0] =	vst v1  }
0xd0: {  	[tilespmem:$0xE5D0] =	vst v1  }
0xd1: {  	[tilespmem:$0xE5E0] =	vst v1  }
0xd2: {  	[tilespmem:$0xE5F0] =	vst v1;
	s13 =	rddreg [dreg:$0x9]  }
0xd3: {  	[tilespmem:s6], [sflag:$0x1] =	stream.linear.gather [hbm4b:s13+s6], $0x500, $0x38;
	[tilespmem:$0x1A968] =	vst v63  }
0xd4: {  	s14 =	rddreg [dreg:$0xa];
	s13 =	simm.s32 $0xA00  }
0xd5: {  	[tilespmem:s13], [sflag:$0x1] =	stream.linear.gather [hbm4b:s14+s6], $0x500, $0x38;
	[tilespmem:$0x1A968] =	vst v63  }
0xd6: {  	s17 =	rddreg [dreg:$0xb]  }
0xd7: {  	[tilespmem:s22], [sflag:$0x2] =	stream.linear.gather [hbm4b:s17+s6], $0x500, $0x38;
	[tilespmem:$0x1A968] =	vst v63  }
0xd8: {  	s20 =	simm.s32 $0xF00;
	s19 =	rddreg [dreg:$0xc]  }
0xd9: {  	[tilespmem:s20], [sflag:$0x2] =	stream.linear.gather [hbm4b:s19+s6], $0x500, $0x38;
	[tilespmem:$0x1A968] =	vst v63  }
0xda: {  	_ =	swait.ge [sflag:s24], $0x500  }
0xdb: {  	[sflag:s24] =	ssyncset.done $0x0  }
0xdc: {  	[sflag:s24] =	ssyncadd.s32 $0xFFFFFB00  }
0xdd: {  	_ =	swait.ge [sflag:s24], $0x500  }
.Ltmp2:
0xde: {  	v3 =	vbroadcast v11, $0x0;
	[sflag:s24] =	ssyncset.done $0x0;
	(pc) =	sbr.rel .LBB2_2-.Ltmp2, $4  }
0xdf: {  	v4 =	vbroadcast v11, $0x3;
	v5 =	vbroadcast v11, $0x6;
	[sflag:s24] =	ssyncadd.s32 $0xFFFFFB00  }
0xe0: {  	v6 =	vbroadcast v11, $0x1;
	v7 =	vbroadcast v11, $0x4;
	[tilespmem:s25], [sflag:$0x3] =	stream.indirect.gather [spmem:s5], $0x8, s6, s22, $0xb8;
	[tilespmem:$0x1A968] =	vst v63  }
0xe1: {  	s12 =	simm.s32 $0x0;
	v8 =	vbroadcast v11, $0x7;
	v9 =	vbroadcast v11, $0x2  }
0xe2: {  	v10 =	vbroadcast v11, $0x5;
	v11 =	vbroadcast v11, $0x8;
	[tilespmem:s26], [sflag:$0x3] =	stream.indirect.gather [spmem:s5], $0x8, s13, s22, $0xb8;
	[tilespmem:$0x1A968] =	vst v63  }
.LBB2_10:
0xe3: {  	s12 =	sadd.s32 $0x1, s12  }
0xe4: {  	p1 =	sne.s32 s12, $0x4F  }
.Ltmp3:
0xe5: {  	_ = 	snop;
	(pc) =	sbr.rel @!p1 .LBB2_11-.Ltmp3, $1  }
0xe6: {  	_ =	sdelay $0x3  }
.LBB2_2:
0xe7: {  	s13 =	sshll.u32 s12, $0x1  }
0xe8: {  	p1 =	sge.u32 s13, s10  }
.Ltmp4:
0xe9: {  	_ = 	snop;
	(pc) =	sbr.rel @p1 .LBB2_6-.Ltmp4, $1  }
0xea: {  	_ =	sdelay $0x3  }
0xeb: {  	p1 =	sge.u32 s13, s15  }
0xec: {  	s14 =	simm.s32 @!p1 $0x2  }
0xed: {  	_ =	swait.ge @!p1 [sflag:s14], $0x500  }
0xee: {  	[sflag:s14] =	ssyncset.done @!p1 $0x0  }
0xef: {  	[sflag:s14] =	ssyncadd.s32 @!p1 $0xFFFFFB00  }
0xf0: {  	_ =	swait.ge @!p1 [sflag:s14], $0x500  }
0xf1: {  	[sflag:s14] =	ssyncset.done @!p1 $0x0  }
0xf2: {  	s17 =	simm.s32 @!p1 $0x3C00;
	[sflag:s14] =	ssyncadd.s32 @!p1 $0xFFFFFB00;
	s14 =	simm.s32 @!p1 $0x500  }
0xf3: {  	[tilespmem:s17], [sflag:$0x4] =	stream.indirect.gather @!p1 [spmem:s5], $0x8, s14, s14, $0xb8;
	[tilespmem:$0x1A968] =	vst v63  }
0xf4: {  	s20 =	simm.s32 @!p1 $0x8C00;
	s17 =	simm.s32 @!p1 $0xF00  }
0xf5: {  	[tilespmem:s20], [sflag:$0x4] =	stream.indirect.gather @!p1 [spmem:s5], $0x8, s17, s14, $0xb8;
	[tilespmem:$0x1A968] =	vst v63  }
0xf6: {  	s14 =	sadd.s32 $0x2, s13  }
0xf7: {  	_ =	swait.ge [sflag:s28], $0x2800;
	p1 =	sge.u32 s14, s10  }
0xf8: {  	[sflag:s28] =	ssyncset.done $0x0;
	s14 =	sshll.u32 @!p1 s14, $0x5  }
0xf9: {  	[sflag:s28] =	ssyncadd.s32 $0xFFFFD800;
	s14 =	sor.u32 @!p1 s7, s14  }
0xfa: {  	_ =	swait.ge [sflag:s28], $0x2800;
	s14 =	smul.u32 @!p1 $0xA0, s14  }
0xfb: {  	[sflag:s28] =	ssyncset.done $0x0  }
0xfc: {  	s20 =	simm.s32 @!p1 $0x0;
	[sflag:s28] =	ssyncadd.s32 $0xFFFFD800;
	s17 =	sadd.s32 @!p1 s0, s14  }
0xfd: {  	[tilespmem:s20], [sflag:$0x1] =	stream.linear.gather @!p1 [hbm4b:s17+s20], $0x500, $0x38;
	[tilespmem:$0x1A968] =	vst v63  }
0xfe: {  	s14 =	sadd.s32 @!p1 s2, s14;
	s17 =	simm.s32 @!p1 $0xA00  }
0xff: {  	[tilespmem:s17], [sflag:$0x1] =	stream.linear.gather @!p1 [hbm4b:s14+s20], $0x500, $0x38;
	[tilespmem:$0x1A968] =	vst v63  }
0x100: {  	p1 =	seq.s32 s12, $0x0  }
0x101: {  	s14 =	simm.s32 @!p1 $0x5  }
0x102: {  	_ =	swait.ge @!p1 [sflag:s14], $0x500  }
0x103: {  	[sflag:s14] =	ssyncset.done @!p1 $0x0  }
0x104: {  	[sflag:s14] =	ssyncadd.s32 @!p1 $0xFFFFFB00  }
0x105: {  	_ =	swait.ge @!p1 [sflag:s14], $0x1400  }
0x106: {  	s17 =	simm.s32 $0xBEC0;
	[sflag:s14] =	ssyncset.done @!p1 $0x0  }
0x107: {  	s20 =	simm.s32 $0xB440;
	[sflag:s14] =	ssyncadd.s32 @!p1 $0xFFFFEC00;
	s14 =	simm.s32 $0x70  }
.LBB2_4:
0x108: {  	s19 =	sadd.s32 $0xFFFFFF90, s14  }
0x109: {  	v12 =	vmov s19  }
0x10a: {  	v12 =	vshll.u32 v12, $0x3  }
0x10b: {  	v12 =	vor.u32 v2, v12;
	_ =	sdelay $0x1  }
0x10c: {  	v13 =	vor.u32 $0x1, v12;
	_ =	sdelay $0x1  }
0x10d: {  	v14 =	vor.u32 $0x2, v12  }
0x10e: {  	v15 =	vld.idx.msk [tilespmem:v12+s25+$0x0], $0xffff  }
0x10f: {  	v12 =	vld.idx.msk [tilespmem:v12+s26+$0x0], $0xffff  }
0x110: {  	v16 =	vld.idx.msk [tilespmem:v13+s25+$0x0], $0xffff  }
0x111: {  	v13 =	vld.idx.msk [tilespmem:v13+s26+$0x0], $0xffff  }
0x112: {  	v17 =	vld.idx.msk [tilespmem:v14+s25+$0x0], $0xffff  }
0x113: {  	v14 =	vld.idx.msk [tilespmem:v14+s26+$0x0], $0xffff;
	_ =	sdelay $0x2  }
0x114: {  	v12 =	vsub.f32 v15, v12  }
0x115: {  	v13 =	vsub.f32 v16, v13  }
0x116: {  	v14 =	vsub.f32 v17, v14;
	v15 =	vadd.f32 $-1.000000000e+00, v12  }
0x117: {  	vm0 =	vgt.f32 v12, $5.000000000e-01  }
0x118: {  	v16 =	vadd.f32 $-1.000000000e+00, v13;
	v59 =	vadd.f32 $-1.000000000e+00, v14;
	v12 =	vsel vm0, v15, v12  }
0x119: {  	vm1 =	vgt.f32 v13, $5.000000000e-01;
	vm6 =	vgt.f32 v14, $5.000000000e-01;
	v60 =	vadd.f32 $1.000000000e+00, v12  }
0x11a: {  	v13 =	vsel vm1, v16, v13;
	vm7 =	vlt.f32 v12, $-5.000000000e-01;
	v14 =	vsel vm6, v59, v14  }
0x11b: {  	v61 =	vadd.f32 $1.000000000e+00, v13;
	vm8 =	vlt.f32 v13, $-5.000000000e-01;
	v12 =	vsel vm7, v60, v12  }
0x11c: {  	v15 =	vadd.f32 $1.000000000e+00, v14;
	vm9 =	vlt.f32 v14, $-5.000000000e-01;
	v16 =	vmul.f32 v12, v3  }
0x11d: {  	v13 =	vsel vm8, v61, v13;
	v62 =	vmul.f32 v12, v6;
	v12 =	vmul.f32 v12, v9  }
0x11e: {  	v14 =	vsel vm9, v15, v14;
	v17 =	vmul.f32 v13, v4;
	v18 =	vmul.f32 v13, v7  }
0x11f: {  	v63 =	vmul.f32 v14, v5;
	v13 =	vmul.f32 v13, v10  }
0x120: {  	v19 =	vmul.f32 v14, v8;
	v16 =	vadd.f32 v17, v16;
	v15 =	vadd.f32 v18, v62  }
0x121: {  	v12 =	vadd.f32 v13, v12  }
0x122: {  	v18 =	vmul.f32 v14, v11;
	v16 =	vadd.f32 v63, v16;
	v15 =	vadd.f32 v19, v15;
	_ =	sdelay $0x1  }
0x123: {  	v12 =	vadd.f32 v18, v12;
	v19 =	vmul.f32 v16, v16;
	v20 =	vmul.f32 v15, v15;
	_ =	sdelay $0x1  }
0x124: {  	v21 =	vmul.f32 v12, v12;
	v13 =	vadd.f32 v20, v19;
	_ =	sdelay $0x1  }
0x125: {  	v13 =	vadd.f32 v13, v21;
	_ =	sdelay $0x1  }
0x126: {  	v13 =	vadd.f32 $9.999999930e-09, v13;
	_ =	sdelay $0x1  }
0x127: {  	v22 =	vshra.s32 v13, $0x1;
	v23 =	vmul.f32 $5.000000000e-01, v13  }
0x128: {  	v14 =	vsub.s32 $0x5F3759DF, v22  }
0x129: {  	v24 =	vmul.f32 v14, v23;
	_ =	sdelay $0x1  }
0x12a: {  	v18 =	vmul.f32 v14, v24;
	_ =	sdelay $0x1  }
0x12b: {  	v18 =	vsub.f32 $1.500000000e+00, v18;
	_ =	sdelay $0x1  }
0x12c: {  	v14 =	vmul.f32 v14, v18;
	_ =	sdelay $0x1  }
0x12d: {  	v18 =	vmul.f32 v14, v23;
	_ =	sdelay $0x1  }
0x12e: {  	v18 =	vmul.f32 v18, v14;
	_ =	sdelay $0x1  }
0x12f: {  	v18 =	vsub.f32 $1.500000000e+00, v18;
	_ =	sdelay $0x1  }
0x130: {  	v14 =	vmul.f32 v18, v14;
	_ =	sdelay $0x1  }
0x131: {  	v17 =	vmul.f32 v14, v23;
	_ =	sdelay $0x1  }
0x132: {  	v17 =	vmul.f32 v17, v14;
	_ =	sdelay $0x1  }
0x133: {  	v17 =	vsub.f32 $1.500000000e+00, v17;
	_ =	sdelay $0x1  }
0x134: {  	s19 =	sadd.s32 $0xFFFFFFA0, s14;
	v14 =	vmul.f32 v17, v14  }
0x135: {  	v25 =	vmov s19  }
0x136: {  	v26 =	vshll.u32 v25, $0x3;
	v13 =	vmul.f32 v14, v13  }
0x137: {  	v14 =	vor.u32 v2, v26  }
0x138: {  	[tilespmem:s20+$0xFFFFFFC0] =	vst v13  }
0x139: {  	v27 =	vor.u32 $0x1, v14;
	[tilespmem:s17+$0xFFFFFF40] =	vst v16  }
0x13a: {  	[tilespmem:s17+$0xFFFFFFC0] =	vst v15  }
0x13b: {  	v28 =	vor.u32 $0x2, v14;
	[tilespmem:s17+$0x40] =	vst v12  }
0x13c: {  	v15 =	vld.idx.msk [tilespmem:v14+s25+$0x0], $0xffff  }
0x13d: {  	v14 =	vld.idx.msk [tilespmem:v14+s26+$0x0], $0xffff  }
0x13e: {  	v16 =	vld.idx.msk [tilespmem:v27+s25+$0x0], $0xffff  }
0x13f: {  	v13 =	vld.idx.msk [tilespmem:v27+s26+$0x0], $0xffff  }
0x140: {  	v29 =	vld.idx.msk [tilespmem:v28+s25+$0x0], $0xffff  }
0x141: {  	v12 =	vld.idx.msk [tilespmem:v28+s26+$0x0], $0xffff;
	_ =	sdelay $0x2  }
0x142: {  	v14 =	vsub.f32 v15, v14  }
0x143: {  	v13 =	vsub.f32 v16, v13  }
0x144: {  	v12 =	vsub.f32 v29, v12;
	v15 =	vadd.f32 $-1.000000000e+00, v14  }
0x145: {  	vm10 =	vgt.f32 v14, $5.000000000e-01  }
0x146: {  	v16 =	vadd.f32 $-1.000000000e+00, v13;
	v30 =	vadd.f32 $-1.000000000e+00, v12;
	v14 =	vsel vm10, v15, v14  }
0x147: {  	vm11 =	vgt.f32 v13, $5.000000000e-01;
	vm12 =	vgt.f32 v12, $5.000000000e-01;
	v31 =	vadd.f32 $1.000000000e+00, v14  }
0x148: {  	v13 =	vsel vm11, v16, v13;
	vm13 =	vlt.f32 v14, $-5.000000000e-01;
	v12 =	vsel vm12, v30, v12  }
0x149: {  	v32 =	vadd.f32 $1.000000000e+00, v13;
	vm14 =	vlt.f32 v13, $-5.000000000e-01;
	v14 =	vsel vm13, v31, v14  }
0x14a: {  	v15 =	vadd.f32 $1.000000000e+00, v12;
	vm15 =	vlt.f32 v12, $-5.000000000e-01;
	v16 =	vmul.f32 v14, v3  }
0x14b: {  	v13 =	vsel vm14, v32, v13;
	v33 =	vmul.f32 v14, v6;
	v14 =	vmul.f32 v14, v9  }
0x14c: {  	v12 =	vsel vm15, v15, v12;
	v17 =	vmul.f32 v13, v4;
	v34 =	vmul.f32 v13, v7  }
0x14d: {  	v35 =	vmul.f32 v12, v5;
	v13 =	vmul.f32 v13, v10  }
0x14e: {  	v36 =	vmul.f32 v12, v8;
	v16 =	vadd.f32 v17, v16;
	v15 =	vadd.f32 v34, v33  }
0x14f: {  	v13 =	vadd.f32 v13, v14  }
0x150: {  	v12 =	vmul.f32 v12, v11;
	v16 =	vadd.f32 v35, v16;
	v15 =	vadd.f32 v36, v15;
	_ =	sdelay $0x1  }
0x151: {  	v12 =	vadd.f32 v12, v13;
	v37 =	vmul.f32 v16, v16;
	v38 =	vmul.f32 v15, v15;
	_ =	sdelay $0x1  }
0x152: {  	v39 =	vmul.f32 v12, v12;
	v13 =	vadd.f32 v38, v37;
	_ =	sdelay $0x1  }
0x153: {  	v13 =	vadd.f32 v13, v39;
	_ =	sdelay $0x1  }
0x154: {  	v13 =	vadd.f32 $9.999999930e-09, v13;
	_ =	sdelay $0x1  }
0x155: {  	v40 =	vshra.s32 v13, $0x1;
	v41 =	vmul.f32 $5.000000000e-01, v13  }
0x156: {  	v14 =	vsub.s32 $0x5F3759DF, v40  }
0x157: {  	v42 =	vmul.f32 v14, v41;
	_ =	sdelay $0x1  }
0x158: {  	v18 =	vmul.f32 v14, v42;
	_ =	sdelay $0x1  }
0x159: {  	v18 =	vsub.f32 $1.500000000e+00, v18;
	_ =	sdelay $0x1  }
0x15a: {  	v14 =	vmul.f32 v14, v18;
	_ =	sdelay $0x1  }
0x15b: {  	v18 =	vmul.f32 v14, v41;
	_ =	sdelay $0x1  }
0x15c: {  	v18 =	vmul.f32 v18, v14;
	_ =	sdelay $0x1  }
0x15d: {  	v18 =	vsub.f32 $1.500000000e+00, v18;
	_ =	sdelay $0x1  }
0x15e: {  	v14 =	vmul.f32 v18, v14;
	_ =	sdelay $0x1  }
0x15f: {  	v17 =	vmul.f32 v14, v41;
	_ =	sdelay $0x1  }
0x160: {  	v17 =	vmul.f32 v17, v14;
	_ =	sdelay $0x1  }
0x161: {  	v17 =	vsub.f32 $1.500000000e+00, v17;
	_ =	sdelay $0x1  }
0x162: {  	s19 =	sadd.s32 $0xFFFFFFB0, s14;
	v14 =	vmul.f32 v17, v14  }
0x163: {  	v43 =	vmov s19  }
0x164: {  	v44 =	vshll.u32 v43, $0x3;
	v13 =	vmul.f32 v14, v13  }
0x165: {  	v14 =	vor.u32 v2, v44  }
0x166: {  	[tilespmem:s20+$0xFFFFFFD0] =	vst v13  }
0x167: {  	v45 =	vor.u32 $0x1, v14;
	[tilespmem:s17+$0xFFFFFF50] =	vst v16  }
0x168: {  	[tilespmem:s17+$0xFFFFFFD0] =	vst v15  }
0x169: {  	v46 =	vor.u32 $0x2, v14;
	[tilespmem:s17+$0x50] =	vst v12  }
0x16a: {  	v15 =	vld.idx.msk [tilespmem:v14+s25+$0x0], $0xffff  }
0x16b: {  	v14 =	vld.idx.msk [tilespmem:v14+s26+$0x0], $0xffff  }
0x16c: {  	v16 =	vld.idx.msk [tilespmem:v45+s25+$0x0], $0xffff  }
0x16d: {  	v13 =	vld.idx.msk [tilespmem:v45+s26+$0x0], $0xffff  }
0x16e: {  	v47 =	vld.idx.msk [tilespmem:v46+s25+$0x0], $0xffff  }
0x16f: {  	v12 =	vld.idx.msk [tilespmem:v46+s26+$0x0], $0xffff;
	_ =	sdelay $0x2  }
0x170: {  	v14 =	vsub.f32 v15, v14  }
0x171: {  	v13 =	vsub.f32 v16, v13  }
0x172: {  	v12 =	vsub.f32 v47, v12;
	v15 =	vadd.f32 $-1.000000000e+00, v14  }
0x173: {  	vm4 =	vgt.f32 v14, $5.000000000e-01  }
0x174: {  	v16 =	vadd.f32 $-1.000000000e+00, v13;
	v48 =	vadd.f32 $-1.000000000e+00, v12;
	v14 =	vsel vm4, v15, v14  }
0x175: {  	vm5 =	vgt.f32 v13, $5.000000000e-01;
	vm6 =	vgt.f32 v12, $5.000000000e-01;
	v49 =	vadd.f32 $1.000000000e+00, v14  }
0x176: {  	v13 =	vsel vm5, v16, v13;
	vm7 =	vlt.f32 v14, $-5.000000000e-01;
	v12 =	vsel vm6, v48, v12  }
0x177: {  	v50 =	vadd.f32 $1.000000000e+00, v13;
	vm8 =	vlt.f32 v13, $-5.000000000e-01;
	v14 =	vsel vm7, v49, v14  }
0x178: {  	v15 =	vadd.f32 $1.000000000e+00, v12;
	vm9 =	vlt.f32 v12, $-5.000000000e-01;
	v16 =	vmul.f32 v14, v3  }
0x179: {  	v13 =	vsel vm8, v50, v13;
	v51 =	vmul.f32 v14, v6;
	v14 =	vmul.f32 v14, v9  }
0x17a: {  	v12 =	vsel vm9, v15, v12;
	v17 =	vmul.f32 v13, v4;
	v52 =	vmul.f32 v13, v7  }
0x17b: {  	v53 =	vmul.f32 v12, v5;
	v13 =	vmul.f32 v13, v10  }
0x17c: {  	v54 =	vmul.f32 v12, v8;
	v16 =	vadd.f32 v17, v16;
	v15 =	vadd.f32 v52, v51  }
0x17d: {  	v13 =	vadd.f32 v13, v14  }
0x17e: {  	v12 =	vmul.f32 v12, v11;
	v16 =	vadd.f32 v53, v16;
	v15 =	vadd.f32 v54, v15;
	_ =	sdelay $0x1  }
0x17f: {  	v12 =	vadd.f32 v12, v13;
	v55 =	vmul.f32 v16, v16;
	v56 =	vmul.f32 v15, v15;
	_ =	sdelay $0x1  }
0x180: {  	v57 =	vmul.f32 v12, v12;
	v13 =	vadd.f32 v56, v55;
	_ =	sdelay $0x1  }
0x181: {  	v13 =	vadd.f32 v13, v57;
	_ =	sdelay $0x1  }
0x182: {  	v13 =	vadd.f32 $9.999999930e-09, v13;
	_ =	sdelay $0x1  }
0x183: {  	v58 =	vshra.s32 v13, $0x1;
	v59 =	vmul.f32 $5.000000000e-01, v13  }
0x184: {  	v14 =	vsub.s32 $0x5F3759DF, v58  }
0x185: {  	v60 =	vmul.f32 v14, v59;
	_ =	sdelay $0x1  }
0x186: {  	v18 =	vmul.f32 v14, v60;
	_ =	sdelay $0x1  }
0x187: {  	v18 =	vsub.f32 $1.500000000e+00, v18;
	_ =	sdelay $0x1  }
0x188: {  	v14 =	vmul.f32 v14, v18;
	_ =	sdelay $0x1  }
0x189: {  	v18 =	vmul.f32 v14, v59;
	_ =	sdelay $0x1  }
0x18a: {  	v18 =	vmul.f32 v18, v14;
	_ =	sdelay $0x1  }
0x18b: {  	v18 =	vsub.f32 $1.500000000e+00, v18;
	_ =	sdelay $0x1  }
0x18c: {  	v14 =	vmul.f32 v18, v14;
	_ =	sdelay $0x1  }
0x18d: {  	v17 =	vmul.f32 v14, v59;
	_ =	sdelay $0x1  }
0x18e: {  	v17 =	vmul.f32 v17, v14;
	_ =	sdelay $0x1  }
0x18f: {  	v17 =	vsub.f32 $1.500000000e+00, v17;
	_ =	sdelay $0x1  }
0x190: {  	s19 =	sadd.s32 $0xFFFFFFC0, s14;
	v14 =	vmul.f32 v17, v14  }
0x191: {  	v61 =	vmov s19  }
0x192: {  	v62 =	vshll.u32 v61, $0x3;
	v13 =	vmul.f32 v14, v13  }
0x193: {  	v14 =	vor.u32 v2, v62  }
0x194: {  	[tilespmem:s20+$0xFFFFFFE0] =	vst v13  }
0x195: {  	v63 =	vor.u32 $0x1, v14;
	[tilespmem:s17+$0xFFFFFF60] =	vst v16  }
0x196: {  	[tilespmem:s17+$0xFFFFFFE0] =	vst v15  }
0x197: {  	v20 =	vor.u32 $0x2, v14;
	[tilespmem:s17+$0x60] =	vst v12  }
0x198: {  	v15 =	vld.idx.msk [tilespmem:v14+s25+$0x0], $0xffff  }
0x199: {  	v14 =	vld.idx.msk [tilespmem:v14+s26+$0x0], $0xffff  }
0x19a: {  	v16 =	vld.idx.msk [tilespmem:v63+s25+$0x0], $0xffff  }
0x19b: {  	v13 =	vld.idx.msk [tilespmem:v63+s26+$0x0], $0xffff  }
0x19c: {  	v21 =	vld.idx.msk [tilespmem:v20+s25+$0x0], $0xffff  }
0x19d: {  	v12 =	vld.idx.msk [tilespmem:v20+s26+$0x0], $0xffff;
	_ =	sdelay $0x2  }
0x19e: {  	v14 =	vsub.f32 v15, v14  }
0x19f: {  	v13 =	vsub.f32 v16, v13  }
0x1a0: {  	v12 =	vsub.f32 v21, v12;
	v15 =	vadd.f32 $-1.000000000e+00, v14  }
0x1a1: {  	vm10 =	vgt.f32 v14, $5.000000000e-01  }
0x1a2: {  	v16 =	vadd.f32 $-1.000000000e+00, v13;
	v22 =	vadd.f32 $-1.000000000e+00, v12;
	v14 =	vsel vm10, v15, v14  }
0x1a3: {  	vm11 =	vgt.f32 v13, $5.000000000e-01;
	vm12 =	vgt.f32 v12, $5.000000000e-01;
	v23 =	vadd.f32 $1.000000000e+00, v14  }
0x1a4: {  	v13 =	vsel vm11, v16, v13;
	vm13 =	vlt.f32 v14, $-5.000000000e-01;
	v12 =	vsel vm12, v22, v12  }
0x1a5: {  	v24 =	vadd.f32 $1.000000000e+00, v13;
	vm14 =	vlt.f32 v13, $-5.000000000e-01;
	v14 =	vsel vm13, v23, v14  }
0x1a6: {  	v15 =	vadd.f32 $1.000000000e+00, v12;
	vm15 =	vlt.f32 v12, $-5.000000000e-01;
	v16 =	vmul.f32 v14, v3  }
0x1a7: {  	v13 =	vsel vm14, v24, v13;
	v25 =	vmul.f32 v14, v6;
	v14 =	vmul.f32 v14, v9  }
0x1a8: {  	v12 =	vsel vm15, v15, v12;
	v17 =	vmul.f32 v13, v4;
	v26 =	vmul.f32 v13, v7  }
0x1a9: {  	v27 =	vmul.f32 v12, v5;
	v13 =	vmul.f32 v13, v10  }
0x1aa: {  	v28 =	vmul.f32 v12, v8;
	v16 =	vadd.f32 v17, v16;
	v15 =	vadd.f32 v26, v25  }
0x1ab: {  	v13 =	vadd.f32 v13, v14  }
0x1ac: {  	v12 =	vmul.f32 v12, v11;
	v16 =	vadd.f32 v27, v16;
	v15 =	vadd.f32 v28, v15;
	_ =	sdelay $0x1  }
0x1ad: {  	v12 =	vadd.f32 v12, v13;
	v29 =	vmul.f32 v16, v16;
	v30 =	vmul.f32 v15, v15;
	_ =	sdelay $0x1  }
0x1ae: {  	v31 =	vmul.f32 v12, v12;
	v13 =	vadd.f32 v30, v29;
	_ =	sdelay $0x1  }
0x1af: {  	v13 =	vadd.f32 v13, v31;
	_ =	sdelay $0x1  }
0x1b0: {  	v13 =	vadd.f32 $9.999999930e-09, v13;
	_ =	sdelay $0x1  }
0x1b1: {  	v32 =	vshra.s32 v13, $0x1;
	v33 =	vmul.f32 $5.000000000e-01, v13  }
0x1b2: {  	v14 =	vsub.s32 $0x5F3759DF, v32  }
0x1b3: {  	v34 =	vmul.f32 v14, v33;
	_ =	sdelay $0x1  }
0x1b4: {  	v18 =	vmul.f32 v14, v34;
	_ =	sdelay $0x1  }
0x1b5: {  	v18 =	vsub.f32 $1.500000000e+00, v18;
	_ =	sdelay $0x1  }
0x1b6: {  	v14 =	vmul.f32 v14, v18;
	_ =	sdelay $0x1  }
0x1b7: {  	v18 =	vmul.f32 v14, v33;
	_ =	sdelay $0x1  }
0x1b8: {  	v18 =	vmul.f32 v18, v14;
	_ =	sdelay $0x1  }
0x1b9: {  	v18 =	vsub.f32 $1.500000000e+00, v18;
	_ =	sdelay $0x1  }
0x1ba: {  	v14 =	vmul.f32 v18, v14;
	_ =	sdelay $0x1  }
0x1bb: {  	v17 =	vmul.f32 v14, v33;
	_ =	sdelay $0x1  }
0x1bc: {  	v17 =	vmul.f32 v17, v14;
	_ =	sdelay $0x1  }
0x1bd: {  	v17 =	vsub.f32 $1.500000000e+00, v17;
	_ =	sdelay $0x1  }
0x1be: {  	s19 =	sadd.s32 $0xFFFFFFD0, s14;
	v14 =	vmul.f32 v17, v14  }
0x1bf: {  	v35 =	vmov s19  }
0x1c0: {  	v36 =	vshll.u32 v35, $0x3;
	v13 =	vmul.f32 v14, v13  }
0x1c1: {  	v14 =	vor.u32 v2, v36  }
0x1c2: {  	[tilespmem:s20+$0xFFFFFFF0] =	vst v13  }
0x1c3: {  	v37 =	vor.u32 $0x1, v14;
	[tilespmem:s17+$0xFFFFFF70] =	vst v16  }
0x1c4: {  	[tilespmem:s17+$0xFFFFFFF0] =	vst v15  }
0x1c5: {  	v38 =	vor.u32 $0x2, v14;
	[tilespmem:s17+$0x70] =	vst v12  }
0x1c6: {  	v15 =	vld.idx.msk [tilespmem:v14+s25+$0x0], $0xffff  }
0x1c7: {  	v14 =	vld.idx.msk [tilespmem:v14+s26+$0x0], $0xffff  }
0x1c8: {  	v16 =	vld.idx.msk [tilespmem:v37+s25+$0x0], $0xffff  }
0x1c9: {  	v13 =	vld.idx.msk [tilespmem:v37+s26+$0x0], $0xffff  }
0x1ca: {  	v39 =	vld.idx.msk [tilespmem:v38+s25+$0x0], $0xffff  }
0x1cb: {  	v12 =	vld.idx.msk [tilespmem:v38+s26+$0x0], $0xffff;
	_ =	sdelay $0x2  }
0x1cc: {  	v14 =	vsub.f32 v15, v14  }
0x1cd: {  	v13 =	vsub.f32 v16, v13  }
0x1ce: {  	v12 =	vsub.f32 v39, v12;
	v15 =	vadd.f32 $-1.000000000e+00, v14  }
0x1cf: {  	vm4 =	vgt.f32 v14, $5.000000000e-01  }
0x1d0: {  	v16 =	vadd.f32 $-1.000000000e+00, v13;
	v40 =	vadd.f32 $-1.000000000e+00, v12;
	v14 =	vsel vm4, v15, v14  }
0x1d1: {  	vm5 =	vgt.f32 v13, $5.000000000e-01;
	vm6 =	vgt.f32 v12, $5.000000000e-01;
	v41 =	vadd.f32 $1.000000000e+00, v14  }
0x1d2: {  	v13 =	vsel vm5, v16, v13;
	vm7 =	vlt.f32 v14, $-5.000000000e-01;
	v12 =	vsel vm6, v40, v12  }
0x1d3: {  	v42 =	vadd.f32 $1.000000000e+00, v13;
	vm8 =	vlt.f32 v13, $-5.000000000e-01;
	v14 =	vsel vm7, v41, v14  }
0x1d4: {  	v15 =	vadd.f32 $1.000000000e+00, v12;
	vm9 =	vlt.f32 v12, $-5.000000000e-01;
	v16 =	vmul.f32 v14, v3  }
0x1d5: {  	v13 =	vsel vm8, v42, v13;
	v43 =	vmul.f32 v14, v6;
	v14 =	vmul.f32 v14, v9  }
0x1d6: {  	v12 =	vsel vm9, v15, v12;
	v17 =	vmul.f32 v13, v4;
	v44 =	vmul.f32 v13, v7  }
0x1d7: {  	v45 =	vmul.f32 v12, v5;
	v13 =	vmul.f32 v13, v10  }
0x1d8: {  	v46 =	vmul.f32 v12, v8;
	v16 =	vadd.f32 v17, v16;
	v15 =	vadd.f32 v44, v43  }
0x1d9: {  	v13 =	vadd.f32 v13, v14  }
0x1da: {  	v12 =	vmul.f32 v12, v11;
	v16 =	vadd.f32 v45, v16;
	v15 =	vadd.f32 v46, v15;
	_ =	sdelay $0x1  }
0x1db: {  	v12 =	vadd.f32 v12, v13;
	v47 =	vmul.f32 v16, v16;
	v48 =	vmul.f32 v15, v15;
	_ =	sdelay $0x1  }
0x1dc: {  	v49 =	vmul.f32 v12, v12;
	v13 =	vadd.f32 v48, v47;
	_ =	sdelay $0x1  }
0x1dd: {  	v13 =	vadd.f32 v13, v49;
	_ =	sdelay $0x1  }
0x1de: {  	v13 =	vadd.f32 $9.999999930e-09, v13;
	_ =	sdelay $0x1  }
0x1df: {  	v50 =	vshra.s32 v13, $0x1;
	v51 =	vmul.f32 $5.000000000e-01, v13  }
0x1e0: {  	v14 =	vsub.s32 $0x5F3759DF, v50  }
0x1e1: {  	v52 =	vmul.f32 v14, v51;
	_ =	sdelay $0x1  }
0x1e2: {  	v18 =	vmul.f32 v14, v52;
	_ =	sdelay $0x1  }
0x1e3: {  	v18 =	vsub.f32 $1.500000000e+00, v18;
	_ =	sdelay $0x1  }
0x1e4: {  	v14 =	vmul.f32 v14, v18;
	_ =	sdelay $0x1  }
0x1e5: {  	v18 =	vmul.f32 v14, v51;
	_ =	sdelay $0x1  }
0x1e6: {  	v18 =	vmul.f32 v18, v14;
	_ =	sdelay $0x1  }
0x1e7: {  	v18 =	vsub.f32 $1.500000000e+00, v18;
	_ =	sdelay $0x1  }
0x1e8: {  	v14 =	vmul.f32 v18, v14;
	_ =	sdelay $0x1  }
0x1e9: {  	v17 =	vmul.f32 v14, v51;
	_ =	sdelay $0x1  }
0x1ea: {  	v17 =	vmul.f32 v17, v14;
	_ =	sdelay $0x1  }
0x1eb: {  	v17 =	vsub.f32 $1.500000000e+00, v17;
	_ =	sdelay $0x1  }
0x1ec: {  	s19 =	sadd.s32 $0xFFFFFFE0, s14;
	v14 =	vmul.f32 v17, v14  }
0x1ed: {  	v53 =	vmov s19  }
0x1ee: {  	v54 =	vshll.u32 v53, $0x3;
	v13 =	vmul.f32 v14, v13  }
0x1ef: {  	v14 =	vor.u32 v2, v54  }
0x1f0: {  	[tilespmem:s20+$0x0] =	vst v13  }
0x1f1: {  	v55 =	vor.u32 $0x1, v14;
	[tilespmem:s17+$0xFFFFFF80] =	vst v16  }
0x1f2: {  	[tilespmem:s17+$0x0] =	vst v15  }
0x1f3: {  	v56 =	vor.u32 $0x2, v14;
	[tilespmem:s17+$0x80] =	vst v12  }
0x1f4: {  	v15 =	vld.idx.msk [tilespmem:v14+s25+$0x0], $0xffff  }
0x1f5: {  	v14 =	vld.idx.msk [tilespmem:v14+s26+$0x0], $0xffff  }
0x1f6: {  	v16 =	vld.idx.msk [tilespmem:v55+s25+$0x0], $0xffff  }
0x1f7: {  	v13 =	vld.idx.msk [tilespmem:v55+s26+$0x0], $0xffff  }
0x1f8: {  	v57 =	vld.idx.msk [tilespmem:v56+s25+$0x0], $0xffff  }
0x1f9: {  	v12 =	vld.idx.msk [tilespmem:v56+s26+$0x0], $0xffff;
	_ =	sdelay $0x2  }
0x1fa: {  	v14 =	vsub.f32 v15, v14  }
0x1fb: {  	v13 =	vsub.f32 v16, v13  }
0x1fc: {  	v12 =	vsub.f32 v57, v12;
	v15 =	vadd.f32 $-1.000000000e+00, v14  }
0x1fd: {  	vm10 =	vgt.f32 v14, $5.000000000e-01  }
0x1fe: {  	v16 =	vadd.f32 $-1.000000000e+00, v13;
	v58 =	vadd.f32 $-1.000000000e+00, v12;
	v14 =	vsel vm10, v15, v14  }
0x1ff: {  	vm11 =	vgt.f32 v13, $5.000000000e-01;
	vm12 =	vgt.f32 v12, $5.000000000e-01;
	v59 =	vadd.f32 $1.000000000e+00, v14  }
0x200: {  	v13 =	vsel vm11, v16, v13;
	vm13 =	vlt.f32 v14, $-5.000000000e-01;
	v12 =	vsel vm12, v58, v12  }
0x201: {  	v60 =	vadd.f32 $1.000000000e+00, v13;
	vm14 =	vlt.f32 v13, $-5.000000000e-01;
	v14 =	vsel vm13, v59, v14  }
0x202: {  	v15 =	vadd.f32 $1.000000000e+00, v12;
	vm15 =	vlt.f32 v12, $-5.000000000e-01;
	v16 =	vmul.f32 v14, v3  }
0x203: {  	v13 =	vsel vm14, v60, v13;
	v61 =	vmul.f32 v14, v6;
	v14 =	vmul.f32 v14, v9  }
0x204: {  	v12 =	vsel vm15, v15, v12;
	v17 =	vmul.f32 v13, v4;
	v62 =	vmul.f32 v13, v7  }
0x205: {  	v63 =	vmul.f32 v12, v5;
	v13 =	vmul.f32 v13, v10  }
0x206: {  	v21 =	vmul.f32 v12, v8;
	v16 =	vadd.f32 v17, v16;
	v15 =	vadd.f32 v62, v61  }
0x207: {  	v13 =	vadd.f32 v13, v14  }
0x208: {  	v12 =	vmul.f32 v12, v11;
	v16 =	vadd.f32 v63, v16;
	v15 =	vadd.f32 v21, v15;
	_ =	sdelay $0x1  }
0x209: {  	v12 =	vadd.f32 v12, v13;
	v22 =	vmul.f32 v16, v16;
	v23 =	vmul.f32 v15, v15;
	_ =	sdelay $0x1  }
0x20a: {  	v24 =	vmul.f32 v12, v12;
	v13 =	vadd.f32 v23, v22;
	_ =	sdelay $0x1  }
0x20b: {  	v13 =	vadd.f32 v13, v24;
	_ =	sdelay $0x1  }
0x20c: {  	v13 =	vadd.f32 $9.999999930e-09, v13;
	_ =	sdelay $0x1  }
0x20d: {  	v25 =	vshra.s32 v13, $0x1;
	v26 =	vmul.f32 $5.000000000e-01, v13  }
0x20e: {  	v14 =	vsub.s32 $0x5F3759DF, v25  }
0x20f: {  	v27 =	vmul.f32 v14, v26;
	_ =	sdelay $0x1  }
0x210: {  	v18 =	vmul.f32 v14, v27;
	_ =	sdelay $0x1  }
0x211: {  	v18 =	vsub.f32 $1.500000000e+00, v18;
	_ =	sdelay $0x1  }
0x212: {  	v14 =	vmul.f32 v14, v18;
	_ =	sdelay $0x1  }
0x213: {  	v18 =	vmul.f32 v14, v26;
	_ =	sdelay $0x1  }
0x214: {  	v18 =	vmul.f32 v18, v14;
	_ =	sdelay $0x1  }
0x215: {  	v18 =	vsub.f32 $1.500000000e+00, v18;
	_ =	sdelay $0x1  }
0x216: {  	v14 =	vmul.f32 v18, v14;
	_ =	sdelay $0x1  }
0x217: {  	v17 =	vmul.f32 v14, v26;
	_ =	sdelay $0x1  }
0x218: {  	v17 =	vmul.f32 v17, v14;
	_ =	sdelay $0x1  }
0x219: {  	v17 =	vsub.f32 $1.500000000e+00, v17;
	_ =	sdelay $0x1  }
0x21a: {  	s19 =	sadd.s32 $0xFFFFFFF0, s14;
	v14 =	vmul.f32 v17, v14  }
0x21b: {  	v28 =	vmov s19  }
0x21c: {  	v29 =	vshll.u32 v28, $0x3;
	v13 =	vmul.f32 v14, v13  }
0x21d: {  	v14 =	vor.u32 v2, v29  }
0x21e: {  	[tilespmem:s20+$0x10] =	vst v13  }
0x21f: {  	v30 =	vor.u32 $0x1, v14;
	[tilespmem:s17+$0xFFFFFF90] =	vst v16  }
0x220: {  	[tilespmem:s17+$0x10] =	vst v15  }
0x221: {  	v31 =	vor.u32 $0x2, v14;
	[tilespmem:s17+$0x90] =	vst v12  }
0x222: {  	v15 =	vld.idx.msk [tilespmem:v14+s25+$0x0], $0xffff  }
0x223: {  	v14 =	vld.idx.msk [tilespmem:v14+s26+$0x0], $0xffff  }
0x224: {  	v16 =	vld.idx.msk [tilespmem:v30+s25+$0x0], $0xffff  }
0x225: {  	v13 =	vld.idx.msk [tilespmem:v30+s26+$0x0], $0xffff  }
0x226: {  	v32 =	vld.idx.msk [tilespmem:v31+s25+$0x0], $0xffff  }
0x227: {  	v12 =	vld.idx.msk [tilespmem:v31+s26+$0x0], $0xffff;
	_ =	sdelay $0x2  }
0x228: {  	v14 =	vsub.f32 v15, v14  }
0x229: {  	v13 =	vsub.f32 v16, v13  }
0x22a: {  	v12 =	vsub.f32 v32, v12;
	v15 =	vadd.f32 $-1.000000000e+00, v14  }
0x22b: {  	vm4 =	vgt.f32 v14, $5.000000000e-01  }
0x22c: {  	v16 =	vadd.f32 $-1.000000000e+00, v13;
	v33 =	vadd.f32 $-1.000000000e+00, v12;
	v14 =	vsel vm4, v15, v14  }
0x22d: {  	vm5 =	vgt.f32 v13, $5.000000000e-01;
	vm6 =	vgt.f32 v12, $5.000000000e-01;
	v34 =	vadd.f32 $1.000000000e+00, v14  }
0x22e: {  	v13 =	vsel vm5, v16, v13;
	vm7 =	vlt.f32 v14, $-5.000000000e-01;
	v12 =	vsel vm6, v33, v12  }
0x22f: {  	v35 =	vadd.f32 $1.000000000e+00, v13;
	vm8 =	vlt.f32 v13, $-5.000000000e-01;
	v14 =	vsel vm7, v34, v14  }
0x230: {  	v15 =	vadd.f32 $1.000000000e+00, v12;
	vm9 =	vlt.f32 v12, $-5.000000000e-01;
	v16 =	vmul.f32 v14, v3  }
0x231: {  	v13 =	vsel vm8, v35, v13;
	v36 =	vmul.f32 v14, v6;
	v14 =	vmul.f32 v14, v9  }
0x232: {  	v12 =	vsel vm9, v15, v12;
	v17 =	vmul.f32 v13, v4;
	v37 =	vmul.f32 v13, v7  }
0x233: {  	v38 =	vmul.f32 v12, v5;
	v13 =	vmul.f32 v13, v10  }
0x234: {  	v39 =	vmul.f32 v12, v8;
	v16 =	vadd.f32 v17, v16;
	v15 =	vadd.f32 v37, v36  }
0x235: {  	v13 =	vadd.f32 v13, v14  }
0x236: {  	v12 =	vmul.f32 v12, v11;
	v16 =	vadd.f32 v38, v16;
	v15 =	vadd.f32 v39, v15;
	_ =	sdelay $0x1  }
0x237: {  	v12 =	vadd.f32 v12, v13;
	v40 =	vmul.f32 v16, v16;
	v41 =	vmul.f32 v15, v15;
	_ =	sdelay $0x1  }
0x238: {  	v42 =	vmul.f32 v12, v12;
	v13 =	vadd.f32 v41, v40;
	_ =	sdelay $0x1  }
0x239: {  	v13 =	vadd.f32 v13, v42;
	_ =	sdelay $0x1  }
0x23a: {  	v13 =	vadd.f32 $9.999999930e-09, v13;
	_ =	sdelay $0x1  }
0x23b: {  	v43 =	vshra.s32 v13, $0x1;
	v44 =	vmul.f32 $5.000000000e-01, v13  }
0x23c: {  	v14 =	vsub.s32 $0x5F3759DF, v43  }
0x23d: {  	v45 =	vmul.f32 v14, v44;
	_ =	sdelay $0x1  }
0x23e: {  	v18 =	vmul.f32 v14, v45;
	_ =	sdelay $0x1  }
0x23f: {  	v18 =	vsub.f32 $1.500000000e+00, v18;
	_ =	sdelay $0x1  }
0x240: {  	v14 =	vmul.f32 v14, v18;
	_ =	sdelay $0x1  }
0x241: {  	v18 =	vmul.f32 v14, v44;
	_ =	sdelay $0x1  }
0x242: {  	v18 =	vmul.f32 v18, v14;
	_ =	sdelay $0x1  }
0x243: {  	v18 =	vsub.f32 $1.500000000e+00, v18;
	_ =	sdelay $0x1  }
0x244: {  	v14 =	vmul.f32 v18, v14;
	_ =	sdelay $0x1  }
0x245: {  	v17 =	vmul.f32 v14, v44;
	_ =	sdelay $0x1  }
0x246: {  	v17 =	vmul.f32 v17, v14;
	_ =	sdelay $0x1  }
0x247: {  	v17 =	vsub.f32 $1.500000000e+00, v17;
	_ =	sdelay $0x1  }
0x248: {  	v14 =	vmul.f32 v17, v14  }
0x249: {  	v46 =	vmov s14  }
0x24a: {  	v47 =	vshll.u32 v46, $0x3;
	v13 =	vmul.f32 v14, v13  }
0x24b: {  	v14 =	vor.u32 v2, v47  }
0x24c: {  	[tilespmem:s20+$0x20] =	vst v13  }
0x24d: {  	v48 =	vor.u32 $0x1, v14;
	[tilespmem:s17+$0xFFFFFFA0] =	vst v16  }
0x24e: {  	[tilespmem:s17+$0x20] =	vst v15  }
0x24f: {  	v49 =	vor.u32 $0x2, v14;
	[tilespmem:s17+$0xA0] =	vst v12  }
0x250: {  	v15 =	vld.idx.msk [tilespmem:v14+s25+$0x0], $0xffff  }
0x251: {  	v14 =	vld.idx.msk [tilespmem:v14+s26+$0x0], $0xffff  }
0x252: {  	v16 =	vld.idx.msk [tilespmem:v48+s25+$0x0], $0xffff  }
0x253: {  	v13 =	vld.idx.msk [tilespmem:v48+s26+$0x0], $0xffff  }
0x254: {  	v50 =	vld.idx.msk [tilespmem:v49+s25+$0x0], $0xffff  }
0x255: {  	v12 =	vld.idx.msk [tilespmem:v49+s26+$0x0], $0xffff;
	_ =	sdelay $0x2  }
0x256: {  	v14 =	vsub.f32 v15, v14  }
0x257: {  	v13 =	vsub.f32 v16, v13  }
0x258: {  	v12 =	vsub.f32 v50, v12;
	v15 =	vadd.f32 $-1.000000000e+00, v14  }
0x259: {  	vm10 =	vgt.f32 v14, $5.000000000e-01  }
0x25a: {  	v16 =	vadd.f32 $-1.000000000e+00, v13;
	v51 =	vadd.f32 $-1.000000000e+00, v12;
	v14 =	vsel vm10, v15, v14  }
0x25b: {  	vm11 =	vgt.f32 v13, $5.000000000e-01;
	vm12 =	vgt.f32 v12, $5.000000000e-01;
	v52 =	vadd.f32 $1.000000000e+00, v14  }
0x25c: {  	v13 =	vsel vm11, v16, v13;
	vm13 =	vlt.f32 v14, $-5.000000000e-01;
	v12 =	vsel vm12, v51, v12  }
0x25d: {  	v53 =	vadd.f32 $1.000000000e+00, v13;
	vm14 =	vlt.f32 v13, $-5.000000000e-01;
	v14 =	vsel vm13, v52, v14  }
0x25e: {  	v15 =	vadd.f32 $1.000000000e+00, v12;
	vm15 =	vlt.f32 v12, $-5.000000000e-01;
	v16 =	vmul.f32 v14, v3  }
0x25f: {  	v13 =	vsel vm14, v53, v13;
	v54 =	vmul.f32 v14, v6;
	v14 =	vmul.f32 v14, v9  }
0x260: {  	v12 =	vsel vm15, v15, v12;
	v17 =	vmul.f32 v13, v4;
	v55 =	vmul.f32 v13, v7  }
0x261: {  	v56 =	vmul.f32 v12, v5;
	v13 =	vmul.f32 v13, v10  }
0x262: {  	v57 =	vmul.f32 v12, v8;
	v16 =	vadd.f32 v17, v16;
	v15 =	vadd.f32 v55, v54  }
0x263: {  	v13 =	vadd.f32 v13, v14  }
0x264: {  	v12 =	vmul.f32 v12, v11;
	v16 =	vadd.f32 v56, v16;
	v15 =	vadd.f32 v57, v15;
	_ =	sdelay $0x1  }
0x265: {  	v12 =	vadd.f32 v12, v13;
	v58 =	vmul.f32 v16, v16;
	v59 =	vmul.f32 v15, v15;
	_ =	sdelay $0x1  }
0x266: {  	v60 =	vmul.f32 v12, v12;
	v13 =	vadd.f32 v59, v58;
	_ =	sdelay $0x1  }
0x267: {  	v13 =	vadd.f32 v13, v60;
	_ =	sdelay $0x1  }
0x268: {  	v13 =	vadd.f32 $9.999999930e-09, v13;
	_ =	sdelay $0x1  }
0x269: {  	v61 =	vshra.s32 v13, $0x1;
	v62 =	vmul.f32 $5.000000000e-01, v13  }
0x26a: {  	v14 =	vsub.s32 $0x5F3759DF, v61  }
0x26b: {  	v63 =	vmul.f32 v14, v62;
	_ =	sdelay $0x1  }
0x26c: {  	v18 =	vmul.f32 v14, v63;
	_ =	sdelay $0x1  }
0x26d: {  	v18 =	vsub.f32 $1.500000000e+00, v18;
	_ =	sdelay $0x1  }
0x26e: {  	v14 =	vmul.f32 v14, v18;
	_ =	sdelay $0x1  }
0x26f: {  	v18 =	vmul.f32 v14, v62;
	_ =	sdelay $0x1  }
0x270: {  	v18 =	vmul.f32 v18, v14;
	_ =	sdelay $0x1  }
0x271: {  	v18 =	vsub.f32 $1.500000000e+00, v18;
	_ =	sdelay $0x1  }
0x272: {  	v14 =	vmul.f32 v18, v14;
	_ =	sdelay $0x1  }
0x273: {  	v17 =	vmul.f32 v14, v62;
	_ =	sdelay $0x1  }
0x274: {  	v17 =	vmul.f32 v17, v14;
	_ =	sdelay $0x1  }
0x275: {  	v17 =	vsub.f32 $1.500000000e+00, v17;
	_ =	sdelay $0x1  }
0x276: {  	v14 =	vmul.f32 v17, v14;
	_ =	sdelay $0x1  }
0x277: {  	p1 =	sne.s32 s14, $0x4F0;
	v13 =	vmul.f32 v14, v13  }
.Ltmp5:
0x278: {  	_ = 	snop;
	(pc) =	sbr.rel @p1 .LBB2_4-.Ltmp5, $4  }
0x279: {  	[tilespmem:s20+$0x30] =	vst v13  }
0x27a: {  	[tilespmem:s17+$0xFFFFFFB0] =	vst v16  }
0x27b: {  	[tilespmem:s17+$0x30] =	vst v15  }
0x27c: {  	s14 =	sadd.s32 $0x80, s14;
	s20 =	sadd.s32 $0x80, s20;
	[tilespmem:s17+$0xB0] =	vst v12;
	s17 =	sadd.s32 $0x200, s17  }
0x27d: {  	s14 =	sshll.u32 s12, $0x6  }
0x27e: {  	s14 =	sor.u32 s7, s14  }
0x27f: {  	s17 =	smul.u32 $0xA0, s14;
	_ =	sdelay $0x1  }
0x280: {  	s14 =	smul.u32 $0x280, s14;
	s17 =	sadd.s32 s3, s17  }
0x281: {  	[hbm4b:s17+s6] =	stream.linear.scatter [tilespmem:s29], [sflag:$0x5], $0x500, $0x38;
	[tilespmem:$0x1A968] =	vst v63  }
0x282: {  	s14 =	sadd.s32 s4, s14  }
0x283: {  	[hbm4b:s14+s6] =	stream.linear.scatter [tilespmem:s30], [sflag:$0x5], $0x1400, $0x38;
	[tilespmem:$0x1A968] =	vst v63  }
.LBB2_6:
0x284: {  	s14 =	sor.u32 $0x1, s13  }
0x285: {  	p1 =	sge.u32 s14, s10  }
.Ltmp6:
0x286: {  	_ = 	snop;
	(pc) =	sbr.rel @p1 .LBB2_10-.Ltmp6, $1  }
0x287: {  	_ =	sdelay $0x3  }
0x288: {  	p1 =	sge.u32 s13, s16  }
0x289: {  	s17 =	simm.s32 @!p1 $0x1  }
0x28a: {  	_ =	swait.ge @!p1 [sflag:s17], $0x500  }
0x28b: {  	[sflag:s17] =	ssyncset.done @!p1 $0x0  }
0x28c: {  	[sflag:s17] =	ssyncadd.s32 @!p1 $0xFFFFFB00  }
0x28d: {  	_ =	swait.ge @!p1 [sflag:s17], $0x500  }
0x28e: {  	s19 =	simm.s32 @!p1 $0x0;
	[sflag:s17] =	ssyncset.done @!p1 $0x0  }
0x28f: {  	s20 =	simm.s32 @!p1 $0x1400;
	[sflag:s17] =	ssyncadd.s32 @!p1 $0xFFFFFB00;
	s17 =	simm.s32 @!p1 $0x500  }
0x290: {  	[tilespmem:s20], [sflag:$0x3] =	stream.indirect.gather @!p1 [spmem:s5], $0x8, s19, s17, $0xb8;
	[tilespmem:$0x1A968] =	vst v63  }
0x291: {  	s13 =	sadd.s32 $0x3, s13;
	s19 =	simm.s32 @!p1 $0xA00;
	s20 =	simm.s32 @!p1 $0x6400  }
0x292: {  	[tilespmem:s20], [sflag:$0x3] =	stream.indirect.gather @!p1 [spmem:s5], $0x8, s19, s17, $0xb8;
	[tilespmem:$0x1A968] =	vst v63  }
0x293: {  	p1 =	sge.u32 s13, s10;
	_ =	swait.ge [sflag:s31], $0x2800  }
0x294: {  	s13 =	sshll.u32 @!p1 s13, $0x5;
	[sflag:s31] =	ssyncset.done $0x0  }
0x295: {  	s13 =	sor.u32 @!p1 s7, s13;
	[sflag:s31] =	ssyncadd.s32 $0xFFFFD800  }
0x296: {  	s13 =	smul.u32 @!p1 $0xA0, s13;
	_ =	swait.ge [sflag:s31], $0x2800  }
0x297: {  	s19 =	simm.s32 @!p1 $0x0;
	[sflag:s31] =	ssyncset.done $0x0  }
0x298: {  	s20 =	simm.s32 @!p1 $0x500;
	s17 =	sadd.s32 @!p1 s0, s13;
	[sflag:s31] =	ssyncadd.s32 $0xFFFFD800  }
0x299: {  	[tilespmem:s20], [sflag:$0x2] =	stream.linear.gather @!p1 [hbm4b:s17+s19], $0x500, $0x38;
	[tilespmem:$0x1A968] =	vst v63  }
0x29a: {  	s13 =	sadd.s32 @!p1 s2, s13;
	s17 =	simm.s32 @!p1 $0xF00  }
0x29b: {  	[tilespmem:s17], [sflag:$0x2] =	stream.linear.gather @!p1 [hbm4b:s13+s19], $0x500, $0x38;
	[tilespmem:$0x1A968] =	vst v63  }
0x29c: {  	p1 =	seq.s32 s12, $0x0  }
0x29d: {  	s13 =	simm.s32 @!p1 $0x6  }
0x29e: {  	_ =	swait.ge @!p1 [sflag:s13], $0x500  }
0x29f: {  	[sflag:s13] =	ssyncset.done @!p1 $0x0  }
0x2a0: {  	[sflag:s13] =	ssyncadd.s32 @!p1 $0xFFFFFB00  }
0x2a1: {  	_ =	swait.ge @!p1 [sflag:s13], $0x1400  }
0x2a2: {  	s20 =	simm.s32 $0xB940;
	[sflag:s13] =	ssyncset.done @!p1 $0x0  }
0x2a3: {  	s17 =	simm.s32 $0xD2C0;
	[sflag:s13] =	ssyncadd.s32 @!p1 $0xFFFFEC00;
	s13 =	simm.s32 $0x70  }
.LBB2_8:
0x2a4: {  	s19 =	sadd.s32 $0xFFFFFF90, s13  }
0x2a5: {  	v12 =	vmov s19  }
0x2a6: {  	v12 =	vshll.u32 v12, $0x3  }
0x2a7: {  	v12 =	vor.u32 v2, v12;
	_ =	sdelay $0x1  }
0x2a8: {  	v13 =	vor.u32 $0x1, v12;
	_ =	sdelay $0x1  }
0x2a9: {  	v14 =	vor.u32 $0x2, v12  }
0x2aa: {  	v15 =	vld.idx.msk [tilespmem:v12+s1+$0x0], $0xffff  }
0x2ab: {  	v12 =	vld.idx.msk [tilespmem:v12+s23+$0x0], $0xffff  }
0x2ac: {  	v16 =	vld.idx.msk [tilespmem:v13+s1+$0x0], $0xffff  }
0x2ad: {  	v13 =	vld.idx.msk [tilespmem:v13+s23+$0x0], $0xffff  }
0x2ae: {  	v17 =	vld.idx.msk [tilespmem:v14+s1+$0x0], $0xffff  }
0x2af: {  	v14 =	vld.idx.msk [tilespmem:v14+s23+$0x0], $0xffff;
	_ =	sdelay $0x2  }
0x2b0: {  	v12 =	vsub.f32 v15, v12  }
0x2b1: {  	v13 =	vsub.f32 v16, v13  }
0x2b2: {  	v14 =	vsub.f32 v17, v14;
	v15 =	vadd.f32 $-1.000000000e+00, v12  }
0x2b3: {  	vm0 =	vgt.f32 v12, $5.000000000e-01  }
0x2b4: {  	v16 =	vadd.f32 $-1.000000000e+00, v13;
	v59 =	vadd.f32 $-1.000000000e+00, v14;
	v12 =	vsel vm0, v15, v12  }
0x2b5: {  	vm1 =	vgt.f32 v13, $5.000000000e-01;
	vm6 =	vgt.f32 v14, $5.000000000e-01;
	v60 =	vadd.f32 $1.000000000e+00, v12  }
0x2b6: {  	v13 =	vsel vm1, v16, v13;
	vm7 =	vlt.f32 v12, $-5.000000000e-01;
	v14 =	vsel vm6, v59, v14  }
0x2b7: {  	v61 =	vadd.f32 $1.000000000e+00, v13;
	vm8 =	vlt.f32 v13, $-5.000000000e-01;
	v12 =	vsel vm7, v60, v12  }
0x2b8: {  	v15 =	vadd.f32 $1.000000000e+00, v14;
	vm9 =	vlt.f32 v14, $-5.000000000e-01;
	v16 =	vmul.f32 v12, v3  }
0x2b9: {  	v13 =	vsel vm8, v61, v13;
	v62 =	vmul.f32 v12, v6;
	v12 =	vmul.f32 v12, v9  }
0x2ba: {  	v14 =	vsel vm9, v15, v14;
	v17 =	vmul.f32 v13, v4;
	v18 =	vmul.f32 v13, v7  }
0x2bb: {  	v63 =	vmul.f32 v14, v5;
	v13 =	vmul.f32 v13, v10  }
0x2bc: {  	v19 =	vmul.f32 v14, v8;
	v16 =	vadd.f32 v17, v16;
	v15 =	vadd.f32 v18, v62  }
0x2bd: {  	v12 =	vadd.f32 v13, v12  }
0x2be: {  	v18 =	vmul.f32 v14, v11;
	v16 =	vadd.f32 v63, v16;
	v15 =	vadd.f32 v19, v15;
	_ =	sdelay $0x1  }
0x2bf: {  	v12 =	vadd.f32 v18, v12;
	v19 =	vmul.f32 v16, v16;
	v20 =	vmul.f32 v15, v15;
	_ =	sdelay $0x1  }
0x2c0: {  	v21 =	vmul.f32 v12, v12;
	v13 =	vadd.f32 v20, v19;
	_ =	sdelay $0x1  }
0x2c1: {  	v13 =	vadd.f32 v13, v21;
	_ =	sdelay $0x1  }
0x2c2: {  	v13 =	vadd.f32 $9.999999930e-09, v13;
	_ =	sdelay $0x1  }
0x2c3: {  	v22 =	vshra.s32 v13, $0x1;
	v23 =	vmul.f32 $5.000000000e-01, v13  }
0x2c4: {  	v14 =	vsub.s32 $0x5F3759DF, v22  }
0x2c5: {  	v24 =	vmul.f32 v14, v23;
	_ =	sdelay $0x1  }
0x2c6: {  	v18 =	vmul.f32 v14, v24;
	_ =	sdelay $0x1  }
0x2c7: {  	v18 =	vsub.f32 $1.500000000e+00, v18;
	_ =	sdelay $0x1  }
0x2c8: {  	v14 =	vmul.f32 v14, v18;
	_ =	sdelay $0x1  }
0x2c9: {  	v18 =	vmul.f32 v14, v23;
	_ =	sdelay $0x1  }
0x2ca: {  	v18 =	vmul.f32 v18, v14;
	_ =	sdelay $0x1  }
0x2cb: {  	v18 =	vsub.f32 $1.500000000e+00, v18;
	_ =	sdelay $0x1  }
0x2cc: {  	v14 =	vmul.f32 v18, v14;
	_ =	sdelay $0x1  }
0x2cd: {  	v17 =	vmul.f32 v14, v23;
	_ =	sdelay $0x1  }
0x2ce: {  	v17 =	vmul.f32 v17, v14;
	_ =	sdelay $0x1  }
0x2cf: {  	v17 =	vsub.f32 $1.500000000e+00, v17;
	_ =	sdelay $0x1  }
0x2d0: {  	s19 =	sadd.s32 $0xFFFFFFA0, s13;
	v14 =	vmul.f32 v17, v14  }
0x2d1: {  	v25 =	vmov s19  }
0x2d2: {  	v26 =	vshll.u32 v25, $0x3;
	v13 =	vmul.f32 v14, v13  }
0x2d3: {  	v14 =	vor.u32 v2, v26  }
0x2d4: {  	[tilespmem:s20+$0xFFFFFFC0] =	vst v13  }
0x2d5: {  	v27 =	vor.u32 $0x1, v14;
	[tilespmem:s17+$0xFFFFFF40] =	vst v16  }
0x2d6: {  	[tilespmem:s17+$0xFFFFFFC0] =	vst v15  }
0x2d7: {  	v28 =	vor.u32 $0x2, v14;
	[tilespmem:s17+$0x40] =	vst v12  }
0x2d8: {  	v15 =	vld.idx.msk [tilespmem:v14+s1+$0x0], $0xffff  }
0x2d9: {  	v14 =	vld.idx.msk [tilespmem:v14+s23+$0x0], $0xffff  }
0x2da: {  	v16 =	vld.idx.msk [tilespmem:v27+s1+$0x0], $0xffff  }
0x2db: {  	v13 =	vld.idx.msk [tilespmem:v27+s23+$0x0], $0xffff  }
0x2dc: {  	v29 =	vld.idx.msk [tilespmem:v28+s1+$0x0], $0xffff  }
0x2dd: {  	v12 =	vld.idx.msk [tilespmem:v28+s23+$0x0], $0xffff;
	_ =	sdelay $0x2  }
0x2de: {  	v14 =	vsub.f32 v15, v14  }
0x2df: {  	v13 =	vsub.f32 v16, v13  }
0x2e0: {  	v12 =	vsub.f32 v29, v12;
	v15 =	vadd.f32 $-1.000000000e+00, v14  }
0x2e1: {  	vm10 =	vgt.f32 v14, $5.000000000e-01  }
0x2e2: {  	v16 =	vadd.f32 $-1.000000000e+00, v13;
	v30 =	vadd.f32 $-1.000000000e+00, v12;
	v14 =	vsel vm10, v15, v14  }
0x2e3: {  	vm11 =	vgt.f32 v13, $5.000000000e-01;
	vm12 =	vgt.f32 v12, $5.000000000e-01;
	v31 =	vadd.f32 $1.000000000e+00, v14  }
0x2e4: {  	v13 =	vsel vm11, v16, v13;
	vm13 =	vlt.f32 v14, $-5.000000000e-01;
	v12 =	vsel vm12, v30, v12  }
0x2e5: {  	v32 =	vadd.f32 $1.000000000e+00, v13;
	vm14 =	vlt.f32 v13, $-5.000000000e-01;
	v14 =	vsel vm13, v31, v14  }
0x2e6: {  	v15 =	vadd.f32 $1.000000000e+00, v12;
	vm15 =	vlt.f32 v12, $-5.000000000e-01;
	v16 =	vmul.f32 v14, v3  }
0x2e7: {  	v13 =	vsel vm14, v32, v13;
	v33 =	vmul.f32 v14, v6;
	v14 =	vmul.f32 v14, v9  }
0x2e8: {  	v12 =	vsel vm15, v15, v12;
	v17 =	vmul.f32 v13, v4;
	v34 =	vmul.f32 v13, v7  }
0x2e9: {  	v35 =	vmul.f32 v12, v5;
	v13 =	vmul.f32 v13, v10  }
0x2ea: {  	v36 =	vmul.f32 v12, v8;
	v16 =	vadd.f32 v17, v16;
	v15 =	vadd.f32 v34, v33  }
0x2eb: {  	v13 =	vadd.f32 v13, v14  }
0x2ec: {  	v12 =	vmul.f32 v12, v11;
	v16 =	vadd.f32 v35, v16;
	v15 =	vadd.f32 v36, v15;
	_ =	sdelay $0x1  }
0x2ed: {  	v12 =	vadd.f32 v12, v13;
	v37 =	vmul.f32 v16, v16;
	v38 =	vmul.f32 v15, v15;
	_ =	sdelay $0x1  }
0x2ee: {  	v39 =	vmul.f32 v12, v12;
	v13 =	vadd.f32 v38, v37;
	_ =	sdelay $0x1  }
0x2ef: {  	v13 =	vadd.f32 v13, v39;
	_ =	sdelay $0x1  }
0x2f0: {  	v13 =	vadd.f32 $9.999999930e-09, v13;
	_ =	sdelay $0x1  }
0x2f1: {  	v40 =	vshra.s32 v13, $0x1;
	v41 =	vmul.f32 $5.000000000e-01, v13  }
0x2f2: {  	v14 =	vsub.s32 $0x5F3759DF, v40  }
0x2f3: {  	v42 =	vmul.f32 v14, v41;
	_ =	sdelay $0x1  }
0x2f4: {  	v18 =	vmul.f32 v14, v42;
	_ =	sdelay $0x1  }
0x2f5: {  	v18 =	vsub.f32 $1.500000000e+00, v18;
	_ =	sdelay $0x1  }
0x2f6: {  	v14 =	vmul.f32 v14, v18;
	_ =	sdelay $0x1  }
0x2f7: {  	v18 =	vmul.f32 v14, v41;
	_ =	sdelay $0x1  }
0x2f8: {  	v18 =	vmul.f32 v18, v14;
	_ =	sdelay $0x1  }
0x2f9: {  	v18 =	vsub.f32 $1.500000000e+00, v18;
	_ =	sdelay $0x1  }
0x2fa: {  	v14 =	vmul.f32 v18, v14;
	_ =	sdelay $0x1  }
0x2fb: {  	v17 =	vmul.f32 v14, v41;
	_ =	sdelay $0x1  }
0x2fc: {  	v17 =	vmul.f32 v17, v14;
	_ =	sdelay $0x1  }
0x2fd: {  	v17 =	vsub.f32 $1.500000000e+00, v17;
	_ =	sdelay $0x1  }
0x2fe: {  	s19 =	sadd.s32 $0xFFFFFFB0, s13;
	v14 =	vmul.f32 v17, v14  }
0x2ff: {  	v43 =	vmov s19  }
0x300: {  	v44 =	vshll.u32 v43, $0x3;
	v13 =	vmul.f32 v14, v13  }
0x301: {  	v14 =	vor.u32 v2, v44  }
0x302: {  	[tilespmem:s20+$0xFFFFFFD0] =	vst v13  }
0x303: {  	v45 =	vor.u32 $0x1, v14;
	[tilespmem:s17+$0xFFFFFF50] =	vst v16  }
0x304: {  	[tilespmem:s17+$0xFFFFFFD0] =	vst v15  }
0x305: {  	v46 =	vor.u32 $0x2, v14;
	[tilespmem:s17+$0x50] =	vst v12  }
0x306: {  	v15 =	vld.idx.msk [tilespmem:v14+s1+$0x0], $0xffff  }
0x307: {  	v14 =	vld.idx.msk [tilespmem:v14+s23+$0x0], $0xffff  }
0x308: {  	v16 =	vld.idx.msk [tilespmem:v45+s1+$0x0], $0xffff  }
0x309: {  	v13 =	vld.idx.msk [tilespmem:v45+s23+$0x0], $0xffff  }
0x30a: {  	v47 =	vld.idx.msk [tilespmem:v46+s1+$0x0], $0xffff  }
0x30b: {  	v12 =	vld.idx.msk [tilespmem:v46+s23+$0x0], $0xffff;
	_ =	sdelay $0x2  }
0x30c: {  	v14 =	vsub.f32 v15, v14  }
0x30d: {  	v13 =	vsub.f32 v16, v13  }
0x30e: {  	v12 =	vsub.f32 v47, v12;
	v15 =	vadd.f32 $-1.000000000e+00, v14  }
0x30f: {  	vm4 =	vgt.f32 v14, $5.000000000e-01  }
0x310: {  	v16 =	vadd.f32 $-1.000000000e+00, v13;
	v48 =	vadd.f32 $-1.000000000e+00, v12;
	v14 =	vsel vm4, v15, v14  }
0x311: {  	vm5 =	vgt.f32 v13, $5.000000000e-01;
	vm6 =	vgt.f32 v12, $5.000000000e-01;
	v49 =	vadd.f32 $1.000000000e+00, v14  }
0x312: {  	v13 =	vsel vm5, v16, v13;
	vm7 =	vlt.f32 v14, $-5.000000000e-01;
	v12 =	vsel vm6, v48, v12  }
0x313: {  	v50 =	vadd.f32 $1.000000000e+00, v13;
	vm8 =	vlt.f32 v13, $-5.000000000e-01;
	v14 =	vsel vm7, v49, v14  }
0x314: {  	v15 =	vadd.f32 $1.000000000e+00, v12;
	vm9 =	vlt.f32 v12, $-5.000000000e-01;
	v16 =	vmul.f32 v14, v3  }
0x315: {  	v13 =	vsel vm8, v50, v13;
	v51 =	vmul.f32 v14, v6;
	v14 =	vmul.f32 v14, v9  }
0x316: {  	v12 =	vsel vm9, v15, v12;
	v17 =	vmul.f32 v13, v4;
	v52 =	vmul.f32 v13, v7  }
0x317: {  	v53 =	vmul.f32 v12, v5;
	v13 =	vmul.f32 v13, v10  }
0x318: {  	v54 =	vmul.f32 v12, v8;
	v16 =	vadd.f32 v17, v16;
	v15 =	vadd.f32 v52, v51  }
0x319: {  	v13 =	vadd.f32 v13, v14  }
0x31a: {  	v12 =	vmul.f32 v12, v11;
	v16 =	vadd.f32 v53, v16;
	v15 =	vadd.f32 v54, v15;
	_ =	sdelay $0x1  }
0x31b: {  	v12 =	vadd.f32 v12, v13;
	v55 =	vmul.f32 v16, v16;
	v56 =	vmul.f32 v15, v15;
	_ =	sdelay $0x1  }
0x31c: {  	v57 =	vmul.f32 v12, v12;
	v13 =	vadd.f32 v56, v55;
	_ =	sdelay $0x1  }
0x31d: {  	v13 =	vadd.f32 v13, v57;
	_ =	sdelay $0x1  }
0x31e: {  	v13 =	vadd.f32 $9.999999930e-09, v13;
	_ =	sdelay $0x1  }
0x31f: {  	v58 =	vshra.s32 v13, $0x1;
	v59 =	vmul.f32 $5.000000000e-01, v13  }
0x320: {  	v14 =	vsub.s32 $0x5F3759DF, v58  }
0x321: {  	v60 =	vmul.f32 v14, v59;
	_ =	sdelay $0x1  }
0x322: {  	v18 =	vmul.f32 v14, v60;
	_ =	sdelay $0x1  }
0x323: {  	v18 =	vsub.f32 $1.500000000e+00, v18;
	_ =	sdelay $0x1  }
0x324: {  	v14 =	vmul.f32 v14, v18;
	_ =	sdelay $0x1  }
0x325: {  	v18 =	vmul.f32 v14, v59;
	_ =	sdelay $0x1  }
0x326: {  	v18 =	vmul.f32 v18, v14;
	_ =	sdelay $0x1  }
0x327: {  	v18 =	vsub.f32 $1.500000000e+00, v18;
	_ =	sdelay $0x1  }
0x328: {  	v14 =	vmul.f32 v18, v14;
	_ =	sdelay $0x1  }
0x329: {  	v17 =	vmul.f32 v14, v59;
	_ =	sdelay $0x1  }
0x32a: {  	v17 =	vmul.f32 v17, v14;
	_ =	sdelay $0x1  }
0x32b: {  	v17 =	vsub.f32 $1.500000000e+00, v17;
	_ =	sdelay $0x1  }
0x32c: {  	s19 =	sadd.s32 $0xFFFFFFC0, s13;
	v14 =	vmul.f32 v17, v14  }
0x32d: {  	v61 =	vmov s19  }
0x32e: {  	v62 =	vshll.u32 v61, $0x3;
	v13 =	vmul.f32 v14, v13  }
0x32f: {  	v14 =	vor.u32 v2, v62  }
0x330: {  	[tilespmem:s20+$0xFFFFFFE0] =	vst v13  }
0x331: {  	v63 =	vor.u32 $0x1, v14;
	[tilespmem:s17+$0xFFFFFF60] =	vst v16  }
0x332: {  	[tilespmem:s17+$0xFFFFFFE0] =	vst v15  }
0x333: {  	v20 =	vor.u32 $0x2, v14;
	[tilespmem:s17+$0x60] =	vst v12  }
0x334: {  	v15 =	vld.idx.msk [tilespmem:v14+s1+$0x0], $0xffff  }
0x335: {  	v14 =	vld.idx.msk [tilespmem:v14+s23+$0x0], $0xffff  }
0x336: {  	v16 =	vld.idx.msk [tilespmem:v63+s1+$0x0], $0xffff  }
0x337: {  	v13 =	vld.idx.msk [tilespmem:v63+s23+$0x0], $0xffff  }
0x338: {  	v21 =	vld.idx.msk [tilespmem:v20+s1+$0x0], $0xffff  }
0x339: {  	v12 =	vld.idx.msk [tilespmem:v20+s23+$0x0], $0xffff;
	_ =	sdelay $0x2  }
0x33a: {  	v14 =	vsub.f32 v15, v14  }
0x33b: {  	v13 =	vsub.f32 v16, v13  }
0x33c: {  	v12 =	vsub.f32 v21, v12;
	v15 =	vadd.f32 $-1.000000000e+00, v14  }
0x33d: {  	vm10 =	vgt.f32 v14, $5.000000000e-01  }
0x33e: {  	v16 =	vadd.f32 $-1.000000000e+00, v13;
	v22 =	vadd.f32 $-1.000000000e+00, v12;
	v14 =	vsel vm10, v15, v14  }
0x33f: {  	vm11 =	vgt.f32 v13, $5.000000000e-01;
	vm12 =	vgt.f32 v12, $5.000000000e-01;
	v23 =	vadd.f32 $1.000000000e+00, v14  }
0x340: {  	v13 =	vsel vm11, v16, v13;
	vm13 =	vlt.f32 v14, $-5.000000000e-01;
	v12 =	vsel vm12, v22, v12  }
0x341: {  	v24 =	vadd.f32 $1.000000000e+00, v13;
	vm14 =	vlt.f32 v13, $-5.000000000e-01;
	v14 =	vsel vm13, v23, v14  }
0x342: {  	v15 =	vadd.f32 $1.000000000e+00, v12;
	vm15 =	vlt.f32 v12, $-5.000000000e-01;
	v16 =	vmul.f32 v14, v3  }
0x343: {  	v13 =	vsel vm14, v24, v13;
	v25 =	vmul.f32 v14, v6;
	v14 =	vmul.f32 v14, v9  }
0x344: {  	v12 =	vsel vm15, v15, v12;
	v17 =	vmul.f32 v13, v4;
	v26 =	vmul.f32 v13, v7  }
0x345: {  	v27 =	vmul.f32 v12, v5;
	v13 =	vmul.f32 v13, v10  }
0x346: {  	v28 =	vmul.f32 v12, v8;
	v16 =	vadd.f32 v17, v16;
	v15 =	vadd.f32 v26, v25  }
0x347: {  	v13 =	vadd.f32 v13, v14  }
0x348: {  	v12 =	vmul.f32 v12, v11;
	v16 =	vadd.f32 v27, v16;
	v15 =	vadd.f32 v28, v15;
	_ =	sdelay $0x1  }
0x349: {  	v12 =	vadd.f32 v12, v13;
	v29 =	vmul.f32 v16, v16;
	v30 =	vmul.f32 v15, v15;
	_ =	sdelay $0x1  }
0x34a: {  	v31 =	vmul.f32 v12, v12;
	v13 =	vadd.f32 v30, v29;
	_ =	sdelay $0x1  }
0x34b: {  	v13 =	vadd.f32 v13, v31;
	_ =	sdelay $0x1  }
0x34c: {  	v13 =	vadd.f32 $9.999999930e-09, v13;
	_ =	sdelay $0x1  }
0x34d: {  	v32 =	vshra.s32 v13, $0x1;
	v33 =	vmul.f32 $5.000000000e-01, v13  }
0x34e: {  	v14 =	vsub.s32 $0x5F3759DF, v32  }
0x34f: {  	v34 =	vmul.f32 v14, v33;
	_ =	sdelay $0x1  }
0x350: {  	v18 =	vmul.f32 v14, v34;
	_ =	sdelay $0x1  }
0x351: {  	v18 =	vsub.f32 $1.500000000e+00, v18;
	_ =	sdelay $0x1  }
0x352: {  	v14 =	vmul.f32 v14, v18;
	_ =	sdelay $0x1  }
0x353: {  	v18 =	vmul.f32 v14, v33;
	_ =	sdelay $0x1  }
0x354: {  	v18 =	vmul.f32 v18, v14;
	_ =	sdelay $0x1  }
0x355: {  	v18 =	vsub.f32 $1.500000000e+00, v18;
	_ =	sdelay $0x1  }
0x356: {  	v14 =	vmul.f32 v18, v14;
	_ =	sdelay $0x1  }
0x357: {  	v17 =	vmul.f32 v14, v33;
	_ =	sdelay $0x1  }
0x358: {  	v17 =	vmul.f32 v17, v14;
	_ =	sdelay $0x1  }
0x359: {  	v17 =	vsub.f32 $1.500000000e+00, v17;
	_ =	sdelay $0x1  }
0x35a: {  	s19 =	sadd.s32 $0xFFFFFFD0, s13;
	v14 =	vmul.f32 v17, v14  }
0x35b: {  	v35 =	vmov s19  }
0x35c: {  	v36 =	vshll.u32 v35, $0x3;
	v13 =	vmul.f32 v14, v13  }
0x35d: {  	v14 =	vor.u32 v2, v36  }
0x35e: {  	[tilespmem:s20+$0xFFFFFFF0] =	vst v13  }
0x35f: {  	v37 =	vor.u32 $0x1, v14;
	[tilespmem:s17+$0xFFFFFF70] =	vst v16  }
0x360: {  	[tilespmem:s17+$0xFFFFFFF0] =	vst v15  }
0x361: {  	v38 =	vor.u32 $0x2, v14;
	[tilespmem:s17+$0x70] =	vst v12  }
0x362: {  	v15 =	vld.idx.msk [tilespmem:v14+s1+$0x0], $0xffff  }
0x363: {  	v14 =	vld.idx.msk [tilespmem:v14+s23+$0x0], $0xffff  }
0x364: {  	v16 =	vld.idx.msk [tilespmem:v37+s1+$0x0], $0xffff  }
0x365: {  	v13 =	vld.idx.msk [tilespmem:v37+s23+$0x0], $0xffff  }
0x366: {  	v39 =	vld.idx.msk [tilespmem:v38+s1+$0x0], $0xffff  }
0x367: {  	v12 =	vld.idx.msk [tilespmem:v38+s23+$0x0], $0xffff;
	_ =	sdelay $0x2  }
0x368: {  	v14 =	vsub.f32 v15, v14  }
0x369: {  	v13 =	vsub.f32 v16, v13  }
0x36a: {  	v12 =	vsub.f32 v39, v12;
	v15 =	vadd.f32 $-1.000000000e+00, v14  }
0x36b: {  	vm4 =	vgt.f32 v14, $5.000000000e-01  }
0x36c: {  	v16 =	vadd.f32 $-1.000000000e+00, v13;
	v40 =	vadd.f32 $-1.000000000e+00, v12;
	v14 =	vsel vm4, v15, v14  }
0x36d: {  	vm5 =	vgt.f32 v13, $5.000000000e-01;
	vm6 =	vgt.f32 v12, $5.000000000e-01;
	v41 =	vadd.f32 $1.000000000e+00, v14  }
0x36e: {  	v13 =	vsel vm5, v16, v13;
	vm7 =	vlt.f32 v14, $-5.000000000e-01;
	v12 =	vsel vm6, v40, v12  }
0x36f: {  	v42 =	vadd.f32 $1.000000000e+00, v13;
	vm8 =	vlt.f32 v13, $-5.000000000e-01;
	v14 =	vsel vm7, v41, v14  }
0x370: {  	v15 =	vadd.f32 $1.000000000e+00, v12;
	vm9 =	vlt.f32 v12, $-5.000000000e-01;
	v16 =	vmul.f32 v14, v3  }
0x371: {  	v13 =	vsel vm8, v42, v13;
	v43 =	vmul.f32 v14, v6;
	v14 =	vmul.f32 v14, v9  }
0x372: {  	v12 =	vsel vm9, v15, v12;
	v17 =	vmul.f32 v13, v4;
	v44 =	vmul.f32 v13, v7  }
0x373: {  	v45 =	vmul.f32 v12, v5;
	v13 =	vmul.f32 v13, v10  }
0x374: {  	v46 =	vmul.f32 v12, v8;
	v16 =	vadd.f32 v17, v16;
	v15 =	vadd.f32 v44, v43  }
0x375: {  	v13 =	vadd.f32 v13, v14  }
0x376: {  	v12 =	vmul.f32 v12, v11;
	v16 =	vadd.f32 v45, v16;
	v15 =	vadd.f32 v46, v15;
	_ =	sdelay $0x1  }
0x377: {  	v12 =	vadd.f32 v12, v13;
	v47 =	vmul.f32 v16, v16;
	v48 =	vmul.f32 v15, v15;
	_ =	sdelay $0x1  }
0x378: {  	v49 =	vmul.f32 v12, v12;
	v13 =	vadd.f32 v48, v47;
	_ =	sdelay $0x1  }
0x379: {  	v13 =	vadd.f32 v13, v49;
	_ =	sdelay $0x1  }
0x37a: {  	v13 =	vadd.f32 $9.999999930e-09, v13;
	_ =	sdelay $0x1  }
0x37b: {  	v50 =	vshra.s32 v13, $0x1;
	v51 =	vmul.f32 $5.000000000e-01, v13  }
0x37c: {  	v14 =	vsub.s32 $0x5F3759DF, v50  }
0x37d: {  	v52 =	vmul.f32 v14, v51;
	_ =	sdelay $0x1  }
0x37e: {  	v18 =	vmul.f32 v14, v52;
	_ =	sdelay $0x1  }
0x37f: {  	v18 =	vsub.f32 $1.500000000e+00, v18;
	_ =	sdelay $0x1  }
0x380: {  	v14 =	vmul.f32 v14, v18;
	_ =	sdelay $0x1  }
0x381: {  	v18 =	vmul.f32 v14, v51;
	_ =	sdelay $0x1  }
0x382: {  	v18 =	vmul.f32 v18, v14;
	_ =	sdelay $0x1  }
0x383: {  	v18 =	vsub.f32 $1.500000000e+00, v18;
	_ =	sdelay $0x1  }
0x384: {  	v14 =	vmul.f32 v18, v14;
	_ =	sdelay $0x1  }
0x385: {  	v17 =	vmul.f32 v14, v51;
	_ =	sdelay $0x1  }
0x386: {  	v17 =	vmul.f32 v17, v14;
	_ =	sdelay $0x1  }
0x387: {  	v17 =	vsub.f32 $1.500000000e+00, v17;
	_ =	sdelay $0x1  }
0x388: {  	s19 =	sadd.s32 $0xFFFFFFE0, s13;
	v14 =	vmul.f32 v17, v14  }
0x389: {  	v53 =	vmov s19  }
0x38a: {  	v54 =	vshll.u32 v53, $0x3;
	v13 =	vmul.f32 v14, v13  }
0x38b: {  	v14 =	vor.u32 v2, v54  }
0x38c: {  	[tilespmem:s20+$0x0] =	vst v13  }
0x38d: {  	v55 =	vor.u32 $0x1, v14;
	[tilespmem:s17+$0xFFFFFF80] =	vst v16  }
0x38e: {  	[tilespmem:s17+$0x0] =	vst v15  }
0x38f: {  	v56 =	vor.u32 $0x2, v14;
	[tilespmem:s17+$0x80] =	vst v12  }
0x390: {  	v15 =	vld.idx.msk [tilespmem:v14+s1+$0x0], $0xffff  }
0x391: {  	v14 =	vld.idx.msk [tilespmem:v14+s23+$0x0], $0xffff  }
0x392: {  	v16 =	vld.idx.msk [tilespmem:v55+s1+$0x0], $0xffff  }
0x393: {  	v13 =	vld.idx.msk [tilespmem:v55+s23+$0x0], $0xffff  }
0x394: {  	v57 =	vld.idx.msk [tilespmem:v56+s1+$0x0], $0xffff  }
0x395: {  	v12 =	vld.idx.msk [tilespmem:v56+s23+$0x0], $0xffff;
	_ =	sdelay $0x2  }
0x396: {  	v14 =	vsub.f32 v15, v14  }
0x397: {  	v13 =	vsub.f32 v16, v13  }
0x398: {  	v12 =	vsub.f32 v57, v12;
	v15 =	vadd.f32 $-1.000000000e+00, v14  }
0x399: {  	vm10 =	vgt.f32 v14, $5.000000000e-01  }
0x39a: {  	v16 =	vadd.f32 $-1.000000000e+00, v13;
	v58 =	vadd.f32 $-1.000000000e+00, v12;
	v14 =	vsel vm10, v15, v14  }
0x39b: {  	vm11 =	vgt.f32 v13, $5.000000000e-01;
	vm12 =	vgt.f32 v12, $5.000000000e-01;
	v59 =	vadd.f32 $1.000000000e+00, v14  }
0x39c: {  	v13 =	vsel vm11, v16, v13;
	vm13 =	vlt.f32 v14, $-5.000000000e-01;
	v12 =	vsel vm12, v58, v12  }
0x39d: {  	v60 =	vadd.f32 $1.000000000e+00, v13;
	vm14 =	vlt.f32 v13, $-5.000000000e-01;
	v14 =	vsel vm13, v59, v14  }
0x39e: {  	v15 =	vadd.f32 $1.000000000e+00, v12;
	vm15 =	vlt.f32 v12, $-5.000000000e-01;
	v16 =	vmul.f32 v14, v3  }
0x39f: {  	v13 =	vsel vm14, v60, v13;
	v61 =	vmul.f32 v14, v6;
	v14 =	vmul.f32 v14, v9  }
0x3a0: {  	v12 =	vsel vm15, v15, v12;
	v17 =	vmul.f32 v13, v4;
	v62 =	vmul.f32 v13, v7  }
0x3a1: {  	v63 =	vmul.f32 v12, v5;
	v13 =	vmul.f32 v13, v10  }
0x3a2: {  	v21 =	vmul.f32 v12, v8;
	v16 =	vadd.f32 v17, v16;
	v15 =	vadd.f32 v62, v61  }
0x3a3: {  	v13 =	vadd.f32 v13, v14  }
0x3a4: {  	v12 =	vmul.f32 v12, v11;
	v16 =	vadd.f32 v63, v16;
	v15 =	vadd.f32 v21, v15;
	_ =	sdelay $0x1  }
0x3a5: {  	v12 =	vadd.f32 v12, v13;
	v22 =	vmul.f32 v16, v16;
	v23 =	vmul.f32 v15, v15;
	_ =	sdelay $0x1  }
0x3a6: {  	v24 =	vmul.f32 v12, v12;
	v13 =	vadd.f32 v23, v22;
	_ =	sdelay $0x1  }
0x3a7: {  	v13 =	vadd.f32 v13, v24;
	_ =	sdelay $0x1  }
0x3a8: {  	v13 =	vadd.f32 $9.999999930e-09, v13;
	_ =	sdelay $0x1  }
0x3a9: {  	v25 =	vshra.s32 v13, $0x1;
	v26 =	vmul.f32 $5.000000000e-01, v13  }
0x3aa: {  	v14 =	vsub.s32 $0x5F3759DF, v25  }
0x3ab: {  	v27 =	vmul.f32 v14, v26;
	_ =	sdelay $0x1  }
0x3ac: {  	v18 =	vmul.f32 v14, v27;
	_ =	sdelay $0x1  }
0x3ad: {  	v18 =	vsub.f32 $1.500000000e+00, v18;
	_ =	sdelay $0x1  }
0x3ae: {  	v14 =	vmul.f32 v14, v18;
	_ =	sdelay $0x1  }
0x3af: {  	v18 =	vmul.f32 v14, v26;
	_ =	sdelay $0x1  }
0x3b0: {  	v18 =	vmul.f32 v18, v14;
	_ =	sdelay $0x1  }
0x3b1: {  	v18 =	vsub.f32 $1.500000000e+00, v18;
	_ =	sdelay $0x1  }
0x3b2: {  	v14 =	vmul.f32 v18, v14;
	_ =	sdelay $0x1  }
0x3b3: {  	v17 =	vmul.f32 v14, v26;
	_ =	sdelay $0x1  }
0x3b4: {  	v17 =	vmul.f32 v17, v14;
	_ =	sdelay $0x1  }
0x3b5: {  	v17 =	vsub.f32 $1.500000000e+00, v17;
	_ =	sdelay $0x1  }
0x3b6: {  	s19 =	sadd.s32 $0xFFFFFFF0, s13;
	v14 =	vmul.f32 v17, v14  }
0x3b7: {  	v28 =	vmov s19  }
0x3b8: {  	v29 =	vshll.u32 v28, $0x3;
	v13 =	vmul.f32 v14, v13  }
0x3b9: {  	v14 =	vor.u32 v2, v29  }
0x3ba: {  	[tilespmem:s20+$0x10] =	vst v13  }
0x3bb: {  	v30 =	vor.u32 $0x1, v14;
	[tilespmem:s17+$0xFFFFFF90] =	vst v16  }
0x3bc: {  	[tilespmem:s17+$0x10] =	vst v15  }
0x3bd: {  	v31 =	vor.u32 $0x2, v14;
	[tilespmem:s17+$0x90] =	vst v12  }
0x3be: {  	v15 =	vld.idx.msk [tilespmem:v14+s1+$0x0], $0xffff  }
0x3bf: {  	v14 =	vld.idx.msk [tilespmem:v14+s23+$0x0], $0xffff  }
0x3c0: {  	v16 =	vld.idx.msk [tilespmem:v30+s1+$0x0], $0xffff  }
0x3c1: {  	v13 =	vld.idx.msk [tilespmem:v30+s23+$0x0], $0xffff  }
0x3c2: {  	v32 =	vld.idx.msk [tilespmem:v31+s1+$0x0], $0xffff  }
0x3c3: {  	v12 =	vld.idx.msk [tilespmem:v31+s23+$0x0], $0xffff;
	_ =	sdelay $0x2  }
0x3c4: {  	v14 =	vsub.f32 v15, v14  }
0x3c5: {  	v13 =	vsub.f32 v16, v13  }
0x3c6: {  	v12 =	vsub.f32 v32, v12;
	v15 =	vadd.f32 $-1.000000000e+00, v14  }
0x3c7: {  	vm4 =	vgt.f32 v14, $5.000000000e-01  }
0x3c8: {  	v16 =	vadd.f32 $-1.000000000e+00, v13;
	v33 =	vadd.f32 $-1.000000000e+00, v12;
	v14 =	vsel vm4, v15, v14  }
0x3c9: {  	vm5 =	vgt.f32 v13, $5.000000000e-01;
	vm6 =	vgt.f32 v12, $5.000000000e-01;
	v34 =	vadd.f32 $1.000000000e+00, v14  }
0x3ca: {  	v13 =	vsel vm5, v16, v13;
	vm7 =	vlt.f32 v14, $-5.000000000e-01;
	v12 =	vsel vm6, v33, v12  }
0x3cb: {  	v35 =	vadd.f32 $1.000000000e+00, v13;
	vm8 =	vlt.f32 v13, $-5.000000000e-01;
	v14 =	vsel vm7, v34, v14  }
0x3cc: {  	v15 =	vadd.f32 $1.000000000e+00, v12;
	vm9 =	vlt.f32 v12, $-5.000000000e-01;
	v16 =	vmul.f32 v14, v3  }
0x3cd: {  	v13 =	vsel vm8, v35, v13;
	v36 =	vmul.f32 v14, v6;
	v14 =	vmul.f32 v14, v9  }
0x3ce: {  	v12 =	vsel vm9, v15, v12;
	v17 =	vmul.f32 v13, v4;
	v37 =	vmul.f32 v13, v7  }
0x3cf: {  	v38 =	vmul.f32 v12, v5;
	v13 =	vmul.f32 v13, v10  }
0x3d0: {  	v39 =	vmul.f32 v12, v8;
	v16 =	vadd.f32 v17, v16;
	v15 =	vadd.f32 v37, v36  }
0x3d1: {  	v13 =	vadd.f32 v13, v14  }
0x3d2: {  	v12 =	vmul.f32 v12, v11;
	v16 =	vadd.f32 v38, v16;
	v15 =	vadd.f32 v39, v15;
	_ =	sdelay $0x1  }
0x3d3: {  	v12 =	vadd.f32 v12, v13;
	v40 =	vmul.f32 v16, v16;
	v41 =	vmul.f32 v15, v15;
	_ =	sdelay $0x1  }
0x3d4: {  	v42 =	vmul.f32 v12, v12;
	v13 =	vadd.f32 v41, v40;
	_ =	sdelay $0x1  }
0x3d5: {  	v13 =	vadd.f32 v13, v42;
	_ =	sdelay $0x1  }
0x3d6: {  	v13 =	vadd.f32 $9.999999930e-09, v13;
	_ =	sdelay $0x1  }
0x3d7: {  	v43 =	vshra.s32 v13, $0x1;
	v44 =	vmul.f32 $5.000000000e-01, v13  }
0x3d8: {  	v14 =	vsub.s32 $0x5F3759DF, v43  }
0x3d9: {  	v45 =	vmul.f32 v14, v44;
	_ =	sdelay $0x1  }
0x3da: {  	v18 =	vmul.f32 v14, v45;
	_ =	sdelay $0x1  }
0x3db: {  	v18 =	vsub.f32 $1.500000000e+00, v18;
	_ =	sdelay $0x1  }
0x3dc: {  	v14 =	vmul.f32 v14, v18;
	_ =	sdelay $0x1  }
0x3dd: {  	v18 =	vmul.f32 v14, v44;
	_ =	sdelay $0x1  }
0x3de: {  	v18 =	vmul.f32 v18, v14;
	_ =	sdelay $0x1  }
0x3df: {  	v18 =	vsub.f32 $1.500000000e+00, v18;
	_ =	sdelay $0x1  }
0x3e0: {  	v14 =	vmul.f32 v18, v14;
	_ =	sdelay $0x1  }
0x3e1: {  	v17 =	vmul.f32 v14, v44;
	_ =	sdelay $0x1  }
0x3e2: {  	v17 =	vmul.f32 v17, v14;
	_ =	sdelay $0x1  }
0x3e3: {  	v17 =	vsub.f32 $1.500000000e+00, v17;
	_ =	sdelay $0x1  }
0x3e4: {  	v14 =	vmul.f32 v17, v14  }
0x3e5: {  	v46 =	vmov s13  }
0x3e6: {  	v47 =	vshll.u32 v46, $0x3;
	v13 =	vmul.f32 v14, v13  }
0x3e7: {  	v14 =	vor.u32 v2, v47  }
0x3e8: {  	[tilespmem:s20+$0x20] =	vst v13  }
0x3e9: {  	v48 =	vor.u32 $0x1, v14;
	[tilespmem:s17+$0xFFFFFFA0] =	vst v16  }
0x3ea: {  	[tilespmem:s17+$0x20] =	vst v15  }
0x3eb: {  	v49 =	vor.u32 $0x2, v14;
	[tilespmem:s17+$0xA0] =	vst v12  }
0x3ec: {  	v15 =	vld.idx.msk [tilespmem:v14+s1+$0x0], $0xffff  }
0x3ed: {  	v14 =	vld.idx.msk [tilespmem:v14+s23+$0x0], $0xffff  }
0x3ee: {  	v16 =	vld.idx.msk [tilespmem:v48+s1+$0x0], $0xffff  }
0x3ef: {  	v13 =	vld.idx.msk [tilespmem:v48+s23+$0x0], $0xffff  }
0x3f0: {  	v50 =	vld.idx.msk [tilespmem:v49+s1+$0x0], $0xffff  }
0x3f1: {  	v12 =	vld.idx.msk [tilespmem:v49+s23+$0x0], $0xffff;
	_ =	sdelay $0x2  }
0x3f2: {  	v14 =	vsub.f32 v15, v14  }
0x3f3: {  	v13 =	vsub.f32 v16, v13  }
0x3f4: {  	v12 =	vsub.f32 v50, v12;
	v15 =	vadd.f32 $-1.000000000e+00, v14  }
0x3f5: {  	vm10 =	vgt.f32 v14, $5.000000000e-01  }
0x3f6: {  	v16 =	vadd.f32 $-1.000000000e+00, v13;
	v51 =	vadd.f32 $-1.000000000e+00, v12;
	v14 =	vsel vm10, v15, v14  }
0x3f7: {  	vm11 =	vgt.f32 v13, $5.000000000e-01;
	vm12 =	vgt.f32 v12, $5.000000000e-01;
	v52 =	vadd.f32 $1.000000000e+00, v14  }
0x3f8: {  	v13 =	vsel vm11, v16, v13;
	vm13 =	vlt.f32 v14, $-5.000000000e-01;
	v12 =	vsel vm12, v51, v12  }
0x3f9: {  	v53 =	vadd.f32 $1.000000000e+00, v13;
	vm14 =	vlt.f32 v13, $-5.000000000e-01;
	v14 =	vsel vm13, v52, v14  }
0x3fa: {  	v15 =	vadd.f32 $1.000000000e+00, v12;
	vm15 =	vlt.f32 v12, $-5.000000000e-01;
	v16 =	vmul.f32 v14, v3  }
0x3fb: {  	v13 =	vsel vm14, v53, v13;
	v54 =	vmul.f32 v14, v6;
	v14 =	vmul.f32 v14, v9  }
0x3fc: {  	v12 =	vsel vm15, v15, v12;
	v17 =	vmul.f32 v13, v4;
	v55 =	vmul.f32 v13, v7  }
0x3fd: {  	v56 =	vmul.f32 v12, v5;
	v13 =	vmul.f32 v13, v10  }
0x3fe: {  	v57 =	vmul.f32 v12, v8;
	v16 =	vadd.f32 v17, v16;
	v15 =	vadd.f32 v55, v54  }
0x3ff: {  	v13 =	vadd.f32 v13, v14  }
0x400: {  	v12 =	vmul.f32 v12, v11;
	v16 =	vadd.f32 v56, v16;
	v15 =	vadd.f32 v57, v15;
	_ =	sdelay $0x1  }
0x401: {  	v12 =	vadd.f32 v12, v13;
	v58 =	vmul.f32 v16, v16;
	v59 =	vmul.f32 v15, v15;
	_ =	sdelay $0x1  }
0x402: {  	v60 =	vmul.f32 v12, v12;
	v13 =	vadd.f32 v59, v58;
	_ =	sdelay $0x1  }
0x403: {  	v13 =	vadd.f32 v13, v60;
	_ =	sdelay $0x1  }
0x404: {  	v13 =	vadd.f32 $9.999999930e-09, v13;
	_ =	sdelay $0x1  }
0x405: {  	v61 =	vshra.s32 v13, $0x1;
	v62 =	vmul.f32 $5.000000000e-01, v13  }
0x406: {  	v14 =	vsub.s32 $0x5F3759DF, v61  }
0x407: {  	v63 =	vmul.f32 v14, v62;
	_ =	sdelay $0x1  }
0x408: {  	v18 =	vmul.f32 v14, v63;
	_ =	sdelay $0x1  }
0x409: {  	v18 =	vsub.f32 $1.500000000e+00, v18;
	_ =	sdelay $0x1  }
0x40a: {  	v14 =	vmul.f32 v14, v18;
	_ =	sdelay $0x1  }
0x40b: {  	v18 =	vmul.f32 v14, v62;
	_ =	sdelay $0x1  }
0x40c: {  	v18 =	vmul.f32 v18, v14;
	_ =	sdelay $0x1  }
0x40d: {  	v18 =	vsub.f32 $1.500000000e+00, v18;
	_ =	sdelay $0x1  }
0x40e: {  	v14 =	vmul.f32 v18, v14;
	_ =	sdelay $0x1  }
0x40f: {  	v17 =	vmul.f32 v14, v62;
	_ =	sdelay $0x1  }
0x410: {  	v17 =	vmul.f32 v17, v14;
	_ =	sdelay $0x1  }
0x411: {  	v17 =	vsub.f32 $1.500000000e+00, v17;
	_ =	sdelay $0x1  }
0x412: {  	v14 =	vmul.f32 v17, v14;
	_ =	sdelay $0x1  }
0x413: {  	p1 =	sne.s32 s13, $0x4F0;
	v13 =	vmul.f32 v14, v13  }
.Ltmp7:
0x414: {  	_ = 	snop;
	(pc) =	sbr.rel @p1 .LBB2_8-.Ltmp7, $4  }
0x415: {  	[tilespmem:s20+$0x30] =	vst v13  }
0x416: {  	[tilespmem:s17+$0xFFFFFFB0] =	vst v16  }
0x417: {  	[tilespmem:s17+$0x30] =	vst v15  }
0x418: {  	s13 =	sadd.s32 $0x80, s13;
	s20 =	sadd.s32 $0x80, s20;
	[tilespmem:s17+$0xB0] =	vst v12;
	s17 =	sadd.s32 $0x200, s17  }
0x419: {  	s13 =	sshll.u32 s14, $0x5  }
0x41a: {  	s13 =	sor.u32 s7, s13  }
0x41b: {  	s20 =	smul.u32 $0xA0, s13  }
.Ltmp8:
0x41c: {  	_ = 	snop;
	(pc) =	sbr.rel .LBB2_10-.Ltmp8, $4  }
0x41d: {  	s13 =	smul.u32 $0x280, s13;
	s14 =	sadd.s32 s3, s20  }
0x41e: {  	[hbm4b:s14+s6] =	stream.linear.scatter [tilespmem:s18], [sflag:$0x6], $0x500, $0x38;
	[tilespmem:$0x1A968] =	vst v63  }
0x41f: {  	s13 =	sadd.s32 s4, s13  }
0x420: {  	[hbm4b:s13+s6] =	stream.linear.scatter [tilespmem:s21], [sflag:$0x6], $0x1400, $0x38;
	[tilespmem:$0x1A968] =	vst v63  }
.LBB2_12:
0x421: {  	_ =	sfence.sel $0x180000  }
0x422: {  	[bflag:$0x0] =	sbarrier.arrive $0xFFFF  }
0x423: {  	_ =	strace $0x90000047  }
0x424: {  	[bflag:$0x2] =	sbarrier.arrive $0xFFFF  }
0x425: {  	s0 =	rddreg [dreg:$0x6]  }
0x426: {  	s0 =	sadd.s32 @!p0 $0x100000, s0  }
0x427: {  	[sflag:s0] =	ssyncadd.tile.s32 @!p0 $0x1;
	_ =	shalt  }
.Lfunc_end2:
_tile_overlayer_lowered:
.L_overlay_start_2:
0x428: {  	(tag) =	ssettag $0x2  }
0x429: {  	s0 =	rddreg [dreg:$0x0];
	s2 =	stileid.u32  }
0x42a: {  	s1 =	rddreg [dreg:$0x1];
	p0 =	sne.s32 s2, $0x0  }
0x42b: {  	s3 =	rddreg [dreg:$0x2];
	[bflag:$0x3] =	sbarrier.arrive $0xFFFF;
	s2 =	simm.s32 @!p0 $0x1C07  }
0x42c: {  	[timem:s3], [sflag:s2] =	dma.local @!p0 [hbm:s0], s1  }
0x42d: {  	s0 =	simm.s32 @!p0 $0x7  }
0x42e: {  	_ =	swait.ge @!p0 [sflag:s0], s1  }
0x42f: {  	s1 =	ssub.s32 @!p0 $0x0, s1;
	[sflag:s0] =	ssyncset.done @!p0 $0x0  }
0x430: {  	[sflag:s0] =	ssyncadd.s32 @!p0 s1  }
0x431: {  	[bflag:$0x3] =	sbarrier.arrive $0xFFFF  }
0x432: {  	_ =	shalt  }

</sc_bundles>
